<compile_context>
chip_gen: v7x
topology: tpu7x:2x2x1
jax: 0.10.2.dev20260603
libtpu: 0.0.44.dev20260713+nightly
codegen_flags: <defaults>
</compile_context>

<pallas_src>
import functools

import jax
import jax.numpy as jnp
from jax import lax
from jax.experimental import pallas as pl
from jax.experimental.pallas import tpu as pltpu
from jax.experimental.pallas import tpu_sc as plsc

N = 10000
E = 320000
G = 64

NW = 32
EW = E // NW
N_PAD = 10240
ROWS_PT = N_PAD // 16
R = 2048
NBLK = N_PAD // R

AGG_CFG = {
    16: (792, 12, (248, 248)),
    32: (536, 18, (176, 176)),
    64: (272, 36, (104, 104)),
    128: (120, 81, (120, 120, 40)),
}

_SC_PARAMS = pltpu.CompilerParams(use_tc_tiling_on_sc=False)


def _mesh():
    return plsc.VectorSubcoreMesh(core_axis_name="c", subcore_axis_name="s")



def _agg_partials(ht, src, dst, F):
    B, NFULL, TAILS = AGG_CFG[F]

    @functools.partial(
        pl.kernel,
        mesh=_mesh(),
        out_type=jax.ShapeDtypeStruct((2, N_PAD, F), jnp.float32),
        scratch_types=[
            pltpu.VMEM((B,), jnp.int32),
            pltpu.VMEM((B,), jnp.int32),
            pltpu.VMEM((B, F), jnp.float32),
            pltpu.VMEM((B,), jnp.int32),
            pltpu.VMEM((B,), jnp.int32),
            pltpu.VMEM((B, F), jnp.float32),
            pltpu.VMEM((B,), jnp.int32),
            pltpu.VMEM((B,), jnp.int32),
            pltpu.VMEM((B, F), jnp.float32),
        ] + [pltpu.VMEM((sz,), jnp.int32) for sz in TAILS] * 2 + [
            pltpu.VMEM_SHARED((N_PAD, F), jnp.float32),
            pltpu.SemaphoreType.DMA,
            pltpu.SemaphoreType.DMA,
            pltpu.SemaphoreType.DMA,
            pltpu.SemaphoreType.DMA,
            pltpu.SemaphoreType.DMA,
            pltpu.SemaphoreType.DMA,
        ],
        compiler_params=_SC_PARAMS,
    )
    def k(h_hbm, src_hbm, dst_hbm, p_hbm, *refs):
        nt = len(TAILS)
        sidx = [refs[0], refs[3], refs[6]]
        didx = [refs[1], refs[4], refs[7]]
        rows = [refs[2], refs[5], refs[8]]
        sidx_t = list(refs[9:9 + nt])
        didx_t = list(refs[9 + nt:9 + 2 * nt])
        acc_sh = refs[9 + 2 * nt]
        gsem = list(refs[10 + 2 * nt:13 + 2 * nt])
        ssem = list(refs[13 + 2 * nt:16 + 2 * nt])

        c = lax.axis_index("c")
        s = lax.axis_index("s")
        w = s * 2 + c
        r0 = s * ROWS_PT

        @pl.when(c == 0)
        def _():
            pltpu.sync_copy(h_hbm.at[pl.ds(r0, ROWS_PT)],
                            acc_sh.at[pl.ds(r0, ROWS_PT)])

        @pl.when(c == 1)
        def _():
            nz = min(B, ROWS_PT)

            def zrow(i, _):
                for j in range(F // 16):
                    rows[0][i, pl.ds(j * 16, 16)] = jnp.zeros((16,),
                                                              jnp.float32)
                return 0

            lax.fori_loop(0, nz, zrow, 0)
            off = 0
            while off < ROWS_PT:
                sz = min(nz, ROWS_PT - off)
                pltpu.sync_copy(rows[0].at[pl.ds(0, sz)],
                                acc_sh.at[pl.ds(r0 + off, sz)])
                off += sz

        plsc.subcore_barrier()

        def phase_a(i, b, drain):
            if drain:
                pltpu.make_async_copy(rows[b], acc_sh.at[didx[b]],
                                      ssem[b]).wait()
            base = w * EW + i * B
            pltpu.sync_copy(src_hbm.at[pl.ds(base, B)], sidx[b])
            pltpu.sync_copy(dst_hbm.at[pl.ds(base, B)], didx[b])
            pltpu.async_copy(h_hbm.at[sidx[b]], rows[b], gsem[b])

        def phase_b(i, b):
            pltpu.make_async_copy(h_hbm.at[sidx[b]], rows[b],
                                  gsem[b]).wait()
            pltpu.async_copy(rows[b], acc_sh.at[didx[b]], ssem[b], add=True)

        phase_a(0, 0, False)
        phase_a(1, 1, False)
        phase_b(0, 0)
        phase_a(2, 2, False)
        phase_b(1, 1)

        def tri(m, _):
            i0 = 3 * m
            phase_a(i0, 0, True)
            phase_b(i0 - 1, 2)
            phase_a(i0 + 1, 1, True)
            phase_b(i0, 0)
            phase_a(i0 + 2, 2, True)
            phase_b(i0 + 1, 1)
            return 0

        lax.fori_loop(1, NFULL // 3, tri, 0)
        phase_b(NFULL - 1, (NFULL - 1) % 3)
        for b in range(3):
            pltpu.make_async_copy(rows[b], acc_sh.at[didx[b]],
                                  ssem[b]).wait()

        toff = NFULL * B
        for t, sz in enumerate(TAILS):
            base = w * EW + toff
            pltpu.sync_copy(src_hbm.at[pl.ds(base, sz)], sidx_t[t])
            pltpu.sync_copy(dst_hbm.at[pl.ds(base, sz)], didx_t[t])
            pltpu.async_copy(h_hbm.at[sidx_t[t]],
                             rows[t % 3].at[pl.ds(0, sz)], gsem[0]).wait()
            pltpu.sync_copy(rows[t % 3].at[pl.ds(0, sz)],
                            acc_sh.at[didx_t[t]], add=True)
            toff += sz
        plsc.subcore_barrier()

        @pl.when(c == 0)
        def _():
            pltpu.sync_copy(acc_sh.at[pl.ds(r0, ROWS_PT)],
                            p_hbm.at[0, pl.ds(r0, ROWS_PT)])

        @pl.when(c == 1)
        def _():
            pltpu.sync_copy(acc_sh.at[pl.ds(r0, ROWS_PT)],
                            p_hbm.at[1, pl.ds(r0, ROWS_PT)])

    return k(ht, src, dst)


FD = 16


def _deg_partials(dst):
    Bd = 1000
    nblk = EW // Bd

    @functools.partial(
        pl.kernel,
        mesh=_mesh(),
        out_type=jax.ShapeDtypeStruct((2, N_PAD, FD), jnp.float32),
        scratch_types=[
            pltpu.VMEM((Bd,), jnp.int32),
            pltpu.VMEM((Bd,), jnp.int32),
            pltpu.VMEM((Bd, FD), jnp.float32),
            pltpu.VMEM_SHARED((N_PAD, FD), jnp.float32),
            pltpu.SemaphoreType.DMA,
            pltpu.SemaphoreType.DMA,
        ],
        compiler_params=_SC_PARAMS,
    )
    def k(dst_hbm, p_hbm, idx0, idx1, ones_v, acc_sh,
          ssem0, ssem1):
        c = lax.axis_index("c")
        s = lax.axis_index("s")
        w = s * 2 + c
        r0 = s * ROWS_PT
        idx = [idx0, idx1]
        ssem = [ssem0, ssem1]

        def fill(i, _):
            for j in range(FD // 16):
                ones_v[i, pl.ds(j * 16, 16)] = jnp.zeros((16,), jnp.float32)
            return 0

        lax.fori_loop(0, Bd, fill, 0)
        off = 0
        while off < ROWS_PT:
            sz = min(Bd, ROWS_PT - off)
            pltpu.sync_copy(ones_v.at[pl.ds(0, sz)],
                            acc_sh.at[pl.ds(r0 + off, sz)])
            off += sz

        def fill1(i, _):
            for j in range(FD // 16):
                ones_v[i, pl.ds(j * 16, 16)] = jnp.full((16,), 1.0,
                                                        jnp.float32)
            return 0

        lax.fori_loop(0, Bd, fill1, 0)
        plsc.subcore_barrier()

        def do_block(i, b, first):
            if not first:
                pltpu.make_async_copy(ones_v, acc_sh.at[idx[b]],
                                      ssem[b]).wait()
            pltpu.sync_copy(dst_hbm.at[pl.ds(w * EW + i * Bd, Bd)], idx[b])
            pltpu.async_copy(ones_v, acc_sh.at[idx[b]], ssem[b], add=True)

        do_block(0, 0, True)
        do_block(1, 1, True)

        def pair(j, _):
            do_block(2 * j, 0, False)
            do_block(2 * j + 1, 1, False)
            return 0

        lax.fori_loop(1, nblk // 2, pair, 0)
        pltpu.make_async_copy(ones_v, acc_sh.at[idx0], ssem0).wait()
        pltpu.make_async_copy(ones_v, acc_sh.at[idx1], ssem1).wait()
        plsc.subcore_barrier()

        @pl.when(c == 0)
        def _():
            pltpu.sync_copy(acc_sh.at[pl.ds(r0, ROWS_PT)],
                            p_hbm.at[0, pl.ds(r0, ROWS_PT)])

        @pl.when(c == 1)
        def _():
            pltpu.sync_copy(acc_sh.at[pl.ds(r0, ROWS_PT)],
                            p_hbm.at[1, pl.ds(r0, ROWS_PT)])

    return k(dst)



def _bcast_col(dv, width):
    return jnp.broadcast_to(dv[:, :1], (dv.shape[0], width))


def _tc_first(x_pad, d, W1):
    F = W1.shape[1]

    def body(x_ref, d_ref, w_ref, dv_ref, ht_ref):
        deg = d_ref[0] + d_ref[1] + 1.0
        dv = lax.rsqrt(deg)
        dv_ref[...] = dv
        ht = jnp.dot(x_ref[...], w_ref[...],
                     preferred_element_type=jnp.float32)
        ht_ref[...] = ht * _bcast_col(dv, F)

    return pl.pallas_call(
        body,
        grid=(NBLK,),
        in_specs=[
            pl.BlockSpec((R, 128), lambda i: (i, 0)),
            pl.BlockSpec((2, R, FD), lambda i: (0, i, 0)),
            pl.BlockSpec(W1.shape, lambda i: (0, 0)),
        ],
        out_specs=[
            pl.BlockSpec((R, FD), lambda i: (i, 0)),
            pl.BlockSpec((R, F), lambda i: (i, 0)),
        ],
        out_shape=[
            jax.ShapeDtypeStruct((N_PAD, FD), jnp.float32),
            jax.ShapeDtypeStruct((N_PAD, F), jnp.float32),
        ],
    )(x_pad, d, W1)


def _tc_mid(p, dvf, b_prev, a_prev, W_next):
    Fp = W_next.shape[0]
    Fn = W_next.shape[1]

    def body(p_ref, dv_ref, b_ref, a_ref, w_ref, ht_ref):
        dv = dv_ref[...]
        t = _bcast_col(dv, Fp) * (p_ref[0] + p_ref[1]) + b_ref[...]
        a = a_ref[0, 0]
        h = jnp.where(t >= 0, t, a * t)
        ht = jnp.dot(h, w_ref[...], preferred_element_type=jnp.float32)
        ht_ref[...] = ht * _bcast_col(dv, Fn)

    return pl.pallas_call(
        body,
        grid=(NBLK,),
        in_specs=[
            pl.BlockSpec((2, R, Fp), lambda i: (0, i, 0)),
            pl.BlockSpec((R, FD), lambda i: (i, 0)),
            pl.BlockSpec((1, Fp), lambda i: (0, 0)),
            pl.BlockSpec(memory_space=pltpu.SMEM),
            pl.BlockSpec((Fp, Fn), lambda i: (0, 0)),
        ],
        out_specs=pl.BlockSpec((R, Fn), lambda i: (i, 0)),
        out_shape=jax.ShapeDtypeStruct((N_PAD, Fn), jnp.float32),
    )(p, dvf, b_prev.reshape(1, Fp), a_prev.reshape(1, 1), W_next)


def _tc_last(p, dvf, b4, batch_col, Wl, bl):
    C = Wl.shape[1]
    F4 = Wl.shape[0]

    def body(p_ref, dv_ref, b_ref, bat_ref, wl_ref, bl_ref,
             out_ref, sums, cnt):
        i = pl.program_id(0)

        @pl.when(i == 0)
        def _():
            sums[...] = jnp.zeros_like(sums)
            cnt[...] = jnp.zeros_like(cnt)

        h4 = (_bcast_col(dv_ref[...], F4) * (p_ref[0] + p_ref[1])
              + b_ref[...])
        seg = lax.broadcasted_iota(jnp.int32, (R, G), 1)
        onehot = (seg == bat_ref[...]).astype(jnp.float32)
        dn = (((0,), (0,)), ((), ()))
        sums[...] += lax.dot_general(onehot, h4, dn,
                                     preferred_element_type=jnp.float32)
        cnt[...] += lax.dot_general(onehot, jnp.full((R, 1), 1.0,
                                                     jnp.float32), dn,
                                    preferred_element_type=jnp.float32)

        @pl.when(i == NBLK - 1)
        def _():
            pooled = sums[...] / jnp.clip(cnt[...], 1.0, None)
            out_ref[...] = jnp.dot(pooled, wl_ref[...],
                                   preferred_element_type=jnp.float32) + bl_ref[...]

    return pl.pallas_call(
        body,
        grid=(NBLK,),
        in_specs=[
            pl.BlockSpec((2, R, F4), lambda i: (0, i, 0)),
            pl.BlockSpec((R, FD), lambda i: (i, 0)),
            pl.BlockSpec((1, F4), lambda i: (0, 0)),
            pl.BlockSpec((R, 1), lambda i: (i, 0)),
            pl.BlockSpec(Wl.shape, lambda i: (0, 0)),
            pl.BlockSpec((1, C), lambda i: (0, 0)),
        ],
        out_specs=pl.BlockSpec((G, C), lambda i: (0, 0)),
        out_shape=jax.ShapeDtypeStruct((G, C), jnp.float32),
        scratch_shapes=[
            pltpu.VMEM((G, F4), jnp.float32),
            pltpu.VMEM((G, 1), jnp.float32),
        ],
    )(p, dvf, b4.reshape(1, F4), batch_col, Wl, bl.reshape(1, C))



def kernel(x, edge_index, batch, W1, b1, W2, b2, W3, b3, W4, b4,
           a1, a2, a3, Wl, bl):
    src = edge_index[0]
    dst = edge_index[1]
    x_pad = jnp.pad(x, ((0, N_PAD - N), (0, 0)))
    batch_pad = jnp.pad(batch, (0, N_PAD - N), constant_values=G)
    batch_col = batch_pad.reshape(N_PAD, 1)

    d = _deg_partials(dst)
    dvf, ht1 = _tc_first(x_pad, d, W1)

    p = _agg_partials(ht1, src, dst, 16)
    ht2 = _tc_mid(p, dvf, b1, a1, W2)

    p = _agg_partials(ht2, src, dst, 32)
    ht3 = _tc_mid(p, dvf, b2, a2, W3)

    p = _agg_partials(ht3, src, dst, 64)
    ht4 = _tc_mid(p, dvf, b3, a3, W4)

    p = _agg_partials(ht4, src, dst, 128)
    return _tc_last(p, dvf, b4, batch_col, Wl, bl)

# --- scband reference (transcript-rebuilt; emitter-appended) ---
"""Pipeline reference for scband-base-gcn-59657095741992 (READ-ONLY COPY).

The authoritative reference and input builder live on the scoring server;
editing this copy changes nothing except your own understanding.
"""

import jax, jax.numpy as jnp
import numpy as np

N = 10000
E = 320000
IN = 128
H = 16
C = 4
G = 64


def _glorot(key, shape):
    fan_in, fan_out = shape[0], shape[1]
    s = jnp.sqrt(6.0 / (fan_in + fan_out))
    return jax.random.uniform(key, shape, jnp.float32, -s, s)


def setup_inputs(seed: int = 0) -> dict:
    key = jax.random.key(seed)
    ks = jax.random.split(key, 16)
    x = jax.random.normal(ks[0], (N, IN), jnp.float32)
    edge_index = jax.random.randint(ks[1], (2, E), 0, N, jnp.int32)
    batch = jnp.sort(jax.random.randint(ks[2], (N,), 0, G, jnp.int32))
    W1 = _glorot(ks[3], (IN, H));        b1 = jnp.zeros((H,), jnp.float32)
    W2 = _glorot(ks[4], (H, 2 * H));     b2 = jnp.zeros((2 * H,), jnp.float32)
    W3 = _glorot(ks[5], (2 * H, 4 * H)); b3 = jnp.zeros((4 * H,), jnp.float32)
    W4 = _glorot(ks[6], (4 * H, 8 * H)); b4 = jnp.zeros((8 * H,), jnp.float32)
    a1 = jnp.full((1,), 0.25, jnp.float32)
    a2 = jnp.full((1,), 0.25, jnp.float32)
    a3 = jnp.full((1,), 0.25, jnp.float32)
    Wl = _glorot(ks[7], (8 * H, C));     bl = jnp.zeros((C,), jnp.float32)
    return {"x": x, "edge_index": edge_index, "batch": batch,
            "W1": W1, "b1": b1, "W2": W2, "b2": b2,
            "W3": W3, "b3": b3, "W4": W4, "b4": b4,
            "a1": a1, "a2": a2, "a3": a3, "Wl": Wl, "bl": bl}


def _gcn_conv(x, src, dst, W, b):
    # GCNConv: add self-loops, symmetric normalization, scatter-add aggregation
    n = x.shape[0]
    loop = jnp.arange(n, dtype=src.dtype)
    src2 = jnp.concatenate([src, loop])
    dst2 = jnp.concatenate([dst, loop])
    h = x @ W
    deg = jax.ops.segment_sum(jnp.ones_like(dst2, dtype=h.dtype), dst2, num_segments=n)
    dinv = jnp.where(deg > 0, jax.lax.rsqrt(deg), 0.0)
    norm = dinv[src2] * dinv[dst2]
    msg = h[src2] * norm[:, None]
    out = jax.ops.segment_sum(msg, dst2, num_segments=n)
    return out + b


def _prelu(x, a):
    return jnp.where(x >= 0, x, a * x)


def reference(x, edge_index, batch, W1, b1, W2, b2, W3, b3, W4, b4, a1, a2, a3, Wl, bl):
    src, dst = edge_index[0], edge_index[1]
    h = _gcn_conv(x, src, dst, W1, b1)
    h = _prelu(h, a1)
    h = _gcn_conv(h, src, dst, W2, b2)
    h = _prelu(h, a2)
    h = _gcn_conv(h, src, dst, W3, b3)
    h = _prelu(h, a3)
    h = _gcn_conv(h, src, dst, W4, b4)
    # global mean pool over graphs in the batch
    sums = jax.ops.segment_sum(h, batch, num_segments=G)
    cnt = jax.ops.segment_sum(jnp.ones((h.shape[0],), h.dtype), batch, num_segments=G)
    pooled = sums / jnp.clip(cnt, 1.0, None)[:, None]
    # dropout is identity in eval mode
    out = pooled @ Wl + bl
    return out

if __name__ == "__main__":
    import jax
    _d = setup_inputs()
    print(jax.jit(kernel)(*tuple(_d.values())))

</pallas_src>

<mosaic_0001>
#map = affine_map<(d0, d1) -> (0)>
#map1 = affine_map<(d0, d1) -> (0, 0, 0)>
module attributes {stable_mosaic.version = 14 : i64} {
  func.func @k(%arg0: i32, %arg1: i32, %arg2: memref<320000xi32, #tpu.memory_space<hbm>>, %arg3: memref<2x10240x16xf32, #tpu.memory_space<hbm>>, %arg4: memref<1000xi32, #tpu.memory_space<vmem>>, %arg5: memref<1000xi32, #tpu.memory_space<vmem>>, %arg6: memref<1000x16xf32, #tpu.memory_space<vmem>>, %arg7: memref<10240x16xf32, #tpu.memory_space<vmem_shared>>, %arg8: memref<!tpu.dma_semaphore, #tpu.memory_space<semaphore_mem>>, %arg9: memref<!tpu.dma_semaphore, #tpu.memory_space<semaphore_mem>>) attributes {dimension_semantics = [#tpu.dimension_semantics<core_parallel>, #tpu.dimension_semantics<subcore_parallel>], iteration_bounds = array<i64: 2, 16>, scalar_prefetch = 0 : i64, scratch_operands = 6 : i64, tpu.core_type = #tpu.core_type<sc_vector_subcore>, window_params = [{transform_indices = #map}, {transform_indices = #map1}]} {
    %mul3A = arith.constant 2 : i32
    %mul3A_0 = arith.muli %arg1, %mul3A : i32
    %add3A = arith.addi %mul3A_0, %arg0 : i32
    %mul3A_1 = arith.constant 640 : i32
    %mul3A_2 = arith.muli %arg1, %mul3A_1 : i32
    %scan3A = arith.constant 0 : i32
    %scan3A_3 = arith.constant 0 : i32
    %scan3A_4 = arith.constant 1000 : i32
    %scan3A_5 = arith.addi %scan3A_3, %scan3A_4 : i32
    %scan3A_6 = arith.constant 1 : i32
    %scan3A_7 = scf.for %scan3A_51 = %scan3A_3 to %scan3A_5 step %scan3A_6 iter_args(%scan3A_52 = %scan3A) -> (i32)  : i32 {
      %broadcast_in_dim3A = arith.constant 0.000000e+00 : f32
      %broadcast_in_dim3A_53 = vector.broadcast %broadcast_in_dim3A : f32 to vector<16xf32>
      %swap3A = arith.index_cast %scan3A_51 : i32 to index
      %swap3A_54 = arith.constant 0 : index
      %swap3A_55 = tpu.vector_load %arg6[%swap3A, %swap3A_54] {strides = array<i32>} : memref<1000x16xf32, #tpu.memory_space<vmem>>, vector<1x16xf32>,
      %swap3A_56 = vector.shape_cast %swap3A_55 : vector<1x16xf32> to vector<16xf32>
      %swap3A_57 = vector.shape_cast %broadcast_in_dim3A_53 : vector<16xf32> to vector<1x16xf32>
      tpu.vector_store %arg6[%swap3A, %swap3A_54], %swap3A_57 {strides = array<i32>} : memref<1000x16xf32, #tpu.memory_space<vmem>>, vector<1x16xf32>,
      %scan3A_58 = arith.constant 0 : i32
      scf.yield %scan3A_58 : i32
    }
    %scan3A_8 = arith.constant 1000 : i32
    %add3A_9 = arith.constant 0 : i32
    %add3A_10 = arith.addi %mul3A_2, %add3A_9 : i32
    "tpu.region"() ({
      %run_scoped3A = tpu.sem_alloc : memref<!tpu.dma_semaphore, #tpu.memory_space<semaphore_mem>>
      %dma_start3A_51 = arith.constant 0 : i32
      %dma_start3A_52 = arith.constant 0 : i32
      %dma_start3A_53 = tpu.memref_slice %arg6[%dma_start3A_51, %dma_start3A_52] : memref<1000x16xf32, #tpu.memory_space<vmem>> -> memref<640x16xf32, #tpu.memory_space<vmem>>
      %dma_start3A_54 = arith.constant 0 : i32
      %dma_start3A_55 = tpu.memref_slice %arg7[%add3A_10, %dma_start3A_54] : memref<10240x16xf32, #tpu.memory_space<vmem_shared>> -> memref<640x16xf32, #tpu.memory_space<vmem_shared>>
      %dma_start3A_56 = arith.constant 0 : i32
      %dma_start3A_57 = tpu.memref_slice %arg7[%add3A_10, %dma_start3A_56] : memref<10240x16xf32, #tpu.memory_space<vmem_shared>> -> memref<640x16xf32, #tpu.memory_space<vmem_shared>>
      %dma_start3A_58 = arith.constant 0 : i32
      %dma_start3A_59 = arith.constant 0 : i32
      %dma_start3A_60 = tpu.memref_slice %arg6[%dma_start3A_58, %dma_start3A_59] : memref<1000x16xf32, #tpu.memory_space<vmem>> -> memref<640x16xf32, #tpu.memory_space<vmem>>
      tpu.enqueue_dma source(%dma_start3A_60 : memref<640x16xf32, #tpu.memory_space<vmem>>) target(%dma_start3A_57 : memref<640x16xf32, #tpu.memory_space<vmem_shared>>) target_semaphore(%run_scoped3A : memref<!tpu.dma_semaphore, #tpu.memory_space<semaphore_mem>>)
      %dma_wait3A_61 = arith.constant 0 : i32
      %dma_wait3A_62 = arith.constant 0 : i32
      %dma_wait3A_63 = tpu.memref_slice %arg6[%dma_wait3A_61, %dma_wait3A_62] : memref<1000x16xf32, #tpu.memory_space<vmem>> -> memref<640x16xf32, #tpu.memory_space<vmem>>
      %dma_wait3A_64 = arith.constant 0 : i32
      %dma_wait3A_65 = tpu.memref_slice %arg7[%add3A_10, %dma_wait3A_64] : memref<10240x16xf32, #tpu.memory_space<vmem_shared>> -> memref<640x16xf32, #tpu.memory_space<vmem_shared>>
      %dma_wait3A_66 = arith.constant 0 : i32
      %dma_wait3A_67 = tpu.memref_slice %arg7[%add3A_10, %dma_wait3A_66] : memref<10240x16xf32, #tpu.memory_space<vmem_shared>> -> memref<640x16xf32, #tpu.memory_space<vmem_shared>>
      %dma_wait3A_68 = arith.constant 0 : i32
      %dma_wait3A_69 = arith.constant 0 : i32
      %dma_wait3A_70 = tpu.memref_slice %arg6[%dma_wait3A_68, %dma_wait3A_69] : memref<1000x16xf32, #tpu.memory_space<vmem>> -> memref<640x16xf32, #tpu.memory_space<vmem>>
      tpu.wait_dma2 semaphore(%run_scoped3A : memref<!tpu.dma_semaphore, #tpu.memory_space<semaphore_mem>>) src(%dma_wait3A_70 : memref<640x16xf32, #tpu.memory_space<vmem>>) dst(%dma_wait3A_67 : memref<640x16xf32, #tpu.memory_space<vmem_shared>>)
      tpu.yield
    }) : () -> ()
    %scan3A_11 = arith.constant 0 : i32
    %scan3A_12 = arith.constant 0 : i32
    %scan3A_13 = arith.constant 1000 : i32
    %scan3A_14 = arith.addi %scan3A_12, %scan3A_13 : i32
    %scan3A_15 = arith.constant 1 : i32
    %scan3A_16 = scf.for %scan3A_51 = %scan3A_12 to %scan3A_14 step %scan3A_15 iter_args(%scan3A_52 = %scan3A_11) -> (i32)  : i32 {
      %broadcast_in_dim3A = arith.constant 1.000000e+00 : f32
      %broadcast_in_dim3A_53 = vector.broadcast %broadcast_in_dim3A : f32 to vector<16xf32>
      %swap3A = arith.index_cast %scan3A_51 : i32 to index
      %swap3A_54 = arith.constant 0 : index
      %swap3A_55 = tpu.vector_load %arg6[%swap3A, %swap3A_54] {strides = array<i32>} : memref<1000x16xf32, #tpu.memory_space<vmem>>, vector<1x16xf32>,
      %swap3A_56 = vector.shape_cast %swap3A_55 : vector<1x16xf32> to vector<16xf32>
      %swap3A_57 = vector.shape_cast %broadcast_in_dim3A_53 : vector<16xf32> to vector<1x16xf32>
      tpu.vector_store %arg6[%swap3A, %swap3A_54], %swap3A_57 {strides = array<i32>} : memref<1000x16xf32, #tpu.memory_space<vmem>>, vector<1x16xf32>,
      %scan3A_58 = arith.constant 0 : i32
      scf.yield %scan3A_58 : i32
    }
    %scan3A_17 = arith.constant 1000 : i32
    %barrier3A = arith.constant 0 : index
    tpu.barrier barrier_id(%barrier3A)
    %mul3A_18 = arith.constant 10000 : i32
    %mul3A_19 = arith.muli %add3A, %mul3A_18 : i32
    %add3A_20 = arith.constant 0 : i32
    %add3A_21 = arith.addi %mul3A_19, %add3A_20 : i32
    "tpu.region"() ({
      %run_scoped3A = tpu.sem_alloc : memref<!tpu.dma_semaphore, #tpu.memory_space<semaphore_mem>>
      %dma_start3A_51 = tpu.memref_slice %arg2[%add3A_21] : memref<320000xi32, #tpu.memory_space<hbm>> -> memref<1000xi32, #tpu.memory_space<hbm>>
      %dma_start3A_52 = tpu.memref_slice %arg2[%add3A_21] : memref<320000xi32, #tpu.memory_space<hbm>> -> memref<1000xi32, #tpu.memory_space<hbm>>
      tpu.enqueue_dma source(%dma_start3A_52 : memref<1000xi32, #tpu.memory_space<hbm>>) target(%arg4 : memref<1000xi32, #tpu.memory_space<vmem>>) target_semaphore(%run_scoped3A : memref<!tpu.dma_semaphore, #tpu.memory_space<semaphore_mem>>)
      %dma_wait3A_53 = tpu.memref_slice %arg2[%add3A_21] : memref<320000xi32, #tpu.memory_space<hbm>> -> memref<1000xi32, #tpu.memory_space<hbm>>
      %dma_wait3A_54 = tpu.memref_slice %arg2[%add3A_21] : memref<320000xi32, #tpu.memory_space<hbm>> -> memref<1000xi32, #tpu.memory_space<hbm>>
      tpu.wait_dma2 semaphore(%run_scoped3A : memref<!tpu.dma_semaphore, #tpu.memory_space<semaphore_mem>>) src(%dma_wait3A_54 : memref<1000xi32, #tpu.memory_space<hbm>>) dst(%arg4 : memref<1000xi32, #tpu.memory_space<vmem>>)
      tpu.yield
    }) : () -> ()
    %dma_start3A = arith.constant 0 : i32
    %dma_start3A_22 = arith.constant 0 : i32
    %dma_start3A_23 = tpu.memref_slice %arg7[%dma_start3A, %dma_start3A_22] : memref<10240x16xf32, #tpu.memory_space<vmem_shared>> -> memref<10240x16xf32, #tpu.memory_space<vmem_shared>>
    tpu.enqueue_indirect_dma source(%arg6 : memref<1000x16xf32, #tpu.memory_space<vmem>>) target(%dma_start3A_23 : memref<10240x16xf32, #tpu.memory_space<vmem_shared>>) offsets(%arg4 : memref<1000xi32, #tpu.memory_space<vmem>>) semaphore(%arg8 : memref<!tpu.dma_semaphore, #tpu.memory_space<semaphore_mem>>) {add = true}
    %mul3A_24 = arith.constant 10000 : i32
    %mul3A_25 = arith.muli %add3A, %mul3A_24 : i32
    %add3A_26 = arith.constant 1000 : i32
    %add3A_27 = arith.addi %mul3A_25, %add3A_26 : i32
    "tpu.region"() ({
      %run_scoped3A = tpu.sem_alloc : memref<!tpu.dma_semaphore, #tpu.memory_space<semaphore_mem>>
      %dma_start3A_51 = tpu.memref_slice %arg2[%add3A_27] : memref<320000xi32, #tpu.memory_space<hbm>> -> memref<1000xi32, #tpu.memory_space<hbm>>
      %dma_start3A_52 = tpu.memref_slice %arg2[%add3A_27] : memref<320000xi32, #tpu.memory_space<hbm>> -> memref<1000xi32, #tpu.memory_space<hbm>>
      tpu.enqueue_dma source(%dma_start3A_52 : memref<1000xi32, #tpu.memory_space<hbm>>) target(%arg5 : memref<1000xi32, #tpu.memory_space<vmem>>) target_semaphore(%run_scoped3A : memref<!tpu.dma_semaphore, #tpu.memory_space<semaphore_mem>>)
      %dma_wait3A_53 = tpu.memref_slice %arg2[%add3A_27] : memref<320000xi32, #tpu.memory_space<hbm>> -> memref<1000xi32, #tpu.memory_space<hbm>>
      %dma_wait3A_54 = tpu.memref_slice %arg2[%add3A_27] : memref<320000xi32, #tpu.memory_space<hbm>> -> memref<1000xi32, #tpu.memory_space<hbm>>
      tpu.wait_dma2 semaphore(%run_scoped3A : memref<!tpu.dma_semaphore, #tpu.memory_space<semaphore_mem>>) src(%dma_wait3A_54 : memref<1000xi32, #tpu.memory_space<hbm>>) dst(%arg5 : memref<1000xi32, #tpu.memory_space<vmem>>)
      tpu.yield
    }) : () -> ()
    %dma_start3A_28 = arith.constant 0 : i32
    %dma_start3A_29 = arith.constant 0 : i32
    %dma_start3A_30 = tpu.memref_slice %arg7[%dma_start3A_28, %dma_start3A_29] : memref<10240x16xf32, #tpu.memory_space<vmem_shared>> -> memref<10240x16xf32, #tpu.memory_space<vmem_shared>>
    tpu.enqueue_indirect_dma source(%arg6 : memref<1000x16xf32, #tpu.memory_space<vmem>>) target(%dma_start3A_30 : memref<10240x16xf32, #tpu.memory_space<vmem_shared>>) offsets(%arg5 : memref<1000xi32, #tpu.memory_space<vmem>>) semaphore(%arg9 : memref<!tpu.dma_semaphore, #tpu.memory_space<semaphore_mem>>) {add = true}
    %scan3A_31 = arith.constant 0 : i32
    %scan3A_32 = arith.constant 1 : i32
    %scan3A_33 = arith.constant 4 : i32
    %scan3A_34 = arith.addi %scan3A_32, %scan3A_33 : i32
    %scan3A_35 = arith.constant 1 : i32
    %scan3A_36 = scf.for %scan3A_51 = %scan3A_32 to %scan3A_34 step %scan3A_35 iter_args(%scan3A_52 = %scan3A_31) -> (i32)  : i32 {
      %mul3A_53 = arith.constant 2 : i32
      %mul3A_54 = arith.muli %mul3A_53, %scan3A_51 : i32
      %dma_wait3A_55 = arith.constant 0 : i32
      %dma_wait3A_56 = arith.constant 0 : i32
      %dma_wait3A_57 = tpu.memref_slice %arg7[%dma_wait3A_55, %dma_wait3A_56] : memref<10240x16xf32, #tpu.memory_space<vmem_shared>> -> memref<10240x16xf32, #tpu.memory_space<vmem_shared>>
      tpu.wait_indirect_dma semaphore(%arg8 : memref<!tpu.dma_semaphore, #tpu.memory_space<semaphore_mem>>) src(%arg6 : memref<1000x16xf32, #tpu.memory_space<vmem>>) dst(%dma_wait3A_57 : memref<10240x16xf32, #tpu.memory_space<vmem_shared>>)
      %mul3A_58 = arith.constant 10000 : i32
      %mul3A_59 = arith.muli %add3A, %mul3A_58 : i32
      %mul3A_60 = arith.constant 1000 : i32
      %mul3A_61 = arith.muli %mul3A_54, %mul3A_60 : i32
      %add3A_62 = arith.addi %mul3A_59, %mul3A_61 : i32
      "tpu.region"() ({
        %run_scoped3A = tpu.sem_alloc : memref<!tpu.dma_semaphore, #tpu.memory_space<semaphore_mem>>
        %dma_start3A_82 = tpu.memref_slice %arg2[%add3A_62] : memref<320000xi32, #tpu.memory_space<hbm>> -> memref<1000xi32, #tpu.memory_space<hbm>>
        %dma_start3A_83 = tpu.memref_slice %arg2[%add3A_62] : memref<320000xi32, #tpu.memory_space<hbm>> -> memref<1000xi32, #tpu.memory_space<hbm>>
        tpu.enqueue_dma source(%dma_start3A_83 : memref<1000xi32, #tpu.memory_space<hbm>>) target(%arg4 : memref<1000xi32, #tpu.memory_space<vmem>>) target_semaphore(%run_scoped3A : memref<!tpu.dma_semaphore, #tpu.memory_space<semaphore_mem>>)
        %dma_wait3A_84 = tpu.memref_slice %arg2[%add3A_62] : memref<320000xi32, #tpu.memory_space<hbm>> -> memref<1000xi32, #tpu.memory_space<hbm>>
        %dma_wait3A_85 = tpu.memref_slice %arg2[%add3A_62] : memref<320000xi32, #tpu.memory_space<hbm>> -> memref<1000xi32, #tpu.memory_space<hbm>>
        tpu.wait_dma2 semaphore(%run_scoped3A : memref<!tpu.dma_semaphore, #tpu.memory_space<semaphore_mem>>) src(%dma_wait3A_85 : memref<1000xi32, #tpu.memory_space<hbm>>) dst(%arg4 : memref<1000xi32, #tpu.memory_space<vmem>>)
        tpu.yield
      }) : () -> ()
      %dma_start3A_63 = arith.constant 0 : i32
      %dma_start3A_64 = arith.constant 0 : i32
      %dma_start3A_65 = tpu.memref_slice %arg7[%dma_start3A_63, %dma_start3A_64] : memref<10240x16xf32, #tpu.memory_space<vmem_shared>> -> memref<10240x16xf32, #tpu.memory_space<vmem_shared>>
      tpu.enqueue_indirect_dma source(%arg6 : memref<1000x16xf32, #tpu.memory_space<vmem>>) target(%dma_start3A_65 : memref<10240x16xf32, #tpu.memory_space<vmem_shared>>) offsets(%arg4 : memref<1000xi32, #tpu.memory_space<vmem>>) semaphore(%arg8 : memref<!tpu.dma_semaphore, #tpu.memory_space<semaphore_mem>>) {add = true}
      %mul3A_66 = arith.constant 2 : i32
      %mul3A_67 = arith.muli %mul3A_66, %scan3A_51 : i32
      %add3A_68 = arith.constant 1 : i32
      %add3A_69 = arith.addi %mul3A_67, %add3A_68 : i32
      %dma_wait3A_70 = arith.constant 0 : i32
      %dma_wait3A_71 = arith.constant 0 : i32
      %dma_wait3A_72 = tpu.memref_slice %arg7[%dma_wait3A_70, %dma_wait3A_71] : memref<10240x16xf32, #tpu.memory_space<vmem_shared>> -> memref<10240x16xf32, #tpu.memory_space<vmem_shared>>
      tpu.wait_indirect_dma semaphore(%arg9 : memref<!tpu.dma_semaphore, #tpu.memory_space<semaphore_mem>>) src(%arg6 : memref<1000x16xf32, #tpu.memory_space<vmem>>) dst(%dma_wait3A_72 : memref<10240x16xf32, #tpu.memory_space<vmem_shared>>)
      %mul3A_73 = arith.constant 10000 : i32
      %mul3A_74 = arith.muli %add3A, %mul3A_73 : i32
      %mul3A_75 = arith.constant 1000 : i32
      %mul3A_76 = arith.muli %add3A_69, %mul3A_75 : i32
      %add3A_77 = arith.addi %mul3A_74, %mul3A_76 : i32
      "tpu.region"() ({
        %run_scoped3A = tpu.sem_alloc : memref<!tpu.dma_semaphore, #tpu.memory_space<semaphore_mem>>
        %dma_start3A_82 = tpu.memref_slice %arg2[%add3A_77] : memref<320000xi32, #tpu.memory_space<hbm>> -> memref<1000xi32, #tpu.memory_space<hbm>>
        %dma_start3A_83 = tpu.memref_slice %arg2[%add3A_77] : memref<320000xi32, #tpu.memory_space<hbm>> -> memref<1000xi32, #tpu.memory_space<hbm>>
        tpu.enqueue_dma source(%dma_start3A_83 : memref<1000xi32, #tpu.memory_space<hbm>>) target(%arg5 : memref<1000xi32, #tpu.memory_space<vmem>>) target_semaphore(%run_scoped3A : memref<!tpu.dma_semaphore, #tpu.memory_space<semaphore_mem>>)
        %dma_wait3A_84 = tpu.memref_slice %arg2[%add3A_77] : memref<320000xi32, #tpu.memory_space<hbm>> -> memref<1000xi32, #tpu.memory_space<hbm>>
        %dma_wait3A_85 = tpu.memref_slice %arg2[%add3A_77] : memref<320000xi32, #tpu.memory_space<hbm>> -> memref<1000xi32, #tpu.memory_space<hbm>>
        tpu.wait_dma2 semaphore(%run_scoped3A : memref<!tpu.dma_semaphore, #tpu.memory_space<semaphore_mem>>) src(%dma_wait3A_85 : memref<1000xi32, #tpu.memory_space<hbm>>) dst(%arg5 : memref<1000xi32, #tpu.memory_space<vmem>>)
        tpu.yield
      }) : () -> ()
      %dma_start3A_78 = arith.constant 0 : i32
      %dma_start3A_79 = arith.constant 0 : i32
      %dma_start3A_80 = tpu.memref_slice %arg7[%dma_start3A_78, %dma_start3A_79] : memref<10240x16xf32, #tpu.memory_space<vmem_shared>> -> memref<10240x16xf32, #tpu.memory_space<vmem_shared>>
      tpu.enqueue_indirect_dma source(%arg6 : memref<1000x16xf32, #tpu.memory_space<vmem>>) target(%dma_start3A_80 : memref<10240x16xf32, #tpu.memory_space<vmem_shared>>) offsets(%arg5 : memref<1000xi32, #tpu.memory_space<vmem>>) semaphore(%arg9 : memref<!tpu.dma_semaphore, #tpu.memory_space<semaphore_mem>>) {add = true}
      %scan3A_81 = arith.constant 0 : i32
      scf.yield %scan3A_81 : i32
    }
    %scan3A_37 = arith.constant 4 : i32
    %dma_wait3A = arith.constant 0 : i32
    %dma_wait3A_38 = arith.constant 0 : i32
    %dma_wait3A_39 = tpu.memref_slice %arg7[%dma_wait3A, %dma_wait3A_38] : memref<10240x16xf32, #tpu.memory_space<vmem_shared>> -> memref<10240x16xf32, #tpu.memory_space<vmem_shared>>
    tpu.wait_indirect_dma semaphore(%arg8 : memref<!tpu.dma_semaphore, #tpu.memory_space<semaphore_mem>>) src(%arg6 : memref<1000x16xf32, #tpu.memory_space<vmem>>) dst(%dma_wait3A_39 : memref<10240x16xf32, #tpu.memory_space<vmem_shared>>)
    %dma_wait3A_40 = arith.constant 0 : i32
    %dma_wait3A_41 = arith.constant 0 : i32
    %dma_wait3A_42 = tpu.memref_slice %arg7[%dma_wait3A_40, %dma_wait3A_41] : memref<10240x16xf32, #tpu.memory_space<vmem_shared>> -> memref<10240x16xf32, #tpu.memory_space<vmem_shared>>
    tpu.wait_indirect_dma semaphore(%arg9 : memref<!tpu.dma_semaphore, #tpu.memory_space<semaphore_mem>>) src(%arg6 : memref<1000x16xf32, #tpu.memory_space<vmem>>) dst(%dma_wait3A_42 : memref<10240x16xf32, #tpu.memory_space<vmem_shared>>)
    %barrier3A_43 = arith.constant 0 : index
    tpu.barrier barrier_id(%barrier3A_43)
    %eq3A = arith.constant 0 : i32
    %eq3A_44 = arith.cmpi eq, %arg0, %eq3A : i32
    %convert_element_type3A = arith.extui %eq3A_44 : i1 to i32
    %cond3A = arith.constant 0 : i32
    %cond3A_45 = arith.cmpi ne, %convert_element_type3A, %cond3A : i32
    scf.if %cond3A_45 {
      %run_scoped3A = arith.constant 0 : i32
      "tpu.region"() ({
        %run_scoped3A_51 = tpu.sem_alloc : memref<!tpu.dma_semaphore, #tpu.memory_space<semaphore_mem>>
        %dma_start3A_52 = arith.constant 0 : i32
        %dma_start3A_53 = tpu.memref_slice %arg3[%run_scoped3A, %mul3A_2, %dma_start3A_52] : memref<2x10240x16xf32, #tpu.memory_space<hbm>> -> memref<1x640x16xf32, #tpu.memory_space<hbm>>
        %dma_start3A_54 = tpu.memref_squeeze %dma_start3A_53 : memref<1x640x16xf32, #tpu.memory_space<hbm>> -> memref<640x16xf32, #tpu.memory_space<hbm>>
        %dma_start3A_55 = arith.constant 0 : i32
        %dma_start3A_56 = tpu.memref_slice %arg7[%mul3A_2, %dma_start3A_55] : memref<10240x16xf32, #tpu.memory_space<vmem_shared>> -> memref<640x16xf32, #tpu.memory_space<vmem_shared>>
        tpu.enqueue_dma source(%dma_start3A_56 : memref<640x16xf32, #tpu.memory_space<vmem_shared>>) target(%dma_start3A_54 : memref<640x16xf32, #tpu.memory_space<hbm>>) target_semaphore(%run_scoped3A_51 : memref<!tpu.dma_semaphore, #tpu.memory_space<semaphore_mem>>)
        %dma_wait3A_57 = arith.constant 0 : i32
        %dma_wait3A_58 = tpu.memref_slice %arg3[%run_scoped3A, %mul3A_2, %dma_wait3A_57] : memref<2x10240x16xf32, #tpu.memory_space<hbm>> -> memref<1x640x16xf32, #tpu.memory_space<hbm>>
        %dma_wait3A_59 = tpu.memref_squeeze %dma_wait3A_58 : memref<1x640x16xf32, #tpu.memory_space<hbm>> -> memref<640x16xf32, #tpu.memory_space<hbm>>
        %dma_wait3A_60 = arith.constant 0 : i32
        %dma_wait3A_61 = tpu.memref_slice %arg7[%mul3A_2, %dma_wait3A_60] : memref<10240x16xf32, #tpu.memory_space<vmem_shared>> -> memref<640x16xf32, #tpu.memory_space<vmem_shared>>
        tpu.wait_dma2 semaphore(%run_scoped3A_51 : memref<!tpu.dma_semaphore, #tpu.memory_space<semaphore_mem>>) src(%dma_wait3A_61 : memref<640x16xf32, #tpu.memory_space<vmem_shared>>) dst(%dma_wait3A_59 : memref<640x16xf32, #tpu.memory_space<hbm>>)
        tpu.yield
      }) : () -> ()
    } else {
    }
    %eq3A_46 = arith.constant 1 : i32
    %eq3A_47 = arith.cmpi eq, %arg0, %eq3A_46 : i32
    %convert_element_type3A_48 = arith.extui %eq3A_47 : i1 to i32
    %cond3A_49 = arith.constant 0 : i32
    %cond3A_50 = arith.cmpi ne, %convert_element_type3A_48, %cond3A_49 : i32
    scf.if %cond3A_50 {
      %run_scoped3A = arith.constant 1 : i32
      "tpu.region"() ({
        %run_scoped3A_51 = tpu.sem_alloc : memref<!tpu.dma_semaphore, #tpu.memory_space<semaphore_mem>>
        %dma_start3A_52 = arith.constant 0 : i32
        %dma_start3A_53 = tpu.memref_slice %arg3[%run_scoped3A, %mul3A_2, %dma_start3A_52] : memref<2x10240x16xf32, #tpu.memory_space<hbm>> -> memref<1x640x16xf32, #tpu.memory_space<hbm>>
        %dma_start3A_54 = tpu.memref_squeeze %dma_start3A_53 : memref<1x640x16xf32, #tpu.memory_space<hbm>> -> memref<640x16xf32, #tpu.memory_space<hbm>>
        %dma_start3A_55 = arith.constant 0 : i32
        %dma_start3A_56 = tpu.memref_slice %arg7[%mul3A_2, %dma_start3A_55] : memref<10240x16xf32, #tpu.memory_space<vmem_shared>> -> memref<640x16xf32, #tpu.memory_space<vmem_shared>>
        tpu.enqueue_dma source(%dma_start3A_56 : memref<640x16xf32, #tpu.memory_space<vmem_shared>>) target(%dma_start3A_54 : memref<640x16xf32, #tpu.memory_space<hbm>>) target_semaphore(%run_scoped3A_51 : memref<!tpu.dma_semaphore, #tpu.memory_space<semaphore_mem>>)
        %dma_wait3A_57 = arith.constant 0 : i32
        %dma_wait3A_58 = tpu.memref_slice %arg3[%run_scoped3A, %mul3A_2, %dma_wait3A_57] : memref<2x10240x16xf32, #tpu.memory_space<hbm>> -> memref<1x640x16xf32, #tpu.memory_space<hbm>>
        %dma_wait3A_59 = tpu.memref_squeeze %dma_wait3A_58 : memref<1x640x16xf32, #tpu.memory_space<hbm>> -> memref<640x16xf32, #tpu.memory_space<hbm>>
        %dma_wait3A_60 = arith.constant 0 : i32
        %dma_wait3A_61 = tpu.memref_slice %arg7[%mul3A_2, %dma_wait3A_60] : memref<10240x16xf32, #tpu.memory_space<vmem_shared>> -> memref<640x16xf32, #tpu.memory_space<vmem_shared>>
        tpu.wait_dma2 semaphore(%run_scoped3A_51 : memref<!tpu.dma_semaphore, #tpu.memory_space<semaphore_mem>>) src(%dma_wait3A_61 : memref<640x16xf32, #tpu.memory_space<vmem_shared>>) dst(%dma_wait3A_59 : memref<640x16xf32, #tpu.memory_space<hbm>>)
        tpu.yield
      }) : () -> ()
    } else {
    }
    return
  }
}

#map = affine_map<(d0, d1) -> (0, 0)>
#map1 = affine_map<(d0, d1) -> (0)>
#map2 = affine_map<(d0, d1) -> (0, 0, 0)>
module attributes {stable_mosaic.version = 14 : i64} {
  func.func @k(%arg0: i32, %arg1: i32, %arg2: memref<10240x16xf32, #tpu.memory_space<hbm>>, %arg3: memref<320000xi32, #tpu.memory_space<hbm>>, %arg4: memref<320000xi32, #tpu.memory_space<hbm>>, %arg5: memref<2x10240x16xf32, #tpu.memory_space<hbm>>, %arg6: memref<792xi32, #tpu.memory_space<vmem>>, %arg7: memref<792xi32, #tpu.memory_space<vmem>>, %arg8: memref<792x16xf32, #tpu.memory_space<vmem>>, %arg9: memref<792xi32, #tpu.memory_space<vmem>>, %arg10: memref<792xi32, #tpu.memory_space<vmem>>, %arg11: memref<792x16xf32, #tpu.memory_space<vmem>>, %arg12: memref<792xi32, #tpu.memory_space<vmem>>, %arg13: memref<792xi32, #tpu.memory_space<vmem>>, %arg14: memref<792x16xf32, #tpu.memory_space<vmem>>, %arg15: memref<248xi32, #tpu.memory_space<vmem>>, %arg16: memref<248xi32, #tpu.memory_space<vmem>>, %arg17: memref<248xi32, #tpu.memory_space<vmem>>, %arg18: memref<248xi32, #tpu.memory_space<vmem>>, %arg19: memref<10240x16xf32, #tpu.memory_space<vmem_shared>>, %arg20: memref<!tpu.dma_semaphore, #tpu.memory_space<semaphore_mem>>, %arg21: memref<!tpu.dma_semaphore, #tpu.memory_space<semaphore_mem>>, %arg22: memref<!tpu.dma_semaphore, #tpu.memory_space<semaphore_mem>>, %arg23: memref<!tpu.dma_semaphore, #tpu.memory_space<semaphore_mem>>, %arg24: memref<!tpu.dma_semaphore, #tpu.memory_space<semaphore_mem>>, %arg25: memref<!tpu.dma_semaphore, #tpu.memory_space<semaphore_mem>>) attributes {dimension_semantics = [#tpu.dimension_semantics<core_parallel>, #tpu.dimension_semantics<subcore_parallel>], iteration_bounds = array<i64: 2, 16>, scalar_prefetch = 0 : i64, scratch_operands = 20 : i64, tpu.core_type = #tpu.core_type<sc_vector_subcore>, window_params = [{transform_indices = #map}, {transform_indices = #map1}, {transform_indices = #map1}, {transform_indices = #map2}]} {
    %mul3A = arith.constant 2 : i32
    %mul3A_0 = arith.muli %arg1, %mul3A : i32
    %add3A = arith.addi %mul3A_0, %arg0 : i32
    %mul3A_1 = arith.constant 640 : i32
    %mul3A_2 = arith.muli %arg1, %mul3A_1 : i32
    %eq3A = arith.constant 0 : i32
    %eq3A_3 = arith.cmpi eq, %arg0, %eq3A : i32
    %convert_element_type3A = arith.extui %eq3A_3 : i1 to i32
    %cond3A = arith.constant 0 : i32
    %cond3A_4 = arith.cmpi ne, %convert_element_type3A, %cond3A : i32
    scf.if %cond3A_4 {
      "tpu.region"() ({
        %run_scoped3A = tpu.sem_alloc : memref<!tpu.dma_semaphore, #tpu.memory_space<semaphore_mem>>
        %dma_start3A_105 = arith.constant 0 : i32
        %dma_start3A_106 = tpu.memref_slice %arg19[%mul3A_2, %dma_start3A_105] : memref<10240x16xf32, #tpu.memory_space<vmem_shared>> -> memref<640x16xf32, #tpu.memory_space<vmem_shared>>
        %dma_start3A_107 = arith.constant 0 : i32
        %dma_start3A_108 = tpu.memref_slice %arg2[%mul3A_2, %dma_start3A_107] : memref<10240x16xf32, #tpu.memory_space<hbm>> -> memref<640x16xf32, #tpu.memory_space<hbm>>
        tpu.enqueue_dma source(%dma_start3A_108 : memref<640x16xf32, #tpu.memory_space<hbm>>) target(%dma_start3A_106 : memref<640x16xf32, #tpu.memory_space<vmem_shared>>) target_semaphore(%run_scoped3A : memref<!tpu.dma_semaphore, #tpu.memory_space<semaphore_mem>>)
        %dma_wait3A_109 = arith.constant 0 : i32
        %dma_wait3A_110 = tpu.memref_slice %arg19[%mul3A_2, %dma_wait3A_109] : memref<10240x16xf32, #tpu.memory_space<vmem_shared>> -> memref<640x16xf32, #tpu.memory_space<vmem_shared>>
        %dma_wait3A_111 = arith.constant 0 : i32
        %dma_wait3A_112 = tpu.memref_slice %arg2[%mul3A_2, %dma_wait3A_111] : memref<10240x16xf32, #tpu.memory_space<hbm>> -> memref<640x16xf32, #tpu.memory_space<hbm>>
        tpu.wait_dma2 semaphore(%run_scoped3A : memref<!tpu.dma_semaphore, #tpu.memory_space<semaphore_mem>>) src(%dma_wait3A_112 : memref<640x16xf32, #tpu.memory_space<hbm>>) dst(%dma_wait3A_110 : memref<640x16xf32, #tpu.memory_space<vmem_shared>>)
        tpu.yield
      }) : () -> ()
    } else {
    }
    %eq3A_5 = arith.constant 1 : i32
    %eq3A_6 = arith.cmpi eq, %arg0, %eq3A_5 : i32
    %convert_element_type3A_7 = arith.extui %eq3A_6 : i1 to i32
    %cond3A_8 = arith.constant 0 : i32
    %cond3A_9 = arith.cmpi ne, %convert_element_type3A_7, %cond3A_8 : i32
    scf.if %cond3A_9 {
      %scan3A_105 = arith.constant 0 : i32
      %scan3A_106 = arith.constant 0 : i32
      %scan3A_107 = arith.constant 640 : i32
      %scan3A_108 = arith.addi %scan3A_106, %scan3A_107 : i32
      %scan3A_109 = arith.constant 1 : i32
      %scan3A_110 = scf.for %scan3A_114 = %scan3A_106 to %scan3A_108 step %scan3A_109 iter_args(%scan3A_115 = %scan3A_105) -> (i32)  : i32 {
        %broadcast_in_dim3A = arith.constant 0.000000e+00 : f32
        %broadcast_in_dim3A_116 = vector.broadcast %broadcast_in_dim3A : f32 to vector<16xf32>
        %swap3A = arith.index_cast %scan3A_114 : i32 to index
        %swap3A_117 = arith.constant 0 : index
        %swap3A_118 = tpu.vector_load %arg8[%swap3A, %swap3A_117] {strides = array<i32>} : memref<792x16xf32, #tpu.memory_space<vmem>>, vector<1x16xf32>,
        %swap3A_119 = vector.shape_cast %swap3A_118 : vector<1x16xf32> to vector<16xf32>
        %swap3A_120 = vector.shape_cast %broadcast_in_dim3A_116 : vector<16xf32> to vector<1x16xf32>
        tpu.vector_store %arg8[%swap3A, %swap3A_117], %swap3A_120 {strides = array<i32>} : memref<792x16xf32, #tpu.memory_space<vmem>>, vector<1x16xf32>,
        %scan3A_121 = arith.constant 0 : i32
        scf.yield %scan3A_121 : i32
      }
      %scan3A_111 = arith.constant 640 : i32
      %add3A_112 = arith.constant 0 : i32
      %add3A_113 = arith.addi %mul3A_2, %add3A_112 : i32
      "tpu.region"() ({
        %run_scoped3A = tpu.sem_alloc : memref<!tpu.dma_semaphore, #tpu.memory_space<semaphore_mem>>
        %dma_start3A_114 = arith.constant 0 : i32
        %dma_start3A_115 = arith.constant 0 : i32
        %dma_start3A_116 = tpu.memref_slice %arg8[%dma_start3A_114, %dma_start3A_115] : memref<792x16xf32, #tpu.memory_space<vmem>> -> memref<640x16xf32, #tpu.memory_space<vmem>>
        %dma_start3A_117 = arith.constant 0 : i32
        %dma_start3A_118 = tpu.memref_slice %arg19[%add3A_113, %dma_start3A_117] : memref<10240x16xf32, #tpu.memory_space<vmem_shared>> -> memref<640x16xf32, #tpu.memory_space<vmem_shared>>
        %dma_start3A_119 = arith.constant 0 : i32
        %dma_start3A_120 = tpu.memref_slice %arg19[%add3A_113, %dma_start3A_119] : memref<10240x16xf32, #tpu.memory_space<vmem_shared>> -> memref<640x16xf32, #tpu.memory_space<vmem_shared>>
        %dma_start3A_121 = arith.constant 0 : i32
        %dma_start3A_122 = arith.constant 0 : i32
        %dma_start3A_123 = tpu.memref_slice %arg8[%dma_start3A_121, %dma_start3A_122] : memref<792x16xf32, #tpu.memory_space<vmem>> -> memref<640x16xf32, #tpu.memory_space<vmem>>
        tpu.enqueue_dma source(%dma_start3A_123 : memref<640x16xf32, #tpu.memory_space<vmem>>) target(%dma_start3A_120 : memref<640x16xf32, #tpu.memory_space<vmem_shared>>) target_semaphore(%run_scoped3A : memref<!tpu.dma_semaphore, #tpu.memory_space<semaphore_mem>>)
        %dma_wait3A_124 = arith.constant 0 : i32
        %dma_wait3A_125 = arith.constant 0 : i32
        %dma_wait3A_126 = tpu.memref_slice %arg8[%dma_wait3A_124, %dma_wait3A_125] : memref<792x16xf32, #tpu.memory_space<vmem>> -> memref<640x16xf32, #tpu.memory_space<vmem>>
        %dma_wait3A_127 = arith.constant 0 : i32
        %dma_wait3A_128 = tpu.memref_slice %arg19[%add3A_113, %dma_wait3A_127] : memref<10240x16xf32, #tpu.memory_space<vmem_shared>> -> memref<640x16xf32, #tpu.memory_space<vmem_shared>>
        %dma_wait3A_129 = arith.constant 0 : i32
        %dma_wait3A_130 = tpu.memref_slice %arg19[%add3A_113, %dma_wait3A_129] : memref<10240x16xf32, #tpu.memory_space<vmem_shared>> -> memref<640x16xf32, #tpu.memory_space<vmem_shared>>
        %dma_wait3A_131 = arith.constant 0 : i32
        %dma_wait3A_132 = arith.constant 0 : i32
        %dma_wait3A_133 = tpu.memref_slice %arg8[%dma_wait3A_131, %dma_wait3A_132] : memref<792x16xf32, #tpu.memory_space<vmem>> -> memref<640x16xf32, #tpu.memory_space<vmem>>
        tpu.wait_dma2 semaphore(%run_scoped3A : memref<!tpu.dma_semaphore, #tpu.memory_space<semaphore_mem>>) src(%dma_wait3A_133 : memref<640x16xf32, #tpu.memory_space<vmem>>) dst(%dma_wait3A_130 : memref<640x16xf32, #tpu.memory_space<vmem_shared>>)
        tpu.yield
      }) : () -> ()
    } else {
    }
    %barrier3A = arith.constant 0 : index
    tpu.barrier barrier_id(%barrier3A)
    %mul3A_10 = arith.constant 10000 : i32
    %mul3A_11 = arith.muli %add3A, %mul3A_10 : i32
    %add3A_12 = arith.constant 0 : i32
    %add3A_13 = arith.addi %mul3A_11, %add3A_12 : i32
    "tpu.region"() ({
      %run_scoped3A = tpu.sem_alloc : memref<!tpu.dma_semaphore, #tpu.memory_space<semaphore_mem>>
      %dma_start3A_105 = tpu.memref_slice %arg3[%add3A_13] : memref<320000xi32, #tpu.memory_space<hbm>> -> memref<792xi32, #tpu.memory_space<hbm>>
      %dma_start3A_106 = tpu.memref_slice %arg3[%add3A_13] : memref<320000xi32, #tpu.memory_space<hbm>> -> memref<792xi32, #tpu.memory_space<hbm>>
      tpu.enqueue_dma source(%dma_start3A_106 : memref<792xi32, #tpu.memory_space<hbm>>) target(%arg6 : memref<792xi32, #tpu.memory_space<vmem>>) target_semaphore(%run_scoped3A : memref<!tpu.dma_semaphore, #tpu.memory_space<semaphore_mem>>)
      %dma_wait3A_107 = tpu.memref_slice %arg3[%add3A_13] : memref<320000xi32, #tpu.memory_space<hbm>> -> memref<792xi32, #tpu.memory_space<hbm>>
      %dma_wait3A_108 = tpu.memref_slice %arg3[%add3A_13] : memref<320000xi32, #tpu.memory_space<hbm>> -> memref<792xi32, #tpu.memory_space<hbm>>
      tpu.wait_dma2 semaphore(%run_scoped3A : memref<!tpu.dma_semaphore, #tpu.memory_space<semaphore_mem>>) src(%dma_wait3A_108 : memref<792xi32, #tpu.memory_space<hbm>>) dst(%arg6 : memref<792xi32, #tpu.memory_space<vmem>>)
      tpu.yield
    }) : () -> ()
    "tpu.region"() ({
      %run_scoped3A = tpu.sem_alloc : memref<!tpu.dma_semaphore, #tpu.memory_space<semaphore_mem>>
      %dma_start3A_105 = tpu.memref_slice %arg4[%add3A_13] : memref<320000xi32, #tpu.memory_space<hbm>> -> memref<792xi32, #tpu.memory_space<hbm>>
      %dma_start3A_106 = tpu.memref_slice %arg4[%add3A_13] : memref<320000xi32, #tpu.memory_space<hbm>> -> memref<792xi32, #tpu.memory_space<hbm>>
      tpu.enqueue_dma source(%dma_start3A_106 : memref<792xi32, #tpu.memory_space<hbm>>) target(%arg7 : memref<792xi32, #tpu.memory_space<vmem>>) target_semaphore(%run_scoped3A : memref<!tpu.dma_semaphore, #tpu.memory_space<semaphore_mem>>)
      %dma_wait3A_107 = tpu.memref_slice %arg4[%add3A_13] : memref<320000xi32, #tpu.memory_space<hbm>> -> memref<792xi32, #tpu.memory_space<hbm>>
      %dma_wait3A_108 = tpu.memref_slice %arg4[%add3A_13] : memref<320000xi32, #tpu.memory_space<hbm>> -> memref<792xi32, #tpu.memory_space<hbm>>
      tpu.wait_dma2 semaphore(%run_scoped3A : memref<!tpu.dma_semaphore, #tpu.memory_space<semaphore_mem>>) src(%dma_wait3A_108 : memref<792xi32, #tpu.memory_space<hbm>>) dst(%arg7 : memref<792xi32, #tpu.memory_space<vmem>>)
      tpu.yield
    }) : () -> ()
    %dma_start3A = arith.constant 0 : i32
    %dma_start3A_14 = arith.constant 0 : i32
    %dma_start3A_15 = tpu.memref_slice %arg2[%dma_start3A, %dma_start3A_14] : memref<10240x16xf32, #tpu.memory_space<hbm>> -> memref<10240x16xf32, #tpu.memory_space<hbm>>
    tpu.enqueue_indirect_dma source(%dma_start3A_15 : memref<10240x16xf32, #tpu.memory_space<hbm>>) target(%arg8 : memref<792x16xf32, #tpu.memory_space<vmem>>) offsets(%arg6 : memref<792xi32, #tpu.memory_space<vmem>>) semaphore(%arg20 : memref<!tpu.dma_semaphore, #tpu.memory_space<semaphore_mem>>)
    %mul3A_16 = arith.constant 10000 : i32
    %mul3A_17 = arith.muli %add3A, %mul3A_16 : i32
    %add3A_18 = arith.constant 792 : i32
    %add3A_19 = arith.addi %mul3A_17, %add3A_18 : i32
    "tpu.region"() ({
      %run_scoped3A = tpu.sem_alloc : memref<!tpu.dma_semaphore, #tpu.memory_space<semaphore_mem>>
      %dma_start3A_105 = tpu.memref_slice %arg3[%add3A_19] : memref<320000xi32, #tpu.memory_space<hbm>> -> memref<792xi32, #tpu.memory_space<hbm>>
      %dma_start3A_106 = tpu.memref_slice %arg3[%add3A_19] : memref<320000xi32, #tpu.memory_space<hbm>> -> memref<792xi32, #tpu.memory_space<hbm>>
      tpu.enqueue_dma source(%dma_start3A_106 : memref<792xi32, #tpu.memory_space<hbm>>) target(%arg9 : memref<792xi32, #tpu.memory_space<vmem>>) target_semaphore(%run_scoped3A : memref<!tpu.dma_semaphore, #tpu.memory_space<semaphore_mem>>)
      %dma_wait3A_107 = tpu.memref_slice %arg3[%add3A_19] : memref<320000xi32, #tpu.memory_space<hbm>> -> memref<792xi32, #tpu.memory_space<hbm>>
      %dma_wait3A_108 = tpu.memref_slice %arg3[%add3A_19] : memref<320000xi32, #tpu.memory_space<hbm>> -> memref<792xi32, #tpu.memory_space<hbm>>
      tpu.wait_dma2 semaphore(%run_scoped3A : memref<!tpu.dma_semaphore, #tpu.memory_space<semaphore_mem>>) src(%dma_wait3A_108 : memref<792xi32, #tpu.memory_space<hbm>>) dst(%arg9 : memref<792xi32, #tpu.memory_space<vmem>>)
      tpu.yield
    }) : () -> ()
    "tpu.region"() ({
      %run_scoped3A = tpu.sem_alloc : memref<!tpu.dma_semaphore, #tpu.memory_space<semaphore_mem>>
      %dma_start3A_105 = tpu.memref_slice %arg4[%add3A_19] : memref<320000xi32, #tpu.memory_space<hbm>> -> memref<792xi32, #tpu.memory_space<hbm>>
      %dma_start3A_106 = tpu.memref_slice %arg4[%add3A_19] : memref<320000xi32, #tpu.memory_space<hbm>> -> memref<792xi32, #tpu.memory_space<hbm>>
      tpu.enqueue_dma source(%dma_start3A_106 : memref<792xi32, #tpu.memory_space<hbm>>) target(%arg10 : memref<792xi32, #tpu.memory_space<vmem>>) target_semaphore(%run_scoped3A : memref<!tpu.dma_semaphore, #tpu.memory_space<semaphore_mem>>)
      %dma_wait3A_107 = tpu.memref_slice %arg4[%add3A_19] : memref<320000xi32, #tpu.memory_space<hbm>> -> memref<792xi32, #tpu.memory_space<hbm>>
      %dma_wait3A_108 = tpu.memref_slice %arg4[%add3A_19] : memref<320000xi32, #tpu.memory_space<hbm>> -> memref<792xi32, #tpu.memory_space<hbm>>
      tpu.wait_dma2 semaphore(%run_scoped3A : memref<!tpu.dma_semaphore, #tpu.memory_space<semaphore_mem>>) src(%dma_wait3A_108 : memref<792xi32, #tpu.memory_space<hbm>>) dst(%arg10 : memref<792xi32, #tpu.memory_space<vmem>>)
      tpu.yield
    }) : () -> ()
    %dma_start3A_20 = arith.constant 0 : i32
    %dma_start3A_21 = arith.constant 0 : i32
    %dma_start3A_22 = tpu.memref_slice %arg2[%dma_start3A_20, %dma_start3A_21] : memref<10240x16xf32, #tpu.memory_space<hbm>> -> memref<10240x16xf32, #tpu.memory_space<hbm>>
    tpu.enqueue_indirect_dma source(%dma_start3A_22 : memref<10240x16xf32, #tpu.memory_space<hbm>>) target(%arg11 : memref<792x16xf32, #tpu.memory_space<vmem>>) offsets(%arg9 : memref<792xi32, #tpu.memory_space<vmem>>) semaphore(%arg21 : memref<!tpu.dma_semaphore, #tpu.memory_space<semaphore_mem>>)
    %dma_wait3A = arith.constant 0 : i32
    %dma_wait3A_23 = arith.constant 0 : i32
    %dma_wait3A_24 = tpu.memref_slice %arg2[%dma_wait3A, %dma_wait3A_23] : memref<10240x16xf32, #tpu.memory_space<hbm>> -> memref<10240x16xf32, #tpu.memory_space<hbm>>
    tpu.wait_indirect_dma semaphore(%arg20 : memref<!tpu.dma_semaphore, #tpu.memory_space<semaphore_mem>>) src(%dma_wait3A_24 : memref<10240x16xf32, #tpu.memory_space<hbm>>) dst(%arg8 : memref<792x16xf32, #tpu.memory_space<vmem>>)
    %dma_start3A_25 = arith.constant 0 : i32
    %dma_start3A_26 = arith.constant 0 : i32
    %dma_start3A_27 = tpu.memref_slice %arg19[%dma_start3A_25, %dma_start3A_26] : memref<10240x16xf32, #tpu.memory_space<vmem_shared>> -> memref<10240x16xf32, #tpu.memory_space<vmem_shared>>
    tpu.enqueue_indirect_dma source(%arg8 : memref<792x16xf32, #tpu.memory_space<vmem>>) target(%dma_start3A_27 : memref<10240x16xf32, #tpu.memory_space<vmem_shared>>) offsets(%arg7 : memref<792xi32, #tpu.memory_space<vmem>>) semaphore(%arg23 : memref<!tpu.dma_semaphore, #tpu.memory_space<semaphore_mem>>) {add = true}
    %mul3A_28 = arith.constant 10000 : i32
    %mul3A_29 = arith.muli %add3A, %mul3A_28 : i32
    %add3A_30 = arith.constant 1584 : i32
    %add3A_31 = arith.addi %mul3A_29, %add3A_30 : i32
    "tpu.region"() ({
      %run_scoped3A = tpu.sem_alloc : memref<!tpu.dma_semaphore, #tpu.memory_space<semaphore_mem>>
      %dma_start3A_105 = tpu.memref_slice %arg3[%add3A_31] : memref<320000xi32, #tpu.memory_space<hbm>> -> memref<792xi32, #tpu.memory_space<hbm>>
      %dma_start3A_106 = tpu.memref_slice %arg3[%add3A_31] : memref<320000xi32, #tpu.memory_space<hbm>> -> memref<792xi32, #tpu.memory_space<hbm>>
      tpu.enqueue_dma source(%dma_start3A_106 : memref<792xi32, #tpu.memory_space<hbm>>) target(%arg12 : memref<792xi32, #tpu.memory_space<vmem>>) target_semaphore(%run_scoped3A : memref<!tpu.dma_semaphore, #tpu.memory_space<semaphore_mem>>)
      %dma_wait3A_107 = tpu.memref_slice %arg3[%add3A_31] : memref<320000xi32, #tpu.memory_space<hbm>> -> memref<792xi32, #tpu.memory_space<hbm>>
      %dma_wait3A_108 = tpu.memref_slice %arg3[%add3A_31] : memref<320000xi32, #tpu.memory_space<hbm>> -> memref<792xi32, #tpu.memory_space<hbm>>
      tpu.wait_dma2 semaphore(%run_scoped3A : memref<!tpu.dma_semaphore, #tpu.memory_space<semaphore_mem>>) src(%dma_wait3A_108 : memref<792xi32, #tpu.memory_space<hbm>>) dst(%arg12 : memref<792xi32, #tpu.memory_space<vmem>>)
      tpu.yield
    }) : () -> ()
    "tpu.region"() ({
      %run_scoped3A = tpu.sem_alloc : memref<!tpu.dma_semaphore, #tpu.memory_space<semaphore_mem>>
      %dma_start3A_105 = tpu.memref_slice %arg4[%add3A_31] : memref<320000xi32, #tpu.memory_space<hbm>> -> memref<792xi32, #tpu.memory_space<hbm>>
      %dma_start3A_106 = tpu.memref_slice %arg4[%add3A_31] : memref<320000xi32, #tpu.memory_space<hbm>> -> memref<792xi32, #tpu.memory_space<hbm>>
      tpu.enqueue_dma source(%dma_start3A_106 : memref<792xi32, #tpu.memory_space<hbm>>) target(%arg13 : memref<792xi32, #tpu.memory_space<vmem>>) target_semaphore(%run_scoped3A : memref<!tpu.dma_semaphore, #tpu.memory_space<semaphore_mem>>)
      %dma_wait3A_107 = tpu.memref_slice %arg4[%add3A_31] : memref<320000xi32, #tpu.memory_space<hbm>> -> memref<792xi32, #tpu.memory_space<hbm>>
      %dma_wait3A_108 = tpu.memref_slice %arg4[%add3A_31] : memref<320000xi32, #tpu.memory_space<hbm>> -> memref<792xi32, #tpu.memory_space<hbm>>
      tpu.wait_dma2 semaphore(%run_scoped3A : memref<!tpu.dma_semaphore, #tpu.memory_space<semaphore_mem>>) src(%dma_wait3A_108 : memref<792xi32, #tpu.memory_space<hbm>>) dst(%arg13 : memref<792xi32, #tpu.memory_space<vmem>>)
      tpu.yield
    }) : () -> ()
    %dma_start3A_32 = arith.constant 0 : i32
    %dma_start3A_33 = arith.constant 0 : i32
    %dma_start3A_34 = tpu.memref_slice %arg2[%dma_start3A_32, %dma_start3A_33] : memref<10240x16xf32, #tpu.memory_space<hbm>> -> memref<10240x16xf32, #tpu.memory_space<hbm>>
    tpu.enqueue_indirect_dma source(%dma_start3A_34 : memref<10240x16xf32, #tpu.memory_space<hbm>>) target(%arg14 : memref<792x16xf32, #tpu.memory_space<vmem>>) offsets(%arg12 : memref<792xi32, #tpu.memory_space<vmem>>) semaphore(%arg22 : memref<!tpu.dma_semaphore, #tpu.memory_space<semaphore_mem>>)
    %dma_wait3A_35 = arith.constant 0 : i32
    %dma_wait3A_36 = arith.constant 0 : i32
    %dma_wait3A_37 = tpu.memref_slice %arg2[%dma_wait3A_35, %dma_wait3A_36] : memref<10240x16xf32, #tpu.memory_space<hbm>> -> memref<10240x16xf32, #tpu.memory_space<hbm>>
    tpu.wait_indirect_dma semaphore(%arg21 : memref<!tpu.dma_semaphore, #tpu.memory_space<semaphore_mem>>) src(%dma_wait3A_37 : memref<10240x16xf32, #tpu.memory_space<hbm>>) dst(%arg11 : memref<792x16xf32, #tpu.memory_space<vmem>>)
    %dma_start3A_38 = arith.constant 0 : i32
    %dma_start3A_39 = arith.constant 0 : i32
    %dma_start3A_40 = tpu.memref_slice %arg19[%dma_start3A_38, %dma_start3A_39] : memref<10240x16xf32, #tpu.memory_space<vmem_shared>> -> memref<10240x16xf32, #tpu.memory_space<vmem_shared>>
    tpu.enqueue_indirect_dma source(%arg11 : memref<792x16xf32, #tpu.memory_space<vmem>>) target(%dma_start3A_40 : memref<10240x16xf32, #tpu.memory_space<vmem_shared>>) offsets(%arg10 : memref<792xi32, #tpu.memory_space<vmem>>) semaphore(%arg24 : memref<!tpu.dma_semaphore, #tpu.memory_space<semaphore_mem>>) {add = true}
    %scan3A = arith.constant 0 : i32
    %scan3A_41 = arith.constant 1 : i32
    %scan3A_42 = arith.constant 3 : i32
    %scan3A_43 = arith.addi %scan3A_41, %scan3A_42 : i32
    %scan3A_44 = arith.constant 1 : i32
    %scan3A_45 = scf.for %scan3A_105 = %scan3A_41 to %scan3A_43 step %scan3A_44 iter_args(%scan3A_106 = %scan3A) -> (i32)  : i32 {
      %mul3A_107 = arith.constant 3 : i32
      %mul3A_108 = arith.muli %mul3A_107, %scan3A_105 : i32
      %dma_wait3A_109 = arith.constant 0 : i32
      %dma_wait3A_110 = arith.constant 0 : i32
      %dma_wait3A_111 = tpu.memref_slice %arg19[%dma_wait3A_109, %dma_wait3A_110] : memref<10240x16xf32, #tpu.memory_space<vmem_shared>> -> memref<10240x16xf32, #tpu.memory_space<vmem_shared>>
      tpu.wait_indirect_dma semaphore(%arg23 : memref<!tpu.dma_semaphore, #tpu.memory_space<semaphore_mem>>) src(%arg8 : memref<792x16xf32, #tpu.memory_space<vmem>>) dst(%dma_wait3A_111 : memref<10240x16xf32, #tpu.memory_space<vmem_shared>>)
      %mul3A_112 = arith.constant 10000 : i32
      %mul3A_113 = arith.muli %add3A, %mul3A_112 : i32
      %mul3A_114 = arith.constant 792 : i32
      %mul3A_115 = arith.muli %mul3A_108, %mul3A_114 : i32
      %add3A_116 = arith.addi %mul3A_113, %mul3A_115 : i32
      "tpu.region"() ({
        %run_scoped3A = tpu.sem_alloc : memref<!tpu.dma_semaphore, #tpu.memory_space<semaphore_mem>>
        %dma_start3A_168 = tpu.memref_slice %arg3[%add3A_116] : memref<320000xi32, #tpu.memory_space<hbm>> -> memref<792xi32, #tpu.memory_space<hbm>>
        %dma_start3A_169 = tpu.memref_slice %arg3[%add3A_116] : memref<320000xi32, #tpu.memory_space<hbm>> -> memref<792xi32, #tpu.memory_space<hbm>>
        tpu.enqueue_dma source(%dma_start3A_169 : memref<792xi32, #tpu.memory_space<hbm>>) target(%arg6 : memref<792xi32, #tpu.memory_space<vmem>>) target_semaphore(%run_scoped3A : memref<!tpu.dma_semaphore, #tpu.memory_space<semaphore_mem>>)
        %dma_wait3A_170 = tpu.memref_slice %arg3[%add3A_116] : memref<320000xi32, #tpu.memory_space<hbm>> -> memref<792xi32, #tpu.memory_space<hbm>>
        %dma_wait3A_171 = tpu.memref_slice %arg3[%add3A_116] : memref<320000xi32, #tpu.memory_space<hbm>> -> memref<792xi32, #tpu.memory_space<hbm>>
        tpu.wait_dma2 semaphore(%run_scoped3A : memref<!tpu.dma_semaphore, #tpu.memory_space<semaphore_mem>>) src(%dma_wait3A_171 : memref<792xi32, #tpu.memory_space<hbm>>) dst(%arg6 : memref<792xi32, #tpu.memory_space<vmem>>)
        tpu.yield
      }) : () -> ()
      "tpu.region"() ({
        %run_scoped3A = tpu.sem_alloc : memref<!tpu.dma_semaphore, #tpu.memory_space<semaphore_mem>>
        %dma_start3A_168 = tpu.memref_slice %arg4[%add3A_116] : memref<320000xi32, #tpu.memory_space<hbm>> -> memref<792xi32, #tpu.memory_space<hbm>>
        %dma_start3A_169 = tpu.memref_slice %arg4[%add3A_116] : memref<320000xi32, #tpu.memory_space<hbm>> -> memref<792xi32, #tpu.memory_space<hbm>>
        tpu.enqueue_dma source(%dma_start3A_169 : memref<792xi32, #tpu.memory_space<hbm>>) target(%arg7 : memref<792xi32, #tpu.memory_space<vmem>>) target_semaphore(%run_scoped3A : memref<!tpu.dma_semaphore, #tpu.memory_space<semaphore_mem>>)
        %dma_wait3A_170 = tpu.memref_slice %arg4[%add3A_116] : memref<320000xi32, #tpu.memory_space<hbm>> -> memref<792xi32, #tpu.memory_space<hbm>>
        %dma_wait3A_171 = tpu.memref_slice %arg4[%add3A_116] : memref<320000xi32, #tpu.memory_space<hbm>> -> memref<792xi32, #tpu.memory_space<hbm>>
        tpu.wait_dma2 semaphore(%run_scoped3A : memref<!tpu.dma_semaphore, #tpu.memory_space<semaphore_mem>>) src(%dma_wait3A_171 : memref<792xi32, #tpu.memory_space<hbm>>) dst(%arg7 : memref<792xi32, #tpu.memory_space<vmem>>)
        tpu.yield
      }) : () -> ()
      %dma_start3A_117 = arith.constant 0 : i32
      %dma_start3A_118 = arith.constant 0 : i32
      %dma_start3A_119 = tpu.memref_slice %arg2[%dma_start3A_117, %dma_start3A_118] : memref<10240x16xf32, #tpu.memory_space<hbm>> -> memref<10240x16xf32, #tpu.memory_space<hbm>>
      tpu.enqueue_indirect_dma source(%dma_start3A_119 : memref<10240x16xf32, #tpu.memory_space<hbm>>) target(%arg8 : memref<792x16xf32, #tpu.memory_space<vmem>>) offsets(%arg6 : memref<792xi32, #tpu.memory_space<vmem>>) semaphore(%arg20 : memref<!tpu.dma_semaphore, #tpu.memory_space<semaphore_mem>>)
      %sub3A = arith.constant 1 : i32
      %sub3A_120 = arith.subi %mul3A_108, %sub3A : i32
      %dma_wait3A_121 = arith.constant 0 : i32
      %dma_wait3A_122 = arith.constant 0 : i32
      %dma_wait3A_123 = tpu.memref_slice %arg2[%dma_wait3A_121, %dma_wait3A_122] : memref<10240x16xf32, #tpu.memory_space<hbm>> -> memref<10240x16xf32, #tpu.memory_space<hbm>>
      tpu.wait_indirect_dma semaphore(%arg22 : memref<!tpu.dma_semaphore, #tpu.memory_space<semaphore_mem>>) src(%dma_wait3A_123 : memref<10240x16xf32, #tpu.memory_space<hbm>>) dst(%arg14 : memref<792x16xf32, #tpu.memory_space<vmem>>)
      %dma_start3A_124 = arith.constant 0 : i32
      %dma_start3A_125 = arith.constant 0 : i32
      %dma_start3A_126 = tpu.memref_slice %arg19[%dma_start3A_124, %dma_start3A_125] : memref<10240x16xf32, #tpu.memory_space<vmem_shared>> -> memref<10240x16xf32, #tpu.memory_space<vmem_shared>>
      tpu.enqueue_indirect_dma source(%arg14 : memref<792x16xf32, #tpu.memory_space<vmem>>) target(%dma_start3A_126 : memref<10240x16xf32, #tpu.memory_space<vmem_shared>>) offsets(%arg13 : memref<792xi32, #tpu.memory_space<vmem>>) semaphore(%arg25 : memref<!tpu.dma_semaphore, #tpu.memory_space<semaphore_mem>>) {add = true}
      %add3A_127 = arith.constant 1 : i32
      %add3A_128 = arith.addi %mul3A_108, %add3A_127 : i32
      %dma_wait3A_129 = arith.constant 0 : i32
      %dma_wait3A_130 = arith.constant 0 : i32
      %dma_wait3A_131 = tpu.memref_slice %arg19[%dma_wait3A_129, %dma_wait3A_130] : memref<10240x16xf32, #tpu.memory_space<vmem_shared>> -> memref<10240x16xf32, #tpu.memory_space<vmem_shared>>
      tpu.wait_indirect_dma semaphore(%arg24 : memref<!tpu.dma_semaphore, #tpu.memory_space<semaphore_mem>>) src(%arg11 : memref<792x16xf32, #tpu.memory_space<vmem>>) dst(%dma_wait3A_131 : memref<10240x16xf32, #tpu.memory_space<vmem_shared>>)
      %mul3A_132 = arith.constant 10000 : i32
      %mul3A_133 = arith.muli %add3A, %mul3A_132 : i32
      %mul3A_134 = arith.constant 792 : i32
      %mul3A_135 = arith.muli %add3A_128, %mul3A_134 : i32
      %add3A_136 = arith.addi %mul3A_133, %mul3A_135 : i32
      "tpu.region"() ({
        %run_scoped3A = tpu.sem_alloc : memref<!tpu.dma_semaphore, #tpu.memory_space<semaphore_mem>>
        %dma_start3A_168 = tpu.memref_slice %arg3[%add3A_136] : memref<320000xi32, #tpu.memory_space<hbm>> -> memref<792xi32, #tpu.memory_space<hbm>>
        %dma_start3A_169 = tpu.memref_slice %arg3[%add3A_136] : memref<320000xi32, #tpu.memory_space<hbm>> -> memref<792xi32, #tpu.memory_space<hbm>>
        tpu.enqueue_dma source(%dma_start3A_169 : memref<792xi32, #tpu.memory_space<hbm>>) target(%arg9 : memref<792xi32, #tpu.memory_space<vmem>>) target_semaphore(%run_scoped3A : memref<!tpu.dma_semaphore, #tpu.memory_space<semaphore_mem>>)
        %dma_wait3A_170 = tpu.memref_slice %arg3[%add3A_136] : memref<320000xi32, #tpu.memory_space<hbm>> -> memref<792xi32, #tpu.memory_space<hbm>>
        %dma_wait3A_171 = tpu.memref_slice %arg3[%add3A_136] : memref<320000xi32, #tpu.memory_space<hbm>> -> memref<792xi32, #tpu.memory_space<hbm>>
        tpu.wait_dma2 semaphore(%run_scoped3A : memref<!tpu.dma_semaphore, #tpu.memory_space<semaphore_mem>>) src(%dma_wait3A_171 : memref<792xi32, #tpu.memory_space<hbm>>) dst(%arg9 : memref<792xi32, #tpu.memory_space<vmem>>)
        tpu.yield
      }) : () -> ()
      "tpu.region"() ({
        %run_scoped3A = tpu.sem_alloc : memref<!tpu.dma_semaphore, #tpu.memory_space<semaphore_mem>>
        %dma_start3A_168 = tpu.memref_slice %arg4[%add3A_136] : memref<320000xi32, #tpu.memory_space<hbm>> -> memref<792xi32, #tpu.memory_space<hbm>>
        %dma_start3A_169 = tpu.memref_slice %arg4[%add3A_136] : memref<320000xi32, #tpu.memory_space<hbm>> -> memref<792xi32, #tpu.memory_space<hbm>>
        tpu.enqueue_dma source(%dma_start3A_169 : memref<792xi32, #tpu.memory_space<hbm>>) target(%arg10 : memref<792xi32, #tpu.memory_space<vmem>>) target_semaphore(%run_scoped3A : memref<!tpu.dma_semaphore, #tpu.memory_space<semaphore_mem>>)
        %dma_wait3A_170 = tpu.memref_slice %arg4[%add3A_136] : memref<320000xi32, #tpu.memory_space<hbm>> -> memref<792xi32, #tpu.memory_space<hbm>>
        %dma_wait3A_171 = tpu.memref_slice %arg4[%add3A_136] : memref<320000xi32, #tpu.memory_space<hbm>> -> memref<792xi32, #tpu.memory_space<hbm>>
        tpu.wait_dma2 semaphore(%run_scoped3A : memref<!tpu.dma_semaphore, #tpu.memory_space<semaphore_mem>>) src(%dma_wait3A_171 : memref<792xi32, #tpu.memory_space<hbm>>) dst(%arg10 : memref<792xi32, #tpu.memory_space<vmem>>)
        tpu.yield
      }) : () -> ()
      %dma_start3A_137 = arith.constant 0 : i32
      %dma_start3A_138 = arith.constant 0 : i32
      %dma_start3A_139 = tpu.memref_slice %arg2[%dma_start3A_137, %dma_start3A_138] : memref<10240x16xf32, #tpu.memory_space<hbm>> -> memref<10240x16xf32, #tpu.memory_space<hbm>>
      tpu.enqueue_indirect_dma source(%dma_start3A_139 : memref<10240x16xf32, #tpu.memory_space<hbm>>) target(%arg11 : memref<792x16xf32, #tpu.memory_space<vmem>>) offsets(%arg9 : memref<792xi32, #tpu.memory_space<vmem>>) semaphore(%arg21 : memref<!tpu.dma_semaphore, #tpu.memory_space<semaphore_mem>>)
      %dma_wait3A_140 = arith.constant 0 : i32
      %dma_wait3A_141 = arith.constant 0 : i32
      %dma_wait3A_142 = tpu.memref_slice %arg2[%dma_wait3A_140, %dma_wait3A_141] : memref<10240x16xf32, #tpu.memory_space<hbm>> -> memref<10240x16xf32, #tpu.memory_space<hbm>>
      tpu.wait_indirect_dma semaphore(%arg20 : memref<!tpu.dma_semaphore, #tpu.memory_space<semaphore_mem>>) src(%dma_wait3A_142 : memref<10240x16xf32, #tpu.memory_space<hbm>>) dst(%arg8 : memref<792x16xf32, #tpu.memory_space<vmem>>)
      %dma_start3A_143 = arith.constant 0 : i32
      %dma_start3A_144 = arith.constant 0 : i32
      %dma_start3A_145 = tpu.memref_slice %arg19[%dma_start3A_143, %dma_start3A_144] : memref<10240x16xf32, #tpu.memory_space<vmem_shared>> -> memref<10240x16xf32, #tpu.memory_space<vmem_shared>>
      tpu.enqueue_indirect_dma source(%arg8 : memref<792x16xf32, #tpu.memory_space<vmem>>) target(%dma_start3A_145 : memref<10240x16xf32, #tpu.memory_space<vmem_shared>>) offsets(%arg7 : memref<792xi32, #tpu.memory_space<vmem>>) semaphore(%arg23 : memref<!tpu.dma_semaphore, #tpu.memory_space<semaphore_mem>>) {add = true}
      %add3A_146 = arith.constant 2 : i32
      %add3A_147 = arith.addi %mul3A_108, %add3A_146 : i32
      %dma_wait3A_148 = arith.constant 0 : i32
      %dma_wait3A_149 = arith.constant 0 : i32
      %dma_wait3A_150 = tpu.memref_slice %arg19[%dma_wait3A_148, %dma_wait3A_149] : memref<10240x16xf32, #tpu.memory_space<vmem_shared>> -> memref<10240x16xf32, #tpu.memory_space<vmem_shared>>
      tpu.wait_indirect_dma semaphore(%arg25 : memref<!tpu.dma_semaphore, #tpu.memory_space<semaphore_mem>>) src(%arg14 : memref<792x16xf32, #tpu.memory_space<vmem>>) dst(%dma_wait3A_150 : memref<10240x16xf32, #tpu.memory_space<vmem_shared>>)
      %mul3A_151 = arith.constant 10000 : i32
      %mul3A_152 = arith.muli %add3A, %mul3A_151 : i32
      %mul3A_153 = arith.constant 792 : i32
      %mul3A_154 = arith.muli %add3A_147, %mul3A_153 : i32
      %add3A_155 = arith.addi %mul3A_152, %mul3A_154 : i32
      "tpu.region"() ({
        %run_scoped3A = tpu.sem_alloc : memref<!tpu.dma_semaphore, #tpu.memory_space<semaphore_mem>>
        %dma_start3A_168 = tpu.memref_slice %arg3[%add3A_155] : memref<320000xi32, #tpu.memory_space<hbm>> -> memref<792xi32, #tpu.memory_space<hbm>>
        %dma_start3A_169 = tpu.memref_slice %arg3[%add3A_155] : memref<320000xi32, #tpu.memory_space<hbm>> -> memref<792xi32, #tpu.memory_space<hbm>>
        tpu.enqueue_dma source(%dma_start3A_169 : memref<792xi32, #tpu.memory_space<hbm>>) target(%arg12 : memref<792xi32, #tpu.memory_space<vmem>>) target_semaphore(%run_scoped3A : memref<!tpu.dma_semaphore, #tpu.memory_space<semaphore_mem>>)
        %dma_wait3A_170 = tpu.memref_slice %arg3[%add3A_155] : memref<320000xi32, #tpu.memory_space<hbm>> -> memref<792xi32, #tpu.memory_space<hbm>>
        %dma_wait3A_171 = tpu.memref_slice %arg3[%add3A_155] : memref<320000xi32, #tpu.memory_space<hbm>> -> memref<792xi32, #tpu.memory_space<hbm>>
        tpu.wait_dma2 semaphore(%run_scoped3A : memref<!tpu.dma_semaphore, #tpu.memory_space<semaphore_mem>>) src(%dma_wait3A_171 : memref<792xi32, #tpu.memory_space<hbm>>) dst(%arg12 : memref<792xi32, #tpu.memory_space<vmem>>)
        tpu.yield
      }) : () -> ()
      "tpu.region"() ({
        %run_scoped3A = tpu.sem_alloc : memref<!tpu.dma_semaphore, #tpu.memory_space<semaphore_mem>>
        %dma_start3A_168 = tpu.memref_slice %arg4[%add3A_155] : memref<320000xi32, #tpu.memory_space<hbm>> -> memref<792xi32, #tpu.memory_space<hbm>>
        %dma_start3A_169 = tpu.memref_slice %arg4[%add3A_155] : memref<320000xi32, #tpu.memory_space<hbm>> -> memref<792xi32, #tpu.memory_space<hbm>>
        tpu.enqueue_dma source(%dma_start3A_169 : memref<792xi32, #tpu.memory_space<hbm>>) target(%arg13 : memref<792xi32, #tpu.memory_space<vmem>>) target_semaphore(%run_scoped3A : memref<!tpu.dma_semaphore, #tpu.memory_space<semaphore_mem>>)
        %dma_wait3A_170 = tpu.memref_slice %arg4[%add3A_155] : memref<320000xi32, #tpu.memory_space<hbm>> -> memref<792xi32, #tpu.memory_space<hbm>>
        %dma_wait3A_171 = tpu.memref_slice %arg4[%add3A_155] : memref<320000xi32, #tpu.memory_space<hbm>> -> memref<792xi32, #tpu.memory_space<hbm>>
        tpu.wait_dma2 semaphore(%run_scoped3A : memref<!tpu.dma_semaphore, #tpu.memory_space<semaphore_mem>>) src(%dma_wait3A_171 : memref<792xi32, #tpu.memory_space<hbm>>) dst(%arg13 : memref<792xi32, #tpu.memory_space<vmem>>)
        tpu.yield
      }) : () -> ()
      %dma_start3A_156 = arith.constant 0 : i32
      %dma_start3A_157 = arith.constant 0 : i32
      %dma_start3A_158 = tpu.memref_slice %arg2[%dma_start3A_156, %dma_start3A_157] : memref<10240x16xf32, #tpu.memory_space<hbm>> -> memref<10240x16xf32, #tpu.memory_space<hbm>>
      tpu.enqueue_indirect_dma source(%dma_start3A_158 : memref<10240x16xf32, #tpu.memory_space<hbm>>) target(%arg14 : memref<792x16xf32, #tpu.memory_space<vmem>>) offsets(%arg12 : memref<792xi32, #tpu.memory_space<vmem>>) semaphore(%arg22 : memref<!tpu.dma_semaphore, #tpu.memory_space<semaphore_mem>>)
      %add3A_159 = arith.constant 1 : i32
      %add3A_160 = arith.addi %mul3A_108, %add3A_159 : i32
      %dma_wait3A_161 = arith.constant 0 : i32
      %dma_wait3A_162 = arith.constant 0 : i32
      %dma_wait3A_163 = tpu.memref_slice %arg2[%dma_wait3A_161, %dma_wait3A_162] : memref<10240x16xf32, #tpu.memory_space<hbm>> -> memref<10240x16xf32, #tpu.memory_space<hbm>>
      tpu.wait_indirect_dma semaphore(%arg21 : memref<!tpu.dma_semaphore, #tpu.memory_space<semaphore_mem>>) src(%dma_wait3A_163 : memref<10240x16xf32, #tpu.memory_space<hbm>>) dst(%arg11 : memref<792x16xf32, #tpu.memory_space<vmem>>)
      %dma_start3A_164 = arith.constant 0 : i32
      %dma_start3A_165 = arith.constant 0 : i32
      %dma_start3A_166 = tpu.memref_slice %arg19[%dma_start3A_164, %dma_start3A_165] : memref<10240x16xf32, #tpu.memory_space<vmem_shared>> -> memref<10240x16xf32, #tpu.memory_space<vmem_shared>>
      tpu.enqueue_indirect_dma source(%arg11 : memref<792x16xf32, #tpu.memory_space<vmem>>) target(%dma_start3A_166 : memref<10240x16xf32, #tpu.memory_space<vmem_shared>>) offsets(%arg10 : memref<792xi32, #tpu.memory_space<vmem>>) semaphore(%arg24 : memref<!tpu.dma_semaphore, #tpu.memory_space<semaphore_mem>>) {add = true}
      %scan3A_167 = arith.constant 0 : i32
      scf.yield %scan3A_167 : i32
    }
    %scan3A_46 = arith.constant 3 : i32
    %dma_wait3A_47 = arith.constant 0 : i32
    %dma_wait3A_48 = arith.constant 0 : i32
    %dma_wait3A_49 = tpu.memref_slice %arg2[%dma_wait3A_47, %dma_wait3A_48] : memref<10240x16xf32, #tpu.memory_space<hbm>> -> memref<10240x16xf32, #tpu.memory_space<hbm>>
    tpu.wait_indirect_dma semaphore(%arg22 : memref<!tpu.dma_semaphore, #tpu.memory_space<semaphore_mem>>) src(%dma_wait3A_49 : memref<10240x16xf32, #tpu.memory_space<hbm>>) dst(%arg14 : memref<792x16xf32, #tpu.memory_space<vmem>>)
    %dma_start3A_50 = arith.constant 0 : i32
    %dma_start3A_51 = arith.constant 0 : i32
    %dma_start3A_52 = tpu.memref_slice %arg19[%dma_start3A_50, %dma_start3A_51] : memref<10240x16xf32, #tpu.memory_space<vmem_shared>> -> memref<10240x16xf32, #tpu.memory_space<vmem_shared>>
    tpu.enqueue_indirect_dma source(%arg14 : memref<792x16xf32, #tpu.memory_space<vmem>>) target(%dma_start3A_52 : memref<10240x16xf32, #tpu.memory_space<vmem_shared>>) offsets(%arg13 : memref<792xi32, #tpu.memory_space<vmem>>) semaphore(%arg25 : memref<!tpu.dma_semaphore, #tpu.memory_space<semaphore_mem>>) {add = true}
    %dma_wait3A_53 = arith.constant 0 : i32
    %dma_wait3A_54 = arith.constant 0 : i32
    %dma_wait3A_55 = tpu.memref_slice %arg19[%dma_wait3A_53, %dma_wait3A_54] : memref<10240x16xf32, #tpu.memory_space<vmem_shared>> -> memref<10240x16xf32, #tpu.memory_space<vmem_shared>>
    tpu.wait_indirect_dma semaphore(%arg23 : memref<!tpu.dma_semaphore, #tpu.memory_space<semaphore_mem>>) src(%arg8 : memref<792x16xf32, #tpu.memory_space<vmem>>) dst(%dma_wait3A_55 : memref<10240x16xf32, #tpu.memory_space<vmem_shared>>)
    %dma_wait3A_56 = arith.constant 0 : i32
    %dma_wait3A_57 = arith.constant 0 : i32
    %dma_wait3A_58 = tpu.memref_slice %arg19[%dma_wait3A_56, %dma_wait3A_57] : memref<10240x16xf32, #tpu.memory_space<vmem_shared>> -> memref<10240x16xf32, #tpu.memory_space<vmem_shared>>
    tpu.wait_indirect_dma semaphore(%arg24 : memref<!tpu.dma_semaphore, #tpu.memory_space<semaphore_mem>>) src(%arg11 : memref<792x16xf32, #tpu.memory_space<vmem>>) dst(%dma_wait3A_58 : memref<10240x16xf32, #tpu.memory_space<vmem_shared>>)
    %dma_wait3A_59 = arith.constant 0 : i32
    %dma_wait3A_60 = arith.constant 0 : i32
    %dma_wait3A_61 = tpu.memref_slice %arg19[%dma_wait3A_59, %dma_wait3A_60] : memref<10240x16xf32, #tpu.memory_space<vmem_shared>> -> memref<10240x16xf32, #tpu.memory_space<vmem_shared>>
    tpu.wait_indirect_dma semaphore(%arg25 : memref<!tpu.dma_semaphore, #tpu.memory_space<semaphore_mem>>) src(%arg14 : memref<792x16xf32, #tpu.memory_space<vmem>>) dst(%dma_wait3A_61 : memref<10240x16xf32, #tpu.memory_space<vmem_shared>>)
    %mul3A_62 = arith.constant 10000 : i32
    %mul3A_63 = arith.muli %add3A, %mul3A_62 : i32
    %add3A_64 = arith.constant 9504 : i32
    %add3A_65 = arith.addi %mul3A_63, %add3A_64 : i32
    "tpu.region"() ({
      %run_scoped3A = tpu.sem_alloc : memref<!tpu.dma_semaphore, #tpu.memory_space<semaphore_mem>>
      %dma_start3A_105 = tpu.memref_slice %arg3[%add3A_65] : memref<320000xi32, #tpu.memory_space<hbm>> -> memref<248xi32, #tpu.memory_space<hbm>>
      %dma_start3A_106 = tpu.memref_slice %arg3[%add3A_65] : memref<320000xi32, #tpu.memory_space<hbm>> -> memref<248xi32, #tpu.memory_space<hbm>>
      tpu.enqueue_dma source(%dma_start3A_106 : memref<248xi32, #tpu.memory_space<hbm>>) target(%arg15 : memref<248xi32, #tpu.memory_space<vmem>>) target_semaphore(%run_scoped3A : memref<!tpu.dma_semaphore, #tpu.memory_space<semaphore_mem>>)
      %dma_wait3A_107 = tpu.memref_slice %arg3[%add3A_65] : memref<320000xi32, #tpu.memory_space<hbm>> -> memref<248xi32, #tpu.memory_space<hbm>>
      %dma_wait3A_108 = tpu.memref_slice %arg3[%add3A_65] : memref<320000xi32, #tpu.memory_space<hbm>> -> memref<248xi32, #tpu.memory_space<hbm>>
      tpu.wait_dma2 semaphore(%run_scoped3A : memref<!tpu.dma_semaphore, #tpu.memory_space<semaphore_mem>>) src(%dma_wait3A_108 : memref<248xi32, #tpu.memory_space<hbm>>) dst(%arg15 : memref<248xi32, #tpu.memory_space<vmem>>)
      tpu.yield
    }) : () -> ()
    "tpu.region"() ({
      %run_scoped3A = tpu.sem_alloc : memref<!tpu.dma_semaphore, #tpu.memory_space<semaphore_mem>>
      %dma_start3A_105 = tpu.memref_slice %arg4[%add3A_65] : memref<320000xi32, #tpu.memory_space<hbm>> -> memref<248xi32, #tpu.memory_space<hbm>>
      %dma_start3A_106 = tpu.memref_slice %arg4[%add3A_65] : memref<320000xi32, #tpu.memory_space<hbm>> -> memref<248xi32, #tpu.memory_space<hbm>>
      tpu.enqueue_dma source(%dma_start3A_106 : memref<248xi32, #tpu.memory_space<hbm>>) target(%arg17 : memref<248xi32, #tpu.memory_space<vmem>>) target_semaphore(%run_scoped3A : memref<!tpu.dma_semaphore, #tpu.memory_space<semaphore_mem>>)
      %dma_wait3A_107 = tpu.memref_slice %arg4[%add3A_65] : memref<320000xi32, #tpu.memory_space<hbm>> -> memref<248xi32, #tpu.memory_space<hbm>>
      %dma_wait3A_108 = tpu.memref_slice %arg4[%add3A_65] : memref<320000xi32, #tpu.memory_space<hbm>> -> memref<248xi32, #tpu.memory_space<hbm>>
      tpu.wait_dma2 semaphore(%run_scoped3A : memref<!tpu.dma_semaphore, #tpu.memory_space<semaphore_mem>>) src(%dma_wait3A_108 : memref<248xi32, #tpu.memory_space<hbm>>) dst(%arg17 : memref<248xi32, #tpu.memory_space<vmem>>)
      tpu.yield
    }) : () -> ()
    %dma_start3A_66 = arith.constant 0 : i32
    %dma_start3A_67 = arith.constant 0 : i32
    %dma_start3A_68 = tpu.memref_slice %arg8[%dma_start3A_66, %dma_start3A_67] : memref<792x16xf32, #tpu.memory_space<vmem>> -> memref<248x16xf32, #tpu.memory_space<vmem>>
    %dma_start3A_69 = arith.constant 0 : i32
    %dma_start3A_70 = arith.constant 0 : i32
    %dma_start3A_71 = tpu.memref_slice %arg2[%dma_start3A_69, %dma_start3A_70] : memref<10240x16xf32, #tpu.memory_space<hbm>> -> memref<10240x16xf32, #tpu.memory_space<hbm>>
    tpu.enqueue_indirect_dma source(%dma_start3A_71 : memref<10240x16xf32, #tpu.memory_space<hbm>>) target(%dma_start3A_68 : memref<248x16xf32, #tpu.memory_space<vmem>>) offsets(%arg15 : memref<248xi32, #tpu.memory_space<vmem>>) semaphore(%arg20 : memref<!tpu.dma_semaphore, #tpu.memory_space<semaphore_mem>>)
    %dma_wait3A_72 = arith.constant 0 : i32
    %dma_wait3A_73 = arith.constant 0 : i32
    %dma_wait3A_74 = tpu.memref_slice %arg8[%dma_wait3A_72, %dma_wait3A_73] : memref<792x16xf32, #tpu.memory_space<vmem>> -> memref<248x16xf32, #tpu.memory_space<vmem>>
    %dma_wait3A_75 = arith.constant 0 : i32
    %dma_wait3A_76 = arith.constant 0 : i32
    %dma_wait3A_77 = tpu.memref_slice %arg2[%dma_wait3A_75, %dma_wait3A_76] : memref<10240x16xf32, #tpu.memory_space<hbm>> -> memref<10240x16xf32, #tpu.memory_space<hbm>>
    tpu.wait_indirect_dma semaphore(%arg20 : memref<!tpu.dma_semaphore, #tpu.memory_space<semaphore_mem>>) src(%dma_wait3A_77 : memref<10240x16xf32, #tpu.memory_space<hbm>>) dst(%dma_wait3A_74 : memref<248x16xf32, #tpu.memory_space<vmem>>)
    "tpu.region"() ({
      %run_scoped3A = tpu.sem_alloc : memref<!tpu.dma_semaphore, #tpu.memory_space<semaphore_mem>>
      %dma_start3A_105 = arith.constant 0 : i32
      %dma_start3A_106 = arith.constant 0 : i32
      %dma_start3A_107 = tpu.memref_slice %arg8[%dma_start3A_105, %dma_start3A_106] : memref<792x16xf32, #tpu.memory_space<vmem>> -> memref<248x16xf32, #tpu.memory_space<vmem>>
      %dma_start3A_108 = arith.constant 0 : i32
      %dma_start3A_109 = arith.constant 0 : i32
      %dma_start3A_110 = tpu.memref_slice %arg19[%dma_start3A_108, %dma_start3A_109] : memref<10240x16xf32, #tpu.memory_space<vmem_shared>> -> memref<10240x16xf32, #tpu.memory_space<vmem_shared>>
      tpu.enqueue_indirect_dma source(%dma_start3A_107 : memref<248x16xf32, #tpu.memory_space<vmem>>) target(%dma_start3A_110 : memref<10240x16xf32, #tpu.memory_space<vmem_shared>>) offsets(%arg17 : memref<248xi32, #tpu.memory_space<vmem>>) semaphore(%run_scoped3A : memref<!tpu.dma_semaphore, #tpu.memory_space<semaphore_mem>>) {add = true}
      %dma_wait3A_111 = arith.constant 0 : i32
      %dma_wait3A_112 = arith.constant 0 : i32
      %dma_wait3A_113 = tpu.memref_slice %arg8[%dma_wait3A_111, %dma_wait3A_112] : memref<792x16xf32, #tpu.memory_space<vmem>> -> memref<248x16xf32, #tpu.memory_space<vmem>>
      %dma_wait3A_114 = arith.constant 0 : i32
      %dma_wait3A_115 = arith.constant 0 : i32
      %dma_wait3A_116 = tpu.memref_slice %arg19[%dma_wait3A_114, %dma_wait3A_115] : memref<10240x16xf32, #tpu.memory_space<vmem_shared>> -> memref<10240x16xf32, #tpu.memory_space<vmem_shared>>
      tpu.wait_indirect_dma semaphore(%run_scoped3A : memref<!tpu.dma_semaphore, #tpu.memory_space<semaphore_mem>>) src(%dma_wait3A_113 : memref<248x16xf32, #tpu.memory_space<vmem>>) dst(%dma_wait3A_116 : memref<10240x16xf32, #tpu.memory_space<vmem_shared>>)
      tpu.yield
    }) : () -> ()
    %mul3A_78 = arith.constant 10000 : i32
    %mul3A_79 = arith.muli %add3A, %mul3A_78 : i32
    %add3A_80 = arith.constant 9752 : i32
    %add3A_81 = arith.addi %mul3A_79, %add3A_80 : i32
    "tpu.region"() ({
      %run_scoped3A = tpu.sem_alloc : memref<!tpu.dma_semaphore, #tpu.memory_space<semaphore_mem>>
      %dma_start3A_105 = tpu.memref_slice %arg3[%add3A_81] : memref<320000xi32, #tpu.memory_space<hbm>> -> memref<248xi32, #tpu.memory_space<hbm>>
      %dma_start3A_106 = tpu.memref_slice %arg3[%add3A_81] : memref<320000xi32, #tpu.memory_space<hbm>> -> memref<248xi32, #tpu.memory_space<hbm>>
      tpu.enqueue_dma source(%dma_start3A_106 : memref<248xi32, #tpu.memory_space<hbm>>) target(%arg16 : memref<248xi32, #tpu.memory_space<vmem>>) target_semaphore(%run_scoped3A : memref<!tpu.dma_semaphore, #tpu.memory_space<semaphore_mem>>)
      %dma_wait3A_107 = tpu.memref_slice %arg3[%add3A_81] : memref<320000xi32, #tpu.memory_space<hbm>> -> memref<248xi32, #tpu.memory_space<hbm>>
      %dma_wait3A_108 = tpu.memref_slice %arg3[%add3A_81] : memref<320000xi32, #tpu.memory_space<hbm>> -> memref<248xi32, #tpu.memory_space<hbm>>
      tpu.wait_dma2 semaphore(%run_scoped3A : memref<!tpu.dma_semaphore, #tpu.memory_space<semaphore_mem>>) src(%dma_wait3A_108 : memref<248xi32, #tpu.memory_space<hbm>>) dst(%arg16 : memref<248xi32, #tpu.memory_space<vmem>>)
      tpu.yield
    }) : () -> ()
    "tpu.region"() ({
      %run_scoped3A = tpu.sem_alloc : memref<!tpu.dma_semaphore, #tpu.memory_space<semaphore_mem>>
      %dma_start3A_105 = tpu.memref_slice %arg4[%add3A_81] : memref<320000xi32, #tpu.memory_space<hbm>> -> memref<248xi32, #tpu.memory_space<hbm>>
      %dma_start3A_106 = tpu.memref_slice %arg4[%add3A_81] : memref<320000xi32, #tpu.memory_space<hbm>> -> memref<248xi32, #tpu.memory_space<hbm>>
      tpu.enqueue_dma source(%dma_start3A_106 : memref<248xi32, #tpu.memory_space<hbm>>) target(%arg18 : memref<248xi32, #tpu.memory_space<vmem>>) target_semaphore(%run_scoped3A : memref<!tpu.dma_semaphore, #tpu.memory_space<semaphore_mem>>)
      %dma_wait3A_107 = tpu.memref_slice %arg4[%add3A_81] : memref<320000xi32, #tpu.memory_space<hbm>> -> memref<248xi32, #tpu.memory_space<hbm>>
      %dma_wait3A_108 = tpu.memref_slice %arg4[%add3A_81] : memref<320000xi32, #tpu.memory_space<hbm>> -> memref<248xi32, #tpu.memory_space<hbm>>
      tpu.wait_dma2 semaphore(%run_scoped3A : memref<!tpu.dma_semaphore, #tpu.memory_space<semaphore_mem>>) src(%dma_wait3A_108 : memref<248xi32, #tpu.memory_space<hbm>>) dst(%arg18 : memref<248xi32, #tpu.memory_space<vmem>>)
      tpu.yield
    }) : () -> ()
    %dma_start3A_82 = arith.constant 0 : i32
    %dma_start3A_83 = arith.constant 0 : i32
    %dma_start3A_84 = tpu.memref_slice %arg11[%dma_start3A_82, %dma_start3A_83] : memref<792x16xf32, #tpu.memory_space<vmem>> -> memref<248x16xf32, #tpu.memory_space<vmem>>
    %dma_start3A_85 = arith.constant 0 : i32
    %dma_start3A_86 = arith.constant 0 : i32
    %dma_start3A_87 = tpu.memref_slice %arg2[%dma_start3A_85, %dma_start3A_86] : memref<10240x16xf32, #tpu.memory_space<hbm>> -> memref<10240x16xf32, #tpu.memory_space<hbm>>
    tpu.enqueue_indirect_dma source(%dma_start3A_87 : memref<10240x16xf32, #tpu.memory_space<hbm>>) target(%dma_start3A_84 : memref<248x16xf32, #tpu.memory_space<vmem>>) offsets(%arg16 : memref<248xi32, #tpu.memory_space<vmem>>) semaphore(%arg20 : memref<!tpu.dma_semaphore, #tpu.memory_space<semaphore_mem>>)
    %dma_wait3A_88 = arith.constant 0 : i32
    %dma_wait3A_89 = arith.constant 0 : i32
    %dma_wait3A_90 = tpu.memref_slice %arg11[%dma_wait3A_88, %dma_wait3A_89] : memref<792x16xf32, #tpu.memory_space<vmem>> -> memref<248x16xf32, #tpu.memory_space<vmem>>
    %dma_wait3A_91 = arith.constant 0 : i32
    %dma_wait3A_92 = arith.constant 0 : i32
    %dma_wait3A_93 = tpu.memref_slice %arg2[%dma_wait3A_91, %dma_wait3A_92] : memref<10240x16xf32, #tpu.memory_space<hbm>> -> memref<10240x16xf32, #tpu.memory_space<hbm>>
    tpu.wait_indirect_dma semaphore(%arg20 : memref<!tpu.dma_semaphore, #tpu.memory_space<semaphore_mem>>) src(%dma_wait3A_93 : memref<10240x16xf32, #tpu.memory_space<hbm>>) dst(%dma_wait3A_90 : memref<248x16xf32, #tpu.memory_space<vmem>>)
    "tpu.region"() ({
      %run_scoped3A = tpu.sem_alloc : memref<!tpu.dma_semaphore, #tpu.memory_space<semaphore_mem>>
      %dma_start3A_105 = arith.constant 0 : i32
      %dma_start3A_106 = arith.constant 0 : i32
      %dma_start3A_107 = tpu.memref_slice %arg11[%dma_start3A_105, %dma_start3A_106] : memref<792x16xf32, #tpu.memory_space<vmem>> -> memref<248x16xf32, #tpu.memory_space<vmem>>
      %dma_start3A_108 = arith.constant 0 : i32
      %dma_start3A_109 = arith.constant 0 : i32
      %dma_start3A_110 = tpu.memref_slice %arg19[%dma_start3A_108, %dma_start3A_109] : memref<10240x16xf32, #tpu.memory_space<vmem_shared>> -> memref<10240x16xf32, #tpu.memory_space<vmem_shared>>
      tpu.enqueue_indirect_dma source(%dma_start3A_107 : memref<248x16xf32, #tpu.memory_space<vmem>>) target(%dma_start3A_110 : memref<10240x16xf32, #tpu.memory_space<vmem_shared>>) offsets(%arg18 : memref<248xi32, #tpu.memory_space<vmem>>) semaphore(%run_scoped3A : memref<!tpu.dma_semaphore, #tpu.memory_space<semaphore_mem>>) {add = true}
      %dma_wait3A_111 = arith.constant 0 : i32
      %dma_wait3A_112 = arith.constant 0 : i32
      %dma_wait3A_113 = tpu.memref_slice %arg11[%dma_wait3A_111, %dma_wait3A_112] : memref<792x16xf32, #tpu.memory_space<vmem>> -> memref<248x16xf32, #tpu.memory_space<vmem>>
      %dma_wait3A_114 = arith.constant 0 : i32
      %dma_wait3A_115 = arith.constant 0 : i32
      %dma_wait3A_116 = tpu.memref_slice %arg19[%dma_wait3A_114, %dma_wait3A_115] : memref<10240x16xf32, #tpu.memory_space<vmem_shared>> -> memref<10240x16xf32, #tpu.memory_space<vmem_shared>>
      tpu.wait_indirect_dma semaphore(%run_scoped3A : memref<!tpu.dma_semaphore, #tpu.memory_space<semaphore_mem>>) src(%dma_wait3A_113 : memref<248x16xf32, #tpu.memory_space<vmem>>) dst(%dma_wait3A_116 : memref<10240x16xf32, #tpu.memory_space<vmem_shared>>)
      tpu.yield
    }) : () -> ()
    %barrier3A_94 = arith.constant 0 : index
    tpu.barrier barrier_id(%barrier3A_94)
    %eq3A_95 = arith.constant 0 : i32
    %eq3A_96 = arith.cmpi eq, %arg0, %eq3A_95 : i32
    %convert_element_type3A_97 = arith.extui %eq3A_96 : i1 to i32
    %cond3A_98 = arith.constant 0 : i32
    %cond3A_99 = arith.cmpi ne, %convert_element_type3A_97, %cond3A_98 : i32
    scf.if %cond3A_99 {
      %run_scoped3A = arith.constant 0 : i32
      "tpu.region"() ({
        %run_scoped3A_105 = tpu.sem_alloc : memref<!tpu.dma_semaphore, #tpu.memory_space<semaphore_mem>>
        %dma_start3A_106 = arith.constant 0 : i32
        %dma_start3A_107 = tpu.memref_slice %arg5[%run_scoped3A, %mul3A_2, %dma_start3A_106] : memref<2x10240x16xf32, #tpu.memory_space<hbm>> -> memref<1x640x16xf32, #tpu.memory_space<hbm>>
        %dma_start3A_108 = tpu.memref_squeeze %dma_start3A_107 : memref<1x640x16xf32, #tpu.memory_space<hbm>> -> memref<640x16xf32, #tpu.memory_space<hbm>>
        %dma_start3A_109 = arith.constant 0 : i32
        %dma_start3A_110 = tpu.memref_slice %arg19[%mul3A_2, %dma_start3A_109] : memref<10240x16xf32, #tpu.memory_space<vmem_shared>> -> memref<640x16xf32, #tpu.memory_space<vmem_shared>>
        tpu.enqueue_dma source(%dma_start3A_110 : memref<640x16xf32, #tpu.memory_space<vmem_shared>>) target(%dma_start3A_108 : memref<640x16xf32, #tpu.memory_space<hbm>>) target_semaphore(%run_scoped3A_105 : memref<!tpu.dma_semaphore, #tpu.memory_space<semaphore_mem>>)
        %dma_wait3A_111 = arith.constant 0 : i32
        %dma_wait3A_112 = tpu.memref_slice %arg5[%run_scoped3A, %mul3A_2, %dma_wait3A_111] : memref<2x10240x16xf32, #tpu.memory_space<hbm>> -> memref<1x640x16xf32, #tpu.memory_space<hbm>>
        %dma_wait3A_113 = tpu.memref_squeeze %dma_wait3A_112 : memref<1x640x16xf32, #tpu.memory_space<hbm>> -> memref<640x16xf32, #tpu.memory_space<hbm>>
        %dma_wait3A_114 = arith.constant 0 : i32
        %dma_wait3A_115 = tpu.memref_slice %arg19[%mul3A_2, %dma_wait3A_114] : memref<10240x16xf32, #tpu.memory_space<vmem_shared>> -> memref<640x16xf32, #tpu.memory_space<vmem_shared>>
        tpu.wait_dma2 semaphore(%run_scoped3A_105 : memref<!tpu.dma_semaphore, #tpu.memory_space<semaphore_mem>>) src(%dma_wait3A_115 : memref<640x16xf32, #tpu.memory_space<vmem_shared>>) dst(%dma_wait3A_113 : memref<640x16xf32, #tpu.memory_space<hbm>>)
        tpu.yield
      }) : () -> ()
    } else {
    }
    %eq3A_100 = arith.constant 1 : i32
    %eq3A_101 = arith.cmpi eq, %arg0, %eq3A_100 : i32
    %convert_element_type3A_102 = arith.extui %eq3A_101 : i1 to i32
    %cond3A_103 = arith.constant 0 : i32
    %cond3A_104 = arith.cmpi ne, %convert_element_type3A_102, %cond3A_103 : i32
    scf.if %cond3A_104 {
      %run_scoped3A = arith.constant 1 : i32
      "tpu.region"() ({
        %run_scoped3A_105 = tpu.sem_alloc : memref<!tpu.dma_semaphore, #tpu.memory_space<semaphore_mem>>
        %dma_start3A_106 = arith.constant 0 : i32
        %dma_start3A_107 = tpu.memref_slice %arg5[%run_scoped3A, %mul3A_2, %dma_start3A_106] : memref<2x10240x16xf32, #tpu.memory_space<hbm>> -> memref<1x640x16xf32, #tpu.memory_space<hbm>>
        %dma_start3A_108 = tpu.memref_squeeze %dma_start3A_107 : memref<1x640x16xf32, #tpu.memory_space<hbm>> -> memref<640x16xf32, #tpu.memory_space<hbm>>
        %dma_start3A_109 = arith.constant 0 : i32
        %dma_start3A_110 = tpu.memref_slice %arg19[%mul3A_2, %dma_start3A_109] : memref<10240x16xf32, #tpu.memory_space<vmem_shared>> -> memref<640x16xf32, #tpu.memory_space<vmem_shared>>
        tpu.enqueue_dma source(%dma_start3A_110 : memref<640x16xf32, #tpu.memory_space<vmem_shared>>) target(%dma_start3A_108 : memref<640x16xf32, #tpu.memory_space<hbm>>) target_semaphore(%run_scoped3A_105 : memref<!tpu.dma_semaphore, #tpu.memory_space<semaphore_mem>>)
        %dma_wait3A_111 = arith.constant 0 : i32
        %dma_wait3A_112 = tpu.memref_slice %arg5[%run_scoped3A, %mul3A_2, %dma_wait3A_111] : memref<2x10240x16xf32, #tpu.memory_space<hbm>> -> memref<1x640x16xf32, #tpu.memory_space<hbm>>
        %dma_wait3A_113 = tpu.memref_squeeze %dma_wait3A_112 : memref<1x640x16xf32, #tpu.memory_space<hbm>> -> memref<640x16xf32, #tpu.memory_space<hbm>>
        %dma_wait3A_114 = arith.constant 0 : i32
        %dma_wait3A_115 = tpu.memref_slice %arg19[%mul3A_2, %dma_wait3A_114] : memref<10240x16xf32, #tpu.memory_space<vmem_shared>> -> memref<640x16xf32, #tpu.memory_space<vmem_shared>>
        tpu.wait_dma2 semaphore(%run_scoped3A_105 : memref<!tpu.dma_semaphore, #tpu.memory_space<semaphore_mem>>) src(%dma_wait3A_115 : memref<640x16xf32, #tpu.memory_space<vmem_shared>>) dst(%dma_wait3A_113 : memref<640x16xf32, #tpu.memory_space<hbm>>)
        tpu.yield
      }) : () -> ()
    } else {
    }
    return
  }
}

#map = affine_map<(d0, d1) -> (0, 0)>
#map1 = affine_map<(d0, d1) -> (0)>
#map2 = affine_map<(d0, d1) -> (0, 0, 0)>
module attributes {stable_mosaic.version = 14 : i64} {
  func.func @k(%arg0: i32, %arg1: i32, %arg2: memref<10240x64xf32, #tpu.memory_space<hbm>>, %arg3: memref<320000xi32, #tpu.memory_space<hbm>>, %arg4: memref<320000xi32, #tpu.memory_space<hbm>>, %arg5: memref<2x10240x64xf32, #tpu.memory_space<hbm>>, %arg6: memref<272xi32, #tpu.memory_space<vmem>>, %arg7: memref<272xi32, #tpu.memory_space<vmem>>, %arg8: memref<272x64xf32, #tpu.memory_space<vmem>>, %arg9: memref<272xi32, #tpu.memory_space<vmem>>, %arg10: memref<272xi32, #tpu.memory_space<vmem>>, %arg11: memref<272x64xf32, #tpu.memory_space<vmem>>, %arg12: memref<272xi32, #tpu.memory_space<vmem>>, %arg13: memref<272xi32, #tpu.memory_space<vmem>>, %arg14: memref<272x64xf32, #tpu.memory_space<vmem>>, %arg15: memref<104xi32, #tpu.memory_space<vmem>>, %arg16: memref<104xi32, #tpu.memory_space<vmem>>, %arg17: memref<104xi32, #tpu.memory_space<vmem>>, %arg18: memref<104xi32, #tpu.memory_space<vmem>>, %arg19: memref<10240x64xf32, #tpu.memory_space<vmem_shared>>, %arg20: memref<!tpu.dma_semaphore, #tpu.memory_space<semaphore_mem>>, %arg21: memref<!tpu.dma_semaphore, #tpu.memory_space<semaphore_mem>>, %arg22: memref<!tpu.dma_semaphore, #tpu.memory_space<semaphore_mem>>, %arg23: memref<!tpu.dma_semaphore, #tpu.memory_space<semaphore_mem>>, %arg24: memref<!tpu.dma_semaphore, #tpu.memory_space<semaphore_mem>>, %arg25: memref<!tpu.dma_semaphore, #tpu.memory_space<semaphore_mem>>) attributes {dimension_semantics = [#tpu.dimension_semantics<core_parallel>, #tpu.dimension_semantics<subcore_parallel>], iteration_bounds = array<i64: 2, 16>, scalar_prefetch = 0 : i64, scratch_operands = 20 : i64, tpu.core_type = #tpu.core_type<sc_vector_subcore>, window_params = [{transform_indices = #map}, {transform_indices = #map1}, {transform_indices = #map1}, {transform_indices = #map2}]} {
    %mul3A = arith.constant 2 : i32
    %mul3A_0 = arith.muli %arg1, %mul3A : i32
    %add3A = arith.addi %mul3A_0, %arg0 : i32
    %mul3A_1 = arith.constant 640 : i32
    %mul3A_2 = arith.muli %arg1, %mul3A_1 : i32
    %eq3A = arith.constant 0 : i32
    %eq3A_3 = arith.cmpi eq, %arg0, %eq3A : i32
    %convert_element_type3A = arith.extui %eq3A_3 : i1 to i32
    %cond3A = arith.constant 0 : i32
    %cond3A_4 = arith.cmpi ne, %convert_element_type3A, %cond3A : i32
    scf.if %cond3A_4 {
      "tpu.region"() ({
        %run_scoped3A = tpu.sem_alloc : memref<!tpu.dma_semaphore, #tpu.memory_space<semaphore_mem>>
        %dma_start3A_105 = arith.constant 0 : i32
        %dma_start3A_106 = tpu.memref_slice %arg19[%mul3A_2, %dma_start3A_105] : memref<10240x64xf32, #tpu.memory_space<vmem_shared>> -> memref<640x64xf32, #tpu.memory_space<vmem_shared>>
        %dma_start3A_107 = arith.constant 0 : i32
        %dma_start3A_108 = tpu.memref_slice %arg2[%mul3A_2, %dma_start3A_107] : memref<10240x64xf32, #tpu.memory_space<hbm>> -> memref<640x64xf32, #tpu.memory_space<hbm>>
        tpu.enqueue_dma source(%dma_start3A_108 : memref<640x64xf32, #tpu.memory_space<hbm>>) target(%dma_start3A_106 : memref<640x64xf32, #tpu.memory_space<vmem_shared>>) target_semaphore(%run_scoped3A : memref<!tpu.dma_semaphore, #tpu.memory_space<semaphore_mem>>)
        %dma_wait3A_109 = arith.constant 0 : i32
        %dma_wait3A_110 = tpu.memref_slice %arg19[%mul3A_2, %dma_wait3A_109] : memref<10240x64xf32, #tpu.memory_space<vmem_shared>> -> memref<640x64xf32, #tpu.memory_space<vmem_shared>>
        %dma_wait3A_111 = arith.constant 0 : i32
        %dma_wait3A_112 = tpu.memref_slice %arg2[%mul3A_2, %dma_wait3A_111] : memref<10240x64xf32, #tpu.memory_space<hbm>> -> memref<640x64xf32, #tpu.memory_space<hbm>>
        tpu.wait_dma2 semaphore(%run_scoped3A : memref<!tpu.dma_semaphore, #tpu.memory_space<semaphore_mem>>) src(%dma_wait3A_112 : memref<640x64xf32, #tpu.memory_space<hbm>>) dst(%dma_wait3A_110 : memref<640x64xf32, #tpu.memory_space<vmem_shared>>)
        tpu.yield
      }) : () -> ()
    } else {
    }
    %eq3A_5 = arith.constant 1 : i32
    %eq3A_6 = arith.cmpi eq, %arg0, %eq3A_5 : i32
    %convert_element_type3A_7 = arith.extui %eq3A_6 : i1 to i32
    %cond3A_8 = arith.constant 0 : i32
    %cond3A_9 = arith.cmpi ne, %convert_element_type3A_7, %cond3A_8 : i32
    scf.if %cond3A_9 {
      %scan3A_105 = arith.constant 0 : i32
      %scan3A_106 = arith.constant 0 : i32
      %scan3A_107 = arith.constant 272 : i32
      %scan3A_108 = arith.addi %scan3A_106, %scan3A_107 : i32
      %scan3A_109 = arith.constant 1 : i32
      %scan3A_110 = scf.for %scan3A_118 = %scan3A_106 to %scan3A_108 step %scan3A_109 iter_args(%scan3A_119 = %scan3A_105) -> (i32)  : i32 {
        %broadcast_in_dim3A = arith.constant 0.000000e+00 : f32
        %broadcast_in_dim3A_120 = vector.broadcast %broadcast_in_dim3A : f32 to vector<16xf32>
        %swap3A = arith.index_cast %scan3A_118 : i32 to index
        %swap3A_121 = arith.constant 0 : index
        %swap3A_122 = tpu.vector_load %arg8[%swap3A, %swap3A_121] {strides = array<i32>} : memref<272x64xf32, #tpu.memory_space<vmem>>, vector<1x16xf32>,
        %swap3A_123 = vector.shape_cast %swap3A_122 : vector<1x16xf32> to vector<16xf32>
        %swap3A_124 = vector.shape_cast %broadcast_in_dim3A_120 : vector<16xf32> to vector<1x16xf32>
        tpu.vector_store %arg8[%swap3A, %swap3A_121], %swap3A_124 {strides = array<i32>} : memref<272x64xf32, #tpu.memory_space<vmem>>, vector<1x16xf32>,
        %broadcast_in_dim3A_125 = arith.constant 0.000000e+00 : f32
        %broadcast_in_dim3A_126 = vector.broadcast %broadcast_in_dim3A_125 : f32 to vector<16xf32>
        %swap3A_127 = arith.index_cast %scan3A_118 : i32 to index
        %swap3A_128 = arith.constant 16 : index
        %swap3A_129 = tpu.vector_load %arg8[%swap3A_127, %swap3A_128] {strides = array<i32>} : memref<272x64xf32, #tpu.memory_space<vmem>>, vector<1x16xf32>,
        %swap3A_130 = vector.shape_cast %swap3A_129 : vector<1x16xf32> to vector<16xf32>
        %swap3A_131 = vector.shape_cast %broadcast_in_dim3A_126 : vector<16xf32> to vector<1x16xf32>
        tpu.vector_store %arg8[%swap3A_127, %swap3A_128], %swap3A_131 {strides = array<i32>} : memref<272x64xf32, #tpu.memory_space<vmem>>, vector<1x16xf32>,
        %broadcast_in_dim3A_132 = arith.constant 0.000000e+00 : f32
        %broadcast_in_dim3A_133 = vector.broadcast %broadcast_in_dim3A_132 : f32 to vector<16xf32>
        %swap3A_134 = arith.index_cast %scan3A_118 : i32 to index
        %swap3A_135 = arith.constant 32 : index
        %swap3A_136 = tpu.vector_load %arg8[%swap3A_134, %swap3A_135] {strides = array<i32>} : memref<272x64xf32, #tpu.memory_space<vmem>>, vector<1x16xf32>,
        %swap3A_137 = vector.shape_cast %swap3A_136 : vector<1x16xf32> to vector<16xf32>
        %swap3A_138 = vector.shape_cast %broadcast_in_dim3A_133 : vector<16xf32> to vector<1x16xf32>
        tpu.vector_store %arg8[%swap3A_134, %swap3A_135], %swap3A_138 {strides = array<i32>} : memref<272x64xf32, #tpu.memory_space<vmem>>, vector<1x16xf32>,
        %broadcast_in_dim3A_139 = arith.constant 0.000000e+00 : f32
        %broadcast_in_dim3A_140 = vector.broadcast %broadcast_in_dim3A_139 : f32 to vector<16xf32>
        %swap3A_141 = arith.index_cast %scan3A_118 : i32 to index
        %swap3A_142 = arith.constant 48 : index
        %swap3A_143 = tpu.vector_load %arg8[%swap3A_141, %swap3A_142] {strides = array<i32>} : memref<272x64xf32, #tpu.memory_space<vmem>>, vector<1x16xf32>,
        %swap3A_144 = vector.shape_cast %swap3A_143 : vector<1x16xf32> to vector<16xf32>
        %swap3A_145 = vector.shape_cast %broadcast_in_dim3A_140 : vector<16xf32> to vector<1x16xf32>
        tpu.vector_store %arg8[%swap3A_141, %swap3A_142], %swap3A_145 {strides = array<i32>} : memref<272x64xf32, #tpu.memory_space<vmem>>, vector<1x16xf32>,
        %scan3A_146 = arith.constant 0 : i32
        scf.yield %scan3A_146 : i32
      }
      %scan3A_111 = arith.constant 272 : i32
      %add3A_112 = arith.constant 0 : i32
      %add3A_113 = arith.addi %mul3A_2, %add3A_112 : i32
      "tpu.region"() ({
        %run_scoped3A = tpu.sem_alloc : memref<!tpu.dma_semaphore, #tpu.memory_space<semaphore_mem>>
        %dma_start3A_118 = arith.constant 0 : i32
        %dma_start3A_119 = arith.constant 0 : i32
        %dma_start3A_120 = tpu.memref_slice %arg8[%dma_start3A_118, %dma_start3A_119] : memref<272x64xf32, #tpu.memory_space<vmem>> -> memref<272x64xf32, #tpu.memory_space<vmem>>
        %dma_start3A_121 = arith.constant 0 : i32
        %dma_start3A_122 = tpu.memref_slice %arg19[%add3A_113, %dma_start3A_121] : memref<10240x64xf32, #tpu.memory_space<vmem_shared>> -> memref<272x64xf32, #tpu.memory_space<vmem_shared>>
        %dma_start3A_123 = arith.constant 0 : i32
        %dma_start3A_124 = tpu.memref_slice %arg19[%add3A_113, %dma_start3A_123] : memref<10240x64xf32, #tpu.memory_space<vmem_shared>> -> memref<272x64xf32, #tpu.memory_space<vmem_shared>>
        %dma_start3A_125 = arith.constant 0 : i32
        %dma_start3A_126 = arith.constant 0 : i32
        %dma_start3A_127 = tpu.memref_slice %arg8[%dma_start3A_125, %dma_start3A_126] : memref<272x64xf32, #tpu.memory_space<vmem>> -> memref<272x64xf32, #tpu.memory_space<vmem>>
        tpu.enqueue_dma source(%dma_start3A_127 : memref<272x64xf32, #tpu.memory_space<vmem>>) target(%dma_start3A_124 : memref<272x64xf32, #tpu.memory_space<vmem_shared>>) target_semaphore(%run_scoped3A : memref<!tpu.dma_semaphore, #tpu.memory_space<semaphore_mem>>)
        %dma_wait3A_128 = arith.constant 0 : i32
        %dma_wait3A_129 = arith.constant 0 : i32
        %dma_wait3A_130 = tpu.memref_slice %arg8[%dma_wait3A_128, %dma_wait3A_129] : memref<272x64xf32, #tpu.memory_space<vmem>> -> memref<272x64xf32, #tpu.memory_space<vmem>>
        %dma_wait3A_131 = arith.constant 0 : i32
        %dma_wait3A_132 = tpu.memref_slice %arg19[%add3A_113, %dma_wait3A_131] : memref<10240x64xf32, #tpu.memory_space<vmem_shared>> -> memref<272x64xf32, #tpu.memory_space<vmem_shared>>
        %dma_wait3A_133 = arith.constant 0 : i32
        %dma_wait3A_134 = tpu.memref_slice %arg19[%add3A_113, %dma_wait3A_133] : memref<10240x64xf32, #tpu.memory_space<vmem_shared>> -> memref<272x64xf32, #tpu.memory_space<vmem_shared>>
        %dma_wait3A_135 = arith.constant 0 : i32
        %dma_wait3A_136 = arith.constant 0 : i32
        %dma_wait3A_137 = tpu.memref_slice %arg8[%dma_wait3A_135, %dma_wait3A_136] : memref<272x64xf32, #tpu.memory_space<vmem>> -> memref<272x64xf32, #tpu.memory_space<vmem>>
        tpu.wait_dma2 semaphore(%run_scoped3A : memref<!tpu.dma_semaphore, #tpu.memory_space<semaphore_mem>>) src(%dma_wait3A_137 : memref<272x64xf32, #tpu.memory_space<vmem>>) dst(%dma_wait3A_134 : memref<272x64xf32, #tpu.memory_space<vmem_shared>>)
        tpu.yield
      }) : () -> ()
      %add3A_114 = arith.constant 272 : i32
      %add3A_115 = arith.addi %mul3A_2, %add3A_114 : i32
      "tpu.region"() ({
        %run_scoped3A = tpu.sem_alloc : memref<!tpu.dma_semaphore, #tpu.memory_space<semaphore_mem>>
        %dma_start3A_118 = arith.constant 0 : i32
        %dma_start3A_119 = arith.constant 0 : i32
        %dma_start3A_120 = tpu.memref_slice %arg8[%dma_start3A_118, %dma_start3A_119] : memref<272x64xf32, #tpu.memory_space<vmem>> -> memref<272x64xf32, #tpu.memory_space<vmem>>
        %dma_start3A_121 = arith.constant 0 : i32
        %dma_start3A_122 = tpu.memref_slice %arg19[%add3A_115, %dma_start3A_121] : memref<10240x64xf32, #tpu.memory_space<vmem_shared>> -> memref<272x64xf32, #tpu.memory_space<vmem_shared>>
        %dma_start3A_123 = arith.constant 0 : i32
        %dma_start3A_124 = tpu.memref_slice %arg19[%add3A_115, %dma_start3A_123] : memref<10240x64xf32, #tpu.memory_space<vmem_shared>> -> memref<272x64xf32, #tpu.memory_space<vmem_shared>>
        %dma_start3A_125 = arith.constant 0 : i32
        %dma_start3A_126 = arith.constant 0 : i32
        %dma_start3A_127 = tpu.memref_slice %arg8[%dma_start3A_125, %dma_start3A_126] : memref<272x64xf32, #tpu.memory_space<vmem>> -> memref<272x64xf32, #tpu.memory_space<vmem>>
        tpu.enqueue_dma source(%dma_start3A_127 : memref<272x64xf32, #tpu.memory_space<vmem>>) target(%dma_start3A_124 : memref<272x64xf32, #tpu.memory_space<vmem_shared>>) target_semaphore(%run_scoped3A : memref<!tpu.dma_semaphore, #tpu.memory_space<semaphore_mem>>)
        %dma_wait3A_128 = arith.constant 0 : i32
        %dma_wait3A_129 = arith.constant 0 : i32
        %dma_wait3A_130 = tpu.memref_slice %arg8[%dma_wait3A_128, %dma_wait3A_129] : memref<272x64xf32, #tpu.memory_space<vmem>> -> memref<272x64xf32, #tpu.memory_space<vmem>>
        %dma_wait3A_131 = arith.constant 0 : i32
        %dma_wait3A_132 = tpu.memref_slice %arg19[%add3A_115, %dma_wait3A_131] : memref<10240x64xf32, #tpu.memory_space<vmem_shared>> -> memref<272x64xf32, #tpu.memory_space<vmem_shared>>
        %dma_wait3A_133 = arith.constant 0 : i32
        %dma_wait3A_134 = tpu.memref_slice %arg19[%add3A_115, %dma_wait3A_133] : memref<10240x64xf32, #tpu.memory_space<vmem_shared>> -> memref<272x64xf32, #tpu.memory_space<vmem_shared>>
        %dma_wait3A_135 = arith.constant 0 : i32
        %dma_wait3A_136 = arith.constant 0 : i32
        %dma_wait3A_137 = tpu.memref_slice %arg8[%dma_wait3A_135, %dma_wait3A_136] : memref<272x64xf32, #tpu.memory_space<vmem>> -> memref<272x64xf32, #tpu.memory_space<vmem>>
        tpu.wait_dma2 semaphore(%run_scoped3A : memref<!tpu.dma_semaphore, #tpu.memory_space<semaphore_mem>>) src(%dma_wait3A_137 : memref<272x64xf32, #tpu.memory_space<vmem>>) dst(%dma_wait3A_134 : memref<272x64xf32, #tpu.memory_space<vmem_shared>>)
        tpu.yield
      }) : () -> ()
      %add3A_116 = arith.constant 544 : i32
      %add3A_117 = arith.addi %mul3A_2, %add3A_116 : i32
      "tpu.region"() ({
        %run_scoped3A = tpu.sem_alloc : memref<!tpu.dma_semaphore, #tpu.memory_space<semaphore_mem>>
        %dma_start3A_118 = arith.constant 0 : i32
        %dma_start3A_119 = arith.constant 0 : i32
        %dma_start3A_120 = tpu.memref_slice %arg8[%dma_start3A_118, %dma_start3A_119] : memref<272x64xf32, #tpu.memory_space<vmem>> -> memref<96x64xf32, #tpu.memory_space<vmem>>
        %dma_start3A_121 = arith.constant 0 : i32
        %dma_start3A_122 = tpu.memref_slice %arg19[%add3A_117, %dma_start3A_121] : memref<10240x64xf32, #tpu.memory_space<vmem_shared>> -> memref<96x64xf32, #tpu.memory_space<vmem_shared>>
        %dma_start3A_123 = arith.constant 0 : i32
        %dma_start3A_124 = tpu.memref_slice %arg19[%add3A_117, %dma_start3A_123] : memref<10240x64xf32, #tpu.memory_space<vmem_shared>> -> memref<96x64xf32, #tpu.memory_space<vmem_shared>>
        %dma_start3A_125 = arith.constant 0 : i32
        %dma_start3A_126 = arith.constant 0 : i32
        %dma_start3A_127 = tpu.memref_slice %arg8[%dma_start3A_125, %dma_start3A_126] : memref<272x64xf32, #tpu.memory_space<vmem>> -> memref<96x64xf32, #tpu.memory_space<vmem>>
        tpu.enqueue_dma source(%dma_start3A_127 : memref<96x64xf32, #tpu.memory_space<vmem>>) target(%dma_start3A_124 : memref<96x64xf32, #tpu.memory_space<vmem_shared>>) target_semaphore(%run_scoped3A : memref<!tpu.dma_semaphore, #tpu.memory_space<semaphore_mem>>)
        %dma_wait3A_128 = arith.constant 0 : i32
        %dma_wait3A_129 = arith.constant 0 : i32
        %dma_wait3A_130 = tpu.memref_slice %arg8[%dma_wait3A_128, %dma_wait3A_129] : memref<272x64xf32, #tpu.memory_space<vmem>> -> memref<96x64xf32, #tpu.memory_space<vmem>>
        %dma_wait3A_131 = arith.constant 0 : i32
        %dma_wait3A_132 = tpu.memref_slice %arg19[%add3A_117, %dma_wait3A_131] : memref<10240x64xf32, #tpu.memory_space<vmem_shared>> -> memref<96x64xf32, #tpu.memory_space<vmem_shared>>
        %dma_wait3A_133 = arith.constant 0 : i32
        %dma_wait3A_134 = tpu.memref_slice %arg19[%add3A_117, %dma_wait3A_133] : memref<10240x64xf32, #tpu.memory_space<vmem_shared>> -> memref<96x64xf32, #tpu.memory_space<vmem_shared>>
        %dma_wait3A_135 = arith.constant 0 : i32
        %dma_wait3A_136 = arith.constant 0 : i32
        %dma_wait3A_137 = tpu.memref_slice %arg8[%dma_wait3A_135, %dma_wait3A_136] : memref<272x64xf32, #tpu.memory_space<vmem>> -> memref<96x64xf32, #tpu.memory_space<vmem>>
        tpu.wait_dma2 semaphore(%run_scoped3A : memref<!tpu.dma_semaphore, #tpu.memory_space<semaphore_mem>>) src(%dma_wait3A_137 : memref<96x64xf32, #tpu.memory_space<vmem>>) dst(%dma_wait3A_134 : memref<96x64xf32, #tpu.memory_space<vmem_shared>>)
        tpu.yield
      }) : () -> ()
    } else {
    }
    %barrier3A = arith.constant 0 : index
    tpu.barrier barrier_id(%barrier3A)
    %mul3A_10 = arith.constant 10000 : i32
    %mul3A_11 = arith.muli %add3A, %mul3A_10 : i32
    %add3A_12 = arith.constant 0 : i32
    %add3A_13 = arith.addi %mul3A_11, %add3A_12 : i32
    "tpu.region"() ({
      %run_scoped3A = tpu.sem_alloc : memref<!tpu.dma_semaphore, #tpu.memory_space<semaphore_mem>>
      %dma_start3A_105 = tpu.memref_slice %arg3[%add3A_13] : memref<320000xi32, #tpu.memory_space<hbm>> -> memref<272xi32, #tpu.memory_space<hbm>>
      %dma_start3A_106 = tpu.memref_slice %arg3[%add3A_13] : memref<320000xi32, #tpu.memory_space<hbm>> -> memref<272xi32, #tpu.memory_space<hbm>>
      tpu.enqueue_dma source(%dma_start3A_106 : memref<272xi32, #tpu.memory_space<hbm>>) target(%arg6 : memref<272xi32, #tpu.memory_space<vmem>>) target_semaphore(%run_scoped3A : memref<!tpu.dma_semaphore, #tpu.memory_space<semaphore_mem>>)
      %dma_wait3A_107 = tpu.memref_slice %arg3[%add3A_13] : memref<320000xi32, #tpu.memory_space<hbm>> -> memref<272xi32, #tpu.memory_space<hbm>>
      %dma_wait3A_108 = tpu.memref_slice %arg3[%add3A_13] : memref<320000xi32, #tpu.memory_space<hbm>> -> memref<272xi32, #tpu.memory_space<hbm>>
      tpu.wait_dma2 semaphore(%run_scoped3A : memref<!tpu.dma_semaphore, #tpu.memory_space<semaphore_mem>>) src(%dma_wait3A_108 : memref<272xi32, #tpu.memory_space<hbm>>) dst(%arg6 : memref<272xi32, #tpu.memory_space<vmem>>)
      tpu.yield
    }) : () -> ()
    "tpu.region"() ({
      %run_scoped3A = tpu.sem_alloc : memref<!tpu.dma_semaphore, #tpu.memory_space<semaphore_mem>>
      %dma_start3A_105 = tpu.memref_slice %arg4[%add3A_13] : memref<320000xi32, #tpu.memory_space<hbm>> -> memref<272xi32, #tpu.memory_space<hbm>>
      %dma_start3A_106 = tpu.memref_slice %arg4[%add3A_13] : memref<320000xi32, #tpu.memory_space<hbm>> -> memref<272xi32, #tpu.memory_space<hbm>>
      tpu.enqueue_dma source(%dma_start3A_106 : memref<272xi32, #tpu.memory_space<hbm>>) target(%arg7 : memref<272xi32, #tpu.memory_space<vmem>>) target_semaphore(%run_scoped3A : memref<!tpu.dma_semaphore, #tpu.memory_space<semaphore_mem>>)
      %dma_wait3A_107 = tpu.memref_slice %arg4[%add3A_13] : memref<320000xi32, #tpu.memory_space<hbm>> -> memref<272xi32, #tpu.memory_space<hbm>>
      %dma_wait3A_108 = tpu.memref_slice %arg4[%add3A_13] : memref<320000xi32, #tpu.memory_space<hbm>> -> memref<272xi32, #tpu.memory_space<hbm>>
      tpu.wait_dma2 semaphore(%run_scoped3A : memref<!tpu.dma_semaphore, #tpu.memory_space<semaphore_mem>>) src(%dma_wait3A_108 : memref<272xi32, #tpu.memory_space<hbm>>) dst(%arg7 : memref<272xi32, #tpu.memory_space<vmem>>)
      tpu.yield
    }) : () -> ()
    %dma_start3A = arith.constant 0 : i32
    %dma_start3A_14 = arith.constant 0 : i32
    %dma_start3A_15 = tpu.memref_slice %arg2[%dma_start3A, %dma_start3A_14] : memref<10240x64xf32, #tpu.memory_space<hbm>> -> memref<10240x64xf32, #tpu.memory_space<hbm>>
    tpu.enqueue_indirect_dma source(%dma_start3A_15 : memref<10240x64xf32, #tpu.memory_space<hbm>>) target(%arg8 : memref<272x64xf32, #tpu.memory_space<vmem>>) offsets(%arg6 : memref<272xi32, #tpu.memory_space<vmem>>) semaphore(%arg20 : memref<!tpu.dma_semaphore, #tpu.memory_space<semaphore_mem>>)
    %mul3A_16 = arith.constant 10000 : i32
    %mul3A_17 = arith.muli %add3A, %mul3A_16 : i32
    %add3A_18 = arith.constant 272 : i32
    %add3A_19 = arith.addi %mul3A_17, %add3A_18 : i32
    "tpu.region"() ({
      %run_scoped3A = tpu.sem_alloc : memref<!tpu.dma_semaphore, #tpu.memory_space<semaphore_mem>>
      %dma_start3A_105 = tpu.memref_slice %arg3[%add3A_19] : memref<320000xi32, #tpu.memory_space<hbm>> -> memref<272xi32, #tpu.memory_space<hbm>>
      %dma_start3A_106 = tpu.memref_slice %arg3[%add3A_19] : memref<320000xi32, #tpu.memory_space<hbm>> -> memref<272xi32, #tpu.memory_space<hbm>>
      tpu.enqueue_dma source(%dma_start3A_106 : memref<272xi32, #tpu.memory_space<hbm>>) target(%arg9 : memref<272xi32, #tpu.memory_space<vmem>>) target_semaphore(%run_scoped3A : memref<!tpu.dma_semaphore, #tpu.memory_space<semaphore_mem>>)
      %dma_wait3A_107 = tpu.memref_slice %arg3[%add3A_19] : memref<320000xi32, #tpu.memory_space<hbm>> -> memref<272xi32, #tpu.memory_space<hbm>>
      %dma_wait3A_108 = tpu.memref_slice %arg3[%add3A_19] : memref<320000xi32, #tpu.memory_space<hbm>> -> memref<272xi32, #tpu.memory_space<hbm>>
      tpu.wait_dma2 semaphore(%run_scoped3A : memref<!tpu.dma_semaphore, #tpu.memory_space<semaphore_mem>>) src(%dma_wait3A_108 : memref<272xi32, #tpu.memory_space<hbm>>) dst(%arg9 : memref<272xi32, #tpu.memory_space<vmem>>)
      tpu.yield
    }) : () -> ()
    "tpu.region"() ({
      %run_scoped3A = tpu.sem_alloc : memref<!tpu.dma_semaphore, #tpu.memory_space<semaphore_mem>>
      %dma_start3A_105 = tpu.memref_slice %arg4[%add3A_19] : memref<320000xi32, #tpu.memory_space<hbm>> -> memref<272xi32, #tpu.memory_space<hbm>>
      %dma_start3A_106 = tpu.memref_slice %arg4[%add3A_19] : memref<320000xi32, #tpu.memory_space<hbm>> -> memref<272xi32, #tpu.memory_space<hbm>>
      tpu.enqueue_dma source(%dma_start3A_106 : memref<272xi32, #tpu.memory_space<hbm>>) target(%arg10 : memref<272xi32, #tpu.memory_space<vmem>>) target_semaphore(%run_scoped3A : memref<!tpu.dma_semaphore, #tpu.memory_space<semaphore_mem>>)
      %dma_wait3A_107 = tpu.memref_slice %arg4[%add3A_19] : memref<320000xi32, #tpu.memory_space<hbm>> -> memref<272xi32, #tpu.memory_space<hbm>>
      %dma_wait3A_108 = tpu.memref_slice %arg4[%add3A_19] : memref<320000xi32, #tpu.memory_space<hbm>> -> memref<272xi32, #tpu.memory_space<hbm>>
      tpu.wait_dma2 semaphore(%run_scoped3A : memref<!tpu.dma_semaphore, #tpu.memory_space<semaphore_mem>>) src(%dma_wait3A_108 : memref<272xi32, #tpu.memory_space<hbm>>) dst(%arg10 : memref<272xi32, #tpu.memory_space<vmem>>)
      tpu.yield
    }) : () -> ()
    %dma_start3A_20 = arith.constant 0 : i32
    %dma_start3A_21 = arith.constant 0 : i32
    %dma_start3A_22 = tpu.memref_slice %arg2[%dma_start3A_20, %dma_start3A_21] : memref<10240x64xf32, #tpu.memory_space<hbm>> -> memref<10240x64xf32, #tpu.memory_space<hbm>>
    tpu.enqueue_indirect_dma source(%dma_start3A_22 : memref<10240x64xf32, #tpu.memory_space<hbm>>) target(%arg11 : memref<272x64xf32, #tpu.memory_space<vmem>>) offsets(%arg9 : memref<272xi32, #tpu.memory_space<vmem>>) semaphore(%arg21 : memref<!tpu.dma_semaphore, #tpu.memory_space<semaphore_mem>>)
    %dma_wait3A = arith.constant 0 : i32
    %dma_wait3A_23 = arith.constant 0 : i32
    %dma_wait3A_24 = tpu.memref_slice %arg2[%dma_wait3A, %dma_wait3A_23] : memref<10240x64xf32, #tpu.memory_space<hbm>> -> memref<10240x64xf32, #tpu.memory_space<hbm>>
    tpu.wait_indirect_dma semaphore(%arg20 : memref<!tpu.dma_semaphore, #tpu.memory_space<semaphore_mem>>) src(%dma_wait3A_24 : memref<10240x64xf32, #tpu.memory_space<hbm>>) dst(%arg8 : memref<272x64xf32, #tpu.memory_space<vmem>>)
    %dma_start3A_25 = arith.constant 0 : i32
    %dma_start3A_26 = arith.constant 0 : i32
    %dma_start3A_27 = tpu.memref_slice %arg19[%dma_start3A_25, %dma_start3A_26] : memref<10240x64xf32, #tpu.memory_space<vmem_shared>> -> memref<10240x64xf32, #tpu.memory_space<vmem_shared>>
    tpu.enqueue_indirect_dma source(%arg8 : memref<272x64xf32, #tpu.memory_space<vmem>>) target(%dma_start3A_27 : memref<10240x64xf32, #tpu.memory_space<vmem_shared>>) offsets(%arg7 : memref<272xi32, #tpu.memory_space<vmem>>) semaphore(%arg23 : memref<!tpu.dma_semaphore, #tpu.memory_space<semaphore_mem>>) {add = true}
    %mul3A_28 = arith.constant 10000 : i32
    %mul3A_29 = arith.muli %add3A, %mul3A_28 : i32
    %add3A_30 = arith.constant 544 : i32
    %add3A_31 = arith.addi %mul3A_29, %add3A_30 : i32
    "tpu.region"() ({
      %run_scoped3A = tpu.sem_alloc : memref<!tpu.dma_semaphore, #tpu.memory_space<semaphore_mem>>
      %dma_start3A_105 = tpu.memref_slice %arg3[%add3A_31] : memref<320000xi32, #tpu.memory_space<hbm>> -> memref<272xi32, #tpu.memory_space<hbm>>
      %dma_start3A_106 = tpu.memref_slice %arg3[%add3A_31] : memref<320000xi32, #tpu.memory_space<hbm>> -> memref<272xi32, #tpu.memory_space<hbm>>
      tpu.enqueue_dma source(%dma_start3A_106 : memref<272xi32, #tpu.memory_space<hbm>>) target(%arg12 : memref<272xi32, #tpu.memory_space<vmem>>) target_semaphore(%run_scoped3A : memref<!tpu.dma_semaphore, #tpu.memory_space<semaphore_mem>>)
      %dma_wait3A_107 = tpu.memref_slice %arg3[%add3A_31] : memref<320000xi32, #tpu.memory_space<hbm>> -> memref<272xi32, #tpu.memory_space<hbm>>
      %dma_wait3A_108 = tpu.memref_slice %arg3[%add3A_31] : memref<320000xi32, #tpu.memory_space<hbm>> -> memref<272xi32, #tpu.memory_space<hbm>>
      tpu.wait_dma2 semaphore(%run_scoped3A : memref<!tpu.dma_semaphore, #tpu.memory_space<semaphore_mem>>) src(%dma_wait3A_108 : memref<272xi32, #tpu.memory_space<hbm>>) dst(%arg12 : memref<272xi32, #tpu.memory_space<vmem>>)
      tpu.yield
    }) : () -> ()
    "tpu.region"() ({
      %run_scoped3A = tpu.sem_alloc : memref<!tpu.dma_semaphore, #tpu.memory_space<semaphore_mem>>
      %dma_start3A_105 = tpu.memref_slice %arg4[%add3A_31] : memref<320000xi32, #tpu.memory_space<hbm>> -> memref<272xi32, #tpu.memory_space<hbm>>
      %dma_start3A_106 = tpu.memref_slice %arg4[%add3A_31] : memref<320000xi32, #tpu.memory_space<hbm>> -> memref<272xi32, #tpu.memory_space<hbm>>
      tpu.enqueue_dma source(%dma_start3A_106 : memref<272xi32, #tpu.memory_space<hbm>>) target(%arg13 : memref<272xi32, #tpu.memory_space<vmem>>) target_semaphore(%run_scoped3A : memref<!tpu.dma_semaphore, #tpu.memory_space<semaphore_mem>>)
      %dma_wait3A_107 = tpu.memref_slice %arg4[%add3A_31] : memref<320000xi32, #tpu.memory_space<hbm>> -> memref<272xi32, #tpu.memory_space<hbm>>
      %dma_wait3A_108 = tpu.memref_slice %arg4[%add3A_31] : memref<320000xi32, #tpu.memory_space<hbm>> -> memref<272xi32, #tpu.memory_space<hbm>>
      tpu.wait_dma2 semaphore(%run_scoped3A : memref<!tpu.dma_semaphore, #tpu.memory_space<semaphore_mem>>) src(%dma_wait3A_108 : memref<272xi32, #tpu.memory_space<hbm>>) dst(%arg13 : memref<272xi32, #tpu.memory_space<vmem>>)
      tpu.yield
    }) : () -> ()
    %dma_start3A_32 = arith.constant 0 : i32
    %dma_start3A_33 = arith.constant 0 : i32
    %dma_start3A_34 = tpu.memref_slice %arg2[%dma_start3A_32, %dma_start3A_33] : memref<10240x64xf32, #tpu.memory_space<hbm>> -> memref<10240x64xf32, #tpu.memory_space<hbm>>
    tpu.enqueue_indirect_dma source(%dma_start3A_34 : memref<10240x64xf32, #tpu.memory_space<hbm>>) target(%arg14 : memref<272x64xf32, #tpu.memory_space<vmem>>) offsets(%arg12 : memref<272xi32, #tpu.memory_space<vmem>>) semaphore(%arg22 : memref<!tpu.dma_semaphore, #tpu.memory_space<semaphore_mem>>)
    %dma_wait3A_35 = arith.constant 0 : i32
    %dma_wait3A_36 = arith.constant 0 : i32
    %dma_wait3A_37 = tpu.memref_slice %arg2[%dma_wait3A_35, %dma_wait3A_36] : memref<10240x64xf32, #tpu.memory_space<hbm>> -> memref<10240x64xf32, #tpu.memory_space<hbm>>
    tpu.wait_indirect_dma semaphore(%arg21 : memref<!tpu.dma_semaphore, #tpu.memory_space<semaphore_mem>>) src(%dma_wait3A_37 : memref<10240x64xf32, #tpu.memory_space<hbm>>) dst(%arg11 : memref<272x64xf32, #tpu.memory_space<vmem>>)
    %dma_start3A_38 = arith.constant 0 : i32
    %dma_start3A_39 = arith.constant 0 : i32
    %dma_start3A_40 = tpu.memref_slice %arg19[%dma_start3A_38, %dma_start3A_39] : memref<10240x64xf32, #tpu.memory_space<vmem_shared>> -> memref<10240x64xf32, #tpu.memory_space<vmem_shared>>
    tpu.enqueue_indirect_dma source(%arg11 : memref<272x64xf32, #tpu.memory_space<vmem>>) target(%dma_start3A_40 : memref<10240x64xf32, #tpu.memory_space<vmem_shared>>) offsets(%arg10 : memref<272xi32, #tpu.memory_space<vmem>>) semaphore(%arg24 : memref<!tpu.dma_semaphore, #tpu.memory_space<semaphore_mem>>) {add = true}
    %scan3A = arith.constant 0 : i32
    %scan3A_41 = arith.constant 1 : i32
    %scan3A_42 = arith.constant 11 : i32
    %scan3A_43 = arith.addi %scan3A_41, %scan3A_42 : i32
    %scan3A_44 = arith.constant 1 : i32
    %scan3A_45 = scf.for %scan3A_105 = %scan3A_41 to %scan3A_43 step %scan3A_44 iter_args(%scan3A_106 = %scan3A) -> (i32)  : i32 {
      %mul3A_107 = arith.constant 3 : i32
      %mul3A_108 = arith.muli %mul3A_107, %scan3A_105 : i32
      %dma_wait3A_109 = arith.constant 0 : i32
      %dma_wait3A_110 = arith.constant 0 : i32
      %dma_wait3A_111 = tpu.memref_slice %arg19[%dma_wait3A_109, %dma_wait3A_110] : memref<10240x64xf32, #tpu.memory_space<vmem_shared>> -> memref<10240x64xf32, #tpu.memory_space<vmem_shared>>
      tpu.wait_indirect_dma semaphore(%arg23 : memref<!tpu.dma_semaphore, #tpu.memory_space<semaphore_mem>>) src(%arg8 : memref<272x64xf32, #tpu.memory_space<vmem>>) dst(%dma_wait3A_111 : memref<10240x64xf32, #tpu.memory_space<vmem_shared>>)
      %mul3A_112 = arith.constant 10000 : i32
      %mul3A_113 = arith.muli %add3A, %mul3A_112 : i32
      %mul3A_114 = arith.constant 272 : i32
      %mul3A_115 = arith.muli %mul3A_108, %mul3A_114 : i32
      %add3A_116 = arith.addi %mul3A_113, %mul3A_115 : i32
      "tpu.region"() ({
        %run_scoped3A = tpu.sem_alloc : memref<!tpu.dma_semaphore, #tpu.memory_space<semaphore_mem>>
        %dma_start3A_168 = tpu.memref_slice %arg3[%add3A_116] : memref<320000xi32, #tpu.memory_space<hbm>> -> memref<272xi32, #tpu.memory_space<hbm>>
        %dma_start3A_169 = tpu.memref_slice %arg3[%add3A_116] : memref<320000xi32, #tpu.memory_space<hbm>> -> memref<272xi32, #tpu.memory_space<hbm>>
        tpu.enqueue_dma source(%dma_start3A_169 : memref<272xi32, #tpu.memory_space<hbm>>) target(%arg6 : memref<272xi32, #tpu.memory_space<vmem>>) target_semaphore(%run_scoped3A : memref<!tpu.dma_semaphore, #tpu.memory_space<semaphore_mem>>)
        %dma_wait3A_170 = tpu.memref_slice %arg3[%add3A_116] : memref<320000xi32, #tpu.memory_space<hbm>> -> memref<272xi32, #tpu.memory_space<hbm>>
        %dma_wait3A_171 = tpu.memref_slice %arg3[%add3A_116] : memref<320000xi32, #tpu.memory_space<hbm>> -> memref<272xi32, #tpu.memory_space<hbm>>
        tpu.wait_dma2 semaphore(%run_scoped3A : memref<!tpu.dma_semaphore, #tpu.memory_space<semaphore_mem>>) src(%dma_wait3A_171 : memref<272xi32, #tpu.memory_space<hbm>>) dst(%arg6 : memref<272xi32, #tpu.memory_space<vmem>>)
        tpu.yield
      }) : () -> ()
      "tpu.region"() ({
        %run_scoped3A = tpu.sem_alloc : memref<!tpu.dma_semaphore, #tpu.memory_space<semaphore_mem>>
        %dma_start3A_168 = tpu.memref_slice %arg4[%add3A_116] : memref<320000xi32, #tpu.memory_space<hbm>> -> memref<272xi32, #tpu.memory_space<hbm>>
        %dma_start3A_169 = tpu.memref_slice %arg4[%add3A_116] : memref<320000xi32, #tpu.memory_space<hbm>> -> memref<272xi32, #tpu.memory_space<hbm>>
        tpu.enqueue_dma source(%dma_start3A_169 : memref<272xi32, #tpu.memory_space<hbm>>) target(%arg7 : memref<272xi32, #tpu.memory_space<vmem>>) target_semaphore(%run_scoped3A : memref<!tpu.dma_semaphore, #tpu.memory_space<semaphore_mem>>)
        %dma_wait3A_170 = tpu.memref_slice %arg4[%add3A_116] : memref<320000xi32, #tpu.memory_space<hbm>> -> memref<272xi32, #tpu.memory_space<hbm>>
        %dma_wait3A_171 = tpu.memref_slice %arg4[%add3A_116] : memref<320000xi32, #tpu.memory_space<hbm>> -> memref<272xi32, #tpu.memory_space<hbm>>
        tpu.wait_dma2 semaphore(%run_scoped3A : memref<!tpu.dma_semaphore, #tpu.memory_space<semaphore_mem>>) src(%dma_wait3A_171 : memref<272xi32, #tpu.memory_space<hbm>>) dst(%arg7 : memref<272xi32, #tpu.memory_space<vmem>>)
        tpu.yield
      }) : () -> ()
      %dma_start3A_117 = arith.constant 0 : i32
      %dma_start3A_118 = arith.constant 0 : i32
      %dma_start3A_119 = tpu.memref_slice %arg2[%dma_start3A_117, %dma_start3A_118] : memref<10240x64xf32, #tpu.memory_space<hbm>> -> memref<10240x64xf32, #tpu.memory_space<hbm>>
      tpu.enqueue_indirect_dma source(%dma_start3A_119 : memref<10240x64xf32, #tpu.memory_space<hbm>>) target(%arg8 : memref<272x64xf32, #tpu.memory_space<vmem>>) offsets(%arg6 : memref<272xi32, #tpu.memory_space<vmem>>) semaphore(%arg20 : memref<!tpu.dma_semaphore, #tpu.memory_space<semaphore_mem>>)
      %sub3A = arith.constant 1 : i32
      %sub3A_120 = arith.subi %mul3A_108, %sub3A : i32
      %dma_wait3A_121 = arith.constant 0 : i32
      %dma_wait3A_122 = arith.constant 0 : i32
      %dma_wait3A_123 = tpu.memref_slice %arg2[%dma_wait3A_121, %dma_wait3A_122] : memref<10240x64xf32, #tpu.memory_space<hbm>> -> memref<10240x64xf32, #tpu.memory_space<hbm>>
      tpu.wait_indirect_dma semaphore(%arg22 : memref<!tpu.dma_semaphore, #tpu.memory_space<semaphore_mem>>) src(%dma_wait3A_123 : memref<10240x64xf32, #tpu.memory_space<hbm>>) dst(%arg14 : memref<272x64xf32, #tpu.memory_space<vmem>>)
      %dma_start3A_124 = arith.constant 0 : i32
      %dma_start3A_125 = arith.constant 0 : i32
      %dma_start3A_126 = tpu.memref_slice %arg19[%dma_start3A_124, %dma_start3A_125] : memref<10240x64xf32, #tpu.memory_space<vmem_shared>> -> memref<10240x64xf32, #tpu.memory_space<vmem_shared>>
      tpu.enqueue_indirect_dma source(%arg14 : memref<272x64xf32, #tpu.memory_space<vmem>>) target(%dma_start3A_126 : memref<10240x64xf32, #tpu.memory_space<vmem_shared>>) offsets(%arg13 : memref<272xi32, #tpu.memory_space<vmem>>) semaphore(%arg25 : memref<!tpu.dma_semaphore, #tpu.memory_space<semaphore_mem>>) {add = true}
      %add3A_127 = arith.constant 1 : i32
      %add3A_128 = arith.addi %mul3A_108, %add3A_127 : i32
      %dma_wait3A_129 = arith.constant 0 : i32
      %dma_wait3A_130 = arith.constant 0 : i32
      %dma_wait3A_131 = tpu.memref_slice %arg19[%dma_wait3A_129, %dma_wait3A_130] : memref<10240x64xf32, #tpu.memory_space<vmem_shared>> -> memref<10240x64xf32, #tpu.memory_space<vmem_shared>>
      tpu.wait_indirect_dma semaphore(%arg24 : memref<!tpu.dma_semaphore, #tpu.memory_space<semaphore_mem>>) src(%arg11 : memref<272x64xf32, #tpu.memory_space<vmem>>) dst(%dma_wait3A_131 : memref<10240x64xf32, #tpu.memory_space<vmem_shared>>)
      %mul3A_132 = arith.constant 10000 : i32
      %mul3A_133 = arith.muli %add3A, %mul3A_132 : i32
      %mul3A_134 = arith.constant 272 : i32
      %mul3A_135 = arith.muli %add3A_128, %mul3A_134 : i32
      %add3A_136 = arith.addi %mul3A_133, %mul3A_135 : i32
      "tpu.region"() ({
        %run_scoped3A = tpu.sem_alloc : memref<!tpu.dma_semaphore, #tpu.memory_space<semaphore_mem>>
        %dma_start3A_168 = tpu.memref_slice %arg3[%add3A_136] : memref<320000xi32, #tpu.memory_space<hbm>> -> memref<272xi32, #tpu.memory_space<hbm>>
        %dma_start3A_169 = tpu.memref_slice %arg3[%add3A_136] : memref<320000xi32, #tpu.memory_space<hbm>> -> memref<272xi32, #tpu.memory_space<hbm>>
        tpu.enqueue_dma source(%dma_start3A_169 : memref<272xi32, #tpu.memory_space<hbm>>) target(%arg9 : memref<272xi32, #tpu.memory_space<vmem>>) target_semaphore(%run_scoped3A : memref<!tpu.dma_semaphore, #tpu.memory_space<semaphore_mem>>)
        %dma_wait3A_170 = tpu.memref_slice %arg3[%add3A_136] : memref<320000xi32, #tpu.memory_space<hbm>> -> memref<272xi32, #tpu.memory_space<hbm>>
        %dma_wait3A_171 = tpu.memref_slice %arg3[%add3A_136] : memref<320000xi32, #tpu.memory_space<hbm>> -> memref<272xi32, #tpu.memory_space<hbm>>
        tpu.wait_dma2 semaphore(%run_scoped3A : memref<!tpu.dma_semaphore, #tpu.memory_space<semaphore_mem>>) src(%dma_wait3A_171 : memref<272xi32, #tpu.memory_space<hbm>>) dst(%arg9 : memref<272xi32, #tpu.memory_space<vmem>>)
        tpu.yield
      }) : () -> ()
      "tpu.region"() ({
        %run_scoped3A = tpu.sem_alloc : memref<!tpu.dma_semaphore, #tpu.memory_space<semaphore_mem>>
        %dma_start3A_168 = tpu.memref_slice %arg4[%add3A_136] : memref<320000xi32, #tpu.memory_space<hbm>> -> memref<272xi32, #tpu.memory_space<hbm>>
        %dma_start3A_169 = tpu.memref_slice %arg4[%add3A_136] : memref<320000xi32, #tpu.memory_space<hbm>> -> memref<272xi32, #tpu.memory_space<hbm>>
        tpu.enqueue_dma source(%dma_start3A_169 : memref<272xi32, #tpu.memory_space<hbm>>) target(%arg10 : memref<272xi32, #tpu.memory_space<vmem>>) target_semaphore(%run_scoped3A : memref<!tpu.dma_semaphore, #tpu.memory_space<semaphore_mem>>)
        %dma_wait3A_170 = tpu.memref_slice %arg4[%add3A_136] : memref<320000xi32, #tpu.memory_space<hbm>> -> memref<272xi32, #tpu.memory_space<hbm>>
        %dma_wait3A_171 = tpu.memref_slice %arg4[%add3A_136] : memref<320000xi32, #tpu.memory_space<hbm>> -> memref<272xi32, #tpu.memory_space<hbm>>
        tpu.wait_dma2 semaphore(%run_scoped3A : memref<!tpu.dma_semaphore, #tpu.memory_space<semaphore_mem>>) src(%dma_wait3A_171 : memref<272xi32, #tpu.memory_space<hbm>>) dst(%arg10 : memref<272xi32, #tpu.memory_space<vmem>>)
        tpu.yield
      }) : () -> ()
      %dma_start3A_137 = arith.constant 0 : i32
      %dma_start3A_138 = arith.constant 0 : i32
      %dma_start3A_139 = tpu.memref_slice %arg2[%dma_start3A_137, %dma_start3A_138] : memref<10240x64xf32, #tpu.memory_space<hbm>> -> memref<10240x64xf32, #tpu.memory_space<hbm>>
      tpu.enqueue_indirect_dma source(%dma_start3A_139 : memref<10240x64xf32, #tpu.memory_space<hbm>>) target(%arg11 : memref<272x64xf32, #tpu.memory_space<vmem>>) offsets(%arg9 : memref<272xi32, #tpu.memory_space<vmem>>) semaphore(%arg21 : memref<!tpu.dma_semaphore, #tpu.memory_space<semaphore_mem>>)
      %dma_wait3A_140 = arith.constant 0 : i32
      %dma_wait3A_141 = arith.constant 0 : i32
      %dma_wait3A_142 = tpu.memref_slice %arg2[%dma_wait3A_140, %dma_wait3A_141] : memref<10240x64xf32, #tpu.memory_space<hbm>> -> memref<10240x64xf32, #tpu.memory_space<hbm>>
      tpu.wait_indirect_dma semaphore(%arg20 : memref<!tpu.dma_semaphore, #tpu.memory_space<semaphore_mem>>) src(%dma_wait3A_142 : memref<10240x64xf32, #tpu.memory_space<hbm>>) dst(%arg8 : memref<272x64xf32, #tpu.memory_space<vmem>>)
      %dma_start3A_143 = arith.constant 0 : i32
      %dma_start3A_144 = arith.constant 0 : i32
      %dma_start3A_145 = tpu.memref_slice %arg19[%dma_start3A_143, %dma_start3A_144] : memref<10240x64xf32, #tpu.memory_space<vmem_shared>> -> memref<10240x64xf32, #tpu.memory_space<vmem_shared>>
      tpu.enqueue_indirect_dma source(%arg8 : memref<272x64xf32, #tpu.memory_space<vmem>>) target(%dma_start3A_145 : memref<10240x64xf32, #tpu.memory_space<vmem_shared>>) offsets(%arg7 : memref<272xi32, #tpu.memory_space<vmem>>) semaphore(%arg23 : memref<!tpu.dma_semaphore, #tpu.memory_space<semaphore_mem>>) {add = true}
      %add3A_146 = arith.constant 2 : i32
      %add3A_147 = arith.addi %mul3A_108, %add3A_146 : i32
      %dma_wait3A_148 = arith.constant 0 : i32
      %dma_wait3A_149 = arith.constant 0 : i32
      %dma_wait3A_150 = tpu.memref_slice %arg19[%dma_wait3A_148, %dma_wait3A_149] : memref<10240x64xf32, #tpu.memory_space<vmem_shared>> -> memref<10240x64xf32, #tpu.memory_space<vmem_shared>>
      tpu.wait_indirect_dma semaphore(%arg25 : memref<!tpu.dma_semaphore, #tpu.memory_space<semaphore_mem>>) src(%arg14 : memref<272x64xf32, #tpu.memory_space<vmem>>) dst(%dma_wait3A_150 : memref<10240x64xf32, #tpu.memory_space<vmem_shared>>)
      %mul3A_151 = arith.constant 10000 : i32
      %mul3A_152 = arith.muli %add3A, %mul3A_151 : i32
      %mul3A_153 = arith.constant 272 : i32
      %mul3A_154 = arith.muli %add3A_147, %mul3A_153 : i32
      %add3A_155 = arith.addi %mul3A_152, %mul3A_154 : i32
      "tpu.region"() ({
        %run_scoped3A = tpu.sem_alloc : memref<!tpu.dma_semaphore, #tpu.memory_space<semaphore_mem>>
        %dma_start3A_168 = tpu.memref_slice %arg3[%add3A_155] : memref<320000xi32, #tpu.memory_space<hbm>> -> memref<272xi32, #tpu.memory_space<hbm>>
        %dma_start3A_169 = tpu.memref_slice %arg3[%add3A_155] : memref<320000xi32, #tpu.memory_space<hbm>> -> memref<272xi32, #tpu.memory_space<hbm>>
        tpu.enqueue_dma source(%dma_start3A_169 : memref<272xi32, #tpu.memory_space<hbm>>) target(%arg12 : memref<272xi32, #tpu.memory_space<vmem>>) target_semaphore(%run_scoped3A : memref<!tpu.dma_semaphore, #tpu.memory_space<semaphore_mem>>)
        %dma_wait3A_170 = tpu.memref_slice %arg3[%add3A_155] : memref<320000xi32, #tpu.memory_space<hbm>> -> memref<272xi32, #tpu.memory_space<hbm>>
        %dma_wait3A_171 = tpu.memref_slice %arg3[%add3A_155] : memref<320000xi32, #tpu.memory_space<hbm>> -> memref<272xi32, #tpu.memory_space<hbm>>
        tpu.wait_dma2 semaphore(%run_scoped3A : memref<!tpu.dma_semaphore, #tpu.memory_space<semaphore_mem>>) src(%dma_wait3A_171 : memref<272xi32, #tpu.memory_space<hbm>>) dst(%arg12 : memref<272xi32, #tpu.memory_space<vmem>>)
        tpu.yield
      }) : () -> ()
      "tpu.region"() ({
        %run_scoped3A = tpu.sem_alloc : memref<!tpu.dma_semaphore, #tpu.memory_space<semaphore_mem>>
        %dma_start3A_168 = tpu.memref_slice %arg4[%add3A_155] : memref<320000xi32, #tpu.memory_space<hbm>> -> memref<272xi32, #tpu.memory_space<hbm>>
        %dma_start3A_169 = tpu.memref_slice %arg4[%add3A_155] : memref<320000xi32, #tpu.memory_space<hbm>> -> memref<272xi32, #tpu.memory_space<hbm>>
        tpu.enqueue_dma source(%dma_start3A_169 : memref<272xi32, #tpu.memory_space<hbm>>) target(%arg13 : memref<272xi32, #tpu.memory_space<vmem>>) target_semaphore(%run_scoped3A : memref<!tpu.dma_semaphore, #tpu.memory_space<semaphore_mem>>)
        %dma_wait3A_170 = tpu.memref_slice %arg4[%add3A_155] : memref<320000xi32, #tpu.memory_space<hbm>> -> memref<272xi32, #tpu.memory_space<hbm>>
        %dma_wait3A_171 = tpu.memref_slice %arg4[%add3A_155] : memref<320000xi32, #tpu.memory_space<hbm>> -> memref<272xi32, #tpu.memory_space<hbm>>
        tpu.wait_dma2 semaphore(%run_scoped3A : memref<!tpu.dma_semaphore, #tpu.memory_space<semaphore_mem>>) src(%dma_wait3A_171 : memref<272xi32, #tpu.memory_space<hbm>>) dst(%arg13 : memref<272xi32, #tpu.memory_space<vmem>>)
        tpu.yield
      }) : () -> ()
      %dma_start3A_156 = arith.constant 0 : i32
      %dma_start3A_157 = arith.constant 0 : i32
      %dma_start3A_158 = tpu.memref_slice %arg2[%dma_start3A_156, %dma_start3A_157] : memref<10240x64xf32, #tpu.memory_space<hbm>> -> memref<10240x64xf32, #tpu.memory_space<hbm>>
      tpu.enqueue_indirect_dma source(%dma_start3A_158 : memref<10240x64xf32, #tpu.memory_space<hbm>>) target(%arg14 : memref<272x64xf32, #tpu.memory_space<vmem>>) offsets(%arg12 : memref<272xi32, #tpu.memory_space<vmem>>) semaphore(%arg22 : memref<!tpu.dma_semaphore, #tpu.memory_space<semaphore_mem>>)
      %add3A_159 = arith.constant 1 : i32
      %add3A_160 = arith.addi %mul3A_108, %add3A_159 : i32
      %dma_wait3A_161 = arith.constant 0 : i32
      %dma_wait3A_162 = arith.constant 0 : i32
      %dma_wait3A_163 = tpu.memref_slice %arg2[%dma_wait3A_161, %dma_wait3A_162] : memref<10240x64xf32, #tpu.memory_space<hbm>> -> memref<10240x64xf32, #tpu.memory_space<hbm>>
      tpu.wait_indirect_dma semaphore(%arg21 : memref<!tpu.dma_semaphore, #tpu.memory_space<semaphore_mem>>) src(%dma_wait3A_163 : memref<10240x64xf32, #tpu.memory_space<hbm>>) dst(%arg11 : memref<272x64xf32, #tpu.memory_space<vmem>>)
      %dma_start3A_164 = arith.constant 0 : i32
      %dma_start3A_165 = arith.constant 0 : i32
      %dma_start3A_166 = tpu.memref_slice %arg19[%dma_start3A_164, %dma_start3A_165] : memref<10240x64xf32, #tpu.memory_space<vmem_shared>> -> memref<10240x64xf32, #tpu.memory_space<vmem_shared>>
      tpu.enqueue_indirect_dma source(%arg11 : memref<272x64xf32, #tpu.memory_space<vmem>>) target(%dma_start3A_166 : memref<10240x64xf32, #tpu.memory_space<vmem_shared>>) offsets(%arg10 : memref<272xi32, #tpu.memory_space<vmem>>) semaphore(%arg24 : memref<!tpu.dma_semaphore, #tpu.memory_space<semaphore_mem>>) {add = true}
      %scan3A_167 = arith.constant 0 : i32
      scf.yield %scan3A_167 : i32
    }
    %scan3A_46 = arith.constant 11 : i32
    %dma_wait3A_47 = arith.constant 0 : i32
    %dma_wait3A_48 = arith.constant 0 : i32
    %dma_wait3A_49 = tpu.memref_slice %arg2[%dma_wait3A_47, %dma_wait3A_48] : memref<10240x64xf32, #tpu.memory_space<hbm>> -> memref<10240x64xf32, #tpu.memory_space<hbm>>
    tpu.wait_indirect_dma semaphore(%arg22 : memref<!tpu.dma_semaphore, #tpu.memory_space<semaphore_mem>>) src(%dma_wait3A_49 : memref<10240x64xf32, #tpu.memory_space<hbm>>) dst(%arg14 : memref<272x64xf32, #tpu.memory_space<vmem>>)
    %dma_start3A_50 = arith.constant 0 : i32
    %dma_start3A_51 = arith.constant 0 : i32
    %dma_start3A_52 = tpu.memref_slice %arg19[%dma_start3A_50, %dma_start3A_51] : memref<10240x64xf32, #tpu.memory_space<vmem_shared>> -> memref<10240x64xf32, #tpu.memory_space<vmem_shared>>
    tpu.enqueue_indirect_dma source(%arg14 : memref<272x64xf32, #tpu.memory_space<vmem>>) target(%dma_start3A_52 : memref<10240x64xf32, #tpu.memory_space<vmem_shared>>) offsets(%arg13 : memref<272xi32, #tpu.memory_space<vmem>>) semaphore(%arg25 : memref<!tpu.dma_semaphore, #tpu.memory_space<semaphore_mem>>) {add = true}
    %dma_wait3A_53 = arith.constant 0 : i32
    %dma_wait3A_54 = arith.constant 0 : i32
    %dma_wait3A_55 = tpu.memref_slice %arg19[%dma_wait3A_53, %dma_wait3A_54] : memref<10240x64xf32, #tpu.memory_space<vmem_shared>> -> memref<10240x64xf32, #tpu.memory_space<vmem_shared>>
    tpu.wait_indirect_dma semaphore(%arg23 : memref<!tpu.dma_semaphore, #tpu.memory_space<semaphore_mem>>) src(%arg8 : memref<272x64xf32, #tpu.memory_space<vmem>>) dst(%dma_wait3A_55 : memref<10240x64xf32, #tpu.memory_space<vmem_shared>>)
    %dma_wait3A_56 = arith.constant 0 : i32
    %dma_wait3A_57 = arith.constant 0 : i32
    %dma_wait3A_58 = tpu.memref_slice %arg19[%dma_wait3A_56, %dma_wait3A_57] : memref<10240x64xf32, #tpu.memory_space<vmem_shared>> -> memref<10240x64xf32, #tpu.memory_space<vmem_shared>>
    tpu.wait_indirect_dma semaphore(%arg24 : memref<!tpu.dma_semaphore, #tpu.memory_space<semaphore_mem>>) src(%arg11 : memref<272x64xf32, #tpu.memory_space<vmem>>) dst(%dma_wait3A_58 : memref<10240x64xf32, #tpu.memory_space<vmem_shared>>)
    %dma_wait3A_59 = arith.constant 0 : i32
    %dma_wait3A_60 = arith.constant 0 : i32
    %dma_wait3A_61 = tpu.memref_slice %arg19[%dma_wait3A_59, %dma_wait3A_60] : memref<10240x64xf32, #tpu.memory_space<vmem_shared>> -> memref<10240x64xf32, #tpu.memory_space<vmem_shared>>
    tpu.wait_indirect_dma semaphore(%arg25 : memref<!tpu.dma_semaphore, #tpu.memory_space<semaphore_mem>>) src(%arg14 : memref<272x64xf32, #tpu.memory_space<vmem>>) dst(%dma_wait3A_61 : memref<10240x64xf32, #tpu.memory_space<vmem_shared>>)
    %mul3A_62 = arith.constant 10000 : i32
    %mul3A_63 = arith.muli %add3A, %mul3A_62 : i32
    %add3A_64 = arith.constant 9792 : i32
    %add3A_65 = arith.addi %mul3A_63, %add3A_64 : i32
    "tpu.region"() ({
      %run_scoped3A = tpu.sem_alloc : memref<!tpu.dma_semaphore, #tpu.memory_space<semaphore_mem>>
      %dma_start3A_105 = tpu.memref_slice %arg3[%add3A_65] : memref<320000xi32, #tpu.memory_space<hbm>> -> memref<104xi32, #tpu.memory_space<hbm>>
      %dma_start3A_106 = tpu.memref_slice %arg3[%add3A_65] : memref<320000xi32, #tpu.memory_space<hbm>> -> memref<104xi32, #tpu.memory_space<hbm>>
      tpu.enqueue_dma source(%dma_start3A_106 : memref<104xi32, #tpu.memory_space<hbm>>) target(%arg15 : memref<104xi32, #tpu.memory_space<vmem>>) target_semaphore(%run_scoped3A : memref<!tpu.dma_semaphore, #tpu.memory_space<semaphore_mem>>)
      %dma_wait3A_107 = tpu.memref_slice %arg3[%add3A_65] : memref<320000xi32, #tpu.memory_space<hbm>> -> memref<104xi32, #tpu.memory_space<hbm>>
      %dma_wait3A_108 = tpu.memref_slice %arg3[%add3A_65] : memref<320000xi32, #tpu.memory_space<hbm>> -> memref<104xi32, #tpu.memory_space<hbm>>
      tpu.wait_dma2 semaphore(%run_scoped3A : memref<!tpu.dma_semaphore, #tpu.memory_space<semaphore_mem>>) src(%dma_wait3A_108 : memref<104xi32, #tpu.memory_space<hbm>>) dst(%arg15 : memref<104xi32, #tpu.memory_space<vmem>>)
      tpu.yield
    }) : () -> ()
    "tpu.region"() ({
      %run_scoped3A = tpu.sem_alloc : memref<!tpu.dma_semaphore, #tpu.memory_space<semaphore_mem>>
      %dma_start3A_105 = tpu.memref_slice %arg4[%add3A_65] : memref<320000xi32, #tpu.memory_space<hbm>> -> memref<104xi32, #tpu.memory_space<hbm>>
      %dma_start3A_106 = tpu.memref_slice %arg4[%add3A_65] : memref<320000xi32, #tpu.memory_space<hbm>> -> memref<104xi32, #tpu.memory_space<hbm>>
      tpu.enqueue_dma source(%dma_start3A_106 : memref<104xi32, #tpu.memory_space<hbm>>) target(%arg17 : memref<104xi32, #tpu.memory_space<vmem>>) target_semaphore(%run_scoped3A : memref<!tpu.dma_semaphore, #tpu.memory_space<semaphore_mem>>)
      %dma_wait3A_107 = tpu.memref_slice %arg4[%add3A_65] : memref<320000xi32, #tpu.memory_space<hbm>> -> memref<104xi32, #tpu.memory_space<hbm>>
      %dma_wait3A_108 = tpu.memref_slice %arg4[%add3A_65] : memref<320000xi32, #tpu.memory_space<hbm>> -> memref<104xi32, #tpu.memory_space<hbm>>
      tpu.wait_dma2 semaphore(%run_scoped3A : memref<!tpu.dma_semaphore, #tpu.memory_space<semaphore_mem>>) src(%dma_wait3A_108 : memref<104xi32, #tpu.memory_space<hbm>>) dst(%arg17 : memref<104xi32, #tpu.memory_space<vmem>>)
      tpu.yield
    }) : () -> ()
    %dma_start3A_66 = arith.constant 0 : i32
    %dma_start3A_67 = arith.constant 0 : i32
    %dma_start3A_68 = tpu.memref_slice %arg8[%dma_start3A_66, %dma_start3A_67] : memref<272x64xf32, #tpu.memory_space<vmem>> -> memref<104x64xf32, #tpu.memory_space<vmem>>
    %dma_start3A_69 = arith.constant 0 : i32
    %dma_start3A_70 = arith.constant 0 : i32
    %dma_start3A_71 = tpu.memref_slice %arg2[%dma_start3A_69, %dma_start3A_70] : memref<10240x64xf32, #tpu.memory_space<hbm>> -> memref<10240x64xf32, #tpu.memory_space<hbm>>
    tpu.enqueue_indirect_dma source(%dma_start3A_71 : memref<10240x64xf32, #tpu.memory_space<hbm>>) target(%dma_start3A_68 : memref<104x64xf32, #tpu.memory_space<vmem>>) offsets(%arg15 : memref<104xi32, #tpu.memory_space<vmem>>) semaphore(%arg20 : memref<!tpu.dma_semaphore, #tpu.memory_space<semaphore_mem>>)
    %dma_wait3A_72 = arith.constant 0 : i32
    %dma_wait3A_73 = arith.constant 0 : i32
    %dma_wait3A_74 = tpu.memref_slice %arg8[%dma_wait3A_72, %dma_wait3A_73] : memref<272x64xf32, #tpu.memory_space<vmem>> -> memref<104x64xf32, #tpu.memory_space<vmem>>
    %dma_wait3A_75 = arith.constant 0 : i32
    %dma_wait3A_76 = arith.constant 0 : i32
    %dma_wait3A_77 = tpu.memref_slice %arg2[%dma_wait3A_75, %dma_wait3A_76] : memref<10240x64xf32, #tpu.memory_space<hbm>> -> memref<10240x64xf32, #tpu.memory_space<hbm>>
    tpu.wait_indirect_dma semaphore(%arg20 : memref<!tpu.dma_semaphore, #tpu.memory_space<semaphore_mem>>) src(%dma_wait3A_77 : memref<10240x64xf32, #tpu.memory_space<hbm>>) dst(%dma_wait3A_74 : memref<104x64xf32, #tpu.memory_space<vmem>>)
    "tpu.region"() ({
      %run_scoped3A = tpu.sem_alloc : memref<!tpu.dma_semaphore, #tpu.memory_space<semaphore_mem>>
      %dma_start3A_105 = arith.constant 0 : i32
      %dma_start3A_106 = arith.constant 0 : i32
      %dma_start3A_107 = tpu.memref_slice %arg8[%dma_start3A_105, %dma_start3A_106] : memref<272x64xf32, #tpu.memory_space<vmem>> -> memref<104x64xf32, #tpu.memory_space<vmem>>
      %dma_start3A_108 = arith.constant 0 : i32
      %dma_start3A_109 = arith.constant 0 : i32
      %dma_start3A_110 = tpu.memref_slice %arg19[%dma_start3A_108, %dma_start3A_109] : memref<10240x64xf32, #tpu.memory_space<vmem_shared>> -> memref<10240x64xf32, #tpu.memory_space<vmem_shared>>
      tpu.enqueue_indirect_dma source(%dma_start3A_107 : memref<104x64xf32, #tpu.memory_space<vmem>>) target(%dma_start3A_110 : memref<10240x64xf32, #tpu.memory_space<vmem_shared>>) offsets(%arg17 : memref<104xi32, #tpu.memory_space<vmem>>) semaphore(%run_scoped3A : memref<!tpu.dma_semaphore, #tpu.memory_space<semaphore_mem>>) {add = true}
      %dma_wait3A_111 = arith.constant 0 : i32
      %dma_wait3A_112 = arith.constant 0 : i32
      %dma_wait3A_113 = tpu.memref_slice %arg8[%dma_wait3A_111, %dma_wait3A_112] : memref<272x64xf32, #tpu.memory_space<vmem>> -> memref<104x64xf32, #tpu.memory_space<vmem>>
      %dma_wait3A_114 = arith.constant 0 : i32
      %dma_wait3A_115 = arith.constant 0 : i32
      %dma_wait3A_116 = tpu.memref_slice %arg19[%dma_wait3A_114, %dma_wait3A_115] : memref<10240x64xf32, #tpu.memory_space<vmem_shared>> -> memref<10240x64xf32, #tpu.memory_space<vmem_shared>>
      tpu.wait_indirect_dma semaphore(%run_scoped3A : memref<!tpu.dma_semaphore, #tpu.memory_space<semaphore_mem>>) src(%dma_wait3A_113 : memref<104x64xf32, #tpu.memory_space<vmem>>) dst(%dma_wait3A_116 : memref<10240x64xf32, #tpu.memory_space<vmem_shared>>)
      tpu.yield
    }) : () -> ()
    %mul3A_78 = arith.constant 10000 : i32
    %mul3A_79 = arith.muli %add3A, %mul3A_78 : i32
    %add3A_80 = arith.constant 9896 : i32
    %add3A_81 = arith.addi %mul3A_79, %add3A_80 : i32
    "tpu.region"() ({
      %run_scoped3A = tpu.sem_alloc : memref<!tpu.dma_semaphore, #tpu.memory_space<semaphore_mem>>
      %dma_start3A_105 = tpu.memref_slice %arg3[%add3A_81] : memref<320000xi32, #tpu.memory_space<hbm>> -> memref<104xi32, #tpu.memory_space<hbm>>
      %dma_start3A_106 = tpu.memref_slice %arg3[%add3A_81] : memref<320000xi32, #tpu.memory_space<hbm>> -> memref<104xi32, #tpu.memory_space<hbm>>
      tpu.enqueue_dma source(%dma_start3A_106 : memref<104xi32, #tpu.memory_space<hbm>>) target(%arg16 : memref<104xi32, #tpu.memory_space<vmem>>) target_semaphore(%run_scoped3A : memref<!tpu.dma_semaphore, #tpu.memory_space<semaphore_mem>>)
      %dma_wait3A_107 = tpu.memref_slice %arg3[%add3A_81] : memref<320000xi32, #tpu.memory_space<hbm>> -> memref<104xi32, #tpu.memory_space<hbm>>
      %dma_wait3A_108 = tpu.memref_slice %arg3[%add3A_81] : memref<320000xi32, #tpu.memory_space<hbm>> -> memref<104xi32, #tpu.memory_space<hbm>>
      tpu.wait_dma2 semaphore(%run_scoped3A : memref<!tpu.dma_semaphore, #tpu.memory_space<semaphore_mem>>) src(%dma_wait3A_108 : memref<104xi32, #tpu.memory_space<hbm>>) dst(%arg16 : memref<104xi32, #tpu.memory_space<vmem>>)
      tpu.yield
    }) : () -> ()
    "tpu.region"() ({
      %run_scoped3A = tpu.sem_alloc : memref<!tpu.dma_semaphore, #tpu.memory_space<semaphore_mem>>
      %dma_start3A_105 = tpu.memref_slice %arg4[%add3A_81] : memref<320000xi32, #tpu.memory_space<hbm>> -> memref<104xi32, #tpu.memory_space<hbm>>
      %dma_start3A_106 = tpu.memref_slice %arg4[%add3A_81] : memref<320000xi32, #tpu.memory_space<hbm>> -> memref<104xi32, #tpu.memory_space<hbm>>
      tpu.enqueue_dma source(%dma_start3A_106 : memref<104xi32, #tpu.memory_space<hbm>>) target(%arg18 : memref<104xi32, #tpu.memory_space<vmem>>) target_semaphore(%run_scoped3A : memref<!tpu.dma_semaphore, #tpu.memory_space<semaphore_mem>>)
      %dma_wait3A_107 = tpu.memref_slice %arg4[%add3A_81] : memref<320000xi32, #tpu.memory_space<hbm>> -> memref<104xi32, #tpu.memory_space<hbm>>
      %dma_wait3A_108 = tpu.memref_slice %arg4[%add3A_81] : memref<320000xi32, #tpu.memory_space<hbm>> -> memref<104xi32, #tpu.memory_space<hbm>>
      tpu.wait_dma2 semaphore(%run_scoped3A : memref<!tpu.dma_semaphore, #tpu.memory_space<semaphore_mem>>) src(%dma_wait3A_108 : memref<104xi32, #tpu.memory_space<hbm>>) dst(%arg18 : memref<104xi32, #tpu.memory_space<vmem>>)
      tpu.yield
    }) : () -> ()
    %dma_start3A_82 = arith.constant 0 : i32
    %dma_start3A_83 = arith.constant 0 : i32
    %dma_start3A_84 = tpu.memref_slice %arg11[%dma_start3A_82, %dma_start3A_83] : memref<272x64xf32, #tpu.memory_space<vmem>> -> memref<104x64xf32, #tpu.memory_space<vmem>>
    %dma_start3A_85 = arith.constant 0 : i32
    %dma_start3A_86 = arith.constant 0 : i32
    %dma_start3A_87 = tpu.memref_slice %arg2[%dma_start3A_85, %dma_start3A_86] : memref<10240x64xf32, #tpu.memory_space<hbm>> -> memref<10240x64xf32, #tpu.memory_space<hbm>>
    tpu.enqueue_indirect_dma source(%dma_start3A_87 : memref<10240x64xf32, #tpu.memory_space<hbm>>) target(%dma_start3A_84 : memref<104x64xf32, #tpu.memory_space<vmem>>) offsets(%arg16 : memref<104xi32, #tpu.memory_space<vmem>>) semaphore(%arg20 : memref<!tpu.dma_semaphore, #tpu.memory_space<semaphore_mem>>)
    %dma_wait3A_88 = arith.constant 0 : i32
    %dma_wait3A_89 = arith.constant 0 : i32
    %dma_wait3A_90 = tpu.memref_slice %arg11[%dma_wait3A_88, %dma_wait3A_89] : memref<272x64xf32, #tpu.memory_space<vmem>> -> memref<104x64xf32, #tpu.memory_space<vmem>>
    %dma_wait3A_91 = arith.constant 0 : i32
    %dma_wait3A_92 = arith.constant 0 : i32
    %dma_wait3A_93 = tpu.memref_slice %arg2[%dma_wait3A_91, %dma_wait3A_92] : memref<10240x64xf32, #tpu.memory_space<hbm>> -> memref<10240x64xf32, #tpu.memory_space<hbm>>
    tpu.wait_indirect_dma semaphore(%arg20 : memref<!tpu.dma_semaphore, #tpu.memory_space<semaphore_mem>>) src(%dma_wait3A_93 : memref<10240x64xf32, #tpu.memory_space<hbm>>) dst(%dma_wait3A_90 : memref<104x64xf32, #tpu.memory_space<vmem>>)
    "tpu.region"() ({
      %run_scoped3A = tpu.sem_alloc : memref<!tpu.dma_semaphore, #tpu.memory_space<semaphore_mem>>
      %dma_start3A_105 = arith.constant 0 : i32
      %dma_start3A_106 = arith.constant 0 : i32
      %dma_start3A_107 = tpu.memref_slice %arg11[%dma_start3A_105, %dma_start3A_106] : memref<272x64xf32, #tpu.memory_space<vmem>> -> memref<104x64xf32, #tpu.memory_space<vmem>>
      %dma_start3A_108 = arith.constant 0 : i32
      %dma_start3A_109 = arith.constant 0 : i32
      %dma_start3A_110 = tpu.memref_slice %arg19[%dma_start3A_108, %dma_start3A_109] : memref<10240x64xf32, #tpu.memory_space<vmem_shared>> -> memref<10240x64xf32, #tpu.memory_space<vmem_shared>>
      tpu.enqueue_indirect_dma source(%dma_start3A_107 : memref<104x64xf32, #tpu.memory_space<vmem>>) target(%dma_start3A_110 : memref<10240x64xf32, #tpu.memory_space<vmem_shared>>) offsets(%arg18 : memref<104xi32, #tpu.memory_space<vmem>>) semaphore(%run_scoped3A : memref<!tpu.dma_semaphore, #tpu.memory_space<semaphore_mem>>) {add = true}
      %dma_wait3A_111 = arith.constant 0 : i32
      %dma_wait3A_112 = arith.constant 0 : i32
      %dma_wait3A_113 = tpu.memref_slice %arg11[%dma_wait3A_111, %dma_wait3A_112] : memref<272x64xf32, #tpu.memory_space<vmem>> -> memref<104x64xf32, #tpu.memory_space<vmem>>
      %dma_wait3A_114 = arith.constant 0 : i32
      %dma_wait3A_115 = arith.constant 0 : i32
      %dma_wait3A_116 = tpu.memref_slice %arg19[%dma_wait3A_114, %dma_wait3A_115] : memref<10240x64xf32, #tpu.memory_space<vmem_shared>> -> memref<10240x64xf32, #tpu.memory_space<vmem_shared>>
      tpu.wait_indirect_dma semaphore(%run_scoped3A : memref<!tpu.dma_semaphore, #tpu.memory_space<semaphore_mem>>) src(%dma_wait3A_113 : memref<104x64xf32, #tpu.memory_space<vmem>>) dst(%dma_wait3A_116 : memref<10240x64xf32, #tpu.memory_space<vmem_shared>>)
      tpu.yield
    }) : () -> ()
    %barrier3A_94 = arith.constant 0 : index
    tpu.barrier barrier_id(%barrier3A_94)
    %eq3A_95 = arith.constant 0 : i32
    %eq3A_96 = arith.cmpi eq, %arg0, %eq3A_95 : i32
    %convert_element_type3A_97 = arith.extui %eq3A_96 : i1 to i32
    %cond3A_98 = arith.constant 0 : i32
    %cond3A_99 = arith.cmpi ne, %convert_element_type3A_97, %cond3A_98 : i32
    scf.if %cond3A_99 {
      %run_scoped3A = arith.constant 0 : i32
      "tpu.region"() ({
        %run_scoped3A_105 = tpu.sem_alloc : memref<!tpu.dma_semaphore, #tpu.memory_space<semaphore_mem>>
        %dma_start3A_106 = arith.constant 0 : i32
        %dma_start3A_107 = tpu.memref_slice %arg5[%run_scoped3A, %mul3A_2, %dma_start3A_106] : memref<2x10240x64xf32, #tpu.memory_space<hbm>> -> memref<1x640x64xf32, #tpu.memory_space<hbm>>
        %dma_start3A_108 = tpu.memref_squeeze %dma_start3A_107 : memref<1x640x64xf32, #tpu.memory_space<hbm>> -> memref<640x64xf32, #tpu.memory_space<hbm>>
        %dma_start3A_109 = arith.constant 0 : i32
        %dma_start3A_110 = tpu.memref_slice %arg19[%mul3A_2, %dma_start3A_109] : memref<10240x64xf32, #tpu.memory_space<vmem_shared>> -> memref<640x64xf32, #tpu.memory_space<vmem_shared>>
        tpu.enqueue_dma source(%dma_start3A_110 : memref<640x64xf32, #tpu.memory_space<vmem_shared>>) target(%dma_start3A_108 : memref<640x64xf32, #tpu.memory_space<hbm>>) target_semaphore(%run_scoped3A_105 : memref<!tpu.dma_semaphore, #tpu.memory_space<semaphore_mem>>)
        %dma_wait3A_111 = arith.constant 0 : i32
        %dma_wait3A_112 = tpu.memref_slice %arg5[%run_scoped3A, %mul3A_2, %dma_wait3A_111] : memref<2x10240x64xf32, #tpu.memory_space<hbm>> -> memref<1x640x64xf32, #tpu.memory_space<hbm>>
        %dma_wait3A_113 = tpu.memref_squeeze %dma_wait3A_112 : memref<1x640x64xf32, #tpu.memory_space<hbm>> -> memref<640x64xf32, #tpu.memory_space<hbm>>
        %dma_wait3A_114 = arith.constant 0 : i32
        %dma_wait3A_115 = tpu.memref_slice %arg19[%mul3A_2, %dma_wait3A_114] : memref<10240x64xf32, #tpu.memory_space<vmem_shared>> -> memref<640x64xf32, #tpu.memory_space<vmem_shared>>
        tpu.wait_dma2 semaphore(%run_scoped3A_105 : memref<!tpu.dma_semaphore, #tpu.memory_space<semaphore_mem>>) src(%dma_wait3A_115 : memref<640x64xf32, #tpu.memory_space<vmem_shared>>) dst(%dma_wait3A_113 : memref<640x64xf32, #tpu.memory_space<hbm>>)
        tpu.yield
      }) : () -> ()
    } else {
    }
    %eq3A_100 = arith.constant 1 : i32
    %eq3A_101 = arith.cmpi eq, %arg0, %eq3A_100 : i32
    %convert_element_type3A_102 = arith.extui %eq3A_101 : i1 to i32
    %cond3A_103 = arith.constant 0 : i32
    %cond3A_104 = arith.cmpi ne, %convert_element_type3A_102, %cond3A_103 : i32
    scf.if %cond3A_104 {
      %run_scoped3A = arith.constant 1 : i32
      "tpu.region"() ({
        %run_scoped3A_105 = tpu.sem_alloc : memref<!tpu.dma_semaphore, #tpu.memory_space<semaphore_mem>>
        %dma_start3A_106 = arith.constant 0 : i32
        %dma_start3A_107 = tpu.memref_slice %arg5[%run_scoped3A, %mul3A_2, %dma_start3A_106] : memref<2x10240x64xf32, #tpu.memory_space<hbm>> -> memref<1x640x64xf32, #tpu.memory_space<hbm>>
        %dma_start3A_108 = tpu.memref_squeeze %dma_start3A_107 : memref<1x640x64xf32, #tpu.memory_space<hbm>> -> memref<640x64xf32, #tpu.memory_space<hbm>>
        %dma_start3A_109 = arith.constant 0 : i32
        %dma_start3A_110 = tpu.memref_slice %arg19[%mul3A_2, %dma_start3A_109] : memref<10240x64xf32, #tpu.memory_space<vmem_shared>> -> memref<640x64xf32, #tpu.memory_space<vmem_shared>>
        tpu.enqueue_dma source(%dma_start3A_110 : memref<640x64xf32, #tpu.memory_space<vmem_shared>>) target(%dma_start3A_108 : memref<640x64xf32, #tpu.memory_space<hbm>>) target_semaphore(%run_scoped3A_105 : memref<!tpu.dma_semaphore, #tpu.memory_space<semaphore_mem>>)
        %dma_wait3A_111 = arith.constant 0 : i32
        %dma_wait3A_112 = tpu.memref_slice %arg5[%run_scoped3A, %mul3A_2, %dma_wait3A_111] : memref<2x10240x64xf32, #tpu.memory_space<hbm>> -> memref<1x640x64xf32, #tpu.memory_space<hbm>>
        %dma_wait3A_113 = tpu.memref_squeeze %dma_wait3A_112 : memref<1x640x64xf32, #tpu.memory_space<hbm>> -> memref<640x64xf32, #tpu.memory_space<hbm>>
        %dma_wait3A_114 = arith.constant 0 : i32
        %dma_wait3A_115 = tpu.memref_slice %arg19[%mul3A_2, %dma_wait3A_114] : memref<10240x64xf32, #tpu.memory_space<vmem_shared>> -> memref<640x64xf32, #tpu.memory_space<vmem_shared>>
        tpu.wait_dma2 semaphore(%run_scoped3A_105 : memref<!tpu.dma_semaphore, #tpu.memory_space<semaphore_mem>>) src(%dma_wait3A_115 : memref<640x64xf32, #tpu.memory_space<vmem_shared>>) dst(%dma_wait3A_113 : memref<640x64xf32, #tpu.memory_space<hbm>>)
        tpu.yield
      }) : () -> ()
    } else {
    }
    return
  }
}

#map = affine_map<(d0, d1) -> (0, 0)>
#map1 = affine_map<(d0, d1) -> (0)>
#map2 = affine_map<(d0, d1) -> (0, 0, 0)>
module attributes {stable_mosaic.version = 14 : i64} {
  func.func @k(%arg0: i32, %arg1: i32, %arg2: memref<10240x32xf32, #tpu.memory_space<hbm>>, %arg3: memref<320000xi32, #tpu.memory_space<hbm>>, %arg4: memref<320000xi32, #tpu.memory_space<hbm>>, %arg5: memref<2x10240x32xf32, #tpu.memory_space<hbm>>, %arg6: memref<536xi32, #tpu.memory_space<vmem>>, %arg7: memref<536xi32, #tpu.memory_space<vmem>>, %arg8: memref<536x32xf32, #tpu.memory_space<vmem>>, %arg9: memref<536xi32, #tpu.memory_space<vmem>>, %arg10: memref<536xi32, #tpu.memory_space<vmem>>, %arg11: memref<536x32xf32, #tpu.memory_space<vmem>>, %arg12: memref<536xi32, #tpu.memory_space<vmem>>, %arg13: memref<536xi32, #tpu.memory_space<vmem>>, %arg14: memref<536x32xf32, #tpu.memory_space<vmem>>, %arg15: memref<176xi32, #tpu.memory_space<vmem>>, %arg16: memref<176xi32, #tpu.memory_space<vmem>>, %arg17: memref<176xi32, #tpu.memory_space<vmem>>, %arg18: memref<176xi32, #tpu.memory_space<vmem>>, %arg19: memref<10240x32xf32, #tpu.memory_space<vmem_shared>>, %arg20: memref<!tpu.dma_semaphore, #tpu.memory_space<semaphore_mem>>, %arg21: memref<!tpu.dma_semaphore, #tpu.memory_space<semaphore_mem>>, %arg22: memref<!tpu.dma_semaphore, #tpu.memory_space<semaphore_mem>>, %arg23: memref<!tpu.dma_semaphore, #tpu.memory_space<semaphore_mem>>, %arg24: memref<!tpu.dma_semaphore, #tpu.memory_space<semaphore_mem>>, %arg25: memref<!tpu.dma_semaphore, #tpu.memory_space<semaphore_mem>>) attributes {dimension_semantics = [#tpu.dimension_semantics<core_parallel>, #tpu.dimension_semantics<subcore_parallel>], iteration_bounds = array<i64: 2, 16>, scalar_prefetch = 0 : i64, scratch_operands = 20 : i64, tpu.core_type = #tpu.core_type<sc_vector_subcore>, window_params = [{transform_indices = #map}, {transform_indices = #map1}, {transform_indices = #map1}, {transform_indices = #map2}]} {
    %mul3A = arith.constant 2 : i32
    %mul3A_0 = arith.muli %arg1, %mul3A : i32
    %add3A = arith.addi %mul3A_0, %arg0 : i32
    %mul3A_1 = arith.constant 640 : i32
    %mul3A_2 = arith.muli %arg1, %mul3A_1 : i32
    %eq3A = arith.constant 0 : i32
    %eq3A_3 = arith.cmpi eq, %arg0, %eq3A : i32
    %convert_element_type3A = arith.extui %eq3A_3 : i1 to i32
    %cond3A = arith.constant 0 : i32
    %cond3A_4 = arith.cmpi ne, %convert_element_type3A, %cond3A : i32
    scf.if %cond3A_4 {
      "tpu.region"() ({
        %run_scoped3A = tpu.sem_alloc : memref<!tpu.dma_semaphore, #tpu.memory_space<semaphore_mem>>
        %dma_start3A_105 = arith.constant 0 : i32
        %dma_start3A_106 = tpu.memref_slice %arg19[%mul3A_2, %dma_start3A_105] : memref<10240x32xf32, #tpu.memory_space<vmem_shared>> -> memref<640x32xf32, #tpu.memory_space<vmem_shared>>
        %dma_start3A_107 = arith.constant 0 : i32
        %dma_start3A_108 = tpu.memref_slice %arg2[%mul3A_2, %dma_start3A_107] : memref<10240x32xf32, #tpu.memory_space<hbm>> -> memref<640x32xf32, #tpu.memory_space<hbm>>
        tpu.enqueue_dma source(%dma_start3A_108 : memref<640x32xf32, #tpu.memory_space<hbm>>) target(%dma_start3A_106 : memref<640x32xf32, #tpu.memory_space<vmem_shared>>) target_semaphore(%run_scoped3A : memref<!tpu.dma_semaphore, #tpu.memory_space<semaphore_mem>>)
        %dma_wait3A_109 = arith.constant 0 : i32
        %dma_wait3A_110 = tpu.memref_slice %arg19[%mul3A_2, %dma_wait3A_109] : memref<10240x32xf32, #tpu.memory_space<vmem_shared>> -> memref<640x32xf32, #tpu.memory_space<vmem_shared>>
        %dma_wait3A_111 = arith.constant 0 : i32
        %dma_wait3A_112 = tpu.memref_slice %arg2[%mul3A_2, %dma_wait3A_111] : memref<10240x32xf32, #tpu.memory_space<hbm>> -> memref<640x32xf32, #tpu.memory_space<hbm>>
        tpu.wait_dma2 semaphore(%run_scoped3A : memref<!tpu.dma_semaphore, #tpu.memory_space<semaphore_mem>>) src(%dma_wait3A_112 : memref<640x32xf32, #tpu.memory_space<hbm>>) dst(%dma_wait3A_110 : memref<640x32xf32, #tpu.memory_space<vmem_shared>>)
        tpu.yield
      }) : () -> ()
    } else {
    }
    %eq3A_5 = arith.constant 1 : i32
    %eq3A_6 = arith.cmpi eq, %arg0, %eq3A_5 : i32
    %convert_element_type3A_7 = arith.extui %eq3A_6 : i1 to i32
    %cond3A_8 = arith.constant 0 : i32
    %cond3A_9 = arith.cmpi ne, %convert_element_type3A_7, %cond3A_8 : i32
    scf.if %cond3A_9 {
      %scan3A_105 = arith.constant 0 : i32
      %scan3A_106 = arith.constant 0 : i32
      %scan3A_107 = arith.constant 536 : i32
      %scan3A_108 = arith.addi %scan3A_106, %scan3A_107 : i32
      %scan3A_109 = arith.constant 1 : i32
      %scan3A_110 = scf.for %scan3A_116 = %scan3A_106 to %scan3A_108 step %scan3A_109 iter_args(%scan3A_117 = %scan3A_105) -> (i32)  : i32 {
        %broadcast_in_dim3A = arith.constant 0.000000e+00 : f32
        %broadcast_in_dim3A_118 = vector.broadcast %broadcast_in_dim3A : f32 to vector<16xf32>
        %swap3A = arith.index_cast %scan3A_116 : i32 to index
        %swap3A_119 = arith.constant 0 : index
        %swap3A_120 = tpu.vector_load %arg8[%swap3A, %swap3A_119] {strides = array<i32>} : memref<536x32xf32, #tpu.memory_space<vmem>>, vector<1x16xf32>,
        %swap3A_121 = vector.shape_cast %swap3A_120 : vector<1x16xf32> to vector<16xf32>
        %swap3A_122 = vector.shape_cast %broadcast_in_dim3A_118 : vector<16xf32> to vector<1x16xf32>
        tpu.vector_store %arg8[%swap3A, %swap3A_119], %swap3A_122 {strides = array<i32>} : memref<536x32xf32, #tpu.memory_space<vmem>>, vector<1x16xf32>,
        %broadcast_in_dim3A_123 = arith.constant 0.000000e+00 : f32
        %broadcast_in_dim3A_124 = vector.broadcast %broadcast_in_dim3A_123 : f32 to vector<16xf32>
        %swap3A_125 = arith.index_cast %scan3A_116 : i32 to index
        %swap3A_126 = arith.constant 16 : index
        %swap3A_127 = tpu.vector_load %arg8[%swap3A_125, %swap3A_126] {strides = array<i32>} : memref<536x32xf32, #tpu.memory_space<vmem>>, vector<1x16xf32>,
        %swap3A_128 = vector.shape_cast %swap3A_127 : vector<1x16xf32> to vector<16xf32>
        %swap3A_129 = vector.shape_cast %broadcast_in_dim3A_124 : vector<16xf32> to vector<1x16xf32>
        tpu.vector_store %arg8[%swap3A_125, %swap3A_126], %swap3A_129 {strides = array<i32>} : memref<536x32xf32, #tpu.memory_space<vmem>>, vector<1x16xf32>,
        %scan3A_130 = arith.constant 0 : i32
        scf.yield %scan3A_130 : i32
      }
      %scan3A_111 = arith.constant 536 : i32
      %add3A_112 = arith.constant 0 : i32
      %add3A_113 = arith.addi %mul3A_2, %add3A_112 : i32
      "tpu.region"() ({
        %run_scoped3A = tpu.sem_alloc : memref<!tpu.dma_semaphore, #tpu.memory_space<semaphore_mem>>
        %dma_start3A_116 = arith.constant 0 : i32
        %dma_start3A_117 = arith.constant 0 : i32
        %dma_start3A_118 = tpu.memref_slice %arg8[%dma_start3A_116, %dma_start3A_117] : memref<536x32xf32, #tpu.memory_space<vmem>> -> memref<536x32xf32, #tpu.memory_space<vmem>>
        %dma_start3A_119 = arith.constant 0 : i32
        %dma_start3A_120 = tpu.memref_slice %arg19[%add3A_113, %dma_start3A_119] : memref<10240x32xf32, #tpu.memory_space<vmem_shared>> -> memref<536x32xf32, #tpu.memory_space<vmem_shared>>
        %dma_start3A_121 = arith.constant 0 : i32
        %dma_start3A_122 = tpu.memref_slice %arg19[%add3A_113, %dma_start3A_121] : memref<10240x32xf32, #tpu.memory_space<vmem_shared>> -> memref<536x32xf32, #tpu.memory_space<vmem_shared>>
        %dma_start3A_123 = arith.constant 0 : i32
        %dma_start3A_124 = arith.constant 0 : i32
        %dma_start3A_125 = tpu.memref_slice %arg8[%dma_start3A_123, %dma_start3A_124] : memref<536x32xf32, #tpu.memory_space<vmem>> -> memref<536x32xf32, #tpu.memory_space<vmem>>
        tpu.enqueue_dma source(%dma_start3A_125 : memref<536x32xf32, #tpu.memory_space<vmem>>) target(%dma_start3A_122 : memref<536x32xf32, #tpu.memory_space<vmem_shared>>) target_semaphore(%run_scoped3A : memref<!tpu.dma_semaphore, #tpu.memory_space<semaphore_mem>>)
        %dma_wait3A_126 = arith.constant 0 : i32
        %dma_wait3A_127 = arith.constant 0 : i32
        %dma_wait3A_128 = tpu.memref_slice %arg8[%dma_wait3A_126, %dma_wait3A_127] : memref<536x32xf32, #tpu.memory_space<vmem>> -> memref<536x32xf32, #tpu.memory_space<vmem>>
        %dma_wait3A_129 = arith.constant 0 : i32
        %dma_wait3A_130 = tpu.memref_slice %arg19[%add3A_113, %dma_wait3A_129] : memref<10240x32xf32, #tpu.memory_space<vmem_shared>> -> memref<536x32xf32, #tpu.memory_space<vmem_shared>>
        %dma_wait3A_131 = arith.constant 0 : i32
        %dma_wait3A_132 = tpu.memref_slice %arg19[%add3A_113, %dma_wait3A_131] : memref<10240x32xf32, #tpu.memory_space<vmem_shared>> -> memref<536x32xf32, #tpu.memory_space<vmem_shared>>
        %dma_wait3A_133 = arith.constant 0 : i32
        %dma_wait3A_134 = arith.constant 0 : i32
        %dma_wait3A_135 = tpu.memref_slice %arg8[%dma_wait3A_133, %dma_wait3A_134] : memref<536x32xf32, #tpu.memory_space<vmem>> -> memref<536x32xf32, #tpu.memory_space<vmem>>
        tpu.wait_dma2 semaphore(%run_scoped3A : memref<!tpu.dma_semaphore, #tpu.memory_space<semaphore_mem>>) src(%dma_wait3A_135 : memref<536x32xf32, #tpu.memory_space<vmem>>) dst(%dma_wait3A_132 : memref<536x32xf32, #tpu.memory_space<vmem_shared>>)
        tpu.yield
      }) : () -> ()
      %add3A_114 = arith.constant 536 : i32
      %add3A_115 = arith.addi %mul3A_2, %add3A_114 : i32
      "tpu.region"() ({
        %run_scoped3A = tpu.sem_alloc : memref<!tpu.dma_semaphore, #tpu.memory_space<semaphore_mem>>
        %dma_start3A_116 = arith.constant 0 : i32
        %dma_start3A_117 = arith.constant 0 : i32
        %dma_start3A_118 = tpu.memref_slice %arg8[%dma_start3A_116, %dma_start3A_117] : memref<536x32xf32, #tpu.memory_space<vmem>> -> memref<104x32xf32, #tpu.memory_space<vmem>>
        %dma_start3A_119 = arith.constant 0 : i32
        %dma_start3A_120 = tpu.memref_slice %arg19[%add3A_115, %dma_start3A_119] : memref<10240x32xf32, #tpu.memory_space<vmem_shared>> -> memref<104x32xf32, #tpu.memory_space<vmem_shared>>
        %dma_start3A_121 = arith.constant 0 : i32
        %dma_start3A_122 = tpu.memref_slice %arg19[%add3A_115, %dma_start3A_121] : memref<10240x32xf32, #tpu.memory_space<vmem_shared>> -> memref<104x32xf32, #tpu.memory_space<vmem_shared>>
        %dma_start3A_123 = arith.constant 0 : i32
        %dma_start3A_124 = arith.constant 0 : i32
        %dma_start3A_125 = tpu.memref_slice %arg8[%dma_start3A_123, %dma_start3A_124] : memref<536x32xf32, #tpu.memory_space<vmem>> -> memref<104x32xf32, #tpu.memory_space<vmem>>
        tpu.enqueue_dma source(%dma_start3A_125 : memref<104x32xf32, #tpu.memory_space<vmem>>) target(%dma_start3A_122 : memref<104x32xf32, #tpu.memory_space<vmem_shared>>) target_semaphore(%run_scoped3A : memref<!tpu.dma_semaphore, #tpu.memory_space<semaphore_mem>>)
        %dma_wait3A_126 = arith.constant 0 : i32
        %dma_wait3A_127 = arith.constant 0 : i32
        %dma_wait3A_128 = tpu.memref_slice %arg8[%dma_wait3A_126, %dma_wait3A_127] : memref<536x32xf32, #tpu.memory_space<vmem>> -> memref<104x32xf32, #tpu.memory_space<vmem>>
        %dma_wait3A_129 = arith.constant 0 : i32
        %dma_wait3A_130 = tpu.memref_slice %arg19[%add3A_115, %dma_wait3A_129] : memref<10240x32xf32, #tpu.memory_space<vmem_shared>> -> memref<104x32xf32, #tpu.memory_space<vmem_shared>>
        %dma_wait3A_131 = arith.constant 0 : i32
        %dma_wait3A_132 = tpu.memref_slice %arg19[%add3A_115, %dma_wait3A_131] : memref<10240x32xf32, #tpu.memory_space<vmem_shared>> -> memref<104x32xf32, #tpu.memory_space<vmem_shared>>
        %dma_wait3A_133 = arith.constant 0 : i32
        %dma_wait3A_134 = arith.constant 0 : i32
        %dma_wait3A_135 = tpu.memref_slice %arg8[%dma_wait3A_133, %dma_wait3A_134] : memref<536x32xf32, #tpu.memory_space<vmem>> -> memref<104x32xf32, #tpu.memory_space<vmem>>
        tpu.wait_dma2 semaphore(%run_scoped3A : memref<!tpu.dma_semaphore, #tpu.memory_space<semaphore_mem>>) src(%dma_wait3A_135 : memref<104x32xf32, #tpu.memory_space<vmem>>) dst(%dma_wait3A_132 : memref<104x32xf32, #tpu.memory_space<vmem_shared>>)
        tpu.yield
      }) : () -> ()
    } else {
    }
    %barrier3A = arith.constant 0 : index
    tpu.barrier barrier_id(%barrier3A)
    %mul3A_10 = arith.constant 10000 : i32
    %mul3A_11 = arith.muli %add3A, %mul3A_10 : i32
    %add3A_12 = arith.constant 0 : i32
    %add3A_13 = arith.addi %mul3A_11, %add3A_12 : i32
    "tpu.region"() ({
      %run_scoped3A = tpu.sem_alloc : memref<!tpu.dma_semaphore, #tpu.memory_space<semaphore_mem>>
      %dma_start3A_105 = tpu.memref_slice %arg3[%add3A_13] : memref<320000xi32, #tpu.memory_space<hbm>> -> memref<536xi32, #tpu.memory_space<hbm>>
      %dma_start3A_106 = tpu.memref_slice %arg3[%add3A_13] : memref<320000xi32, #tpu.memory_space<hbm>> -> memref<536xi32, #tpu.memory_space<hbm>>
      tpu.enqueue_dma source(%dma_start3A_106 : memref<536xi32, #tpu.memory_space<hbm>>) target(%arg6 : memref<536xi32, #tpu.memory_space<vmem>>) target_semaphore(%run_scoped3A : memref<!tpu.dma_semaphore, #tpu.memory_space<semaphore_mem>>)
      %dma_wait3A_107 = tpu.memref_slice %arg3[%add3A_13] : memref<320000xi32, #tpu.memory_space<hbm>> -> memref<536xi32, #tpu.memory_space<hbm>>
      %dma_wait3A_108 = tpu.memref_slice %arg3[%add3A_13] : memref<320000xi32, #tpu.memory_space<hbm>> -> memref<536xi32, #tpu.memory_space<hbm>>
      tpu.wait_dma2 semaphore(%run_scoped3A : memref<!tpu.dma_semaphore, #tpu.memory_space<semaphore_mem>>) src(%dma_wait3A_108 : memref<536xi32, #tpu.memory_space<hbm>>) dst(%arg6 : memref<536xi32, #tpu.memory_space<vmem>>)
      tpu.yield
    }) : () -> ()
    "tpu.region"() ({
      %run_scoped3A = tpu.sem_alloc : memref<!tpu.dma_semaphore, #tpu.memory_space<semaphore_mem>>
      %dma_start3A_105 = tpu.memref_slice %arg4[%add3A_13] : memref<320000xi32, #tpu.memory_space<hbm>> -> memref<536xi32, #tpu.memory_space<hbm>>
      %dma_start3A_106 = tpu.memref_slice %arg4[%add3A_13] : memref<320000xi32, #tpu.memory_space<hbm>> -> memref<536xi32, #tpu.memory_space<hbm>>
      tpu.enqueue_dma source(%dma_start3A_106 : memref<536xi32, #tpu.memory_space<hbm>>) target(%arg7 : memref<536xi32, #tpu.memory_space<vmem>>) target_semaphore(%run_scoped3A : memref<!tpu.dma_semaphore, #tpu.memory_space<semaphore_mem>>)
      %dma_wait3A_107 = tpu.memref_slice %arg4[%add3A_13] : memref<320000xi32, #tpu.memory_space<hbm>> -> memref<536xi32, #tpu.memory_space<hbm>>
      %dma_wait3A_108 = tpu.memref_slice %arg4[%add3A_13] : memref<320000xi32, #tpu.memory_space<hbm>> -> memref<536xi32, #tpu.memory_space<hbm>>
      tpu.wait_dma2 semaphore(%run_scoped3A : memref<!tpu.dma_semaphore, #tpu.memory_space<semaphore_mem>>) src(%dma_wait3A_108 : memref<536xi32, #tpu.memory_space<hbm>>) dst(%arg7 : memref<536xi32, #tpu.memory_space<vmem>>)
      tpu.yield
    }) : () -> ()
    %dma_start3A = arith.constant 0 : i32
    %dma_start3A_14 = arith.constant 0 : i32
    %dma_start3A_15 = tpu.memref_slice %arg2[%dma_start3A, %dma_start3A_14] : memref<10240x32xf32, #tpu.memory_space<hbm>> -> memref<10240x32xf32, #tpu.memory_space<hbm>>
    tpu.enqueue_indirect_dma source(%dma_start3A_15 : memref<10240x32xf32, #tpu.memory_space<hbm>>) target(%arg8 : memref<536x32xf32, #tpu.memory_space<vmem>>) offsets(%arg6 : memref<536xi32, #tpu.memory_space<vmem>>) semaphore(%arg20 : memref<!tpu.dma_semaphore, #tpu.memory_space<semaphore_mem>>)
    %mul3A_16 = arith.constant 10000 : i32
    %mul3A_17 = arith.muli %add3A, %mul3A_16 : i32
    %add3A_18 = arith.constant 536 : i32
    %add3A_19 = arith.addi %mul3A_17, %add3A_18 : i32
    "tpu.region"() ({
      %run_scoped3A = tpu.sem_alloc : memref<!tpu.dma_semaphore, #tpu.memory_space<semaphore_mem>>
      %dma_start3A_105 = tpu.memref_slice %arg3[%add3A_19] : memref<320000xi32, #tpu.memory_space<hbm>> -> memref<536xi32, #tpu.memory_space<hbm>>
      %dma_start3A_106 = tpu.memref_slice %arg3[%add3A_19] : memref<320000xi32, #tpu.memory_space<hbm>> -> memref<536xi32, #tpu.memory_space<hbm>>
      tpu.enqueue_dma source(%dma_start3A_106 : memref<536xi32, #tpu.memory_space<hbm>>) target(%arg9 : memref<536xi32, #tpu.memory_space<vmem>>) target_semaphore(%run_scoped3A : memref<!tpu.dma_semaphore, #tpu.memory_space<semaphore_mem>>)
      %dma_wait3A_107 = tpu.memref_slice %arg3[%add3A_19] : memref<320000xi32, #tpu.memory_space<hbm>> -> memref<536xi32, #tpu.memory_space<hbm>>
      %dma_wait3A_108 = tpu.memref_slice %arg3[%add3A_19] : memref<320000xi32, #tpu.memory_space<hbm>> -> memref<536xi32, #tpu.memory_space<hbm>>
      tpu.wait_dma2 semaphore(%run_scoped3A : memref<!tpu.dma_semaphore, #tpu.memory_space<semaphore_mem>>) src(%dma_wait3A_108 : memref<536xi32, #tpu.memory_space<hbm>>) dst(%arg9 : memref<536xi32, #tpu.memory_space<vmem>>)
      tpu.yield
    }) : () -> ()
    "tpu.region"() ({
      %run_scoped3A = tpu.sem_alloc : memref<!tpu.dma_semaphore, #tpu.memory_space<semaphore_mem>>
      %dma_start3A_105 = tpu.memref_slice %arg4[%add3A_19] : memref<320000xi32, #tpu.memory_space<hbm>> -> memref<536xi32, #tpu.memory_space<hbm>>
      %dma_start3A_106 = tpu.memref_slice %arg4[%add3A_19] : memref<320000xi32, #tpu.memory_space<hbm>> -> memref<536xi32, #tpu.memory_space<hbm>>
      tpu.enqueue_dma source(%dma_start3A_106 : memref<536xi32, #tpu.memory_space<hbm>>) target(%arg10 : memref<536xi32, #tpu.memory_space<vmem>>) target_semaphore(%run_scoped3A : memref<!tpu.dma_semaphore, #tpu.memory_space<semaphore_mem>>)
      %dma_wait3A_107 = tpu.memref_slice %arg4[%add3A_19] : memref<320000xi32, #tpu.memory_space<hbm>> -> memref<536xi32, #tpu.memory_space<hbm>>
      %dma_wait3A_108 = tpu.memref_slice %arg4[%add3A_19] : memref<320000xi32, #tpu.memory_space<hbm>> -> memref<536xi32, #tpu.memory_space<hbm>>
      tpu.wait_dma2 semaphore(%run_scoped3A : memref<!tpu.dma_semaphore, #tpu.memory_space<semaphore_mem>>) src(%dma_wait3A_108 : memref<536xi32, #tpu.memory_space<hbm>>) dst(%arg10 : memref<536xi32, #tpu.memory_space<vmem>>)
      tpu.yield
    }) : () -> ()
    %dma_start3A_20 = arith.constant 0 : i32
    %dma_start3A_21 = arith.constant 0 : i32
    %dma_start3A_22 = tpu.memref_slice %arg2[%dma_start3A_20, %dma_start3A_21] : memref<10240x32xf32, #tpu.memory_space<hbm>> -> memref<10240x32xf32, #tpu.memory_space<hbm>>
    tpu.enqueue_indirect_dma source(%dma_start3A_22 : memref<10240x32xf32, #tpu.memory_space<hbm>>) target(%arg11 : memref<536x32xf32, #tpu.memory_space<vmem>>) offsets(%arg9 : memref<536xi32, #tpu.memory_space<vmem>>) semaphore(%arg21 : memref<!tpu.dma_semaphore, #tpu.memory_space<semaphore_mem>>)
    %dma_wait3A = arith.constant 0 : i32
    %dma_wait3A_23 = arith.constant 0 : i32
    %dma_wait3A_24 = tpu.memref_slice %arg2[%dma_wait3A, %dma_wait3A_23] : memref<10240x32xf32, #tpu.memory_space<hbm>> -> memref<10240x32xf32, #tpu.memory_space<hbm>>
    tpu.wait_indirect_dma semaphore(%arg20 : memref<!tpu.dma_semaphore, #tpu.memory_space<semaphore_mem>>) src(%dma_wait3A_24 : memref<10240x32xf32, #tpu.memory_space<hbm>>) dst(%arg8 : memref<536x32xf32, #tpu.memory_space<vmem>>)
    %dma_start3A_25 = arith.constant 0 : i32
    %dma_start3A_26 = arith.constant 0 : i32
    %dma_start3A_27 = tpu.memref_slice %arg19[%dma_start3A_25, %dma_start3A_26] : memref<10240x32xf32, #tpu.memory_space<vmem_shared>> -> memref<10240x32xf32, #tpu.memory_space<vmem_shared>>
    tpu.enqueue_indirect_dma source(%arg8 : memref<536x32xf32, #tpu.memory_space<vmem>>) target(%dma_start3A_27 : memref<10240x32xf32, #tpu.memory_space<vmem_shared>>) offsets(%arg7 : memref<536xi32, #tpu.memory_space<vmem>>) semaphore(%arg23 : memref<!tpu.dma_semaphore, #tpu.memory_space<semaphore_mem>>) {add = true}
    %mul3A_28 = arith.constant 10000 : i32
    %mul3A_29 = arith.muli %add3A, %mul3A_28 : i32
    %add3A_30 = arith.constant 1072 : i32
    %add3A_31 = arith.addi %mul3A_29, %add3A_30 : i32
    "tpu.region"() ({
      %run_scoped3A = tpu.sem_alloc : memref<!tpu.dma_semaphore, #tpu.memory_space<semaphore_mem>>
      %dma_start3A_105 = tpu.memref_slice %arg3[%add3A_31] : memref<320000xi32, #tpu.memory_space<hbm>> -> memref<536xi32, #tpu.memory_space<hbm>>
      %dma_start3A_106 = tpu.memref_slice %arg3[%add3A_31] : memref<320000xi32, #tpu.memory_space<hbm>> -> memref<536xi32, #tpu.memory_space<hbm>>
      tpu.enqueue_dma source(%dma_start3A_106 : memref<536xi32, #tpu.memory_space<hbm>>) target(%arg12 : memref<536xi32, #tpu.memory_space<vmem>>) target_semaphore(%run_scoped3A : memref<!tpu.dma_semaphore, #tpu.memory_space<semaphore_mem>>)
      %dma_wait3A_107 = tpu.memref_slice %arg3[%add3A_31] : memref<320000xi32, #tpu.memory_space<hbm>> -> memref<536xi32, #tpu.memory_space<hbm>>
      %dma_wait3A_108 = tpu.memref_slice %arg3[%add3A_31] : memref<320000xi32, #tpu.memory_space<hbm>> -> memref<536xi32, #tpu.memory_space<hbm>>
      tpu.wait_dma2 semaphore(%run_scoped3A : memref<!tpu.dma_semaphore, #tpu.memory_space<semaphore_mem>>) src(%dma_wait3A_108 : memref<536xi32, #tpu.memory_space<hbm>>) dst(%arg12 : memref<536xi32, #tpu.memory_space<vmem>>)
      tpu.yield
    }) : () -> ()
    "tpu.region"() ({
      %run_scoped3A = tpu.sem_alloc : memref<!tpu.dma_semaphore, #tpu.memory_space<semaphore_mem>>
      %dma_start3A_105 = tpu.memref_slice %arg4[%add3A_31] : memref<320000xi32, #tpu.memory_space<hbm>> -> memref<536xi32, #tpu.memory_space<hbm>>
      %dma_start3A_106 = tpu.memref_slice %arg4[%add3A_31] : memref<320000xi32, #tpu.memory_space<hbm>> -> memref<536xi32, #tpu.memory_space<hbm>>
      tpu.enqueue_dma source(%dma_start3A_106 : memref<536xi32, #tpu.memory_space<hbm>>) target(%arg13 : memref<536xi32, #tpu.memory_space<vmem>>) target_semaphore(%run_scoped3A : memref<!tpu.dma_semaphore, #tpu.memory_space<semaphore_mem>>)
      %dma_wait3A_107 = tpu.memref_slice %arg4[%add3A_31] : memref<320000xi32, #tpu.memory_space<hbm>> -> memref<536xi32, #tpu.memory_space<hbm>>
      %dma_wait3A_108 = tpu.memref_slice %arg4[%add3A_31] : memref<320000xi32, #tpu.memory_space<hbm>> -> memref<536xi32, #tpu.memory_space<hbm>>
      tpu.wait_dma2 semaphore(%run_scoped3A : memref<!tpu.dma_semaphore, #tpu.memory_space<semaphore_mem>>) src(%dma_wait3A_108 : memref<536xi32, #tpu.memory_space<hbm>>) dst(%arg13 : memref<536xi32, #tpu.memory_space<vmem>>)
      tpu.yield
    }) : () -> ()
    %dma_start3A_32 = arith.constant 0 : i32
    %dma_start3A_33 = arith.constant 0 : i32
    %dma_start3A_34 = tpu.memref_slice %arg2[%dma_start3A_32, %dma_start3A_33] : memref<10240x32xf32, #tpu.memory_space<hbm>> -> memref<10240x32xf32, #tpu.memory_space<hbm>>
    tpu.enqueue_indirect_dma source(%dma_start3A_34 : memref<10240x32xf32, #tpu.memory_space<hbm>>) target(%arg14 : memref<536x32xf32, #tpu.memory_space<vmem>>) offsets(%arg12 : memref<536xi32, #tpu.memory_space<vmem>>) semaphore(%arg22 : memref<!tpu.dma_semaphore, #tpu.memory_space<semaphore_mem>>)
    %dma_wait3A_35 = arith.constant 0 : i32
    %dma_wait3A_36 = arith.constant 0 : i32
    %dma_wait3A_37 = tpu.memref_slice %arg2[%dma_wait3A_35, %dma_wait3A_36] : memref<10240x32xf32, #tpu.memory_space<hbm>> -> memref<10240x32xf32, #tpu.memory_space<hbm>>
    tpu.wait_indirect_dma semaphore(%arg21 : memref<!tpu.dma_semaphore, #tpu.memory_space<semaphore_mem>>) src(%dma_wait3A_37 : memref<10240x32xf32, #tpu.memory_space<hbm>>) dst(%arg11 : memref<536x32xf32, #tpu.memory_space<vmem>>)
    %dma_start3A_38 = arith.constant 0 : i32
    %dma_start3A_39 = arith.constant 0 : i32
    %dma_start3A_40 = tpu.memref_slice %arg19[%dma_start3A_38, %dma_start3A_39] : memref<10240x32xf32, #tpu.memory_space<vmem_shared>> -> memref<10240x32xf32, #tpu.memory_space<vmem_shared>>
    tpu.enqueue_indirect_dma source(%arg11 : memref<536x32xf32, #tpu.memory_space<vmem>>) target(%dma_start3A_40 : memref<10240x32xf32, #tpu.memory_space<vmem_shared>>) offsets(%arg10 : memref<536xi32, #tpu.memory_space<vmem>>) semaphore(%arg24 : memref<!tpu.dma_semaphore, #tpu.memory_space<semaphore_mem>>) {add = true}
    %scan3A = arith.constant 0 : i32
    %scan3A_41 = arith.constant 1 : i32
    %scan3A_42 = arith.constant 5 : i32
    %scan3A_43 = arith.addi %scan3A_41, %scan3A_42 : i32
    %scan3A_44 = arith.constant 1 : i32
    %scan3A_45 = scf.for %scan3A_105 = %scan3A_41 to %scan3A_43 step %scan3A_44 iter_args(%scan3A_106 = %scan3A) -> (i32)  : i32 {
      %mul3A_107 = arith.constant 3 : i32
      %mul3A_108 = arith.muli %mul3A_107, %scan3A_105 : i32
      %dma_wait3A_109 = arith.constant 0 : i32
      %dma_wait3A_110 = arith.constant 0 : i32
      %dma_wait3A_111 = tpu.memref_slice %arg19[%dma_wait3A_109, %dma_wait3A_110] : memref<10240x32xf32, #tpu.memory_space<vmem_shared>> -> memref<10240x32xf32, #tpu.memory_space<vmem_shared>>
      tpu.wait_indirect_dma semaphore(%arg23 : memref<!tpu.dma_semaphore, #tpu.memory_space<semaphore_mem>>) src(%arg8 : memref<536x32xf32, #tpu.memory_space<vmem>>) dst(%dma_wait3A_111 : memref<10240x32xf32, #tpu.memory_space<vmem_shared>>)
      %mul3A_112 = arith.constant 10000 : i32
      %mul3A_113 = arith.muli %add3A, %mul3A_112 : i32
      %mul3A_114 = arith.constant 536 : i32
      %mul3A_115 = arith.muli %mul3A_108, %mul3A_114 : i32
      %add3A_116 = arith.addi %mul3A_113, %mul3A_115 : i32
      "tpu.region"() ({
        %run_scoped3A = tpu.sem_alloc : memref<!tpu.dma_semaphore, #tpu.memory_space<semaphore_mem>>
        %dma_start3A_168 = tpu.memref_slice %arg3[%add3A_116] : memref<320000xi32, #tpu.memory_space<hbm>> -> memref<536xi32, #tpu.memory_space<hbm>>
        %dma_start3A_169 = tpu.memref_slice %arg3[%add3A_116] : memref<320000xi32, #tpu.memory_space<hbm>> -> memref<536xi32, #tpu.memory_space<hbm>>
        tpu.enqueue_dma source(%dma_start3A_169 : memref<536xi32, #tpu.memory_space<hbm>>) target(%arg6 : memref<536xi32, #tpu.memory_space<vmem>>) target_semaphore(%run_scoped3A : memref<!tpu.dma_semaphore, #tpu.memory_space<semaphore_mem>>)
        %dma_wait3A_170 = tpu.memref_slice %arg3[%add3A_116] : memref<320000xi32, #tpu.memory_space<hbm>> -> memref<536xi32, #tpu.memory_space<hbm>>
        %dma_wait3A_171 = tpu.memref_slice %arg3[%add3A_116] : memref<320000xi32, #tpu.memory_space<hbm>> -> memref<536xi32, #tpu.memory_space<hbm>>
        tpu.wait_dma2 semaphore(%run_scoped3A : memref<!tpu.dma_semaphore, #tpu.memory_space<semaphore_mem>>) src(%dma_wait3A_171 : memref<536xi32, #tpu.memory_space<hbm>>) dst(%arg6 : memref<536xi32, #tpu.memory_space<vmem>>)
        tpu.yield
      }) : () -> ()
      "tpu.region"() ({
        %run_scoped3A = tpu.sem_alloc : memref<!tpu.dma_semaphore, #tpu.memory_space<semaphore_mem>>
        %dma_start3A_168 = tpu.memref_slice %arg4[%add3A_116] : memref<320000xi32, #tpu.memory_space<hbm>> -> memref<536xi32, #tpu.memory_space<hbm>>
        %dma_start3A_169 = tpu.memref_slice %arg4[%add3A_116] : memref<320000xi32, #tpu.memory_space<hbm>> -> memref<536xi32, #tpu.memory_space<hbm>>
        tpu.enqueue_dma source(%dma_start3A_169 : memref<536xi32, #tpu.memory_space<hbm>>) target(%arg7 : memref<536xi32, #tpu.memory_space<vmem>>) target_semaphore(%run_scoped3A : memref<!tpu.dma_semaphore, #tpu.memory_space<semaphore_mem>>)
        %dma_wait3A_170 = tpu.memref_slice %arg4[%add3A_116] : memref<320000xi32, #tpu.memory_space<hbm>> -> memref<536xi32, #tpu.memory_space<hbm>>
        %dma_wait3A_171 = tpu.memref_slice %arg4[%add3A_116] : memref<320000xi32, #tpu.memory_space<hbm>> -> memref<536xi32, #tpu.memory_space<hbm>>
        tpu.wait_dma2 semaphore(%run_scoped3A : memref<!tpu.dma_semaphore, #tpu.memory_space<semaphore_mem>>) src(%dma_wait3A_171 : memref<536xi32, #tpu.memory_space<hbm>>) dst(%arg7 : memref<536xi32, #tpu.memory_space<vmem>>)
        tpu.yield
      }) : () -> ()
      %dma_start3A_117 = arith.constant 0 : i32
      %dma_start3A_118 = arith.constant 0 : i32
      %dma_start3A_119 = tpu.memref_slice %arg2[%dma_start3A_117, %dma_start3A_118] : memref<10240x32xf32, #tpu.memory_space<hbm>> -> memref<10240x32xf32, #tpu.memory_space<hbm>>
      tpu.enqueue_indirect_dma source(%dma_start3A_119 : memref<10240x32xf32, #tpu.memory_space<hbm>>) target(%arg8 : memref<536x32xf32, #tpu.memory_space<vmem>>) offsets(%arg6 : memref<536xi32, #tpu.memory_space<vmem>>) semaphore(%arg20 : memref<!tpu.dma_semaphore, #tpu.memory_space<semaphore_mem>>)
      %sub3A = arith.constant 1 : i32
      %sub3A_120 = arith.subi %mul3A_108, %sub3A : i32
      %dma_wait3A_121 = arith.constant 0 : i32
      %dma_wait3A_122 = arith.constant 0 : i32
      %dma_wait3A_123 = tpu.memref_slice %arg2[%dma_wait3A_121, %dma_wait3A_122] : memref<10240x32xf32, #tpu.memory_space<hbm>> -> memref<10240x32xf32, #tpu.memory_space<hbm>>
      tpu.wait_indirect_dma semaphore(%arg22 : memref<!tpu.dma_semaphore, #tpu.memory_space<semaphore_mem>>) src(%dma_wait3A_123 : memref<10240x32xf32, #tpu.memory_space<hbm>>) dst(%arg14 : memref<536x32xf32, #tpu.memory_space<vmem>>)
      %dma_start3A_124 = arith.constant 0 : i32
      %dma_start3A_125 = arith.constant 0 : i32
      %dma_start3A_126 = tpu.memref_slice %arg19[%dma_start3A_124, %dma_start3A_125] : memref<10240x32xf32, #tpu.memory_space<vmem_shared>> -> memref<10240x32xf32, #tpu.memory_space<vmem_shared>>
      tpu.enqueue_indirect_dma source(%arg14 : memref<536x32xf32, #tpu.memory_space<vmem>>) target(%dma_start3A_126 : memref<10240x32xf32, #tpu.memory_space<vmem_shared>>) offsets(%arg13 : memref<536xi32, #tpu.memory_space<vmem>>) semaphore(%arg25 : memref<!tpu.dma_semaphore, #tpu.memory_space<semaphore_mem>>) {add = true}
      %add3A_127 = arith.constant 1 : i32
      %add3A_128 = arith.addi %mul3A_108, %add3A_127 : i32
      %dma_wait3A_129 = arith.constant 0 : i32
      %dma_wait3A_130 = arith.constant 0 : i32
      %dma_wait3A_131 = tpu.memref_slice %arg19[%dma_wait3A_129, %dma_wait3A_130] : memref<10240x32xf32, #tpu.memory_space<vmem_shared>> -> memref<10240x32xf32, #tpu.memory_space<vmem_shared>>
      tpu.wait_indirect_dma semaphore(%arg24 : memref<!tpu.dma_semaphore, #tpu.memory_space<semaphore_mem>>) src(%arg11 : memref<536x32xf32, #tpu.memory_space<vmem>>) dst(%dma_wait3A_131 : memref<10240x32xf32, #tpu.memory_space<vmem_shared>>)
      %mul3A_132 = arith.constant 10000 : i32
      %mul3A_133 = arith.muli %add3A, %mul3A_132 : i32
      %mul3A_134 = arith.constant 536 : i32
      %mul3A_135 = arith.muli %add3A_128, %mul3A_134 : i32
      %add3A_136 = arith.addi %mul3A_133, %mul3A_135 : i32
      "tpu.region"() ({
        %run_scoped3A = tpu.sem_alloc : memref<!tpu.dma_semaphore, #tpu.memory_space<semaphore_mem>>
        %dma_start3A_168 = tpu.memref_slice %arg3[%add3A_136] : memref<320000xi32, #tpu.memory_space<hbm>> -> memref<536xi32, #tpu.memory_space<hbm>>
        %dma_start3A_169 = tpu.memref_slice %arg3[%add3A_136] : memref<320000xi32, #tpu.memory_space<hbm>> -> memref<536xi32, #tpu.memory_space<hbm>>
        tpu.enqueue_dma source(%dma_start3A_169 : memref<536xi32, #tpu.memory_space<hbm>>) target(%arg9 : memref<536xi32, #tpu.memory_space<vmem>>) target_semaphore(%run_scoped3A : memref<!tpu.dma_semaphore, #tpu.memory_space<semaphore_mem>>)
        %dma_wait3A_170 = tpu.memref_slice %arg3[%add3A_136] : memref<320000xi32, #tpu.memory_space<hbm>> -> memref<536xi32, #tpu.memory_space<hbm>>
        %dma_wait3A_171 = tpu.memref_slice %arg3[%add3A_136] : memref<320000xi32, #tpu.memory_space<hbm>> -> memref<536xi32, #tpu.memory_space<hbm>>
        tpu.wait_dma2 semaphore(%run_scoped3A : memref<!tpu.dma_semaphore, #tpu.memory_space<semaphore_mem>>) src(%dma_wait3A_171 : memref<536xi32, #tpu.memory_space<hbm>>) dst(%arg9 : memref<536xi32, #tpu.memory_space<vmem>>)
        tpu.yield
      }) : () -> ()
      "tpu.region"() ({
        %run_scoped3A = tpu.sem_alloc : memref<!tpu.dma_semaphore, #tpu.memory_space<semaphore_mem>>
        %dma_start3A_168 = tpu.memref_slice %arg4[%add3A_136] : memref<320000xi32, #tpu.memory_space<hbm>> -> memref<536xi32, #tpu.memory_space<hbm>>
        %dma_start3A_169 = tpu.memref_slice %arg4[%add3A_136] : memref<320000xi32, #tpu.memory_space<hbm>> -> memref<536xi32, #tpu.memory_space<hbm>>
        tpu.enqueue_dma source(%dma_start3A_169 : memref<536xi32, #tpu.memory_space<hbm>>) target(%arg10 : memref<536xi32, #tpu.memory_space<vmem>>) target_semaphore(%run_scoped3A : memref<!tpu.dma_semaphore, #tpu.memory_space<semaphore_mem>>)
        %dma_wait3A_170 = tpu.memref_slice %arg4[%add3A_136] : memref<320000xi32, #tpu.memory_space<hbm>> -> memref<536xi32, #tpu.memory_space<hbm>>
        %dma_wait3A_171 = tpu.memref_slice %arg4[%add3A_136] : memref<320000xi32, #tpu.memory_space<hbm>> -> memref<536xi32, #tpu.memory_space<hbm>>
        tpu.wait_dma2 semaphore(%run_scoped3A : memref<!tpu.dma_semaphore, #tpu.memory_space<semaphore_mem>>) src(%dma_wait3A_171 : memref<536xi32, #tpu.memory_space<hbm>>) dst(%arg10 : memref<536xi32, #tpu.memory_space<vmem>>)
        tpu.yield
      }) : () -> ()
      %dma_start3A_137 = arith.constant 0 : i32
      %dma_start3A_138 = arith.constant 0 : i32
      %dma_start3A_139 = tpu.memref_slice %arg2[%dma_start3A_137, %dma_start3A_138] : memref<10240x32xf32, #tpu.memory_space<hbm>> -> memref<10240x32xf32, #tpu.memory_space<hbm>>
      tpu.enqueue_indirect_dma source(%dma_start3A_139 : memref<10240x32xf32, #tpu.memory_space<hbm>>) target(%arg11 : memref<536x32xf32, #tpu.memory_space<vmem>>) offsets(%arg9 : memref<536xi32, #tpu.memory_space<vmem>>) semaphore(%arg21 : memref<!tpu.dma_semaphore, #tpu.memory_space<semaphore_mem>>)
      %dma_wait3A_140 = arith.constant 0 : i32
      %dma_wait3A_141 = arith.constant 0 : i32
      %dma_wait3A_142 = tpu.memref_slice %arg2[%dma_wait3A_140, %dma_wait3A_141] : memref<10240x32xf32, #tpu.memory_space<hbm>> -> memref<10240x32xf32, #tpu.memory_space<hbm>>
      tpu.wait_indirect_dma semaphore(%arg20 : memref<!tpu.dma_semaphore, #tpu.memory_space<semaphore_mem>>) src(%dma_wait3A_142 : memref<10240x32xf32, #tpu.memory_space<hbm>>) dst(%arg8 : memref<536x32xf32, #tpu.memory_space<vmem>>)
      %dma_start3A_143 = arith.constant 0 : i32
      %dma_start3A_144 = arith.constant 0 : i32
      %dma_start3A_145 = tpu.memref_slice %arg19[%dma_start3A_143, %dma_start3A_144] : memref<10240x32xf32, #tpu.memory_space<vmem_shared>> -> memref<10240x32xf32, #tpu.memory_space<vmem_shared>>
      tpu.enqueue_indirect_dma source(%arg8 : memref<536x32xf32, #tpu.memory_space<vmem>>) target(%dma_start3A_145 : memref<10240x32xf32, #tpu.memory_space<vmem_shared>>) offsets(%arg7 : memref<536xi32, #tpu.memory_space<vmem>>) semaphore(%arg23 : memref<!tpu.dma_semaphore, #tpu.memory_space<semaphore_mem>>) {add = true}
      %add3A_146 = arith.constant 2 : i32
      %add3A_147 = arith.addi %mul3A_108, %add3A_146 : i32
      %dma_wait3A_148 = arith.constant 0 : i32
      %dma_wait3A_149 = arith.constant 0 : i32
      %dma_wait3A_150 = tpu.memref_slice %arg19[%dma_wait3A_148, %dma_wait3A_149] : memref<10240x32xf32, #tpu.memory_space<vmem_shared>> -> memref<10240x32xf32, #tpu.memory_space<vmem_shared>>
      tpu.wait_indirect_dma semaphore(%arg25 : memref<!tpu.dma_semaphore, #tpu.memory_space<semaphore_mem>>) src(%arg14 : memref<536x32xf32, #tpu.memory_space<vmem>>) dst(%dma_wait3A_150 : memref<10240x32xf32, #tpu.memory_space<vmem_shared>>)
      %mul3A_151 = arith.constant 10000 : i32
      %mul3A_152 = arith.muli %add3A, %mul3A_151 : i32
      %mul3A_153 = arith.constant 536 : i32
      %mul3A_154 = arith.muli %add3A_147, %mul3A_153 : i32
      %add3A_155 = arith.addi %mul3A_152, %mul3A_154 : i32
      "tpu.region"() ({
        %run_scoped3A = tpu.sem_alloc : memref<!tpu.dma_semaphore, #tpu.memory_space<semaphore_mem>>
        %dma_start3A_168 = tpu.memref_slice %arg3[%add3A_155] : memref<320000xi32, #tpu.memory_space<hbm>> -> memref<536xi32, #tpu.memory_space<hbm>>
        %dma_start3A_169 = tpu.memref_slice %arg3[%add3A_155] : memref<320000xi32, #tpu.memory_space<hbm>> -> memref<536xi32, #tpu.memory_space<hbm>>
        tpu.enqueue_dma source(%dma_start3A_169 : memref<536xi32, #tpu.memory_space<hbm>>) target(%arg12 : memref<536xi32, #tpu.memory_space<vmem>>) target_semaphore(%run_scoped3A : memref<!tpu.dma_semaphore, #tpu.memory_space<semaphore_mem>>)
        %dma_wait3A_170 = tpu.memref_slice %arg3[%add3A_155] : memref<320000xi32, #tpu.memory_space<hbm>> -> memref<536xi32, #tpu.memory_space<hbm>>
        %dma_wait3A_171 = tpu.memref_slice %arg3[%add3A_155] : memref<320000xi32, #tpu.memory_space<hbm>> -> memref<536xi32, #tpu.memory_space<hbm>>
        tpu.wait_dma2 semaphore(%run_scoped3A : memref<!tpu.dma_semaphore, #tpu.memory_space<semaphore_mem>>) src(%dma_wait3A_171 : memref<536xi32, #tpu.memory_space<hbm>>) dst(%arg12 : memref<536xi32, #tpu.memory_space<vmem>>)
        tpu.yield
      }) : () -> ()
      "tpu.region"() ({
        %run_scoped3A = tpu.sem_alloc : memref<!tpu.dma_semaphore, #tpu.memory_space<semaphore_mem>>
        %dma_start3A_168 = tpu.memref_slice %arg4[%add3A_155] : memref<320000xi32, #tpu.memory_space<hbm>> -> memref<536xi32, #tpu.memory_space<hbm>>
        %dma_start3A_169 = tpu.memref_slice %arg4[%add3A_155] : memref<320000xi32, #tpu.memory_space<hbm>> -> memref<536xi32, #tpu.memory_space<hbm>>
        tpu.enqueue_dma source(%dma_start3A_169 : memref<536xi32, #tpu.memory_space<hbm>>) target(%arg13 : memref<536xi32, #tpu.memory_space<vmem>>) target_semaphore(%run_scoped3A : memref<!tpu.dma_semaphore, #tpu.memory_space<semaphore_mem>>)
        %dma_wait3A_170 = tpu.memref_slice %arg4[%add3A_155] : memref<320000xi32, #tpu.memory_space<hbm>> -> memref<536xi32, #tpu.memory_space<hbm>>
        %dma_wait3A_171 = tpu.memref_slice %arg4[%add3A_155] : memref<320000xi32, #tpu.memory_space<hbm>> -> memref<536xi32, #tpu.memory_space<hbm>>
        tpu.wait_dma2 semaphore(%run_scoped3A : memref<!tpu.dma_semaphore, #tpu.memory_space<semaphore_mem>>) src(%dma_wait3A_171 : memref<536xi32, #tpu.memory_space<hbm>>) dst(%arg13 : memref<536xi32, #tpu.memory_space<vmem>>)
        tpu.yield
      }) : () -> ()
      %dma_start3A_156 = arith.constant 0 : i32
      %dma_start3A_157 = arith.constant 0 : i32
      %dma_start3A_158 = tpu.memref_slice %arg2[%dma_start3A_156, %dma_start3A_157] : memref<10240x32xf32, #tpu.memory_space<hbm>> -> memref<10240x32xf32, #tpu.memory_space<hbm>>
      tpu.enqueue_indirect_dma source(%dma_start3A_158 : memref<10240x32xf32, #tpu.memory_space<hbm>>) target(%arg14 : memref<536x32xf32, #tpu.memory_space<vmem>>) offsets(%arg12 : memref<536xi32, #tpu.memory_space<vmem>>) semaphore(%arg22 : memref<!tpu.dma_semaphore, #tpu.memory_space<semaphore_mem>>)
      %add3A_159 = arith.constant 1 : i32
      %add3A_160 = arith.addi %mul3A_108, %add3A_159 : i32
      %dma_wait3A_161 = arith.constant 0 : i32
      %dma_wait3A_162 = arith.constant 0 : i32
      %dma_wait3A_163 = tpu.memref_slice %arg2[%dma_wait3A_161, %dma_wait3A_162] : memref<10240x32xf32, #tpu.memory_space<hbm>> -> memref<10240x32xf32, #tpu.memory_space<hbm>>
      tpu.wait_indirect_dma semaphore(%arg21 : memref<!tpu.dma_semaphore, #tpu.memory_space<semaphore_mem>>) src(%dma_wait3A_163 : memref<10240x32xf32, #tpu.memory_space<hbm>>) dst(%arg11 : memref<536x32xf32, #tpu.memory_space<vmem>>)
      %dma_start3A_164 = arith.constant 0 : i32
      %dma_start3A_165 = arith.constant 0 : i32
      %dma_start3A_166 = tpu.memref_slice %arg19[%dma_start3A_164, %dma_start3A_165] : memref<10240x32xf32, #tpu.memory_space<vmem_shared>> -> memref<10240x32xf32, #tpu.memory_space<vmem_shared>>
      tpu.enqueue_indirect_dma source(%arg11 : memref<536x32xf32, #tpu.memory_space<vmem>>) target(%dma_start3A_166 : memref<10240x32xf32, #tpu.memory_space<vmem_shared>>) offsets(%arg10 : memref<536xi32, #tpu.memory_space<vmem>>) semaphore(%arg24 : memref<!tpu.dma_semaphore, #tpu.memory_space<semaphore_mem>>) {add = true}
      %scan3A_167 = arith.constant 0 : i32
      scf.yield %scan3A_167 : i32
    }
    %scan3A_46 = arith.constant 5 : i32
    %dma_wait3A_47 = arith.constant 0 : i32
    %dma_wait3A_48 = arith.constant 0 : i32
    %dma_wait3A_49 = tpu.memref_slice %arg2[%dma_wait3A_47, %dma_wait3A_48] : memref<10240x32xf32, #tpu.memory_space<hbm>> -> memref<10240x32xf32, #tpu.memory_space<hbm>>
    tpu.wait_indirect_dma semaphore(%arg22 : memref<!tpu.dma_semaphore, #tpu.memory_space<semaphore_mem>>) src(%dma_wait3A_49 : memref<10240x32xf32, #tpu.memory_space<hbm>>) dst(%arg14 : memref<536x32xf32, #tpu.memory_space<vmem>>)
    %dma_start3A_50 = arith.constant 0 : i32
    %dma_start3A_51 = arith.constant 0 : i32
    %dma_start3A_52 = tpu.memref_slice %arg19[%dma_start3A_50, %dma_start3A_51] : memref<10240x32xf32, #tpu.memory_space<vmem_shared>> -> memref<10240x32xf32, #tpu.memory_space<vmem_shared>>
    tpu.enqueue_indirect_dma source(%arg14 : memref<536x32xf32, #tpu.memory_space<vmem>>) target(%dma_start3A_52 : memref<10240x32xf32, #tpu.memory_space<vmem_shared>>) offsets(%arg13 : memref<536xi32, #tpu.memory_space<vmem>>) semaphore(%arg25 : memref<!tpu.dma_semaphore, #tpu.memory_space<semaphore_mem>>) {add = true}
    %dma_wait3A_53 = arith.constant 0 : i32
    %dma_wait3A_54 = arith.constant 0 : i32
    %dma_wait3A_55 = tpu.memref_slice %arg19[%dma_wait3A_53, %dma_wait3A_54] : memref<10240x32xf32, #tpu.memory_space<vmem_shared>> -> memref<10240x32xf32, #tpu.memory_space<vmem_shared>>
    tpu.wait_indirect_dma semaphore(%arg23 : memref<!tpu.dma_semaphore, #tpu.memory_space<semaphore_mem>>) src(%arg8 : memref<536x32xf32, #tpu.memory_space<vmem>>) dst(%dma_wait3A_55 : memref<10240x32xf32, #tpu.memory_space<vmem_shared>>)
    %dma_wait3A_56 = arith.constant 0 : i32
    %dma_wait3A_57 = arith.constant 0 : i32
    %dma_wait3A_58 = tpu.memref_slice %arg19[%dma_wait3A_56, %dma_wait3A_57] : memref<10240x32xf32, #tpu.memory_space<vmem_shared>> -> memref<10240x32xf32, #tpu.memory_space<vmem_shared>>
    tpu.wait_indirect_dma semaphore(%arg24 : memref<!tpu.dma_semaphore, #tpu.memory_space<semaphore_mem>>) src(%arg11 : memref<536x32xf32, #tpu.memory_space<vmem>>) dst(%dma_wait3A_58 : memref<10240x32xf32, #tpu.memory_space<vmem_shared>>)
    %dma_wait3A_59 = arith.constant 0 : i32
    %dma_wait3A_60 = arith.constant 0 : i32
    %dma_wait3A_61 = tpu.memref_slice %arg19[%dma_wait3A_59, %dma_wait3A_60] : memref<10240x32xf32, #tpu.memory_space<vmem_shared>> -> memref<10240x32xf32, #tpu.memory_space<vmem_shared>>
    tpu.wait_indirect_dma semaphore(%arg25 : memref<!tpu.dma_semaphore, #tpu.memory_space<semaphore_mem>>) src(%arg14 : memref<536x32xf32, #tpu.memory_space<vmem>>) dst(%dma_wait3A_61 : memref<10240x32xf32, #tpu.memory_space<vmem_shared>>)
    %mul3A_62 = arith.constant 10000 : i32
    %mul3A_63 = arith.muli %add3A, %mul3A_62 : i32
    %add3A_64 = arith.constant 9648 : i32
    %add3A_65 = arith.addi %mul3A_63, %add3A_64 : i32
    "tpu.region"() ({
      %run_scoped3A = tpu.sem_alloc : memref<!tpu.dma_semaphore, #tpu.memory_space<semaphore_mem>>
      %dma_start3A_105 = tpu.memref_slice %arg3[%add3A_65] : memref<320000xi32, #tpu.memory_space<hbm>> -> memref<176xi32, #tpu.memory_space<hbm>>
      %dma_start3A_106 = tpu.memref_slice %arg3[%add3A_65] : memref<320000xi32, #tpu.memory_space<hbm>> -> memref<176xi32, #tpu.memory_space<hbm>>
      tpu.enqueue_dma source(%dma_start3A_106 : memref<176xi32, #tpu.memory_space<hbm>>) target(%arg15 : memref<176xi32, #tpu.memory_space<vmem>>) target_semaphore(%run_scoped3A : memref<!tpu.dma_semaphore, #tpu.memory_space<semaphore_mem>>)
      %dma_wait3A_107 = tpu.memref_slice %arg3[%add3A_65] : memref<320000xi32, #tpu.memory_space<hbm>> -> memref<176xi32, #tpu.memory_space<hbm>>
      %dma_wait3A_108 = tpu.memref_slice %arg3[%add3A_65] : memref<320000xi32, #tpu.memory_space<hbm>> -> memref<176xi32, #tpu.memory_space<hbm>>
      tpu.wait_dma2 semaphore(%run_scoped3A : memref<!tpu.dma_semaphore, #tpu.memory_space<semaphore_mem>>) src(%dma_wait3A_108 : memref<176xi32, #tpu.memory_space<hbm>>) dst(%arg15 : memref<176xi32, #tpu.memory_space<vmem>>)
      tpu.yield
    }) : () -> ()
    "tpu.region"() ({
      %run_scoped3A = tpu.sem_alloc : memref<!tpu.dma_semaphore, #tpu.memory_space<semaphore_mem>>
      %dma_start3A_105 = tpu.memref_slice %arg4[%add3A_65] : memref<320000xi32, #tpu.memory_space<hbm>> -> memref<176xi32, #tpu.memory_space<hbm>>
      %dma_start3A_106 = tpu.memref_slice %arg4[%add3A_65] : memref<320000xi32, #tpu.memory_space<hbm>> -> memref<176xi32, #tpu.memory_space<hbm>>
      tpu.enqueue_dma source(%dma_start3A_106 : memref<176xi32, #tpu.memory_space<hbm>>) target(%arg17 : memref<176xi32, #tpu.memory_space<vmem>>) target_semaphore(%run_scoped3A : memref<!tpu.dma_semaphore, #tpu.memory_space<semaphore_mem>>)
      %dma_wait3A_107 = tpu.memref_slice %arg4[%add3A_65] : memref<320000xi32, #tpu.memory_space<hbm>> -> memref<176xi32, #tpu.memory_space<hbm>>
      %dma_wait3A_108 = tpu.memref_slice %arg4[%add3A_65] : memref<320000xi32, #tpu.memory_space<hbm>> -> memref<176xi32, #tpu.memory_space<hbm>>
      tpu.wait_dma2 semaphore(%run_scoped3A : memref<!tpu.dma_semaphore, #tpu.memory_space<semaphore_mem>>) src(%dma_wait3A_108 : memref<176xi32, #tpu.memory_space<hbm>>) dst(%arg17 : memref<176xi32, #tpu.memory_space<vmem>>)
      tpu.yield
    }) : () -> ()
    %dma_start3A_66 = arith.constant 0 : i32
    %dma_start3A_67 = arith.constant 0 : i32
    %dma_start3A_68 = tpu.memref_slice %arg8[%dma_start3A_66, %dma_start3A_67] : memref<536x32xf32, #tpu.memory_space<vmem>> -> memref<176x32xf32, #tpu.memory_space<vmem>>
    %dma_start3A_69 = arith.constant 0 : i32
    %dma_start3A_70 = arith.constant 0 : i32
    %dma_start3A_71 = tpu.memref_slice %arg2[%dma_start3A_69, %dma_start3A_70] : memref<10240x32xf32, #tpu.memory_space<hbm>> -> memref<10240x32xf32, #tpu.memory_space<hbm>>
    tpu.enqueue_indirect_dma source(%dma_start3A_71 : memref<10240x32xf32, #tpu.memory_space<hbm>>) target(%dma_start3A_68 : memref<176x32xf32, #tpu.memory_space<vmem>>) offsets(%arg15 : memref<176xi32, #tpu.memory_space<vmem>>) semaphore(%arg20 : memref<!tpu.dma_semaphore, #tpu.memory_space<semaphore_mem>>)
    %dma_wait3A_72 = arith.constant 0 : i32
    %dma_wait3A_73 = arith.constant 0 : i32
    %dma_wait3A_74 = tpu.memref_slice %arg8[%dma_wait3A_72, %dma_wait3A_73] : memref<536x32xf32, #tpu.memory_space<vmem>> -> memref<176x32xf32, #tpu.memory_space<vmem>>
    %dma_wait3A_75 = arith.constant 0 : i32
    %dma_wait3A_76 = arith.constant 0 : i32
    %dma_wait3A_77 = tpu.memref_slice %arg2[%dma_wait3A_75, %dma_wait3A_76] : memref<10240x32xf32, #tpu.memory_space<hbm>> -> memref<10240x32xf32, #tpu.memory_space<hbm>>
    tpu.wait_indirect_dma semaphore(%arg20 : memref<!tpu.dma_semaphore, #tpu.memory_space<semaphore_mem>>) src(%dma_wait3A_77 : memref<10240x32xf32, #tpu.memory_space<hbm>>) dst(%dma_wait3A_74 : memref<176x32xf32, #tpu.memory_space<vmem>>)
    "tpu.region"() ({
      %run_scoped3A = tpu.sem_alloc : memref<!tpu.dma_semaphore, #tpu.memory_space<semaphore_mem>>
      %dma_start3A_105 = arith.constant 0 : i32
      %dma_start3A_106 = arith.constant 0 : i32
      %dma_start3A_107 = tpu.memref_slice %arg8[%dma_start3A_105, %dma_start3A_106] : memref<536x32xf32, #tpu.memory_space<vmem>> -> memref<176x32xf32, #tpu.memory_space<vmem>>
      %dma_start3A_108 = arith.constant 0 : i32
      %dma_start3A_109 = arith.constant 0 : i32
      %dma_start3A_110 = tpu.memref_slice %arg19[%dma_start3A_108, %dma_start3A_109] : memref<10240x32xf32, #tpu.memory_space<vmem_shared>> -> memref<10240x32xf32, #tpu.memory_space<vmem_shared>>
      tpu.enqueue_indirect_dma source(%dma_start3A_107 : memref<176x32xf32, #tpu.memory_space<vmem>>) target(%dma_start3A_110 : memref<10240x32xf32, #tpu.memory_space<vmem_shared>>) offsets(%arg17 : memref<176xi32, #tpu.memory_space<vmem>>) semaphore(%run_scoped3A : memref<!tpu.dma_semaphore, #tpu.memory_space<semaphore_mem>>) {add = true}
      %dma_wait3A_111 = arith.constant 0 : i32
      %dma_wait3A_112 = arith.constant 0 : i32
      %dma_wait3A_113 = tpu.memref_slice %arg8[%dma_wait3A_111, %dma_wait3A_112] : memref<536x32xf32, #tpu.memory_space<vmem>> -> memref<176x32xf32, #tpu.memory_space<vmem>>
      %dma_wait3A_114 = arith.constant 0 : i32
      %dma_wait3A_115 = arith.constant 0 : i32
      %dma_wait3A_116 = tpu.memref_slice %arg19[%dma_wait3A_114, %dma_wait3A_115] : memref<10240x32xf32, #tpu.memory_space<vmem_shared>> -> memref<10240x32xf32, #tpu.memory_space<vmem_shared>>
      tpu.wait_indirect_dma semaphore(%run_scoped3A : memref<!tpu.dma_semaphore, #tpu.memory_space<semaphore_mem>>) src(%dma_wait3A_113 : memref<176x32xf32, #tpu.memory_space<vmem>>) dst(%dma_wait3A_116 : memref<10240x32xf32, #tpu.memory_space<vmem_shared>>)
      tpu.yield
    }) : () -> ()
    %mul3A_78 = arith.constant 10000 : i32
    %mul3A_79 = arith.muli %add3A, %mul3A_78 : i32
    %add3A_80 = arith.constant 9824 : i32
    %add3A_81 = arith.addi %mul3A_79, %add3A_80 : i32
    "tpu.region"() ({
      %run_scoped3A = tpu.sem_alloc : memref<!tpu.dma_semaphore, #tpu.memory_space<semaphore_mem>>
      %dma_start3A_105 = tpu.memref_slice %arg3[%add3A_81] : memref<320000xi32, #tpu.memory_space<hbm>> -> memref<176xi32, #tpu.memory_space<hbm>>
      %dma_start3A_106 = tpu.memref_slice %arg3[%add3A_81] : memref<320000xi32, #tpu.memory_space<hbm>> -> memref<176xi32, #tpu.memory_space<hbm>>
      tpu.enqueue_dma source(%dma_start3A_106 : memref<176xi32, #tpu.memory_space<hbm>>) target(%arg16 : memref<176xi32, #tpu.memory_space<vmem>>) target_semaphore(%run_scoped3A : memref<!tpu.dma_semaphore, #tpu.memory_space<semaphore_mem>>)
      %dma_wait3A_107 = tpu.memref_slice %arg3[%add3A_81] : memref<320000xi32, #tpu.memory_space<hbm>> -> memref<176xi32, #tpu.memory_space<hbm>>
      %dma_wait3A_108 = tpu.memref_slice %arg3[%add3A_81] : memref<320000xi32, #tpu.memory_space<hbm>> -> memref<176xi32, #tpu.memory_space<hbm>>
      tpu.wait_dma2 semaphore(%run_scoped3A : memref<!tpu.dma_semaphore, #tpu.memory_space<semaphore_mem>>) src(%dma_wait3A_108 : memref<176xi32, #tpu.memory_space<hbm>>) dst(%arg16 : memref<176xi32, #tpu.memory_space<vmem>>)
      tpu.yield
    }) : () -> ()
    "tpu.region"() ({
      %run_scoped3A = tpu.sem_alloc : memref<!tpu.dma_semaphore, #tpu.memory_space<semaphore_mem>>
      %dma_start3A_105 = tpu.memref_slice %arg4[%add3A_81] : memref<320000xi32, #tpu.memory_space<hbm>> -> memref<176xi32, #tpu.memory_space<hbm>>
      %dma_start3A_106 = tpu.memref_slice %arg4[%add3A_81] : memref<320000xi32, #tpu.memory_space<hbm>> -> memref<176xi32, #tpu.memory_space<hbm>>
      tpu.enqueue_dma source(%dma_start3A_106 : memref<176xi32, #tpu.memory_space<hbm>>) target(%arg18 : memref<176xi32, #tpu.memory_space<vmem>>) target_semaphore(%run_scoped3A : memref<!tpu.dma_semaphore, #tpu.memory_space<semaphore_mem>>)
      %dma_wait3A_107 = tpu.memref_slice %arg4[%add3A_81] : memref<320000xi32, #tpu.memory_space<hbm>> -> memref<176xi32, #tpu.memory_space<hbm>>
      %dma_wait3A_108 = tpu.memref_slice %arg4[%add3A_81] : memref<320000xi32, #tpu.memory_space<hbm>> -> memref<176xi32, #tpu.memory_space<hbm>>
      tpu.wait_dma2 semaphore(%run_scoped3A : memref<!tpu.dma_semaphore, #tpu.memory_space<semaphore_mem>>) src(%dma_wait3A_108 : memref<176xi32, #tpu.memory_space<hbm>>) dst(%arg18 : memref<176xi32, #tpu.memory_space<vmem>>)
      tpu.yield
    }) : () -> ()
    %dma_start3A_82 = arith.constant 0 : i32
    %dma_start3A_83 = arith.constant 0 : i32
    %dma_start3A_84 = tpu.memref_slice %arg11[%dma_start3A_82, %dma_start3A_83] : memref<536x32xf32, #tpu.memory_space<vmem>> -> memref<176x32xf32, #tpu.memory_space<vmem>>
    %dma_start3A_85 = arith.constant 0 : i32
    %dma_start3A_86 = arith.constant 0 : i32
    %dma_start3A_87 = tpu.memref_slice %arg2[%dma_start3A_85, %dma_start3A_86] : memref<10240x32xf32, #tpu.memory_space<hbm>> -> memref<10240x32xf32, #tpu.memory_space<hbm>>
    tpu.enqueue_indirect_dma source(%dma_start3A_87 : memref<10240x32xf32, #tpu.memory_space<hbm>>) target(%dma_start3A_84 : memref<176x32xf32, #tpu.memory_space<vmem>>) offsets(%arg16 : memref<176xi32, #tpu.memory_space<vmem>>) semaphore(%arg20 : memref<!tpu.dma_semaphore, #tpu.memory_space<semaphore_mem>>)
    %dma_wait3A_88 = arith.constant 0 : i32
    %dma_wait3A_89 = arith.constant 0 : i32
    %dma_wait3A_90 = tpu.memref_slice %arg11[%dma_wait3A_88, %dma_wait3A_89] : memref<536x32xf32, #tpu.memory_space<vmem>> -> memref<176x32xf32, #tpu.memory_space<vmem>>
    %dma_wait3A_91 = arith.constant 0 : i32
    %dma_wait3A_92 = arith.constant 0 : i32
    %dma_wait3A_93 = tpu.memref_slice %arg2[%dma_wait3A_91, %dma_wait3A_92] : memref<10240x32xf32, #tpu.memory_space<hbm>> -> memref<10240x32xf32, #tpu.memory_space<hbm>>
    tpu.wait_indirect_dma semaphore(%arg20 : memref<!tpu.dma_semaphore, #tpu.memory_space<semaphore_mem>>) src(%dma_wait3A_93 : memref<10240x32xf32, #tpu.memory_space<hbm>>) dst(%dma_wait3A_90 : memref<176x32xf32, #tpu.memory_space<vmem>>)
    "tpu.region"() ({
      %run_scoped3A = tpu.sem_alloc : memref<!tpu.dma_semaphore, #tpu.memory_space<semaphore_mem>>
      %dma_start3A_105 = arith.constant 0 : i32
      %dma_start3A_106 = arith.constant 0 : i32
      %dma_start3A_107 = tpu.memref_slice %arg11[%dma_start3A_105, %dma_start3A_106] : memref<536x32xf32, #tpu.memory_space<vmem>> -> memref<176x32xf32, #tpu.memory_space<vmem>>
      %dma_start3A_108 = arith.constant 0 : i32
      %dma_start3A_109 = arith.constant 0 : i32
      %dma_start3A_110 = tpu.memref_slice %arg19[%dma_start3A_108, %dma_start3A_109] : memref<10240x32xf32, #tpu.memory_space<vmem_shared>> -> memref<10240x32xf32, #tpu.memory_space<vmem_shared>>
      tpu.enqueue_indirect_dma source(%dma_start3A_107 : memref<176x32xf32, #tpu.memory_space<vmem>>) target(%dma_start3A_110 : memref<10240x32xf32, #tpu.memory_space<vmem_shared>>) offsets(%arg18 : memref<176xi32, #tpu.memory_space<vmem>>) semaphore(%run_scoped3A : memref<!tpu.dma_semaphore, #tpu.memory_space<semaphore_mem>>) {add = true}
      %dma_wait3A_111 = arith.constant 0 : i32
      %dma_wait3A_112 = arith.constant 0 : i32
      %dma_wait3A_113 = tpu.memref_slice %arg11[%dma_wait3A_111, %dma_wait3A_112] : memref<536x32xf32, #tpu.memory_space<vmem>> -> memref<176x32xf32, #tpu.memory_space<vmem>>
      %dma_wait3A_114 = arith.constant 0 : i32
      %dma_wait3A_115 = arith.constant 0 : i32
      %dma_wait3A_116 = tpu.memref_slice %arg19[%dma_wait3A_114, %dma_wait3A_115] : memref<10240x32xf32, #tpu.memory_space<vmem_shared>> -> memref<10240x32xf32, #tpu.memory_space<vmem_shared>>
      tpu.wait_indirect_dma semaphore(%run_scoped3A : memref<!tpu.dma_semaphore, #tpu.memory_space<semaphore_mem>>) src(%dma_wait3A_113 : memref<176x32xf32, #tpu.memory_space<vmem>>) dst(%dma_wait3A_116 : memref<10240x32xf32, #tpu.memory_space<vmem_shared>>)
      tpu.yield
    }) : () -> ()
    %barrier3A_94 = arith.constant 0 : index
    tpu.barrier barrier_id(%barrier3A_94)
    %eq3A_95 = arith.constant 0 : i32
    %eq3A_96 = arith.cmpi eq, %arg0, %eq3A_95 : i32
    %convert_element_type3A_97 = arith.extui %eq3A_96 : i1 to i32
    %cond3A_98 = arith.constant 0 : i32
    %cond3A_99 = arith.cmpi ne, %convert_element_type3A_97, %cond3A_98 : i32
    scf.if %cond3A_99 {
      %run_scoped3A = arith.constant 0 : i32
      "tpu.region"() ({
        %run_scoped3A_105 = tpu.sem_alloc : memref<!tpu.dma_semaphore, #tpu.memory_space<semaphore_mem>>
        %dma_start3A_106 = arith.constant 0 : i32
        %dma_start3A_107 = tpu.memref_slice %arg5[%run_scoped3A, %mul3A_2, %dma_start3A_106] : memref<2x10240x32xf32, #tpu.memory_space<hbm>> -> memref<1x640x32xf32, #tpu.memory_space<hbm>>
        %dma_start3A_108 = tpu.memref_squeeze %dma_start3A_107 : memref<1x640x32xf32, #tpu.memory_space<hbm>> -> memref<640x32xf32, #tpu.memory_space<hbm>>
        %dma_start3A_109 = arith.constant 0 : i32
        %dma_start3A_110 = tpu.memref_slice %arg19[%mul3A_2, %dma_start3A_109] : memref<10240x32xf32, #tpu.memory_space<vmem_shared>> -> memref<640x32xf32, #tpu.memory_space<vmem_shared>>
        tpu.enqueue_dma source(%dma_start3A_110 : memref<640x32xf32, #tpu.memory_space<vmem_shared>>) target(%dma_start3A_108 : memref<640x32xf32, #tpu.memory_space<hbm>>) target_semaphore(%run_scoped3A_105 : memref<!tpu.dma_semaphore, #tpu.memory_space<semaphore_mem>>)
        %dma_wait3A_111 = arith.constant 0 : i32
        %dma_wait3A_112 = tpu.memref_slice %arg5[%run_scoped3A, %mul3A_2, %dma_wait3A_111] : memref<2x10240x32xf32, #tpu.memory_space<hbm>> -> memref<1x640x32xf32, #tpu.memory_space<hbm>>
        %dma_wait3A_113 = tpu.memref_squeeze %dma_wait3A_112 : memref<1x640x32xf32, #tpu.memory_space<hbm>> -> memref<640x32xf32, #tpu.memory_space<hbm>>
        %dma_wait3A_114 = arith.constant 0 : i32
        %dma_wait3A_115 = tpu.memref_slice %arg19[%mul3A_2, %dma_wait3A_114] : memref<10240x32xf32, #tpu.memory_space<vmem_shared>> -> memref<640x32xf32, #tpu.memory_space<vmem_shared>>
        tpu.wait_dma2 semaphore(%run_scoped3A_105 : memref<!tpu.dma_semaphore, #tpu.memory_space<semaphore_mem>>) src(%dma_wait3A_115 : memref<640x32xf32, #tpu.memory_space<vmem_shared>>) dst(%dma_wait3A_113 : memref<640x32xf32, #tpu.memory_space<hbm>>)
        tpu.yield
      }) : () -> ()
    } else {
    }
    %eq3A_100 = arith.constant 1 : i32
    %eq3A_101 = arith.cmpi eq, %arg0, %eq3A_100 : i32
    %convert_element_type3A_102 = arith.extui %eq3A_101 : i1 to i32
    %cond3A_103 = arith.constant 0 : i32
    %cond3A_104 = arith.cmpi ne, %convert_element_type3A_102, %cond3A_103 : i32
    scf.if %cond3A_104 {
      %run_scoped3A = arith.constant 1 : i32
      "tpu.region"() ({
        %run_scoped3A_105 = tpu.sem_alloc : memref<!tpu.dma_semaphore, #tpu.memory_space<semaphore_mem>>
        %dma_start3A_106 = arith.constant 0 : i32
        %dma_start3A_107 = tpu.memref_slice %arg5[%run_scoped3A, %mul3A_2, %dma_start3A_106] : memref<2x10240x32xf32, #tpu.memory_space<hbm>> -> memref<1x640x32xf32, #tpu.memory_space<hbm>>
        %dma_start3A_108 = tpu.memref_squeeze %dma_start3A_107 : memref<1x640x32xf32, #tpu.memory_space<hbm>> -> memref<640x32xf32, #tpu.memory_space<hbm>>
        %dma_start3A_109 = arith.constant 0 : i32
        %dma_start3A_110 = tpu.memref_slice %arg19[%mul3A_2, %dma_start3A_109] : memref<10240x32xf32, #tpu.memory_space<vmem_shared>> -> memref<640x32xf32, #tpu.memory_space<vmem_shared>>
        tpu.enqueue_dma source(%dma_start3A_110 : memref<640x32xf32, #tpu.memory_space<vmem_shared>>) target(%dma_start3A_108 : memref<640x32xf32, #tpu.memory_space<hbm>>) target_semaphore(%run_scoped3A_105 : memref<!tpu.dma_semaphore, #tpu.memory_space<semaphore_mem>>)
        %dma_wait3A_111 = arith.constant 0 : i32
        %dma_wait3A_112 = tpu.memref_slice %arg5[%run_scoped3A, %mul3A_2, %dma_wait3A_111] : memref<2x10240x32xf32, #tpu.memory_space<hbm>> -> memref<1x640x32xf32, #tpu.memory_space<hbm>>
        %dma_wait3A_113 = tpu.memref_squeeze %dma_wait3A_112 : memref<1x640x32xf32, #tpu.memory_space<hbm>> -> memref<640x32xf32, #tpu.memory_space<hbm>>
        %dma_wait3A_114 = arith.constant 0 : i32
        %dma_wait3A_115 = tpu.memref_slice %arg19[%mul3A_2, %dma_wait3A_114] : memref<10240x32xf32, #tpu.memory_space<vmem_shared>> -> memref<640x32xf32, #tpu.memory_space<vmem_shared>>
        tpu.wait_dma2 semaphore(%run_scoped3A_105 : memref<!tpu.dma_semaphore, #tpu.memory_space<semaphore_mem>>) src(%dma_wait3A_115 : memref<640x32xf32, #tpu.memory_space<vmem_shared>>) dst(%dma_wait3A_113 : memref<640x32xf32, #tpu.memory_space<hbm>>)
        tpu.yield
      }) : () -> ()
    } else {
    }
    return
  }
}

#map = affine_map<(d0, d1) -> (0, 0)>
#map1 = affine_map<(d0, d1) -> (0)>
#map2 = affine_map<(d0, d1) -> (0, 0, 0)>
module attributes {stable_mosaic.version = 14 : i64} {
  func.func @k(%arg0: i32, %arg1: i32, %arg2: memref<10240x128xf32, #tpu.memory_space<hbm>>, %arg3: memref<320000xi32, #tpu.memory_space<hbm>>, %arg4: memref<320000xi32, #tpu.memory_space<hbm>>, %arg5: memref<2x10240x128xf32, #tpu.memory_space<hbm>>, %arg6: memref<120xi32, #tpu.memory_space<vmem>>, %arg7: memref<120xi32, #tpu.memory_space<vmem>>, %arg8: memref<120x128xf32, #tpu.memory_space<vmem>>, %arg9: memref<120xi32, #tpu.memory_space<vmem>>, %arg10: memref<120xi32, #tpu.memory_space<vmem>>, %arg11: memref<120x128xf32, #tpu.memory_space<vmem>>, %arg12: memref<120xi32, #tpu.memory_space<vmem>>, %arg13: memref<120xi32, #tpu.memory_space<vmem>>, %arg14: memref<120x128xf32, #tpu.memory_space<vmem>>, %arg15: memref<120xi32, #tpu.memory_space<vmem>>, %arg16: memref<120xi32, #tpu.memory_space<vmem>>, %arg17: memref<40xi32, #tpu.memory_space<vmem>>, %arg18: memref<120xi32, #tpu.memory_space<vmem>>, %arg19: memref<120xi32, #tpu.memory_space<vmem>>, %arg20: memref<40xi32, #tpu.memory_space<vmem>>, %arg21: memref<10240x128xf32, #tpu.memory_space<vmem_shared>>, %arg22: memref<!tpu.dma_semaphore, #tpu.memory_space<semaphore_mem>>, %arg23: memref<!tpu.dma_semaphore, #tpu.memory_space<semaphore_mem>>, %arg24: memref<!tpu.dma_semaphore, #tpu.memory_space<semaphore_mem>>, %arg25: memref<!tpu.dma_semaphore, #tpu.memory_space<semaphore_mem>>, %arg26: memref<!tpu.dma_semaphore, #tpu.memory_space<semaphore_mem>>, %arg27: memref<!tpu.dma_semaphore, #tpu.memory_space<semaphore_mem>>) attributes {dimension_semantics = [#tpu.dimension_semantics<core_parallel>, #tpu.dimension_semantics<subcore_parallel>], iteration_bounds = array<i64: 2, 16>, scalar_prefetch = 0 : i64, scratch_operands = 22 : i64, tpu.core_type = #tpu.core_type<sc_vector_subcore>, window_params = [{transform_indices = #map}, {transform_indices = #map1}, {transform_indices = #map1}, {transform_indices = #map2}]} {
    %mul3A = arith.constant 2 : i32
    %mul3A_0 = arith.muli %arg1, %mul3A : i32
    %add3A = arith.addi %mul3A_0, %arg0 : i32
    %mul3A_1 = arith.constant 640 : i32
    %mul3A_2 = arith.muli %arg1, %mul3A_1 : i32
    %eq3A = arith.constant 0 : i32
    %eq3A_3 = arith.cmpi eq, %arg0, %eq3A : i32
    %convert_element_type3A = arith.extui %eq3A_3 : i1 to i32
    %cond3A = arith.constant 0 : i32
    %cond3A_4 = arith.cmpi ne, %convert_element_type3A, %cond3A : i32
    scf.if %cond3A_4 {
      "tpu.region"() ({
        %run_scoped3A = tpu.sem_alloc : memref<!tpu.dma_semaphore, #tpu.memory_space<semaphore_mem>>
        %dma_start3A_121 = arith.constant 0 : i32
        %dma_start3A_122 = tpu.memref_slice %arg21[%mul3A_2, %dma_start3A_121] : memref<10240x128xf32, #tpu.memory_space<vmem_shared>> -> memref<640x128xf32, #tpu.memory_space<vmem_shared>>
        %dma_start3A_123 = arith.constant 0 : i32
        %dma_start3A_124 = tpu.memref_slice %arg2[%mul3A_2, %dma_start3A_123] : memref<10240x128xf32, #tpu.memory_space<hbm>> -> memref<640x128xf32, #tpu.memory_space<hbm>>
        tpu.enqueue_dma source(%dma_start3A_124 : memref<640x128xf32, #tpu.memory_space<hbm>>) target(%dma_start3A_122 : memref<640x128xf32, #tpu.memory_space<vmem_shared>>) target_semaphore(%run_scoped3A : memref<!tpu.dma_semaphore, #tpu.memory_space<semaphore_mem>>)
        %dma_wait3A_125 = arith.constant 0 : i32
        %dma_wait3A_126 = tpu.memref_slice %arg21[%mul3A_2, %dma_wait3A_125] : memref<10240x128xf32, #tpu.memory_space<vmem_shared>> -> memref<640x128xf32, #tpu.memory_space<vmem_shared>>
        %dma_wait3A_127 = arith.constant 0 : i32
        %dma_wait3A_128 = tpu.memref_slice %arg2[%mul3A_2, %dma_wait3A_127] : memref<10240x128xf32, #tpu.memory_space<hbm>> -> memref<640x128xf32, #tpu.memory_space<hbm>>
        tpu.wait_dma2 semaphore(%run_scoped3A : memref<!tpu.dma_semaphore, #tpu.memory_space<semaphore_mem>>) src(%dma_wait3A_128 : memref<640x128xf32, #tpu.memory_space<hbm>>) dst(%dma_wait3A_126 : memref<640x128xf32, #tpu.memory_space<vmem_shared>>)
        tpu.yield
      }) : () -> ()
    } else {
    }
    %eq3A_5 = arith.constant 1 : i32
    %eq3A_6 = arith.cmpi eq, %arg0, %eq3A_5 : i32
    %convert_element_type3A_7 = arith.extui %eq3A_6 : i1 to i32
    %cond3A_8 = arith.constant 0 : i32
    %cond3A_9 = arith.cmpi ne, %convert_element_type3A_7, %cond3A_8 : i32
    scf.if %cond3A_9 {
      %scan3A_121 = arith.constant 0 : i32
      %scan3A_122 = arith.constant 0 : i32
      %scan3A_123 = arith.constant 120 : i32
      %scan3A_124 = arith.addi %scan3A_122, %scan3A_123 : i32
      %scan3A_125 = arith.constant 1 : i32
      %scan3A_126 = scf.for %scan3A_140 = %scan3A_122 to %scan3A_124 step %scan3A_125 iter_args(%scan3A_141 = %scan3A_121) -> (i32)  : i32 {
        %broadcast_in_dim3A = arith.constant 0.000000e+00 : f32
        %broadcast_in_dim3A_142 = vector.broadcast %broadcast_in_dim3A : f32 to vector<16xf32>
        %swap3A = arith.index_cast %scan3A_140 : i32 to index
        %swap3A_143 = arith.constant 0 : index
        %swap3A_144 = tpu.vector_load %arg8[%swap3A, %swap3A_143] {strides = array<i32>} : memref<120x128xf32, #tpu.memory_space<vmem>>, vector<1x16xf32>,
        %swap3A_145 = vector.shape_cast %swap3A_144 : vector<1x16xf32> to vector<16xf32>
        %swap3A_146 = vector.shape_cast %broadcast_in_dim3A_142 : vector<16xf32> to vector<1x16xf32>
        tpu.vector_store %arg8[%swap3A, %swap3A_143], %swap3A_146 {strides = array<i32>} : memref<120x128xf32, #tpu.memory_space<vmem>>, vector<1x16xf32>,
        %broadcast_in_dim3A_147 = arith.constant 0.000000e+00 : f32
        %broadcast_in_dim3A_148 = vector.broadcast %broadcast_in_dim3A_147 : f32 to vector<16xf32>
        %swap3A_149 = arith.index_cast %scan3A_140 : i32 to index
        %swap3A_150 = arith.constant 16 : index
        %swap3A_151 = tpu.vector_load %arg8[%swap3A_149, %swap3A_150] {strides = array<i32>} : memref<120x128xf32, #tpu.memory_space<vmem>>, vector<1x16xf32>,
        %swap3A_152 = vector.shape_cast %swap3A_151 : vector<1x16xf32> to vector<16xf32>
        %swap3A_153 = vector.shape_cast %broadcast_in_dim3A_148 : vector<16xf32> to vector<1x16xf32>
        tpu.vector_store %arg8[%swap3A_149, %swap3A_150], %swap3A_153 {strides = array<i32>} : memref<120x128xf32, #tpu.memory_space<vmem>>, vector<1x16xf32>,
        %broadcast_in_dim3A_154 = arith.constant 0.000000e+00 : f32
        %broadcast_in_dim3A_155 = vector.broadcast %broadcast_in_dim3A_154 : f32 to vector<16xf32>
        %swap3A_156 = arith.index_cast %scan3A_140 : i32 to index
        %swap3A_157 = arith.constant 32 : index
        %swap3A_158 = tpu.vector_load %arg8[%swap3A_156, %swap3A_157] {strides = array<i32>} : memref<120x128xf32, #tpu.memory_space<vmem>>, vector<1x16xf32>,
        %swap3A_159 = vector.shape_cast %swap3A_158 : vector<1x16xf32> to vector<16xf32>
        %swap3A_160 = vector.shape_cast %broadcast_in_dim3A_155 : vector<16xf32> to vector<1x16xf32>
        tpu.vector_store %arg8[%swap3A_156, %swap3A_157], %swap3A_160 {strides = array<i32>} : memref<120x128xf32, #tpu.memory_space<vmem>>, vector<1x16xf32>,
        %broadcast_in_dim3A_161 = arith.constant 0.000000e+00 : f32
        %broadcast_in_dim3A_162 = vector.broadcast %broadcast_in_dim3A_161 : f32 to vector<16xf32>
        %swap3A_163 = arith.index_cast %scan3A_140 : i32 to index
        %swap3A_164 = arith.constant 48 : index
        %swap3A_165 = tpu.vector_load %arg8[%swap3A_163, %swap3A_164] {strides = array<i32>} : memref<120x128xf32, #tpu.memory_space<vmem>>, vector<1x16xf32>,
        %swap3A_166 = vector.shape_cast %swap3A_165 : vector<1x16xf32> to vector<16xf32>
        %swap3A_167 = vector.shape_cast %broadcast_in_dim3A_162 : vector<16xf32> to vector<1x16xf32>
        tpu.vector_store %arg8[%swap3A_163, %swap3A_164], %swap3A_167 {strides = array<i32>} : memref<120x128xf32, #tpu.memory_space<vmem>>, vector<1x16xf32>,
        %broadcast_in_dim3A_168 = arith.constant 0.000000e+00 : f32
        %broadcast_in_dim3A_169 = vector.broadcast %broadcast_in_dim3A_168 : f32 to vector<16xf32>
        %swap3A_170 = arith.index_cast %scan3A_140 : i32 to index
        %swap3A_171 = arith.constant 64 : index
        %swap3A_172 = tpu.vector_load %arg8[%swap3A_170, %swap3A_171] {strides = array<i32>} : memref<120x128xf32, #tpu.memory_space<vmem>>, vector<1x16xf32>,
        %swap3A_173 = vector.shape_cast %swap3A_172 : vector<1x16xf32> to vector<16xf32>
        %swap3A_174 = vector.shape_cast %broadcast_in_dim3A_169 : vector<16xf32> to vector<1x16xf32>
        tpu.vector_store %arg8[%swap3A_170, %swap3A_171], %swap3A_174 {strides = array<i32>} : memref<120x128xf32, #tpu.memory_space<vmem>>, vector<1x16xf32>,
        %broadcast_in_dim3A_175 = arith.constant 0.000000e+00 : f32
        %broadcast_in_dim3A_176 = vector.broadcast %broadcast_in_dim3A_175 : f32 to vector<16xf32>
        %swap3A_177 = arith.index_cast %scan3A_140 : i32 to index
        %swap3A_178 = arith.constant 80 : index
        %swap3A_179 = tpu.vector_load %arg8[%swap3A_177, %swap3A_178] {strides = array<i32>} : memref<120x128xf32, #tpu.memory_space<vmem>>, vector<1x16xf32>,
        %swap3A_180 = vector.shape_cast %swap3A_179 : vector<1x16xf32> to vector<16xf32>
        %swap3A_181 = vector.shape_cast %broadcast_in_dim3A_176 : vector<16xf32> to vector<1x16xf32>
        tpu.vector_store %arg8[%swap3A_177, %swap3A_178], %swap3A_181 {strides = array<i32>} : memref<120x128xf32, #tpu.memory_space<vmem>>, vector<1x16xf32>,
        %broadcast_in_dim3A_182 = arith.constant 0.000000e+00 : f32
        %broadcast_in_dim3A_183 = vector.broadcast %broadcast_in_dim3A_182 : f32 to vector<16xf32>
        %swap3A_184 = arith.index_cast %scan3A_140 : i32 to index
        %swap3A_185 = arith.constant 96 : index
        %swap3A_186 = tpu.vector_load %arg8[%swap3A_184, %swap3A_185] {strides = array<i32>} : memref<120x128xf32, #tpu.memory_space<vmem>>, vector<1x16xf32>,
        %swap3A_187 = vector.shape_cast %swap3A_186 : vector<1x16xf32> to vector<16xf32>
        %swap3A_188 = vector.shape_cast %broadcast_in_dim3A_183 : vector<16xf32> to vector<1x16xf32>
        tpu.vector_store %arg8[%swap3A_184, %swap3A_185], %swap3A_188 {strides = array<i32>} : memref<120x128xf32, #tpu.memory_space<vmem>>, vector<1x16xf32>,
        %broadcast_in_dim3A_189 = arith.constant 0.000000e+00 : f32
        %broadcast_in_dim3A_190 = vector.broadcast %broadcast_in_dim3A_189 : f32 to vector<16xf32>
        %swap3A_191 = arith.index_cast %scan3A_140 : i32 to index
        %swap3A_192 = arith.constant 112 : index
        %swap3A_193 = tpu.vector_load %arg8[%swap3A_191, %swap3A_192] {strides = array<i32>} : memref<120x128xf32, #tpu.memory_space<vmem>>, vector<1x16xf32>,
        %swap3A_194 = vector.shape_cast %swap3A_193 : vector<1x16xf32> to vector<16xf32>
        %swap3A_195 = vector.shape_cast %broadcast_in_dim3A_190 : vector<16xf32> to vector<1x16xf32>
        tpu.vector_store %arg8[%swap3A_191, %swap3A_192], %swap3A_195 {strides = array<i32>} : memref<120x128xf32, #tpu.memory_space<vmem>>, vector<1x16xf32>,
        %scan3A_196 = arith.constant 0 : i32
        scf.yield %scan3A_196 : i32
      }
      %scan3A_127 = arith.constant 120 : i32
      %add3A_128 = arith.constant 0 : i32
      %add3A_129 = arith.addi %mul3A_2, %add3A_128 : i32
      "tpu.region"() ({
        %run_scoped3A = tpu.sem_alloc : memref<!tpu.dma_semaphore, #tpu.memory_space<semaphore_mem>>
        %dma_start3A_140 = arith.constant 0 : i32
        %dma_start3A_141 = arith.constant 0 : i32
        %dma_start3A_142 = tpu.memref_slice %arg8[%dma_start3A_140, %dma_start3A_141] : memref<120x128xf32, #tpu.memory_space<vmem>> -> memref<120x128xf32, #tpu.memory_space<vmem>>
        %dma_start3A_143 = arith.constant 0 : i32
        %dma_start3A_144 = tpu.memref_slice %arg21[%add3A_129, %dma_start3A_143] : memref<10240x128xf32, #tpu.memory_space<vmem_shared>> -> memref<120x128xf32, #tpu.memory_space<vmem_shared>>
        %dma_start3A_145 = arith.constant 0 : i32
        %dma_start3A_146 = tpu.memref_slice %arg21[%add3A_129, %dma_start3A_145] : memref<10240x128xf32, #tpu.memory_space<vmem_shared>> -> memref<120x128xf32, #tpu.memory_space<vmem_shared>>
        %dma_start3A_147 = arith.constant 0 : i32
        %dma_start3A_148 = arith.constant 0 : i32
        %dma_start3A_149 = tpu.memref_slice %arg8[%dma_start3A_147, %dma_start3A_148] : memref<120x128xf32, #tpu.memory_space<vmem>> -> memref<120x128xf32, #tpu.memory_space<vmem>>
        tpu.enqueue_dma source(%dma_start3A_149 : memref<120x128xf32, #tpu.memory_space<vmem>>) target(%dma_start3A_146 : memref<120x128xf32, #tpu.memory_space<vmem_shared>>) target_semaphore(%run_scoped3A : memref<!tpu.dma_semaphore, #tpu.memory_space<semaphore_mem>>)
        %dma_wait3A_150 = arith.constant 0 : i32
        %dma_wait3A_151 = arith.constant 0 : i32
        %dma_wait3A_152 = tpu.memref_slice %arg8[%dma_wait3A_150, %dma_wait3A_151] : memref<120x128xf32, #tpu.memory_space<vmem>> -> memref<120x128xf32, #tpu.memory_space<vmem>>
        %dma_wait3A_153 = arith.constant 0 : i32
        %dma_wait3A_154 = tpu.memref_slice %arg21[%add3A_129, %dma_wait3A_153] : memref<10240x128xf32, #tpu.memory_space<vmem_shared>> -> memref<120x128xf32, #tpu.memory_space<vmem_shared>>
        %dma_wait3A_155 = arith.constant 0 : i32
        %dma_wait3A_156 = tpu.memref_slice %arg21[%add3A_129, %dma_wait3A_155] : memref<10240x128xf32, #tpu.memory_space<vmem_shared>> -> memref<120x128xf32, #tpu.memory_space<vmem_shared>>
        %dma_wait3A_157 = arith.constant 0 : i32
        %dma_wait3A_158 = arith.constant 0 : i32
        %dma_wait3A_159 = tpu.memref_slice %arg8[%dma_wait3A_157, %dma_wait3A_158] : memref<120x128xf32, #tpu.memory_space<vmem>> -> memref<120x128xf32, #tpu.memory_space<vmem>>
        tpu.wait_dma2 semaphore(%run_scoped3A : memref<!tpu.dma_semaphore, #tpu.memory_space<semaphore_mem>>) src(%dma_wait3A_159 : memref<120x128xf32, #tpu.memory_space<vmem>>) dst(%dma_wait3A_156 : memref<120x128xf32, #tpu.memory_space<vmem_shared>>)
        tpu.yield
      }) : () -> ()
      %add3A_130 = arith.constant 120 : i32
      %add3A_131 = arith.addi %mul3A_2, %add3A_130 : i32
      "tpu.region"() ({
        %run_scoped3A = tpu.sem_alloc : memref<!tpu.dma_semaphore, #tpu.memory_space<semaphore_mem>>
        %dma_start3A_140 = arith.constant 0 : i32
        %dma_start3A_141 = arith.constant 0 : i32
        %dma_start3A_142 = tpu.memref_slice %arg8[%dma_start3A_140, %dma_start3A_141] : memref<120x128xf32, #tpu.memory_space<vmem>> -> memref<120x128xf32, #tpu.memory_space<vmem>>
        %dma_start3A_143 = arith.constant 0 : i32
        %dma_start3A_144 = tpu.memref_slice %arg21[%add3A_131, %dma_start3A_143] : memref<10240x128xf32, #tpu.memory_space<vmem_shared>> -> memref<120x128xf32, #tpu.memory_space<vmem_shared>>
        %dma_start3A_145 = arith.constant 0 : i32
        %dma_start3A_146 = tpu.memref_slice %arg21[%add3A_131, %dma_start3A_145] : memref<10240x128xf32, #tpu.memory_space<vmem_shared>> -> memref<120x128xf32, #tpu.memory_space<vmem_shared>>
        %dma_start3A_147 = arith.constant 0 : i32
        %dma_start3A_148 = arith.constant 0 : i32
        %dma_start3A_149 = tpu.memref_slice %arg8[%dma_start3A_147, %dma_start3A_148] : memref<120x128xf32, #tpu.memory_space<vmem>> -> memref<120x128xf32, #tpu.memory_space<vmem>>
        tpu.enqueue_dma source(%dma_start3A_149 : memref<120x128xf32, #tpu.memory_space<vmem>>) target(%dma_start3A_146 : memref<120x128xf32, #tpu.memory_space<vmem_shared>>) target_semaphore(%run_scoped3A : memref<!tpu.dma_semaphore, #tpu.memory_space<semaphore_mem>>)
        %dma_wait3A_150 = arith.constant 0 : i32
        %dma_wait3A_151 = arith.constant 0 : i32
        %dma_wait3A_152 = tpu.memref_slice %arg8[%dma_wait3A_150, %dma_wait3A_151] : memref<120x128xf32, #tpu.memory_space<vmem>> -> memref<120x128xf32, #tpu.memory_space<vmem>>
        %dma_wait3A_153 = arith.constant 0 : i32
        %dma_wait3A_154 = tpu.memref_slice %arg21[%add3A_131, %dma_wait3A_153] : memref<10240x128xf32, #tpu.memory_space<vmem_shared>> -> memref<120x128xf32, #tpu.memory_space<vmem_shared>>
        %dma_wait3A_155 = arith.constant 0 : i32
        %dma_wait3A_156 = tpu.memref_slice %arg21[%add3A_131, %dma_wait3A_155] : memref<10240x128xf32, #tpu.memory_space<vmem_shared>> -> memref<120x128xf32, #tpu.memory_space<vmem_shared>>
        %dma_wait3A_157 = arith.constant 0 : i32
        %dma_wait3A_158 = arith.constant 0 : i32
        %dma_wait3A_159 = tpu.memref_slice %arg8[%dma_wait3A_157, %dma_wait3A_158] : memref<120x128xf32, #tpu.memory_space<vmem>> -> memref<120x128xf32, #tpu.memory_space<vmem>>
        tpu.wait_dma2 semaphore(%run_scoped3A : memref<!tpu.dma_semaphore, #tpu.memory_space<semaphore_mem>>) src(%dma_wait3A_159 : memref<120x128xf32, #tpu.memory_space<vmem>>) dst(%dma_wait3A_156 : memref<120x128xf32, #tpu.memory_space<vmem_shared>>)
        tpu.yield
      }) : () -> ()
      %add3A_132 = arith.constant 240 : i32
      %add3A_133 = arith.addi %mul3A_2, %add3A_132 : i32
      "tpu.region"() ({
        %run_scoped3A = tpu.sem_alloc : memref<!tpu.dma_semaphore, #tpu.memory_space<semaphore_mem>>
        %dma_start3A_140 = arith.constant 0 : i32
        %dma_start3A_141 = arith.constant 0 : i32
        %dma_start3A_142 = tpu.memref_slice %arg8[%dma_start3A_140, %dma_start3A_141] : memref<120x128xf32, #tpu.memory_space<vmem>> -> memref<120x128xf32, #tpu.memory_space<vmem>>
        %dma_start3A_143 = arith.constant 0 : i32
        %dma_start3A_144 = tpu.memref_slice %arg21[%add3A_133, %dma_start3A_143] : memref<10240x128xf32, #tpu.memory_space<vmem_shared>> -> memref<120x128xf32, #tpu.memory_space<vmem_shared>>
        %dma_start3A_145 = arith.constant 0 : i32
        %dma_start3A_146 = tpu.memref_slice %arg21[%add3A_133, %dma_start3A_145] : memref<10240x128xf32, #tpu.memory_space<vmem_shared>> -> memref<120x128xf32, #tpu.memory_space<vmem_shared>>
        %dma_start3A_147 = arith.constant 0 : i32
        %dma_start3A_148 = arith.constant 0 : i32
        %dma_start3A_149 = tpu.memref_slice %arg8[%dma_start3A_147, %dma_start3A_148] : memref<120x128xf32, #tpu.memory_space<vmem>> -> memref<120x128xf32, #tpu.memory_space<vmem>>
        tpu.enqueue_dma source(%dma_start3A_149 : memref<120x128xf32, #tpu.memory_space<vmem>>) target(%dma_start3A_146 : memref<120x128xf32, #tpu.memory_space<vmem_shared>>) target_semaphore(%run_scoped3A : memref<!tpu.dma_semaphore, #tpu.memory_space<semaphore_mem>>)
        %dma_wait3A_150 = arith.constant 0 : i32
        %dma_wait3A_151 = arith.constant 0 : i32
        %dma_wait3A_152 = tpu.memref_slice %arg8[%dma_wait3A_150, %dma_wait3A_151] : memref<120x128xf32, #tpu.memory_space<vmem>> -> memref<120x128xf32, #tpu.memory_space<vmem>>
        %dma_wait3A_153 = arith.constant 0 : i32
        %dma_wait3A_154 = tpu.memref_slice %arg21[%add3A_133, %dma_wait3A_153] : memref<10240x128xf32, #tpu.memory_space<vmem_shared>> -> memref<120x128xf32, #tpu.memory_space<vmem_shared>>
        %dma_wait3A_155 = arith.constant 0 : i32
        %dma_wait3A_156 = tpu.memref_slice %arg21[%add3A_133, %dma_wait3A_155] : memref<10240x128xf32, #tpu.memory_space<vmem_shared>> -> memref<120x128xf32, #tpu.memory_space<vmem_shared>>
        %dma_wait3A_157 = arith.constant 0 : i32
        %dma_wait3A_158 = arith.constant 0 : i32
        %dma_wait3A_159 = tpu.memref_slice %arg8[%dma_wait3A_157, %dma_wait3A_158] : memref<120x128xf32, #tpu.memory_space<vmem>> -> memref<120x128xf32, #tpu.memory_space<vmem>>
        tpu.wait_dma2 semaphore(%run_scoped3A : memref<!tpu.dma_semaphore, #tpu.memory_space<semaphore_mem>>) src(%dma_wait3A_159 : memref<120x128xf32, #tpu.memory_space<vmem>>) dst(%dma_wait3A_156 : memref<120x128xf32, #tpu.memory_space<vmem_shared>>)
        tpu.yield
      }) : () -> ()
      %add3A_134 = arith.constant 360 : i32
      %add3A_135 = arith.addi %mul3A_2, %add3A_134 : i32
      "tpu.region"() ({
        %run_scoped3A = tpu.sem_alloc : memref<!tpu.dma_semaphore, #tpu.memory_space<semaphore_mem>>
        %dma_start3A_140 = arith.constant 0 : i32
        %dma_start3A_141 = arith.constant 0 : i32
        %dma_start3A_142 = tpu.memref_slice %arg8[%dma_start3A_140, %dma_start3A_141] : memref<120x128xf32, #tpu.memory_space<vmem>> -> memref<120x128xf32, #tpu.memory_space<vmem>>
        %dma_start3A_143 = arith.constant 0 : i32
        %dma_start3A_144 = tpu.memref_slice %arg21[%add3A_135, %dma_start3A_143] : memref<10240x128xf32, #tpu.memory_space<vmem_shared>> -> memref<120x128xf32, #tpu.memory_space<vmem_shared>>
        %dma_start3A_145 = arith.constant 0 : i32
        %dma_start3A_146 = tpu.memref_slice %arg21[%add3A_135, %dma_start3A_145] : memref<10240x128xf32, #tpu.memory_space<vmem_shared>> -> memref<120x128xf32, #tpu.memory_space<vmem_shared>>
        %dma_start3A_147 = arith.constant 0 : i32
        %dma_start3A_148 = arith.constant 0 : i32
        %dma_start3A_149 = tpu.memref_slice %arg8[%dma_start3A_147, %dma_start3A_148] : memref<120x128xf32, #tpu.memory_space<vmem>> -> memref<120x128xf32, #tpu.memory_space<vmem>>
        tpu.enqueue_dma source(%dma_start3A_149 : memref<120x128xf32, #tpu.memory_space<vmem>>) target(%dma_start3A_146 : memref<120x128xf32, #tpu.memory_space<vmem_shared>>) target_semaphore(%run_scoped3A : memref<!tpu.dma_semaphore, #tpu.memory_space<semaphore_mem>>)
        %dma_wait3A_150 = arith.constant 0 : i32
        %dma_wait3A_151 = arith.constant 0 : i32
        %dma_wait3A_152 = tpu.memref_slice %arg8[%dma_wait3A_150, %dma_wait3A_151] : memref<120x128xf32, #tpu.memory_space<vmem>> -> memref<120x128xf32, #tpu.memory_space<vmem>>
        %dma_wait3A_153 = arith.constant 0 : i32
        %dma_wait3A_154 = tpu.memref_slice %arg21[%add3A_135, %dma_wait3A_153] : memref<10240x128xf32, #tpu.memory_space<vmem_shared>> -> memref<120x128xf32, #tpu.memory_space<vmem_shared>>
        %dma_wait3A_155 = arith.constant 0 : i32
        %dma_wait3A_156 = tpu.memref_slice %arg21[%add3A_135, %dma_wait3A_155] : memref<10240x128xf32, #tpu.memory_space<vmem_shared>> -> memref<120x128xf32, #tpu.memory_space<vmem_shared>>
        %dma_wait3A_157 = arith.constant 0 : i32
        %dma_wait3A_158 = arith.constant 0 : i32
        %dma_wait3A_159 = tpu.memref_slice %arg8[%dma_wait3A_157, %dma_wait3A_158] : memref<120x128xf32, #tpu.memory_space<vmem>> -> memref<120x128xf32, #tpu.memory_space<vmem>>
        tpu.wait_dma2 semaphore(%run_scoped3A : memref<!tpu.dma_semaphore, #tpu.memory_space<semaphore_mem>>) src(%dma_wait3A_159 : memref<120x128xf32, #tpu.memory_space<vmem>>) dst(%dma_wait3A_156 : memref<120x128xf32, #tpu.memory_space<vmem_shared>>)
        tpu.yield
      }) : () -> ()
      %add3A_136 = arith.constant 480 : i32
      %add3A_137 = arith.addi %mul3A_2, %add3A_136 : i32
      "tpu.region"() ({
        %run_scoped3A = tpu.sem_alloc : memref<!tpu.dma_semaphore, #tpu.memory_space<semaphore_mem>>
        %dma_start3A_140 = arith.constant 0 : i32
        %dma_start3A_141 = arith.constant 0 : i32
        %dma_start3A_142 = tpu.memref_slice %arg8[%dma_start3A_140, %dma_start3A_141] : memref<120x128xf32, #tpu.memory_space<vmem>> -> memref<120x128xf32, #tpu.memory_space<vmem>>
        %dma_start3A_143 = arith.constant 0 : i32
        %dma_start3A_144 = tpu.memref_slice %arg21[%add3A_137, %dma_start3A_143] : memref<10240x128xf32, #tpu.memory_space<vmem_shared>> -> memref<120x128xf32, #tpu.memory_space<vmem_shared>>
        %dma_start3A_145 = arith.constant 0 : i32
        %dma_start3A_146 = tpu.memref_slice %arg21[%add3A_137, %dma_start3A_145] : memref<10240x128xf32, #tpu.memory_space<vmem_shared>> -> memref<120x128xf32, #tpu.memory_space<vmem_shared>>
        %dma_start3A_147 = arith.constant 0 : i32
        %dma_start3A_148 = arith.constant 0 : i32
        %dma_start3A_149 = tpu.memref_slice %arg8[%dma_start3A_147, %dma_start3A_148] : memref<120x128xf32, #tpu.memory_space<vmem>> -> memref<120x128xf32, #tpu.memory_space<vmem>>
        tpu.enqueue_dma source(%dma_start3A_149 : memref<120x128xf32, #tpu.memory_space<vmem>>) target(%dma_start3A_146 : memref<120x128xf32, #tpu.memory_space<vmem_shared>>) target_semaphore(%run_scoped3A : memref<!tpu.dma_semaphore, #tpu.memory_space<semaphore_mem>>)
        %dma_wait3A_150 = arith.constant 0 : i32
        %dma_wait3A_151 = arith.constant 0 : i32
        %dma_wait3A_152 = tpu.memref_slice %arg8[%dma_wait3A_150, %dma_wait3A_151] : memref<120x128xf32, #tpu.memory_space<vmem>> -> memref<120x128xf32, #tpu.memory_space<vmem>>
        %dma_wait3A_153 = arith.constant 0 : i32
        %dma_wait3A_154 = tpu.memref_slice %arg21[%add3A_137, %dma_wait3A_153] : memref<10240x128xf32, #tpu.memory_space<vmem_shared>> -> memref<120x128xf32, #tpu.memory_space<vmem_shared>>
        %dma_wait3A_155 = arith.constant 0 : i32
        %dma_wait3A_156 = tpu.memref_slice %arg21[%add3A_137, %dma_wait3A_155] : memref<10240x128xf32, #tpu.memory_space<vmem_shared>> -> memref<120x128xf32, #tpu.memory_space<vmem_shared>>
        %dma_wait3A_157 = arith.constant 0 : i32
        %dma_wait3A_158 = arith.constant 0 : i32
        %dma_wait3A_159 = tpu.memref_slice %arg8[%dma_wait3A_157, %dma_wait3A_158] : memref<120x128xf32, #tpu.memory_space<vmem>> -> memref<120x128xf32, #tpu.memory_space<vmem>>
        tpu.wait_dma2 semaphore(%run_scoped3A : memref<!tpu.dma_semaphore, #tpu.memory_space<semaphore_mem>>) src(%dma_wait3A_159 : memref<120x128xf32, #tpu.memory_space<vmem>>) dst(%dma_wait3A_156 : memref<120x128xf32, #tpu.memory_space<vmem_shared>>)
        tpu.yield
      }) : () -> ()
      %add3A_138 = arith.constant 600 : i32
      %add3A_139 = arith.addi %mul3A_2, %add3A_138 : i32
      "tpu.region"() ({
        %run_scoped3A = tpu.sem_alloc : memref<!tpu.dma_semaphore, #tpu.memory_space<semaphore_mem>>
        %dma_start3A_140 = arith.constant 0 : i32
        %dma_start3A_141 = arith.constant 0 : i32
        %dma_start3A_142 = tpu.memref_slice %arg8[%dma_start3A_140, %dma_start3A_141] : memref<120x128xf32, #tpu.memory_space<vmem>> -> memref<40x128xf32, #tpu.memory_space<vmem>>
        %dma_start3A_143 = arith.constant 0 : i32
        %dma_start3A_144 = tpu.memref_slice %arg21[%add3A_139, %dma_start3A_143] : memref<10240x128xf32, #tpu.memory_space<vmem_shared>> -> memref<40x128xf32, #tpu.memory_space<vmem_shared>>
        %dma_start3A_145 = arith.constant 0 : i32
        %dma_start3A_146 = tpu.memref_slice %arg21[%add3A_139, %dma_start3A_145] : memref<10240x128xf32, #tpu.memory_space<vmem_shared>> -> memref<40x128xf32, #tpu.memory_space<vmem_shared>>
        %dma_start3A_147 = arith.constant 0 : i32
        %dma_start3A_148 = arith.constant 0 : i32
        %dma_start3A_149 = tpu.memref_slice %arg8[%dma_start3A_147, %dma_start3A_148] : memref<120x128xf32, #tpu.memory_space<vmem>> -> memref<40x128xf32, #tpu.memory_space<vmem>>
        tpu.enqueue_dma source(%dma_start3A_149 : memref<40x128xf32, #tpu.memory_space<vmem>>) target(%dma_start3A_146 : memref<40x128xf32, #tpu.memory_space<vmem_shared>>) target_semaphore(%run_scoped3A : memref<!tpu.dma_semaphore, #tpu.memory_space<semaphore_mem>>)
        %dma_wait3A_150 = arith.constant 0 : i32
        %dma_wait3A_151 = arith.constant 0 : i32
        %dma_wait3A_152 = tpu.memref_slice %arg8[%dma_wait3A_150, %dma_wait3A_151] : memref<120x128xf32, #tpu.memory_space<vmem>> -> memref<40x128xf32, #tpu.memory_space<vmem>>
        %dma_wait3A_153 = arith.constant 0 : i32
        %dma_wait3A_154 = tpu.memref_slice %arg21[%add3A_139, %dma_wait3A_153] : memref<10240x128xf32, #tpu.memory_space<vmem_shared>> -> memref<40x128xf32, #tpu.memory_space<vmem_shared>>
        %dma_wait3A_155 = arith.constant 0 : i32
        %dma_wait3A_156 = tpu.memref_slice %arg21[%add3A_139, %dma_wait3A_155] : memref<10240x128xf32, #tpu.memory_space<vmem_shared>> -> memref<40x128xf32, #tpu.memory_space<vmem_shared>>
        %dma_wait3A_157 = arith.constant 0 : i32
        %dma_wait3A_158 = arith.constant 0 : i32
        %dma_wait3A_159 = tpu.memref_slice %arg8[%dma_wait3A_157, %dma_wait3A_158] : memref<120x128xf32, #tpu.memory_space<vmem>> -> memref<40x128xf32, #tpu.memory_space<vmem>>
        tpu.wait_dma2 semaphore(%run_scoped3A : memref<!tpu.dma_semaphore, #tpu.memory_space<semaphore_mem>>) src(%dma_wait3A_159 : memref<40x128xf32, #tpu.memory_space<vmem>>) dst(%dma_wait3A_156 : memref<40x128xf32, #tpu.memory_space<vmem_shared>>)
        tpu.yield
      }) : () -> ()
    } else {
    }
    %barrier3A = arith.constant 0 : index
    tpu.barrier barrier_id(%barrier3A)
    %mul3A_10 = arith.constant 10000 : i32
    %mul3A_11 = arith.muli %add3A, %mul3A_10 : i32
    %add3A_12 = arith.constant 0 : i32
    %add3A_13 = arith.addi %mul3A_11, %add3A_12 : i32
    "tpu.region"() ({
      %run_scoped3A = tpu.sem_alloc : memref<!tpu.dma_semaphore, #tpu.memory_space<semaphore_mem>>
      %dma_start3A_121 = tpu.memref_slice %arg3[%add3A_13] : memref<320000xi32, #tpu.memory_space<hbm>> -> memref<120xi32, #tpu.memory_space<hbm>>
      %dma_start3A_122 = tpu.memref_slice %arg3[%add3A_13] : memref<320000xi32, #tpu.memory_space<hbm>> -> memref<120xi32, #tpu.memory_space<hbm>>
      tpu.enqueue_dma source(%dma_start3A_122 : memref<120xi32, #tpu.memory_space<hbm>>) target(%arg6 : memref<120xi32, #tpu.memory_space<vmem>>) target_semaphore(%run_scoped3A : memref<!tpu.dma_semaphore, #tpu.memory_space<semaphore_mem>>)
      %dma_wait3A_123 = tpu.memref_slice %arg3[%add3A_13] : memref<320000xi32, #tpu.memory_space<hbm>> -> memref<120xi32, #tpu.memory_space<hbm>>
      %dma_wait3A_124 = tpu.memref_slice %arg3[%add3A_13] : memref<320000xi32, #tpu.memory_space<hbm>> -> memref<120xi32, #tpu.memory_space<hbm>>
      tpu.wait_dma2 semaphore(%run_scoped3A : memref<!tpu.dma_semaphore, #tpu.memory_space<semaphore_mem>>) src(%dma_wait3A_124 : memref<120xi32, #tpu.memory_space<hbm>>) dst(%arg6 : memref<120xi32, #tpu.memory_space<vmem>>)
      tpu.yield
    }) : () -> ()
    "tpu.region"() ({
      %run_scoped3A = tpu.sem_alloc : memref<!tpu.dma_semaphore, #tpu.memory_space<semaphore_mem>>
      %dma_start3A_121 = tpu.memref_slice %arg4[%add3A_13] : memref<320000xi32, #tpu.memory_space<hbm>> -> memref<120xi32, #tpu.memory_space<hbm>>
      %dma_start3A_122 = tpu.memref_slice %arg4[%add3A_13] : memref<320000xi32, #tpu.memory_space<hbm>> -> memref<120xi32, #tpu.memory_space<hbm>>
      tpu.enqueue_dma source(%dma_start3A_122 : memref<120xi32, #tpu.memory_space<hbm>>) target(%arg7 : memref<120xi32, #tpu.memory_space<vmem>>) target_semaphore(%run_scoped3A : memref<!tpu.dma_semaphore, #tpu.memory_space<semaphore_mem>>)
      %dma_wait3A_123 = tpu.memref_slice %arg4[%add3A_13] : memref<320000xi32, #tpu.memory_space<hbm>> -> memref<120xi32, #tpu.memory_space<hbm>>
      %dma_wait3A_124 = tpu.memref_slice %arg4[%add3A_13] : memref<320000xi32, #tpu.memory_space<hbm>> -> memref<120xi32, #tpu.memory_space<hbm>>
      tpu.wait_dma2 semaphore(%run_scoped3A : memref<!tpu.dma_semaphore, #tpu.memory_space<semaphore_mem>>) src(%dma_wait3A_124 : memref<120xi32, #tpu.memory_space<hbm>>) dst(%arg7 : memref<120xi32, #tpu.memory_space<vmem>>)
      tpu.yield
    }) : () -> ()
    %dma_start3A = arith.constant 0 : i32
    %dma_start3A_14 = arith.constant 0 : i32
    %dma_start3A_15 = tpu.memref_slice %arg2[%dma_start3A, %dma_start3A_14] : memref<10240x128xf32, #tpu.memory_space<hbm>> -> memref<10240x128xf32, #tpu.memory_space<hbm>>
    tpu.enqueue_indirect_dma source(%dma_start3A_15 : memref<10240x128xf32, #tpu.memory_space<hbm>>) target(%arg8 : memref<120x128xf32, #tpu.memory_space<vmem>>) offsets(%arg6 : memref<120xi32, #tpu.memory_space<vmem>>) semaphore(%arg22 : memref<!tpu.dma_semaphore, #tpu.memory_space<semaphore_mem>>)
    %mul3A_16 = arith.constant 10000 : i32
    %mul3A_17 = arith.muli %add3A, %mul3A_16 : i32
    %add3A_18 = arith.constant 120 : i32
    %add3A_19 = arith.addi %mul3A_17, %add3A_18 : i32
    "tpu.region"() ({
      %run_scoped3A = tpu.sem_alloc : memref<!tpu.dma_semaphore, #tpu.memory_space<semaphore_mem>>
      %dma_start3A_121 = tpu.memref_slice %arg3[%add3A_19] : memref<320000xi32, #tpu.memory_space<hbm>> -> memref<120xi32, #tpu.memory_space<hbm>>
      %dma_start3A_122 = tpu.memref_slice %arg3[%add3A_19] : memref<320000xi32, #tpu.memory_space<hbm>> -> memref<120xi32, #tpu.memory_space<hbm>>
      tpu.enqueue_dma source(%dma_start3A_122 : memref<120xi32, #tpu.memory_space<hbm>>) target(%arg9 : memref<120xi32, #tpu.memory_space<vmem>>) target_semaphore(%run_scoped3A : memref<!tpu.dma_semaphore, #tpu.memory_space<semaphore_mem>>)
      %dma_wait3A_123 = tpu.memref_slice %arg3[%add3A_19] : memref<320000xi32, #tpu.memory_space<hbm>> -> memref<120xi32, #tpu.memory_space<hbm>>
      %dma_wait3A_124 = tpu.memref_slice %arg3[%add3A_19] : memref<320000xi32, #tpu.memory_space<hbm>> -> memref<120xi32, #tpu.memory_space<hbm>>
      tpu.wait_dma2 semaphore(%run_scoped3A : memref<!tpu.dma_semaphore, #tpu.memory_space<semaphore_mem>>) src(%dma_wait3A_124 : memref<120xi32, #tpu.memory_space<hbm>>) dst(%arg9 : memref<120xi32, #tpu.memory_space<vmem>>)
      tpu.yield
    }) : () -> ()
    "tpu.region"() ({
      %run_scoped3A = tpu.sem_alloc : memref<!tpu.dma_semaphore, #tpu.memory_space<semaphore_mem>>
      %dma_start3A_121 = tpu.memref_slice %arg4[%add3A_19] : memref<320000xi32, #tpu.memory_space<hbm>> -> memref<120xi32, #tpu.memory_space<hbm>>
      %dma_start3A_122 = tpu.memref_slice %arg4[%add3A_19] : memref<320000xi32, #tpu.memory_space<hbm>> -> memref<120xi32, #tpu.memory_space<hbm>>
      tpu.enqueue_dma source(%dma_start3A_122 : memref<120xi32, #tpu.memory_space<hbm>>) target(%arg10 : memref<120xi32, #tpu.memory_space<vmem>>) target_semaphore(%run_scoped3A : memref<!tpu.dma_semaphore, #tpu.memory_space<semaphore_mem>>)
      %dma_wait3A_123 = tpu.memref_slice %arg4[%add3A_19] : memref<320000xi32, #tpu.memory_space<hbm>> -> memref<120xi32, #tpu.memory_space<hbm>>
      %dma_wait3A_124 = tpu.memref_slice %arg4[%add3A_19] : memref<320000xi32, #tpu.memory_space<hbm>> -> memref<120xi32, #tpu.memory_space<hbm>>
      tpu.wait_dma2 semaphore(%run_scoped3A : memref<!tpu.dma_semaphore, #tpu.memory_space<semaphore_mem>>) src(%dma_wait3A_124 : memref<120xi32, #tpu.memory_space<hbm>>) dst(%arg10 : memref<120xi32, #tpu.memory_space<vmem>>)
      tpu.yield
    }) : () -> ()
    %dma_start3A_20 = arith.constant 0 : i32
    %dma_start3A_21 = arith.constant 0 : i32
    %dma_start3A_22 = tpu.memref_slice %arg2[%dma_start3A_20, %dma_start3A_21] : memref<10240x128xf32, #tpu.memory_space<hbm>> -> memref<10240x128xf32, #tpu.memory_space<hbm>>
    tpu.enqueue_indirect_dma source(%dma_start3A_22 : memref<10240x128xf32, #tpu.memory_space<hbm>>) target(%arg11 : memref<120x128xf32, #tpu.memory_space<vmem>>) offsets(%arg9 : memref<120xi32, #tpu.memory_space<vmem>>) semaphore(%arg23 : memref<!tpu.dma_semaphore, #tpu.memory_space<semaphore_mem>>)
    %dma_wait3A = arith.constant 0 : i32
    %dma_wait3A_23 = arith.constant 0 : i32
    %dma_wait3A_24 = tpu.memref_slice %arg2[%dma_wait3A, %dma_wait3A_23] : memref<10240x128xf32, #tpu.memory_space<hbm>> -> memref<10240x128xf32, #tpu.memory_space<hbm>>
    tpu.wait_indirect_dma semaphore(%arg22 : memref<!tpu.dma_semaphore, #tpu.memory_space<semaphore_mem>>) src(%dma_wait3A_24 : memref<10240x128xf32, #tpu.memory_space<hbm>>) dst(%arg8 : memref<120x128xf32, #tpu.memory_space<vmem>>)
    %dma_start3A_25 = arith.constant 0 : i32
    %dma_start3A_26 = arith.constant 0 : i32
    %dma_start3A_27 = tpu.memref_slice %arg21[%dma_start3A_25, %dma_start3A_26] : memref<10240x128xf32, #tpu.memory_space<vmem_shared>> -> memref<10240x128xf32, #tpu.memory_space<vmem_shared>>
    tpu.enqueue_indirect_dma source(%arg8 : memref<120x128xf32, #tpu.memory_space<vmem>>) target(%dma_start3A_27 : memref<10240x128xf32, #tpu.memory_space<vmem_shared>>) offsets(%arg7 : memref<120xi32, #tpu.memory_space<vmem>>) semaphore(%arg25 : memref<!tpu.dma_semaphore, #tpu.memory_space<semaphore_mem>>) {add = true}
    %mul3A_28 = arith.constant 10000 : i32
    %mul3A_29 = arith.muli %add3A, %mul3A_28 : i32
    %add3A_30 = arith.constant 240 : i32
    %add3A_31 = arith.addi %mul3A_29, %add3A_30 : i32
    "tpu.region"() ({
      %run_scoped3A = tpu.sem_alloc : memref<!tpu.dma_semaphore, #tpu.memory_space<semaphore_mem>>
      %dma_start3A_121 = tpu.memref_slice %arg3[%add3A_31] : memref<320000xi32, #tpu.memory_space<hbm>> -> memref<120xi32, #tpu.memory_space<hbm>>
      %dma_start3A_122 = tpu.memref_slice %arg3[%add3A_31] : memref<320000xi32, #tpu.memory_space<hbm>> -> memref<120xi32, #tpu.memory_space<hbm>>
      tpu.enqueue_dma source(%dma_start3A_122 : memref<120xi32, #tpu.memory_space<hbm>>) target(%arg12 : memref<120xi32, #tpu.memory_space<vmem>>) target_semaphore(%run_scoped3A : memref<!tpu.dma_semaphore, #tpu.memory_space<semaphore_mem>>)
      %dma_wait3A_123 = tpu.memref_slice %arg3[%add3A_31] : memref<320000xi32, #tpu.memory_space<hbm>> -> memref<120xi32, #tpu.memory_space<hbm>>
      %dma_wait3A_124 = tpu.memref_slice %arg3[%add3A_31] : memref<320000xi32, #tpu.memory_space<hbm>> -> memref<120xi32, #tpu.memory_space<hbm>>
      tpu.wait_dma2 semaphore(%run_scoped3A : memref<!tpu.dma_semaphore, #tpu.memory_space<semaphore_mem>>) src(%dma_wait3A_124 : memref<120xi32, #tpu.memory_space<hbm>>) dst(%arg12 : memref<120xi32, #tpu.memory_space<vmem>>)
      tpu.yield
    }) : () -> ()
    "tpu.region"() ({
      %run_scoped3A = tpu.sem_alloc : memref<!tpu.dma_semaphore, #tpu.memory_space<semaphore_mem>>
      %dma_start3A_121 = tpu.memref_slice %arg4[%add3A_31] : memref<320000xi32, #tpu.memory_space<hbm>> -> memref<120xi32, #tpu.memory_space<hbm>>
      %dma_start3A_122 = tpu.memref_slice %arg4[%add3A_31] : memref<320000xi32, #tpu.memory_space<hbm>> -> memref<120xi32, #tpu.memory_space<hbm>>
      tpu.enqueue_dma source(%dma_start3A_122 : memref<120xi32, #tpu.memory_space<hbm>>) target(%arg13 : memref<120xi32, #tpu.memory_space<vmem>>) target_semaphore(%run_scoped3A : memref<!tpu.dma_semaphore, #tpu.memory_space<semaphore_mem>>)
      %dma_wait3A_123 = tpu.memref_slice %arg4[%add3A_31] : memref<320000xi32, #tpu.memory_space<hbm>> -> memref<120xi32, #tpu.memory_space<hbm>>
      %dma_wait3A_124 = tpu.memref_slice %arg4[%add3A_31] : memref<320000xi32, #tpu.memory_space<hbm>> -> memref<120xi32, #tpu.memory_space<hbm>>
      tpu.wait_dma2 semaphore(%run_scoped3A : memref<!tpu.dma_semaphore, #tpu.memory_space<semaphore_mem>>) src(%dma_wait3A_124 : memref<120xi32, #tpu.memory_space<hbm>>) dst(%arg13 : memref<120xi32, #tpu.memory_space<vmem>>)
      tpu.yield
    }) : () -> ()
    %dma_start3A_32 = arith.constant 0 : i32
    %dma_start3A_33 = arith.constant 0 : i32
    %dma_start3A_34 = tpu.memref_slice %arg2[%dma_start3A_32, %dma_start3A_33] : memref<10240x128xf32, #tpu.memory_space<hbm>> -> memref<10240x128xf32, #tpu.memory_space<hbm>>
    tpu.enqueue_indirect_dma source(%dma_start3A_34 : memref<10240x128xf32, #tpu.memory_space<hbm>>) target(%arg14 : memref<120x128xf32, #tpu.memory_space<vmem>>) offsets(%arg12 : memref<120xi32, #tpu.memory_space<vmem>>) semaphore(%arg24 : memref<!tpu.dma_semaphore, #tpu.memory_space<semaphore_mem>>)
    %dma_wait3A_35 = arith.constant 0 : i32
    %dma_wait3A_36 = arith.constant 0 : i32
    %dma_wait3A_37 = tpu.memref_slice %arg2[%dma_wait3A_35, %dma_wait3A_36] : memref<10240x128xf32, #tpu.memory_space<hbm>> -> memref<10240x128xf32, #tpu.memory_space<hbm>>
    tpu.wait_indirect_dma semaphore(%arg23 : memref<!tpu.dma_semaphore, #tpu.memory_space<semaphore_mem>>) src(%dma_wait3A_37 : memref<10240x128xf32, #tpu.memory_space<hbm>>) dst(%arg11 : memref<120x128xf32, #tpu.memory_space<vmem>>)
    %dma_start3A_38 = arith.constant 0 : i32
    %dma_start3A_39 = arith.constant 0 : i32
    %dma_start3A_40 = tpu.memref_slice %arg21[%dma_start3A_38, %dma_start3A_39] : memref<10240x128xf32, #tpu.memory_space<vmem_shared>> -> memref<10240x128xf32, #tpu.memory_space<vmem_shared>>
    tpu.enqueue_indirect_dma source(%arg11 : memref<120x128xf32, #tpu.memory_space<vmem>>) target(%dma_start3A_40 : memref<10240x128xf32, #tpu.memory_space<vmem_shared>>) offsets(%arg10 : memref<120xi32, #tpu.memory_space<vmem>>) semaphore(%arg26 : memref<!tpu.dma_semaphore, #tpu.memory_space<semaphore_mem>>) {add = true}
    %scan3A = arith.constant 0 : i32
    %scan3A_41 = arith.constant 1 : i32
    %scan3A_42 = arith.constant 26 : i32
    %scan3A_43 = arith.addi %scan3A_41, %scan3A_42 : i32
    %scan3A_44 = arith.constant 1 : i32
    %scan3A_45 = scf.for %scan3A_121 = %scan3A_41 to %scan3A_43 step %scan3A_44 iter_args(%scan3A_122 = %scan3A) -> (i32)  : i32 {
      %mul3A_123 = arith.constant 3 : i32
      %mul3A_124 = arith.muli %mul3A_123, %scan3A_121 : i32
      %dma_wait3A_125 = arith.constant 0 : i32
      %dma_wait3A_126 = arith.constant 0 : i32
      %dma_wait3A_127 = tpu.memref_slice %arg21[%dma_wait3A_125, %dma_wait3A_126] : memref<10240x128xf32, #tpu.memory_space<vmem_shared>> -> memref<10240x128xf32, #tpu.memory_space<vmem_shared>>
      tpu.wait_indirect_dma semaphore(%arg25 : memref<!tpu.dma_semaphore, #tpu.memory_space<semaphore_mem>>) src(%arg8 : memref<120x128xf32, #tpu.memory_space<vmem>>) dst(%dma_wait3A_127 : memref<10240x128xf32, #tpu.memory_space<vmem_shared>>)
      %mul3A_128 = arith.constant 10000 : i32
      %mul3A_129 = arith.muli %add3A, %mul3A_128 : i32
      %mul3A_130 = arith.constant 120 : i32
      %mul3A_131 = arith.muli %mul3A_124, %mul3A_130 : i32
      %add3A_132 = arith.addi %mul3A_129, %mul3A_131 : i32
      "tpu.region"() ({
        %run_scoped3A = tpu.sem_alloc : memref<!tpu.dma_semaphore, #tpu.memory_space<semaphore_mem>>
        %dma_start3A_184 = tpu.memref_slice %arg3[%add3A_132] : memref<320000xi32, #tpu.memory_space<hbm>> -> memref<120xi32, #tpu.memory_space<hbm>>
        %dma_start3A_185 = tpu.memref_slice %arg3[%add3A_132] : memref<320000xi32, #tpu.memory_space<hbm>> -> memref<120xi32, #tpu.memory_space<hbm>>
        tpu.enqueue_dma source(%dma_start3A_185 : memref<120xi32, #tpu.memory_space<hbm>>) target(%arg6 : memref<120xi32, #tpu.memory_space<vmem>>) target_semaphore(%run_scoped3A : memref<!tpu.dma_semaphore, #tpu.memory_space<semaphore_mem>>)
        %dma_wait3A_186 = tpu.memref_slice %arg3[%add3A_132] : memref<320000xi32, #tpu.memory_space<hbm>> -> memref<120xi32, #tpu.memory_space<hbm>>
        %dma_wait3A_187 = tpu.memref_slice %arg3[%add3A_132] : memref<320000xi32, #tpu.memory_space<hbm>> -> memref<120xi32, #tpu.memory_space<hbm>>
        tpu.wait_dma2 semaphore(%run_scoped3A : memref<!tpu.dma_semaphore, #tpu.memory_space<semaphore_mem>>) src(%dma_wait3A_187 : memref<120xi32, #tpu.memory_space<hbm>>) dst(%arg6 : memref<120xi32, #tpu.memory_space<vmem>>)
        tpu.yield
      }) : () -> ()
      "tpu.region"() ({
        %run_scoped3A = tpu.sem_alloc : memref<!tpu.dma_semaphore, #tpu.memory_space<semaphore_mem>>
        %dma_start3A_184 = tpu.memref_slice %arg4[%add3A_132] : memref<320000xi32, #tpu.memory_space<hbm>> -> memref<120xi32, #tpu.memory_space<hbm>>
        %dma_start3A_185 = tpu.memref_slice %arg4[%add3A_132] : memref<320000xi32, #tpu.memory_space<hbm>> -> memref<120xi32, #tpu.memory_space<hbm>>
        tpu.enqueue_dma source(%dma_start3A_185 : memref<120xi32, #tpu.memory_space<hbm>>) target(%arg7 : memref<120xi32, #tpu.memory_space<vmem>>) target_semaphore(%run_scoped3A : memref<!tpu.dma_semaphore, #tpu.memory_space<semaphore_mem>>)
        %dma_wait3A_186 = tpu.memref_slice %arg4[%add3A_132] : memref<320000xi32, #tpu.memory_space<hbm>> -> memref<120xi32, #tpu.memory_space<hbm>>
        %dma_wait3A_187 = tpu.memref_slice %arg4[%add3A_132] : memref<320000xi32, #tpu.memory_space<hbm>> -> memref<120xi32, #tpu.memory_space<hbm>>
        tpu.wait_dma2 semaphore(%run_scoped3A : memref<!tpu.dma_semaphore, #tpu.memory_space<semaphore_mem>>) src(%dma_wait3A_187 : memref<120xi32, #tpu.memory_space<hbm>>) dst(%arg7 : memref<120xi32, #tpu.memory_space<vmem>>)
        tpu.yield
      }) : () -> ()
      %dma_start3A_133 = arith.constant 0 : i32
      %dma_start3A_134 = arith.constant 0 : i32
      %dma_start3A_135 = tpu.memref_slice %arg2[%dma_start3A_133, %dma_start3A_134] : memref<10240x128xf32, #tpu.memory_space<hbm>> -> memref<10240x128xf32, #tpu.memory_space<hbm>>
      tpu.enqueue_indirect_dma source(%dma_start3A_135 : memref<10240x128xf32, #tpu.memory_space<hbm>>) target(%arg8 : memref<120x128xf32, #tpu.memory_space<vmem>>) offsets(%arg6 : memref<120xi32, #tpu.memory_space<vmem>>) semaphore(%arg22 : memref<!tpu.dma_semaphore, #tpu.memory_space<semaphore_mem>>)
      %sub3A = arith.constant 1 : i32
      %sub3A_136 = arith.subi %mul3A_124, %sub3A : i32
      %dma_wait3A_137 = arith.constant 0 : i32
      %dma_wait3A_138 = arith.constant 0 : i32
      %dma_wait3A_139 = tpu.memref_slice %arg2[%dma_wait3A_137, %dma_wait3A_138] : memref<10240x128xf32, #tpu.memory_space<hbm>> -> memref<10240x128xf32, #tpu.memory_space<hbm>>
      tpu.wait_indirect_dma semaphore(%arg24 : memref<!tpu.dma_semaphore, #tpu.memory_space<semaphore_mem>>) src(%dma_wait3A_139 : memref<10240x128xf32, #tpu.memory_space<hbm>>) dst(%arg14 : memref<120x128xf32, #tpu.memory_space<vmem>>)
      %dma_start3A_140 = arith.constant 0 : i32
      %dma_start3A_141 = arith.constant 0 : i32
      %dma_start3A_142 = tpu.memref_slice %arg21[%dma_start3A_140, %dma_start3A_141] : memref<10240x128xf32, #tpu.memory_space<vmem_shared>> -> memref<10240x128xf32, #tpu.memory_space<vmem_shared>>
      tpu.enqueue_indirect_dma source(%arg14 : memref<120x128xf32, #tpu.memory_space<vmem>>) target(%dma_start3A_142 : memref<10240x128xf32, #tpu.memory_space<vmem_shared>>) offsets(%arg13 : memref<120xi32, #tpu.memory_space<vmem>>) semaphore(%arg27 : memref<!tpu.dma_semaphore, #tpu.memory_space<semaphore_mem>>) {add = true}
      %add3A_143 = arith.constant 1 : i32
      %add3A_144 = arith.addi %mul3A_124, %add3A_143 : i32
      %dma_wait3A_145 = arith.constant 0 : i32
      %dma_wait3A_146 = arith.constant 0 : i32
      %dma_wait3A_147 = tpu.memref_slice %arg21[%dma_wait3A_145, %dma_wait3A_146] : memref<10240x128xf32, #tpu.memory_space<vmem_shared>> -> memref<10240x128xf32, #tpu.memory_space<vmem_shared>>
      tpu.wait_indirect_dma semaphore(%arg26 : memref<!tpu.dma_semaphore, #tpu.memory_space<semaphore_mem>>) src(%arg11 : memref<120x128xf32, #tpu.memory_space<vmem>>) dst(%dma_wait3A_147 : memref<10240x128xf32, #tpu.memory_space<vmem_shared>>)
      %mul3A_148 = arith.constant 10000 : i32
      %mul3A_149 = arith.muli %add3A, %mul3A_148 : i32
      %mul3A_150 = arith.constant 120 : i32
      %mul3A_151 = arith.muli %add3A_144, %mul3A_150 : i32
      %add3A_152 = arith.addi %mul3A_149, %mul3A_151 : i32
      "tpu.region"() ({
        %run_scoped3A = tpu.sem_alloc : memref<!tpu.dma_semaphore, #tpu.memory_space<semaphore_mem>>
        %dma_start3A_184 = tpu.memref_slice %arg3[%add3A_152] : memref<320000xi32, #tpu.memory_space<hbm>> -> memref<120xi32, #tpu.memory_space<hbm>>
        %dma_start3A_185 = tpu.memref_slice %arg3[%add3A_152] : memref<320000xi32, #tpu.memory_space<hbm>> -> memref<120xi32, #tpu.memory_space<hbm>>
        tpu.enqueue_dma source(%dma_start3A_185 : memref<120xi32, #tpu.memory_space<hbm>>) target(%arg9 : memref<120xi32, #tpu.memory_space<vmem>>) target_semaphore(%run_scoped3A : memref<!tpu.dma_semaphore, #tpu.memory_space<semaphore_mem>>)
        %dma_wait3A_186 = tpu.memref_slice %arg3[%add3A_152] : memref<320000xi32, #tpu.memory_space<hbm>> -> memref<120xi32, #tpu.memory_space<hbm>>
        %dma_wait3A_187 = tpu.memref_slice %arg3[%add3A_152] : memref<320000xi32, #tpu.memory_space<hbm>> -> memref<120xi32, #tpu.memory_space<hbm>>
        tpu.wait_dma2 semaphore(%run_scoped3A : memref<!tpu.dma_semaphore, #tpu.memory_space<semaphore_mem>>) src(%dma_wait3A_187 : memref<120xi32, #tpu.memory_space<hbm>>) dst(%arg9 : memref<120xi32, #tpu.memory_space<vmem>>)
        tpu.yield
      }) : () -> ()
      "tpu.region"() ({
        %run_scoped3A = tpu.sem_alloc : memref<!tpu.dma_semaphore, #tpu.memory_space<semaphore_mem>>
        %dma_start3A_184 = tpu.memref_slice %arg4[%add3A_152] : memref<320000xi32, #tpu.memory_space<hbm>> -> memref<120xi32, #tpu.memory_space<hbm>>
        %dma_start3A_185 = tpu.memref_slice %arg4[%add3A_152] : memref<320000xi32, #tpu.memory_space<hbm>> -> memref<120xi32, #tpu.memory_space<hbm>>
        tpu.enqueue_dma source(%dma_start3A_185 : memref<120xi32, #tpu.memory_space<hbm>>) target(%arg10 : memref<120xi32, #tpu.memory_space<vmem>>) target_semaphore(%run_scoped3A : memref<!tpu.dma_semaphore, #tpu.memory_space<semaphore_mem>>)
        %dma_wait3A_186 = tpu.memref_slice %arg4[%add3A_152] : memref<320000xi32, #tpu.memory_space<hbm>> -> memref<120xi32, #tpu.memory_space<hbm>>
        %dma_wait3A_187 = tpu.memref_slice %arg4[%add3A_152] : memref<320000xi32, #tpu.memory_space<hbm>> -> memref<120xi32, #tpu.memory_space<hbm>>
        tpu.wait_dma2 semaphore(%run_scoped3A : memref<!tpu.dma_semaphore, #tpu.memory_space<semaphore_mem>>) src(%dma_wait3A_187 : memref<120xi32, #tpu.memory_space<hbm>>) dst(%arg10 : memref<120xi32, #tpu.memory_space<vmem>>)
        tpu.yield
      }) : () -> ()
      %dma_start3A_153 = arith.constant 0 : i32
      %dma_start3A_154 = arith.constant 0 : i32
      %dma_start3A_155 = tpu.memref_slice %arg2[%dma_start3A_153, %dma_start3A_154] : memref<10240x128xf32, #tpu.memory_space<hbm>> -> memref<10240x128xf32, #tpu.memory_space<hbm>>
      tpu.enqueue_indirect_dma source(%dma_start3A_155 : memref<10240x128xf32, #tpu.memory_space<hbm>>) target(%arg11 : memref<120x128xf32, #tpu.memory_space<vmem>>) offsets(%arg9 : memref<120xi32, #tpu.memory_space<vmem>>) semaphore(%arg23 : memref<!tpu.dma_semaphore, #tpu.memory_space<semaphore_mem>>)
      %dma_wait3A_156 = arith.constant 0 : i32
      %dma_wait3A_157 = arith.constant 0 : i32
      %dma_wait3A_158 = tpu.memref_slice %arg2[%dma_wait3A_156, %dma_wait3A_157] : memref<10240x128xf32, #tpu.memory_space<hbm>> -> memref<10240x128xf32, #tpu.memory_space<hbm>>
      tpu.wait_indirect_dma semaphore(%arg22 : memref<!tpu.dma_semaphore, #tpu.memory_space<semaphore_mem>>) src(%dma_wait3A_158 : memref<10240x128xf32, #tpu.memory_space<hbm>>) dst(%arg8 : memref<120x128xf32, #tpu.memory_space<vmem>>)
      %dma_start3A_159 = arith.constant 0 : i32
      %dma_start3A_160 = arith.constant 0 : i32
      %dma_start3A_161 = tpu.memref_slice %arg21[%dma_start3A_159, %dma_start3A_160] : memref<10240x128xf32, #tpu.memory_space<vmem_shared>> -> memref<10240x128xf32, #tpu.memory_space<vmem_shared>>
      tpu.enqueue_indirect_dma source(%arg8 : memref<120x128xf32, #tpu.memory_space<vmem>>) target(%dma_start3A_161 : memref<10240x128xf32, #tpu.memory_space<vmem_shared>>) offsets(%arg7 : memref<120xi32, #tpu.memory_space<vmem>>) semaphore(%arg25 : memref<!tpu.dma_semaphore, #tpu.memory_space<semaphore_mem>>) {add = true}
      %add3A_162 = arith.constant 2 : i32
      %add3A_163 = arith.addi %mul3A_124, %add3A_162 : i32
      %dma_wait3A_164 = arith.constant 0 : i32
      %dma_wait3A_165 = arith.constant 0 : i32
      %dma_wait3A_166 = tpu.memref_slice %arg21[%dma_wait3A_164, %dma_wait3A_165] : memref<10240x128xf32, #tpu.memory_space<vmem_shared>> -> memref<10240x128xf32, #tpu.memory_space<vmem_shared>>
      tpu.wait_indirect_dma semaphore(%arg27 : memref<!tpu.dma_semaphore, #tpu.memory_space<semaphore_mem>>) src(%arg14 : memref<120x128xf32, #tpu.memory_space<vmem>>) dst(%dma_wait3A_166 : memref<10240x128xf32, #tpu.memory_space<vmem_shared>>)
      %mul3A_167 = arith.constant 10000 : i32
      %mul3A_168 = arith.muli %add3A, %mul3A_167 : i32
      %mul3A_169 = arith.constant 120 : i32
      %mul3A_170 = arith.muli %add3A_163, %mul3A_169 : i32
      %add3A_171 = arith.addi %mul3A_168, %mul3A_170 : i32
      "tpu.region"() ({
        %run_scoped3A = tpu.sem_alloc : memref<!tpu.dma_semaphore, #tpu.memory_space<semaphore_mem>>
        %dma_start3A_184 = tpu.memref_slice %arg3[%add3A_171] : memref<320000xi32, #tpu.memory_space<hbm>> -> memref<120xi32, #tpu.memory_space<hbm>>
        %dma_start3A_185 = tpu.memref_slice %arg3[%add3A_171] : memref<320000xi32, #tpu.memory_space<hbm>> -> memref<120xi32, #tpu.memory_space<hbm>>
        tpu.enqueue_dma source(%dma_start3A_185 : memref<120xi32, #tpu.memory_space<hbm>>) target(%arg12 : memref<120xi32, #tpu.memory_space<vmem>>) target_semaphore(%run_scoped3A : memref<!tpu.dma_semaphore, #tpu.memory_space<semaphore_mem>>)
        %dma_wait3A_186 = tpu.memref_slice %arg3[%add3A_171] : memref<320000xi32, #tpu.memory_space<hbm>> -> memref<120xi32, #tpu.memory_space<hbm>>
        %dma_wait3A_187 = tpu.memref_slice %arg3[%add3A_171] : memref<320000xi32, #tpu.memory_space<hbm>> -> memref<120xi32, #tpu.memory_space<hbm>>
        tpu.wait_dma2 semaphore(%run_scoped3A : memref<!tpu.dma_semaphore, #tpu.memory_space<semaphore_mem>>) src(%dma_wait3A_187 : memref<120xi32, #tpu.memory_space<hbm>>) dst(%arg12 : memref<120xi32, #tpu.memory_space<vmem>>)
        tpu.yield
      }) : () -> ()
      "tpu.region"() ({
        %run_scoped3A = tpu.sem_alloc : memref<!tpu.dma_semaphore, #tpu.memory_space<semaphore_mem>>
        %dma_start3A_184 = tpu.memref_slice %arg4[%add3A_171] : memref<320000xi32, #tpu.memory_space<hbm>> -> memref<120xi32, #tpu.memory_space<hbm>>
        %dma_start3A_185 = tpu.memref_slice %arg4[%add3A_171] : memref<320000xi32, #tpu.memory_space<hbm>> -> memref<120xi32, #tpu.memory_space<hbm>>
        tpu.enqueue_dma source(%dma_start3A_185 : memref<120xi32, #tpu.memory_space<hbm>>) target(%arg13 : memref<120xi32, #tpu.memory_space<vmem>>) target_semaphore(%run_scoped3A : memref<!tpu.dma_semaphore, #tpu.memory_space<semaphore_mem>>)
        %dma_wait3A_186 = tpu.memref_slice %arg4[%add3A_171] : memref<320000xi32, #tpu.memory_space<hbm>> -> memref<120xi32, #tpu.memory_space<hbm>>
        %dma_wait3A_187 = tpu.memref_slice %arg4[%add3A_171] : memref<320000xi32, #tpu.memory_space<hbm>> -> memref<120xi32, #tpu.memory_space<hbm>>
        tpu.wait_dma2 semaphore(%run_scoped3A : memref<!tpu.dma_semaphore, #tpu.memory_space<semaphore_mem>>) src(%dma_wait3A_187 : memref<120xi32, #tpu.memory_space<hbm>>) dst(%arg13 : memref<120xi32, #tpu.memory_space<vmem>>)
        tpu.yield
      }) : () -> ()
      %dma_start3A_172 = arith.constant 0 : i32
      %dma_start3A_173 = arith.constant 0 : i32
      %dma_start3A_174 = tpu.memref_slice %arg2[%dma_start3A_172, %dma_start3A_173] : memref<10240x128xf32, #tpu.memory_space<hbm>> -> memref<10240x128xf32, #tpu.memory_space<hbm>>
      tpu.enqueue_indirect_dma source(%dma_start3A_174 : memref<10240x128xf32, #tpu.memory_space<hbm>>) target(%arg14 : memref<120x128xf32, #tpu.memory_space<vmem>>) offsets(%arg12 : memref<120xi32, #tpu.memory_space<vmem>>) semaphore(%arg24 : memref<!tpu.dma_semaphore, #tpu.memory_space<semaphore_mem>>)
      %add3A_175 = arith.constant 1 : i32
      %add3A_176 = arith.addi %mul3A_124, %add3A_175 : i32
      %dma_wait3A_177 = arith.constant 0 : i32
      %dma_wait3A_178 = arith.constant 0 : i32
      %dma_wait3A_179 = tpu.memref_slice %arg2[%dma_wait3A_177, %dma_wait3A_178] : memref<10240x128xf32, #tpu.memory_space<hbm>> -> memref<10240x128xf32, #tpu.memory_space<hbm>>
      tpu.wait_indirect_dma semaphore(%arg23 : memref<!tpu.dma_semaphore, #tpu.memory_space<semaphore_mem>>) src(%dma_wait3A_179 : memref<10240x128xf32, #tpu.memory_space<hbm>>) dst(%arg11 : memref<120x128xf32, #tpu.memory_space<vmem>>)
      %dma_start3A_180 = arith.constant 0 : i32
      %dma_start3A_181 = arith.constant 0 : i32
      %dma_start3A_182 = tpu.memref_slice %arg21[%dma_start3A_180, %dma_start3A_181] : memref<10240x128xf32, #tpu.memory_space<vmem_shared>> -> memref<10240x128xf32, #tpu.memory_space<vmem_shared>>
      tpu.enqueue_indirect_dma source(%arg11 : memref<120x128xf32, #tpu.memory_space<vmem>>) target(%dma_start3A_182 : memref<10240x128xf32, #tpu.memory_space<vmem_shared>>) offsets(%arg10 : memref<120xi32, #tpu.memory_space<vmem>>) semaphore(%arg26 : memref<!tpu.dma_semaphore, #tpu.memory_space<semaphore_mem>>) {add = true}
      %scan3A_183 = arith.constant 0 : i32
      scf.yield %scan3A_183 : i32
    }
    %scan3A_46 = arith.constant 26 : i32
    %dma_wait3A_47 = arith.constant 0 : i32
    %dma_wait3A_48 = arith.constant 0 : i32
    %dma_wait3A_49 = tpu.memref_slice %arg2[%dma_wait3A_47, %dma_wait3A_48] : memref<10240x128xf32, #tpu.memory_space<hbm>> -> memref<10240x128xf32, #tpu.memory_space<hbm>>
    tpu.wait_indirect_dma semaphore(%arg24 : memref<!tpu.dma_semaphore, #tpu.memory_space<semaphore_mem>>) src(%dma_wait3A_49 : memref<10240x128xf32, #tpu.memory_space<hbm>>) dst(%arg14 : memref<120x128xf32, #tpu.memory_space<vmem>>)
    %dma_start3A_50 = arith.constant 0 : i32
    %dma_start3A_51 = arith.constant 0 : i32
    %dma_start3A_52 = tpu.memref_slice %arg21[%dma_start3A_50, %dma_start3A_51] : memref<10240x128xf32, #tpu.memory_space<vmem_shared>> -> memref<10240x128xf32, #tpu.memory_space<vmem_shared>>
    tpu.enqueue_indirect_dma source(%arg14 : memref<120x128xf32, #tpu.memory_space<vmem>>) target(%dma_start3A_52 : memref<10240x128xf32, #tpu.memory_space<vmem_shared>>) offsets(%arg13 : memref<120xi32, #tpu.memory_space<vmem>>) semaphore(%arg27 : memref<!tpu.dma_semaphore, #tpu.memory_space<semaphore_mem>>) {add = true}
    %dma_wait3A_53 = arith.constant 0 : i32
    %dma_wait3A_54 = arith.constant 0 : i32
    %dma_wait3A_55 = tpu.memref_slice %arg21[%dma_wait3A_53, %dma_wait3A_54] : memref<10240x128xf32, #tpu.memory_space<vmem_shared>> -> memref<10240x128xf32, #tpu.memory_space<vmem_shared>>
    tpu.wait_indirect_dma semaphore(%arg25 : memref<!tpu.dma_semaphore, #tpu.memory_space<semaphore_mem>>) src(%arg8 : memref<120x128xf32, #tpu.memory_space<vmem>>) dst(%dma_wait3A_55 : memref<10240x128xf32, #tpu.memory_space<vmem_shared>>)
    %dma_wait3A_56 = arith.constant 0 : i32
    %dma_wait3A_57 = arith.constant 0 : i32
    %dma_wait3A_58 = tpu.memref_slice %arg21[%dma_wait3A_56, %dma_wait3A_57] : memref<10240x128xf32, #tpu.memory_space<vmem_shared>> -> memref<10240x128xf32, #tpu.memory_space<vmem_shared>>
    tpu.wait_indirect_dma semaphore(%arg26 : memref<!tpu.dma_semaphore, #tpu.memory_space<semaphore_mem>>) src(%arg11 : memref<120x128xf32, #tpu.memory_space<vmem>>) dst(%dma_wait3A_58 : memref<10240x128xf32, #tpu.memory_space<vmem_shared>>)
    %dma_wait3A_59 = arith.constant 0 : i32
    %dma_wait3A_60 = arith.constant 0 : i32
    %dma_wait3A_61 = tpu.memref_slice %arg21[%dma_wait3A_59, %dma_wait3A_60] : memref<10240x128xf32, #tpu.memory_space<vmem_shared>> -> memref<10240x128xf32, #tpu.memory_space<vmem_shared>>
    tpu.wait_indirect_dma semaphore(%arg27 : memref<!tpu.dma_semaphore, #tpu.memory_space<semaphore_mem>>) src(%arg14 : memref<120x128xf32, #tpu.memory_space<vmem>>) dst(%dma_wait3A_61 : memref<10240x128xf32, #tpu.memory_space<vmem_shared>>)
    %mul3A_62 = arith.constant 10000 : i32
    %mul3A_63 = arith.muli %add3A, %mul3A_62 : i32
    %add3A_64 = arith.constant 9720 : i32
    %add3A_65 = arith.addi %mul3A_63, %add3A_64 : i32
    "tpu.region"() ({
      %run_scoped3A = tpu.sem_alloc : memref<!tpu.dma_semaphore, #tpu.memory_space<semaphore_mem>>
      %dma_start3A_121 = tpu.memref_slice %arg3[%add3A_65] : memref<320000xi32, #tpu.memory_space<hbm>> -> memref<120xi32, #tpu.memory_space<hbm>>
      %dma_start3A_122 = tpu.memref_slice %arg3[%add3A_65] : memref<320000xi32, #tpu.memory_space<hbm>> -> memref<120xi32, #tpu.memory_space<hbm>>
      tpu.enqueue_dma source(%dma_start3A_122 : memref<120xi32, #tpu.memory_space<hbm>>) target(%arg15 : memref<120xi32, #tpu.memory_space<vmem>>) target_semaphore(%run_scoped3A : memref<!tpu.dma_semaphore, #tpu.memory_space<semaphore_mem>>)
      %dma_wait3A_123 = tpu.memref_slice %arg3[%add3A_65] : memref<320000xi32, #tpu.memory_space<hbm>> -> memref<120xi32, #tpu.memory_space<hbm>>
      %dma_wait3A_124 = tpu.memref_slice %arg3[%add3A_65] : memref<320000xi32, #tpu.memory_space<hbm>> -> memref<120xi32, #tpu.memory_space<hbm>>
      tpu.wait_dma2 semaphore(%run_scoped3A : memref<!tpu.dma_semaphore, #tpu.memory_space<semaphore_mem>>) src(%dma_wait3A_124 : memref<120xi32, #tpu.memory_space<hbm>>) dst(%arg15 : memref<120xi32, #tpu.memory_space<vmem>>)
      tpu.yield
    }) : () -> ()
    "tpu.region"() ({
      %run_scoped3A = tpu.sem_alloc : memref<!tpu.dma_semaphore, #tpu.memory_space<semaphore_mem>>
      %dma_start3A_121 = tpu.memref_slice %arg4[%add3A_65] : memref<320000xi32, #tpu.memory_space<hbm>> -> memref<120xi32, #tpu.memory_space<hbm>>
      %dma_start3A_122 = tpu.memref_slice %arg4[%add3A_65] : memref<320000xi32, #tpu.memory_space<hbm>> -> memref<120xi32, #tpu.memory_space<hbm>>
      tpu.enqueue_dma source(%dma_start3A_122 : memref<120xi32, #tpu.memory_space<hbm>>) target(%arg18 : memref<120xi32, #tpu.memory_space<vmem>>) target_semaphore(%run_scoped3A : memref<!tpu.dma_semaphore, #tpu.memory_space<semaphore_mem>>)
      %dma_wait3A_123 = tpu.memref_slice %arg4[%add3A_65] : memref<320000xi32, #tpu.memory_space<hbm>> -> memref<120xi32, #tpu.memory_space<hbm>>
      %dma_wait3A_124 = tpu.memref_slice %arg4[%add3A_65] : memref<320000xi32, #tpu.memory_space<hbm>> -> memref<120xi32, #tpu.memory_space<hbm>>
      tpu.wait_dma2 semaphore(%run_scoped3A : memref<!tpu.dma_semaphore, #tpu.memory_space<semaphore_mem>>) src(%dma_wait3A_124 : memref<120xi32, #tpu.memory_space<hbm>>) dst(%arg18 : memref<120xi32, #tpu.memory_space<vmem>>)
      tpu.yield
    }) : () -> ()
    %dma_start3A_66 = arith.constant 0 : i32
    %dma_start3A_67 = arith.constant 0 : i32
    %dma_start3A_68 = tpu.memref_slice %arg8[%dma_start3A_66, %dma_start3A_67] : memref<120x128xf32, #tpu.memory_space<vmem>> -> memref<120x128xf32, #tpu.memory_space<vmem>>
    %dma_start3A_69 = arith.constant 0 : i32
    %dma_start3A_70 = arith.constant 0 : i32
    %dma_start3A_71 = tpu.memref_slice %arg2[%dma_start3A_69, %dma_start3A_70] : memref<10240x128xf32, #tpu.memory_space<hbm>> -> memref<10240x128xf32, #tpu.memory_space<hbm>>
    tpu.enqueue_indirect_dma source(%dma_start3A_71 : memref<10240x128xf32, #tpu.memory_space<hbm>>) target(%dma_start3A_68 : memref<120x128xf32, #tpu.memory_space<vmem>>) offsets(%arg15 : memref<120xi32, #tpu.memory_space<vmem>>) semaphore(%arg22 : memref<!tpu.dma_semaphore, #tpu.memory_space<semaphore_mem>>)
    %dma_wait3A_72 = arith.constant 0 : i32
    %dma_wait3A_73 = arith.constant 0 : i32
    %dma_wait3A_74 = tpu.memref_slice %arg8[%dma_wait3A_72, %dma_wait3A_73] : memref<120x128xf32, #tpu.memory_space<vmem>> -> memref<120x128xf32, #tpu.memory_space<vmem>>
    %dma_wait3A_75 = arith.constant 0 : i32
    %dma_wait3A_76 = arith.constant 0 : i32
    %dma_wait3A_77 = tpu.memref_slice %arg2[%dma_wait3A_75, %dma_wait3A_76] : memref<10240x128xf32, #tpu.memory_space<hbm>> -> memref<10240x128xf32, #tpu.memory_space<hbm>>
    tpu.wait_indirect_dma semaphore(%arg22 : memref<!tpu.dma_semaphore, #tpu.memory_space<semaphore_mem>>) src(%dma_wait3A_77 : memref<10240x128xf32, #tpu.memory_space<hbm>>) dst(%dma_wait3A_74 : memref<120x128xf32, #tpu.memory_space<vmem>>)
    "tpu.region"() ({
      %run_scoped3A = tpu.sem_alloc : memref<!tpu.dma_semaphore, #tpu.memory_space<semaphore_mem>>
      %dma_start3A_121 = arith.constant 0 : i32
      %dma_start3A_122 = arith.constant 0 : i32
      %dma_start3A_123 = tpu.memref_slice %arg8[%dma_start3A_121, %dma_start3A_122] : memref<120x128xf32, #tpu.memory_space<vmem>> -> memref<120x128xf32, #tpu.memory_space<vmem>>
      %dma_start3A_124 = arith.constant 0 : i32
      %dma_start3A_125 = arith.constant 0 : i32
      %dma_start3A_126 = tpu.memref_slice %arg21[%dma_start3A_124, %dma_start3A_125] : memref<10240x128xf32, #tpu.memory_space<vmem_shared>> -> memref<10240x128xf32, #tpu.memory_space<vmem_shared>>
      tpu.enqueue_indirect_dma source(%dma_start3A_123 : memref<120x128xf32, #tpu.memory_space<vmem>>) target(%dma_start3A_126 : memref<10240x128xf32, #tpu.memory_space<vmem_shared>>) offsets(%arg18 : memref<120xi32, #tpu.memory_space<vmem>>) semaphore(%run_scoped3A : memref<!tpu.dma_semaphore, #tpu.memory_space<semaphore_mem>>) {add = true}
      %dma_wait3A_127 = arith.constant 0 : i32
      %dma_wait3A_128 = arith.constant 0 : i32
      %dma_wait3A_129 = tpu.memref_slice %arg8[%dma_wait3A_127, %dma_wait3A_128] : memref<120x128xf32, #tpu.memory_space<vmem>> -> memref<120x128xf32, #tpu.memory_space<vmem>>
      %dma_wait3A_130 = arith.constant 0 : i32
      %dma_wait3A_131 = arith.constant 0 : i32
      %dma_wait3A_132 = tpu.memref_slice %arg21[%dma_wait3A_130, %dma_wait3A_131] : memref<10240x128xf32, #tpu.memory_space<vmem_shared>> -> memref<10240x128xf32, #tpu.memory_space<vmem_shared>>
      tpu.wait_indirect_dma semaphore(%run_scoped3A : memref<!tpu.dma_semaphore, #tpu.memory_space<semaphore_mem>>) src(%dma_wait3A_129 : memref<120x128xf32, #tpu.memory_space<vmem>>) dst(%dma_wait3A_132 : memref<10240x128xf32, #tpu.memory_space<vmem_shared>>)
      tpu.yield
    }) : () -> ()
    %mul3A_78 = arith.constant 10000 : i32
    %mul3A_79 = arith.muli %add3A, %mul3A_78 : i32
    %add3A_80 = arith.constant 9840 : i32
    %add3A_81 = arith.addi %mul3A_79, %add3A_80 : i32
    "tpu.region"() ({
      %run_scoped3A = tpu.sem_alloc : memref<!tpu.dma_semaphore, #tpu.memory_space<semaphore_mem>>
      %dma_start3A_121 = tpu.memref_slice %arg3[%add3A_81] : memref<320000xi32, #tpu.memory_space<hbm>> -> memref<120xi32, #tpu.memory_space<hbm>>
      %dma_start3A_122 = tpu.memref_slice %arg3[%add3A_81] : memref<320000xi32, #tpu.memory_space<hbm>> -> memref<120xi32, #tpu.memory_space<hbm>>
      tpu.enqueue_dma source(%dma_start3A_122 : memref<120xi32, #tpu.memory_space<hbm>>) target(%arg16 : memref<120xi32, #tpu.memory_space<vmem>>) target_semaphore(%run_scoped3A : memref<!tpu.dma_semaphore, #tpu.memory_space<semaphore_mem>>)
      %dma_wait3A_123 = tpu.memref_slice %arg3[%add3A_81] : memref<320000xi32, #tpu.memory_space<hbm>> -> memref<120xi32, #tpu.memory_space<hbm>>
      %dma_wait3A_124 = tpu.memref_slice %arg3[%add3A_81] : memref<320000xi32, #tpu.memory_space<hbm>> -> memref<120xi32, #tpu.memory_space<hbm>>
      tpu.wait_dma2 semaphore(%run_scoped3A : memref<!tpu.dma_semaphore, #tpu.memory_space<semaphore_mem>>) src(%dma_wait3A_124 : memref<120xi32, #tpu.memory_space<hbm>>) dst(%arg16 : memref<120xi32, #tpu.memory_space<vmem>>)
      tpu.yield
    }) : () -> ()
    "tpu.region"() ({
      %run_scoped3A = tpu.sem_alloc : memref<!tpu.dma_semaphore, #tpu.memory_space<semaphore_mem>>
      %dma_start3A_121 = tpu.memref_slice %arg4[%add3A_81] : memref<320000xi32, #tpu.memory_space<hbm>> -> memref<120xi32, #tpu.memory_space<hbm>>
      %dma_start3A_122 = tpu.memref_slice %arg4[%add3A_81] : memref<320000xi32, #tpu.memory_space<hbm>> -> memref<120xi32, #tpu.memory_space<hbm>>
      tpu.enqueue_dma source(%dma_start3A_122 : memref<120xi32, #tpu.memory_space<hbm>>) target(%arg19 : memref<120xi32, #tpu.memory_space<vmem>>) target_semaphore(%run_scoped3A : memref<!tpu.dma_semaphore, #tpu.memory_space<semaphore_mem>>)
      %dma_wait3A_123 = tpu.memref_slice %arg4[%add3A_81] : memref<320000xi32, #tpu.memory_space<hbm>> -> memref<120xi32, #tpu.memory_space<hbm>>
      %dma_wait3A_124 = tpu.memref_slice %arg4[%add3A_81] : memref<320000xi32, #tpu.memory_space<hbm>> -> memref<120xi32, #tpu.memory_space<hbm>>
      tpu.wait_dma2 semaphore(%run_scoped3A : memref<!tpu.dma_semaphore, #tpu.memory_space<semaphore_mem>>) src(%dma_wait3A_124 : memref<120xi32, #tpu.memory_space<hbm>>) dst(%arg19 : memref<120xi32, #tpu.memory_space<vmem>>)
      tpu.yield
    }) : () -> ()
    %dma_start3A_82 = arith.constant 0 : i32
    %dma_start3A_83 = arith.constant 0 : i32
    %dma_start3A_84 = tpu.memref_slice %arg11[%dma_start3A_82, %dma_start3A_83] : memref<120x128xf32, #tpu.memory_space<vmem>> -> memref<120x128xf32, #tpu.memory_space<vmem>>
    %dma_start3A_85 = arith.constant 0 : i32
    %dma_start3A_86 = arith.constant 0 : i32
    %dma_start3A_87 = tpu.memref_slice %arg2[%dma_start3A_85, %dma_start3A_86] : memref<10240x128xf32, #tpu.memory_space<hbm>> -> memref<10240x128xf32, #tpu.memory_space<hbm>>
    tpu.enqueue_indirect_dma source(%dma_start3A_87 : memref<10240x128xf32, #tpu.memory_space<hbm>>) target(%dma_start3A_84 : memref<120x128xf32, #tpu.memory_space<vmem>>) offsets(%arg16 : memref<120xi32, #tpu.memory_space<vmem>>) semaphore(%arg22 : memref<!tpu.dma_semaphore, #tpu.memory_space<semaphore_mem>>)
    %dma_wait3A_88 = arith.constant 0 : i32
    %dma_wait3A_89 = arith.constant 0 : i32
    %dma_wait3A_90 = tpu.memref_slice %arg11[%dma_wait3A_88, %dma_wait3A_89] : memref<120x128xf32, #tpu.memory_space<vmem>> -> memref<120x128xf32, #tpu.memory_space<vmem>>
    %dma_wait3A_91 = arith.constant 0 : i32
    %dma_wait3A_92 = arith.constant 0 : i32
    %dma_wait3A_93 = tpu.memref_slice %arg2[%dma_wait3A_91, %dma_wait3A_92] : memref<10240x128xf32, #tpu.memory_space<hbm>> -> memref<10240x128xf32, #tpu.memory_space<hbm>>
    tpu.wait_indirect_dma semaphore(%arg22 : memref<!tpu.dma_semaphore, #tpu.memory_space<semaphore_mem>>) src(%dma_wait3A_93 : memref<10240x128xf32, #tpu.memory_space<hbm>>) dst(%dma_wait3A_90 : memref<120x128xf32, #tpu.memory_space<vmem>>)
    "tpu.region"() ({
      %run_scoped3A = tpu.sem_alloc : memref<!tpu.dma_semaphore, #tpu.memory_space<semaphore_mem>>
      %dma_start3A_121 = arith.constant 0 : i32
      %dma_start3A_122 = arith.constant 0 : i32
      %dma_start3A_123 = tpu.memref_slice %arg11[%dma_start3A_121, %dma_start3A_122] : memref<120x128xf32, #tpu.memory_space<vmem>> -> memref<120x128xf32, #tpu.memory_space<vmem>>
      %dma_start3A_124 = arith.constant 0 : i32
      %dma_start3A_125 = arith.constant 0 : i32
      %dma_start3A_126 = tpu.memref_slice %arg21[%dma_start3A_124, %dma_start3A_125] : memref<10240x128xf32, #tpu.memory_space<vmem_shared>> -> memref<10240x128xf32, #tpu.memory_space<vmem_shared>>
      tpu.enqueue_indirect_dma source(%dma_start3A_123 : memref<120x128xf32, #tpu.memory_space<vmem>>) target(%dma_start3A_126 : memref<10240x128xf32, #tpu.memory_space<vmem_shared>>) offsets(%arg19 : memref<120xi32, #tpu.memory_space<vmem>>) semaphore(%run_scoped3A : memref<!tpu.dma_semaphore, #tpu.memory_space<semaphore_mem>>) {add = true}
      %dma_wait3A_127 = arith.constant 0 : i32
      %dma_wait3A_128 = arith.constant 0 : i32
      %dma_wait3A_129 = tpu.memref_slice %arg11[%dma_wait3A_127, %dma_wait3A_128] : memref<120x128xf32, #tpu.memory_space<vmem>> -> memref<120x128xf32, #tpu.memory_space<vmem>>
      %dma_wait3A_130 = arith.constant 0 : i32
      %dma_wait3A_131 = arith.constant 0 : i32
      %dma_wait3A_132 = tpu.memref_slice %arg21[%dma_wait3A_130, %dma_wait3A_131] : memref<10240x128xf32, #tpu.memory_space<vmem_shared>> -> memref<10240x128xf32, #tpu.memory_space<vmem_shared>>
      tpu.wait_indirect_dma semaphore(%run_scoped3A : memref<!tpu.dma_semaphore, #tpu.memory_space<semaphore_mem>>) src(%dma_wait3A_129 : memref<120x128xf32, #tpu.memory_space<vmem>>) dst(%dma_wait3A_132 : memref<10240x128xf32, #tpu.memory_space<vmem_shared>>)
      tpu.yield
    }) : () -> ()
    %mul3A_94 = arith.constant 10000 : i32
    %mul3A_95 = arith.muli %add3A, %mul3A_94 : i32
    %add3A_96 = arith.constant 9960 : i32
    %add3A_97 = arith.addi %mul3A_95, %add3A_96 : i32
    "tpu.region"() ({
      %run_scoped3A = tpu.sem_alloc : memref<!tpu.dma_semaphore, #tpu.memory_space<semaphore_mem>>
      %dma_start3A_121 = tpu.memref_slice %arg3[%add3A_97] : memref<320000xi32, #tpu.memory_space<hbm>> -> memref<40xi32, #tpu.memory_space<hbm>>
      %dma_start3A_122 = tpu.memref_slice %arg3[%add3A_97] : memref<320000xi32, #tpu.memory_space<hbm>> -> memref<40xi32, #tpu.memory_space<hbm>>
      tpu.enqueue_dma source(%dma_start3A_122 : memref<40xi32, #tpu.memory_space<hbm>>) target(%arg17 : memref<40xi32, #tpu.memory_space<vmem>>) target_semaphore(%run_scoped3A : memref<!tpu.dma_semaphore, #tpu.memory_space<semaphore_mem>>)
      %dma_wait3A_123 = tpu.memref_slice %arg3[%add3A_97] : memref<320000xi32, #tpu.memory_space<hbm>> -> memref<40xi32, #tpu.memory_space<hbm>>
      %dma_wait3A_124 = tpu.memref_slice %arg3[%add3A_97] : memref<320000xi32, #tpu.memory_space<hbm>> -> memref<40xi32, #tpu.memory_space<hbm>>
      tpu.wait_dma2 semaphore(%run_scoped3A : memref<!tpu.dma_semaphore, #tpu.memory_space<semaphore_mem>>) src(%dma_wait3A_124 : memref<40xi32, #tpu.memory_space<hbm>>) dst(%arg17 : memref<40xi32, #tpu.memory_space<vmem>>)
      tpu.yield
    }) : () -> ()
    "tpu.region"() ({
      %run_scoped3A = tpu.sem_alloc : memref<!tpu.dma_semaphore, #tpu.memory_space<semaphore_mem>>
      %dma_start3A_121 = tpu.memref_slice %arg4[%add3A_97] : memref<320000xi32, #tpu.memory_space<hbm>> -> memref<40xi32, #tpu.memory_space<hbm>>
      %dma_start3A_122 = tpu.memref_slice %arg4[%add3A_97] : memref<320000xi32, #tpu.memory_space<hbm>> -> memref<40xi32, #tpu.memory_space<hbm>>
      tpu.enqueue_dma source(%dma_start3A_122 : memref<40xi32, #tpu.memory_space<hbm>>) target(%arg20 : memref<40xi32, #tpu.memory_space<vmem>>) target_semaphore(%run_scoped3A : memref<!tpu.dma_semaphore, #tpu.memory_space<semaphore_mem>>)
      %dma_wait3A_123 = tpu.memref_slice %arg4[%add3A_97] : memref<320000xi32, #tpu.memory_space<hbm>> -> memref<40xi32, #tpu.memory_space<hbm>>
      %dma_wait3A_124 = tpu.memref_slice %arg4[%add3A_97] : memref<320000xi32, #tpu.memory_space<hbm>> -> memref<40xi32, #tpu.memory_space<hbm>>
      tpu.wait_dma2 semaphore(%run_scoped3A : memref<!tpu.dma_semaphore, #tpu.memory_space<semaphore_mem>>) src(%dma_wait3A_124 : memref<40xi32, #tpu.memory_space<hbm>>) dst(%arg20 : memref<40xi32, #tpu.memory_space<vmem>>)
      tpu.yield
    }) : () -> ()
    %dma_start3A_98 = arith.constant 0 : i32
    %dma_start3A_99 = arith.constant 0 : i32
    %dma_start3A_100 = tpu.memref_slice %arg14[%dma_start3A_98, %dma_start3A_99] : memref<120x128xf32, #tpu.memory_space<vmem>> -> memref<40x128xf32, #tpu.memory_space<vmem>>
    %dma_start3A_101 = arith.constant 0 : i32
    %dma_start3A_102 = arith.constant 0 : i32
    %dma_start3A_103 = tpu.memref_slice %arg2[%dma_start3A_101, %dma_start3A_102] : memref<10240x128xf32, #tpu.memory_space<hbm>> -> memref<10240x128xf32, #tpu.memory_space<hbm>>
    tpu.enqueue_indirect_dma source(%dma_start3A_103 : memref<10240x128xf32, #tpu.memory_space<hbm>>) target(%dma_start3A_100 : memref<40x128xf32, #tpu.memory_space<vmem>>) offsets(%arg17 : memref<40xi32, #tpu.memory_space<vmem>>) semaphore(%arg22 : memref<!tpu.dma_semaphore, #tpu.memory_space<semaphore_mem>>)
    %dma_wait3A_104 = arith.constant 0 : i32
    %dma_wait3A_105 = arith.constant 0 : i32
    %dma_wait3A_106 = tpu.memref_slice %arg14[%dma_wait3A_104, %dma_wait3A_105] : memref<120x128xf32, #tpu.memory_space<vmem>> -> memref<40x128xf32, #tpu.memory_space<vmem>>
    %dma_wait3A_107 = arith.constant 0 : i32
    %dma_wait3A_108 = arith.constant 0 : i32
    %dma_wait3A_109 = tpu.memref_slice %arg2[%dma_wait3A_107, %dma_wait3A_108] : memref<10240x128xf32, #tpu.memory_space<hbm>> -> memref<10240x128xf32, #tpu.memory_space<hbm>>
    tpu.wait_indirect_dma semaphore(%arg22 : memref<!tpu.dma_semaphore, #tpu.memory_space<semaphore_mem>>) src(%dma_wait3A_109 : memref<10240x128xf32, #tpu.memory_space<hbm>>) dst(%dma_wait3A_106 : memref<40x128xf32, #tpu.memory_space<vmem>>)
    "tpu.region"() ({
      %run_scoped3A = tpu.sem_alloc : memref<!tpu.dma_semaphore, #tpu.memory_space<semaphore_mem>>
      %dma_start3A_121 = arith.constant 0 : i32
      %dma_start3A_122 = arith.constant 0 : i32
      %dma_start3A_123 = tpu.memref_slice %arg14[%dma_start3A_121, %dma_start3A_122] : memref<120x128xf32, #tpu.memory_space<vmem>> -> memref<40x128xf32, #tpu.memory_space<vmem>>
      %dma_start3A_124 = arith.constant 0 : i32
      %dma_start3A_125 = arith.constant 0 : i32
      %dma_start3A_126 = tpu.memref_slice %arg21[%dma_start3A_124, %dma_start3A_125] : memref<10240x128xf32, #tpu.memory_space<vmem_shared>> -> memref<10240x128xf32, #tpu.memory_space<vmem_shared>>
      tpu.enqueue_indirect_dma source(%dma_start3A_123 : memref<40x128xf32, #tpu.memory_space<vmem>>) target(%dma_start3A_126 : memref<10240x128xf32, #tpu.memory_space<vmem_shared>>) offsets(%arg20 : memref<40xi32, #tpu.memory_space<vmem>>) semaphore(%run_scoped3A : memref<!tpu.dma_semaphore, #tpu.memory_space<semaphore_mem>>) {add = true}
      %dma_wait3A_127 = arith.constant 0 : i32
      %dma_wait3A_128 = arith.constant 0 : i32
      %dma_wait3A_129 = tpu.memref_slice %arg14[%dma_wait3A_127, %dma_wait3A_128] : memref<120x128xf32, #tpu.memory_space<vmem>> -> memref<40x128xf32, #tpu.memory_space<vmem>>
      %dma_wait3A_130 = arith.constant 0 : i32
      %dma_wait3A_131 = arith.constant 0 : i32
      %dma_wait3A_132 = tpu.memref_slice %arg21[%dma_wait3A_130, %dma_wait3A_131] : memref<10240x128xf32, #tpu.memory_space<vmem_shared>> -> memref<10240x128xf32, #tpu.memory_space<vmem_shared>>
      tpu.wait_indirect_dma semaphore(%run_scoped3A : memref<!tpu.dma_semaphore, #tpu.memory_space<semaphore_mem>>) src(%dma_wait3A_129 : memref<40x128xf32, #tpu.memory_space<vmem>>) dst(%dma_wait3A_132 : memref<10240x128xf32, #tpu.memory_space<vmem_shared>>)
      tpu.yield
    }) : () -> ()
    %barrier3A_110 = arith.constant 0 : index
    tpu.barrier barrier_id(%barrier3A_110)
    %eq3A_111 = arith.constant 0 : i32
    %eq3A_112 = arith.cmpi eq, %arg0, %eq3A_111 : i32
    %convert_element_type3A_113 = arith.extui %eq3A_112 : i1 to i32
    %cond3A_114 = arith.constant 0 : i32
    %cond3A_115 = arith.cmpi ne, %convert_element_type3A_113, %cond3A_114 : i32
    scf.if %cond3A_115 {
      %run_scoped3A = arith.constant 0 : i32
      "tpu.region"() ({
        %run_scoped3A_121 = tpu.sem_alloc : memref<!tpu.dma_semaphore, #tpu.memory_space<semaphore_mem>>
        %dma_start3A_122 = arith.constant 0 : i32
        %dma_start3A_123 = tpu.memref_slice %arg5[%run_scoped3A, %mul3A_2, %dma_start3A_122] : memref<2x10240x128xf32, #tpu.memory_space<hbm>> -> memref<1x640x128xf32, #tpu.memory_space<hbm>>
        %dma_start3A_124 = tpu.memref_squeeze %dma_start3A_123 : memref<1x640x128xf32, #tpu.memory_space<hbm>> -> memref<640x128xf32, #tpu.memory_space<hbm>>
        %dma_start3A_125 = arith.constant 0 : i32
        %dma_start3A_126 = tpu.memref_slice %arg21[%mul3A_2, %dma_start3A_125] : memref<10240x128xf32, #tpu.memory_space<vmem_shared>> -> memref<640x128xf32, #tpu.memory_space<vmem_shared>>
        tpu.enqueue_dma source(%dma_start3A_126 : memref<640x128xf32, #tpu.memory_space<vmem_shared>>) target(%dma_start3A_124 : memref<640x128xf32, #tpu.memory_space<hbm>>) target_semaphore(%run_scoped3A_121 : memref<!tpu.dma_semaphore, #tpu.memory_space<semaphore_mem>>)
        %dma_wait3A_127 = arith.constant 0 : i32
        %dma_wait3A_128 = tpu.memref_slice %arg5[%run_scoped3A, %mul3A_2, %dma_wait3A_127] : memref<2x10240x128xf32, #tpu.memory_space<hbm>> -> memref<1x640x128xf32, #tpu.memory_space<hbm>>
        %dma_wait3A_129 = tpu.memref_squeeze %dma_wait3A_128 : memref<1x640x128xf32, #tpu.memory_space<hbm>> -> memref<640x128xf32, #tpu.memory_space<hbm>>
        %dma_wait3A_130 = arith.constant 0 : i32
        %dma_wait3A_131 = tpu.memref_slice %arg21[%mul3A_2, %dma_wait3A_130] : memref<10240x128xf32, #tpu.memory_space<vmem_shared>> -> memref<640x128xf32, #tpu.memory_space<vmem_shared>>
        tpu.wait_dma2 semaphore(%run_scoped3A_121 : memref<!tpu.dma_semaphore, #tpu.memory_space<semaphore_mem>>) src(%dma_wait3A_131 : memref<640x128xf32, #tpu.memory_space<vmem_shared>>) dst(%dma_wait3A_129 : memref<640x128xf32, #tpu.memory_space<hbm>>)
        tpu.yield
      }) : () -> ()
    } else {
    }
    %eq3A_116 = arith.constant 1 : i32
    %eq3A_117 = arith.cmpi eq, %arg0, %eq3A_116 : i32
    %convert_element_type3A_118 = arith.extui %eq3A_117 : i1 to i32
    %cond3A_119 = arith.constant 0 : i32
    %cond3A_120 = arith.cmpi ne, %convert_element_type3A_118, %cond3A_119 : i32
    scf.if %cond3A_120 {
      %run_scoped3A = arith.constant 1 : i32
      "tpu.region"() ({
        %run_scoped3A_121 = tpu.sem_alloc : memref<!tpu.dma_semaphore, #tpu.memory_space<semaphore_mem>>
        %dma_start3A_122 = arith.constant 0 : i32
        %dma_start3A_123 = tpu.memref_slice %arg5[%run_scoped3A, %mul3A_2, %dma_start3A_122] : memref<2x10240x128xf32, #tpu.memory_space<hbm>> -> memref<1x640x128xf32, #tpu.memory_space<hbm>>
        %dma_start3A_124 = tpu.memref_squeeze %dma_start3A_123 : memref<1x640x128xf32, #tpu.memory_space<hbm>> -> memref<640x128xf32, #tpu.memory_space<hbm>>
        %dma_start3A_125 = arith.constant 0 : i32
        %dma_start3A_126 = tpu.memref_slice %arg21[%mul3A_2, %dma_start3A_125] : memref<10240x128xf32, #tpu.memory_space<vmem_shared>> -> memref<640x128xf32, #tpu.memory_space<vmem_shared>>
        tpu.enqueue_dma source(%dma_start3A_126 : memref<640x128xf32, #tpu.memory_space<vmem_shared>>) target(%dma_start3A_124 : memref<640x128xf32, #tpu.memory_space<hbm>>) target_semaphore(%run_scoped3A_121 : memref<!tpu.dma_semaphore, #tpu.memory_space<semaphore_mem>>)
        %dma_wait3A_127 = arith.constant 0 : i32
        %dma_wait3A_128 = tpu.memref_slice %arg5[%run_scoped3A, %mul3A_2, %dma_wait3A_127] : memref<2x10240x128xf32, #tpu.memory_space<hbm>> -> memref<1x640x128xf32, #tpu.memory_space<hbm>>
        %dma_wait3A_129 = tpu.memref_squeeze %dma_wait3A_128 : memref<1x640x128xf32, #tpu.memory_space<hbm>> -> memref<640x128xf32, #tpu.memory_space<hbm>>
        %dma_wait3A_130 = arith.constant 0 : i32
        %dma_wait3A_131 = tpu.memref_slice %arg21[%mul3A_2, %dma_wait3A_130] : memref<10240x128xf32, #tpu.memory_space<vmem_shared>> -> memref<640x128xf32, #tpu.memory_space<vmem_shared>>
        tpu.wait_dma2 semaphore(%run_scoped3A_121 : memref<!tpu.dma_semaphore, #tpu.memory_space<semaphore_mem>>) src(%dma_wait3A_131 : memref<640x128xf32, #tpu.memory_space<vmem_shared>>) dst(%dma_wait3A_129 : memref<640x128xf32, #tpu.memory_space<hbm>>)
        tpu.yield
      }) : () -> ()
    } else {
    }
    return
  }
}

module attributes {stable_mosaic.version = 14 : i64} {
  func.func @body(%arg0: i32, %arg1: memref<2048x128xf32, #tpu.memory_space<vmem>>, %arg2: memref<2x2048x16xf32, #tpu.memory_space<vmem>>, %arg3: memref<128x16xf32, #tpu.memory_space<vmem>>, %arg4: memref<2048x16xf32, #tpu.memory_space<vmem>>, %arg5: memref<2048x16xf32, #tpu.memory_space<vmem>>) attributes {dimension_semantics = [#tpu.dimension_semantics<arbitrary>], iteration_bounds = array<i64: 5>, scalar_prefetch = 0 : i64, scratch_operands = 0 : i64, tpu.core_type = #tpu.core_type<tc>, window_params = [{transform_indices = @transform_0, window_bounds = array<i64: 2048, 128>}, {transform_indices = @transform_1, window_bounds = array<i64: 2, 2048, 16>}, {pipeline_mode = #tpu.pipeline_mode<synchronous>, transform_indices = @transform_2, window_bounds = array<i64: 128, 16>}, {transform_indices = @transform_3, window_bounds = array<i64: 2048, 16>}, {transform_indices = @transform_4, window_bounds = array<i64: 2048, 16>}]} {
    %get3A = arith.constant 0 : index
    %get3A_0 = arith.constant 0 : index
    %get3A_1 = arith.constant 0 : index
    %get3A_2 = vector.load %arg2[%get3A, %get3A_0, %get3A_1] : memref<2x2048x16xf32, #tpu.memory_space<vmem>>, vector<1x2048x16xf32>
    %get3A_3 = vector.shape_cast %get3A_2 : vector<1x2048x16xf32> to vector<2048x16xf32>
    %get3A_4 = arith.constant 1 : index
    %get3A_5 = arith.constant 0 : index
    %get3A_6 = arith.constant 0 : index
    %get3A_7 = vector.load %arg2[%get3A_4, %get3A_5, %get3A_6] : memref<2x2048x16xf32, #tpu.memory_space<vmem>>, vector<1x2048x16xf32>
    %get3A_8 = vector.shape_cast %get3A_7 : vector<1x2048x16xf32> to vector<2048x16xf32>
    %add3A = arith.addf %get3A_3, %get3A_8 : vector<2048x16xf32>
    %add3A_9 = arith.constant 1.000000e+00 : f32
    %add3A_10 = vector.broadcast %add3A_9 : f32 to vector<2048x16xf32>
    %add3A_11 = arith.addf %add3A, %add3A_10 : vector<2048x16xf32>
    %rsqrt3A = math.rsqrt %add3A_11 : vector<2048x16xf32>
    %swap3A = arith.constant 0 : index
    %swap3A_12 = arith.constant 0 : index
    %swap3A_13 = vector.load %arg4[%swap3A, %swap3A_12] : memref<2048x16xf32, #tpu.memory_space<vmem>>, vector<2048x16xf32>
    tpu.vector_store %arg4[%swap3A, %swap3A_12], %rsqrt3A {strides = array<i32>} : memref<2048x16xf32, #tpu.memory_space<vmem>>, vector<2048x16xf32>,
    %get3A_14 = arith.constant 0 : index
    %get3A_15 = arith.constant 0 : index
    %get3A_16 = vector.load %arg1[%get3A_14, %get3A_15] : memref<2048x128xf32, #tpu.memory_space<vmem>>, vector<2048x128xf32>
    %get3A_17 = arith.constant 0 : index
    %get3A_18 = arith.constant 0 : index
    %get3A_19 = vector.load %arg3[%get3A_17, %get3A_18] : memref<128x16xf32, #tpu.memory_space<vmem>>, vector<128x16xf32>
    %dot_general3A = arith.constant dense<0.000000e+00> : vector<2048x16xf32>
    %dot_general3A_20 = tpu.matmul %get3A_16, %get3A_19, %dot_general3A {dimension_numbers = #tpu.dot_dimension_numbers<[1], [0], [0], [1], [0, 0, 1, 1], [], []>, transpose_lhs_hint = false} : vector<2048x128xf32>, vector<128x16xf32>, vector<2048x16xf32> -> vector<2048x16xf32>
    %slice3A = vector.extract_strided_slice %rsqrt3A {offsets = [0, 0], sizes = [2048, 1], strides = [1, 1]} : vector<2048x16xf32> to vector<2048x1xf32>
    %broadcast_in_dim3A = vector.shape_cast %slice3A : vector<2048x1xf32> to vector<2048x1xf32>
    %broadcast_in_dim3A_21 = vector.broadcast %broadcast_in_dim3A : vector<2048x1xf32> to vector<2048x16xf32>
    %mul3A = arith.mulf %dot_general3A_20, %broadcast_in_dim3A_21 : vector<2048x16xf32>
    %swap3A_22 = arith.constant 0 : index
    %swap3A_23 = arith.constant 0 : index
    %swap3A_24 = vector.load %arg5[%swap3A_22, %swap3A_23] : memref<2048x16xf32, #tpu.memory_space<vmem>>, vector<2048x16xf32>
    tpu.vector_store %arg5[%swap3A_22, %swap3A_23], %mul3A {strides = array<i32>} : memref<2048x16xf32, #tpu.memory_space<vmem>>, vector<2048x16xf32>,
    return
  }
  func.func @transform_0(%arg0: i32) -> (i32, i32) {
    %c0_i32 = arith.constant 0 : i32
    %c0_i32_0 = arith.constant 0 : i32
    return %arg0, %c0_i32 : i32, i32
  }
  func.func @transform_1(%arg0: i32) -> (i32, i32, i32) {
    %c0_i32 = arith.constant 0 : i32
    %c0_i32_0 = arith.constant 0 : i32
    %c0_i32_1 = arith.constant 0 : i32
    return %c0_i32, %arg0, %c0_i32_0 : i32, i32, i32
  }
  func.func @transform_2(%arg0: i32) -> (i32, i32) {
    %c0_i32 = arith.constant 0 : i32
    %c0_i32_0 = arith.constant 0 : i32
    %c0_i32_1 = arith.constant 0 : i32
    return %c0_i32, %c0_i32_0 : i32, i32
  }
  func.func @transform_3(%arg0: i32) -> (i32, i32) {
    %c0_i32 = arith.constant 0 : i32
    %c0_i32_0 = arith.constant 0 : i32
    return %arg0, %c0_i32 : i32, i32
  }
  func.func @transform_4(%arg0: i32) -> (i32, i32) {
    %c0_i32 = arith.constant 0 : i32
    %c0_i32_0 = arith.constant 0 : i32
    return %arg0, %c0_i32 : i32, i32
  }
}

module attributes {stable_mosaic.version = 14 : i64} {
  func.func @body(%arg0: i32, %arg1: memref<2x2048x16xf32, #tpu.memory_space<vmem>>, %arg2: memref<2048x16xf32, #tpu.memory_space<vmem>>, %arg3: memref<1x16xf32, #tpu.memory_space<vmem>>, %arg4: memref<1x1xf32, #tpu.memory_space<smem>>, %arg5: memref<16x32xf32, #tpu.memory_space<vmem>>, %arg6: memref<2048x32xf32, #tpu.memory_space<vmem>>) attributes {dimension_semantics = [#tpu.dimension_semantics<arbitrary>], iteration_bounds = array<i64: 5>, scalar_prefetch = 0 : i64, scratch_operands = 0 : i64, tpu.core_type = #tpu.core_type<tc>, window_params = [{transform_indices = @transform_0, window_bounds = array<i64: 2, 2048, 16>}, {transform_indices = @transform_1, window_bounds = array<i64: 2048, 16>}, {pipeline_mode = #tpu.pipeline_mode<synchronous>, transform_indices = @transform_2, window_bounds = array<i64: 1, 16>}, {transform_indices = @transform_3, window_bounds = array<i64: 1, 1>}, {pipeline_mode = #tpu.pipeline_mode<synchronous>, transform_indices = @transform_4, window_bounds = array<i64: 16, 32>}, {transform_indices = @transform_5, window_bounds = array<i64: 2048, 32>}]} {
    %get3A = arith.constant 0 : index
    %get3A_0 = arith.constant 0 : index
    %get3A_1 = vector.load %arg2[%get3A, %get3A_0] : memref<2048x16xf32, #tpu.memory_space<vmem>>, vector<2048x16xf32>
    %slice3A = vector.extract_strided_slice %get3A_1 {offsets = [0, 0], sizes = [2048, 1], strides = [1, 1]} : vector<2048x16xf32> to vector<2048x1xf32>
    %broadcast_in_dim3A = vector.shape_cast %slice3A : vector<2048x1xf32> to vector<2048x1xf32>
    %broadcast_in_dim3A_2 = vector.broadcast %broadcast_in_dim3A : vector<2048x1xf32> to vector<2048x16xf32>
    %get3A_3 = arith.constant 0 : index
    %get3A_4 = arith.constant 0 : index
    %get3A_5 = arith.constant 0 : index
    %get3A_6 = vector.load %arg1[%get3A_3, %get3A_4, %get3A_5] : memref<2x2048x16xf32, #tpu.memory_space<vmem>>, vector<1x2048x16xf32>
    %get3A_7 = vector.shape_cast %get3A_6 : vector<1x2048x16xf32> to vector<2048x16xf32>
    %get3A_8 = arith.constant 1 : index
    %get3A_9 = arith.constant 0 : index
    %get3A_10 = arith.constant 0 : index
    %get3A_11 = vector.load %arg1[%get3A_8, %get3A_9, %get3A_10] : memref<2x2048x16xf32, #tpu.memory_space<vmem>>, vector<1x2048x16xf32>
    %get3A_12 = vector.shape_cast %get3A_11 : vector<1x2048x16xf32> to vector<2048x16xf32>
    %add3A = arith.addf %get3A_7, %get3A_12 : vector<2048x16xf32>
    %mul3A = arith.mulf %broadcast_in_dim3A_2, %add3A : vector<2048x16xf32>
    %get3A_13 = arith.constant 0 : index
    %get3A_14 = arith.constant 0 : index
    %get3A_15 = vector.load %arg3[%get3A_13, %get3A_14] : memref<1x16xf32, #tpu.memory_space<vmem>>, vector<1x16xf32>
    %add3A_16 = vector.broadcast %get3A_15 : vector<1x16xf32> to vector<2048x16xf32>
    %add3A_17 = arith.addf %mul3A, %add3A_16 : vector<2048x16xf32>
    %get3A_18 = arith.constant 0 : index
    %get3A_19 = arith.constant 0 : index
    %get3A_20 = memref.load %arg4[%get3A_18, %get3A_19] : memref<1x1xf32, #tpu.memory_space<smem>>
    %ge3A = arith.constant 0.000000e+00 : f32
    %ge3A_21 = vector.broadcast %ge3A : f32 to vector<2048x16xf32>
    %ge3A_22 = arith.cmpf oge, %add3A_17, %ge3A_21 : vector<2048x16xf32>
    %mul3A_23 = vector.broadcast %get3A_20 : f32 to vector<2048x16xf32>
    %mul3A_24 = arith.mulf %mul3A_23, %add3A_17 : vector<2048x16xf32>
    %select_n3A = arith.select %ge3A_22, %add3A_17, %mul3A_24 : vector<2048x16xi1>, vector<2048x16xf32>
    %get3A_25 = arith.constant 0 : index
    %get3A_26 = arith.constant 0 : index
    %get3A_27 = vector.load %arg5[%get3A_25, %get3A_26] : memref<16x32xf32, #tpu.memory_space<vmem>>, vector<16x32xf32>
    %dot_general3A = arith.constant dense<0.000000e+00> : vector<2048x32xf32>
    %dot_general3A_28 = tpu.matmul %select_n3A, %get3A_27, %dot_general3A {dimension_numbers = #tpu.dot_dimension_numbers<[1], [0], [0], [1], [0, 0, 1, 1], [], []>, transpose_lhs_hint = false} : vector<2048x16xf32>, vector<16x32xf32>, vector<2048x32xf32> -> vector<2048x32xf32>
    %slice3A_29 = vector.extract_strided_slice %get3A_1 {offsets = [0, 0], sizes = [2048, 1], strides = [1, 1]} : vector<2048x16xf32> to vector<2048x1xf32>
    %broadcast_in_dim3A_30 = vector.shape_cast %slice3A_29 : vector<2048x1xf32> to vector<2048x1xf32>
    %broadcast_in_dim3A_31 = vector.broadcast %broadcast_in_dim3A_30 : vector<2048x1xf32> to vector<2048x32xf32>
    %mul3A_32 = arith.mulf %dot_general3A_28, %broadcast_in_dim3A_31 : vector<2048x32xf32>
    %swap3A = arith.constant 0 : index
    %swap3A_33 = arith.constant 0 : index
    %swap3A_34 = vector.load %arg6[%swap3A, %swap3A_33] : memref<2048x32xf32, #tpu.memory_space<vmem>>, vector<2048x32xf32>
    tpu.vector_store %arg6[%swap3A, %swap3A_33], %mul3A_32 {strides = array<i32>} : memref<2048x32xf32, #tpu.memory_space<vmem>>, vector<2048x32xf32>,
    return
  }
  func.func @transform_0(%arg0: i32) -> (i32, i32, i32) {
    %c0_i32 = arith.constant 0 : i32
    %c0_i32_0 = arith.constant 0 : i32
    %c0_i32_1 = arith.constant 0 : i32
    return %c0_i32, %arg0, %c0_i32_0 : i32, i32, i32
  }
  func.func @transform_1(%arg0: i32) -> (i32, i32) {
    %c0_i32 = arith.constant 0 : i32
    %c0_i32_0 = arith.constant 0 : i32
    return %arg0, %c0_i32 : i32, i32
  }
  func.func @transform_2(%arg0: i32) -> (i32, i32) {
    %c0_i32 = arith.constant 0 : i32
    %c0_i32_0 = arith.constant 0 : i32
    %c0_i32_1 = arith.constant 0 : i32
    return %c0_i32, %c0_i32_0 : i32, i32
  }
  func.func @transform_3(%arg0: i32) -> (i32, i32) {
    %c0_i32 = arith.constant 0 : i32
    %c0_i32_0 = arith.constant 0 : i32
    %c0_i32_1 = arith.constant 0 : i32
    return %c0_i32, %c0_i32_0 : i32, i32
  }
  func.func @transform_4(%arg0: i32) -> (i32, i32) {
    %c0_i32 = arith.constant 0 : i32
    %c0_i32_0 = arith.constant 0 : i32
    %c0_i32_1 = arith.constant 0 : i32
    return %c0_i32, %c0_i32_0 : i32, i32
  }
  func.func @transform_5(%arg0: i32) -> (i32, i32) {
    %c0_i32 = arith.constant 0 : i32
    %c0_i32_0 = arith.constant 0 : i32
    return %arg0, %c0_i32 : i32, i32
  }
}

module attributes {stable_mosaic.version = 14 : i64} {
  func.func @body(%arg0: i32, %arg1: memref<2x2048x32xf32, #tpu.memory_space<vmem>>, %arg2: memref<2048x16xf32, #tpu.memory_space<vmem>>, %arg3: memref<1x32xf32, #tpu.memory_space<vmem>>, %arg4: memref<1x1xf32, #tpu.memory_space<smem>>, %arg5: memref<32x64xf32, #tpu.memory_space<vmem>>, %arg6: memref<2048x64xf32, #tpu.memory_space<vmem>>) attributes {dimension_semantics = [#tpu.dimension_semantics<arbitrary>], iteration_bounds = array<i64: 5>, scalar_prefetch = 0 : i64, scratch_operands = 0 : i64, tpu.core_type = #tpu.core_type<tc>, window_params = [{transform_indices = @transform_0, window_bounds = array<i64: 2, 2048, 32>}, {transform_indices = @transform_1, window_bounds = array<i64: 2048, 16>}, {pipeline_mode = #tpu.pipeline_mode<synchronous>, transform_indices = @transform_2, window_bounds = array<i64: 1, 32>}, {transform_indices = @transform_3, window_bounds = array<i64: 1, 1>}, {pipeline_mode = #tpu.pipeline_mode<synchronous>, transform_indices = @transform_4, window_bounds = array<i64: 32, 64>}, {transform_indices = @transform_5, window_bounds = array<i64: 2048, 64>}]} {
    %get3A = arith.constant 0 : index
    %get3A_0 = arith.constant 0 : index
    %get3A_1 = vector.load %arg2[%get3A, %get3A_0] : memref<2048x16xf32, #tpu.memory_space<vmem>>, vector<2048x16xf32>
    %slice3A = vector.extract_strided_slice %get3A_1 {offsets = [0, 0], sizes = [2048, 1], strides = [1, 1]} : vector<2048x16xf32> to vector<2048x1xf32>
    %broadcast_in_dim3A = vector.shape_cast %slice3A : vector<2048x1xf32> to vector<2048x1xf32>
    %broadcast_in_dim3A_2 = vector.broadcast %broadcast_in_dim3A : vector<2048x1xf32> to vector<2048x32xf32>
    %get3A_3 = arith.constant 0 : index
    %get3A_4 = arith.constant 0 : index
    %get3A_5 = arith.constant 0 : index
    %get3A_6 = vector.load %arg1[%get3A_3, %get3A_4, %get3A_5] : memref<2x2048x32xf32, #tpu.memory_space<vmem>>, vector<1x2048x32xf32>
    %get3A_7 = vector.shape_cast %get3A_6 : vector<1x2048x32xf32> to vector<2048x32xf32>
    %get3A_8 = arith.constant 1 : index
    %get3A_9 = arith.constant 0 : index
    %get3A_10 = arith.constant 0 : index
    %get3A_11 = vector.load %arg1[%get3A_8, %get3A_9, %get3A_10] : memref<2x2048x32xf32, #tpu.memory_space<vmem>>, vector<1x2048x32xf32>
    %get3A_12 = vector.shape_cast %get3A_11 : vector<1x2048x32xf32> to vector<2048x32xf32>
    %add3A = arith.addf %get3A_7, %get3A_12 : vector<2048x32xf32>
    %mul3A = arith.mulf %broadcast_in_dim3A_2, %add3A : vector<2048x32xf32>
    %get3A_13 = arith.constant 0 : index
    %get3A_14 = arith.constant 0 : index
    %get3A_15 = vector.load %arg3[%get3A_13, %get3A_14] : memref<1x32xf32, #tpu.memory_space<vmem>>, vector<1x32xf32>
    %add3A_16 = vector.broadcast %get3A_15 : vector<1x32xf32> to vector<2048x32xf32>
    %add3A_17 = arith.addf %mul3A, %add3A_16 : vector<2048x32xf32>
    %get3A_18 = arith.constant 0 : index
    %get3A_19 = arith.constant 0 : index
    %get3A_20 = memref.load %arg4[%get3A_18, %get3A_19] : memref<1x1xf32, #tpu.memory_space<smem>>
    %ge3A = arith.constant 0.000000e+00 : f32
    %ge3A_21 = vector.broadcast %ge3A : f32 to vector<2048x32xf32>
    %ge3A_22 = arith.cmpf oge, %add3A_17, %ge3A_21 : vector<2048x32xf32>
    %mul3A_23 = vector.broadcast %get3A_20 : f32 to vector<2048x32xf32>
    %mul3A_24 = arith.mulf %mul3A_23, %add3A_17 : vector<2048x32xf32>
    %select_n3A = arith.select %ge3A_22, %add3A_17, %mul3A_24 : vector<2048x32xi1>, vector<2048x32xf32>
    %get3A_25 = arith.constant 0 : index
    %get3A_26 = arith.constant 0 : index
    %get3A_27 = vector.load %arg5[%get3A_25, %get3A_26] : memref<32x64xf32, #tpu.memory_space<vmem>>, vector<32x64xf32>
    %dot_general3A = arith.constant dense<0.000000e+00> : vector<2048x64xf32>
    %dot_general3A_28 = tpu.matmul %select_n3A, %get3A_27, %dot_general3A {dimension_numbers = #tpu.dot_dimension_numbers<[1], [0], [0], [1], [0, 0, 1, 1], [], []>, transpose_lhs_hint = false} : vector<2048x32xf32>, vector<32x64xf32>, vector<2048x64xf32> -> vector<2048x64xf32>
    %slice3A_29 = vector.extract_strided_slice %get3A_1 {offsets = [0, 0], sizes = [2048, 1], strides = [1, 1]} : vector<2048x16xf32> to vector<2048x1xf32>
    %broadcast_in_dim3A_30 = vector.shape_cast %slice3A_29 : vector<2048x1xf32> to vector<2048x1xf32>
    %broadcast_in_dim3A_31 = vector.broadcast %broadcast_in_dim3A_30 : vector<2048x1xf32> to vector<2048x64xf32>
    %mul3A_32 = arith.mulf %dot_general3A_28, %broadcast_in_dim3A_31 : vector<2048x64xf32>
    %swap3A = arith.constant 0 : index
    %swap3A_33 = arith.constant 0 : index
    %swap3A_34 = vector.load %arg6[%swap3A, %swap3A_33] : memref<2048x64xf32, #tpu.memory_space<vmem>>, vector<2048x64xf32>
    tpu.vector_store %arg6[%swap3A, %swap3A_33], %mul3A_32 {strides = array<i32>} : memref<2048x64xf32, #tpu.memory_space<vmem>>, vector<2048x64xf32>,
    return
  }
  func.func @transform_0(%arg0: i32) -> (i32, i32, i32) {
    %c0_i32 = arith.constant 0 : i32
    %c0_i32_0 = arith.constant 0 : i32
    %c0_i32_1 = arith.constant 0 : i32
    return %c0_i32, %arg0, %c0_i32_0 : i32, i32, i32
  }
  func.func @transform_1(%arg0: i32) -> (i32, i32) {
    %c0_i32 = arith.constant 0 : i32
    %c0_i32_0 = arith.constant 0 : i32
    return %arg0, %c0_i32 : i32, i32
  }
  func.func @transform_2(%arg0: i32) -> (i32, i32) {
    %c0_i32 = arith.constant 0 : i32
    %c0_i32_0 = arith.constant 0 : i32
    %c0_i32_1 = arith.constant 0 : i32
    return %c0_i32, %c0_i32_0 : i32, i32
  }
  func.func @transform_3(%arg0: i32) -> (i32, i32) {
    %c0_i32 = arith.constant 0 : i32
    %c0_i32_0 = arith.constant 0 : i32
    %c0_i32_1 = arith.constant 0 : i32
    return %c0_i32, %c0_i32_0 : i32, i32
  }
  func.func @transform_4(%arg0: i32) -> (i32, i32) {
    %c0_i32 = arith.constant 0 : i32
    %c0_i32_0 = arith.constant 0 : i32
    %c0_i32_1 = arith.constant 0 : i32
    return %c0_i32, %c0_i32_0 : i32, i32
  }
  func.func @transform_5(%arg0: i32) -> (i32, i32) {
    %c0_i32 = arith.constant 0 : i32
    %c0_i32_0 = arith.constant 0 : i32
    return %arg0, %c0_i32 : i32, i32
  }
}

module attributes {stable_mosaic.version = 14 : i64} {
  func.func @body(%arg0: i32, %arg1: memref<2x2048x64xf32, #tpu.memory_space<vmem>>, %arg2: memref<2048x16xf32, #tpu.memory_space<vmem>>, %arg3: memref<1x64xf32, #tpu.memory_space<vmem>>, %arg4: memref<1x1xf32, #tpu.memory_space<smem>>, %arg5: memref<64x128xf32, #tpu.memory_space<vmem>>, %arg6: memref<2048x128xf32, #tpu.memory_space<vmem>>) attributes {dimension_semantics = [#tpu.dimension_semantics<arbitrary>], iteration_bounds = array<i64: 5>, scalar_prefetch = 0 : i64, scratch_operands = 0 : i64, tpu.core_type = #tpu.core_type<tc>, window_params = [{transform_indices = @transform_0, window_bounds = array<i64: 2, 2048, 64>}, {transform_indices = @transform_1, window_bounds = array<i64: 2048, 16>}, {pipeline_mode = #tpu.pipeline_mode<synchronous>, transform_indices = @transform_2, window_bounds = array<i64: 1, 64>}, {transform_indices = @transform_3, window_bounds = array<i64: 1, 1>}, {pipeline_mode = #tpu.pipeline_mode<synchronous>, transform_indices = @transform_4, window_bounds = array<i64: 64, 128>}, {transform_indices = @transform_5, window_bounds = array<i64: 2048, 128>}]} {
    %get3A = arith.constant 0 : index
    %get3A_0 = arith.constant 0 : index
    %get3A_1 = vector.load %arg2[%get3A, %get3A_0] : memref<2048x16xf32, #tpu.memory_space<vmem>>, vector<2048x16xf32>
    %slice3A = vector.extract_strided_slice %get3A_1 {offsets = [0, 0], sizes = [2048, 1], strides = [1, 1]} : vector<2048x16xf32> to vector<2048x1xf32>
    %broadcast_in_dim3A = vector.shape_cast %slice3A : vector<2048x1xf32> to vector<2048x1xf32>
    %broadcast_in_dim3A_2 = vector.broadcast %broadcast_in_dim3A : vector<2048x1xf32> to vector<2048x64xf32>
    %get3A_3 = arith.constant 0 : index
    %get3A_4 = arith.constant 0 : index
    %get3A_5 = arith.constant 0 : index
    %get3A_6 = vector.load %arg1[%get3A_3, %get3A_4, %get3A_5] : memref<2x2048x64xf32, #tpu.memory_space<vmem>>, vector<1x2048x64xf32>
    %get3A_7 = vector.shape_cast %get3A_6 : vector<1x2048x64xf32> to vector<2048x64xf32>
    %get3A_8 = arith.constant 1 : index
    %get3A_9 = arith.constant 0 : index
    %get3A_10 = arith.constant 0 : index
    %get3A_11 = vector.load %arg1[%get3A_8, %get3A_9, %get3A_10] : memref<2x2048x64xf32, #tpu.memory_space<vmem>>, vector<1x2048x64xf32>
    %get3A_12 = vector.shape_cast %get3A_11 : vector<1x2048x64xf32> to vector<2048x64xf32>
    %add3A = arith.addf %get3A_7, %get3A_12 : vector<2048x64xf32>
    %mul3A = arith.mulf %broadcast_in_dim3A_2, %add3A : vector<2048x64xf32>
    %get3A_13 = arith.constant 0 : index
    %get3A_14 = arith.constant 0 : index
    %get3A_15 = vector.load %arg3[%get3A_13, %get3A_14] : memref<1x64xf32, #tpu.memory_space<vmem>>, vector<1x64xf32>
    %add3A_16 = vector.broadcast %get3A_15 : vector<1x64xf32> to vector<2048x64xf32>
    %add3A_17 = arith.addf %mul3A, %add3A_16 : vector<2048x64xf32>
    %get3A_18 = arith.constant 0 : index
    %get3A_19 = arith.constant 0 : index
    %get3A_20 = memref.load %arg4[%get3A_18, %get3A_19] : memref<1x1xf32, #tpu.memory_space<smem>>
    %ge3A = arith.constant 0.000000e+00 : f32
    %ge3A_21 = vector.broadcast %ge3A : f32 to vector<2048x64xf32>
    %ge3A_22 = arith.cmpf oge, %add3A_17, %ge3A_21 : vector<2048x64xf32>
    %mul3A_23 = vector.broadcast %get3A_20 : f32 to vector<2048x64xf32>
    %mul3A_24 = arith.mulf %mul3A_23, %add3A_17 : vector<2048x64xf32>
    %select_n3A = arith.select %ge3A_22, %add3A_17, %mul3A_24 : vector<2048x64xi1>, vector<2048x64xf32>
    %get3A_25 = arith.constant 0 : index
    %get3A_26 = arith.constant 0 : index
    %get3A_27 = vector.load %arg5[%get3A_25, %get3A_26] : memref<64x128xf32, #tpu.memory_space<vmem>>, vector<64x128xf32>
    %dot_general3A = arith.constant dense<0.000000e+00> : vector<2048x128xf32>
    %dot_general3A_28 = tpu.matmul %select_n3A, %get3A_27, %dot_general3A {dimension_numbers = #tpu.dot_dimension_numbers<[1], [0], [0], [1], [0, 0, 1, 1], [], []>, transpose_lhs_hint = false} : vector<2048x64xf32>, vector<64x128xf32>, vector<2048x128xf32> -> vector<2048x128xf32>
    %slice3A_29 = vector.extract_strided_slice %get3A_1 {offsets = [0, 0], sizes = [2048, 1], strides = [1, 1]} : vector<2048x16xf32> to vector<2048x1xf32>
    %broadcast_in_dim3A_30 = vector.shape_cast %slice3A_29 : vector<2048x1xf32> to vector<2048x1xf32>
    %broadcast_in_dim3A_31 = vector.broadcast %broadcast_in_dim3A_30 : vector<2048x1xf32> to vector<2048x128xf32>
    %mul3A_32 = arith.mulf %dot_general3A_28, %broadcast_in_dim3A_31 : vector<2048x128xf32>
    %swap3A = arith.constant 0 : index
    %swap3A_33 = arith.constant 0 : index
    %swap3A_34 = vector.load %arg6[%swap3A, %swap3A_33] : memref<2048x128xf32, #tpu.memory_space<vmem>>, vector<2048x128xf32>
    tpu.vector_store %arg6[%swap3A, %swap3A_33], %mul3A_32 {strides = array<i32>} : memref<2048x128xf32, #tpu.memory_space<vmem>>, vector<2048x128xf32>,
    return
  }
  func.func @transform_0(%arg0: i32) -> (i32, i32, i32) {
    %c0_i32 = arith.constant 0 : i32
    %c0_i32_0 = arith.constant 0 : i32
    %c0_i32_1 = arith.constant 0 : i32
    return %c0_i32, %arg0, %c0_i32_0 : i32, i32, i32
  }
  func.func @transform_1(%arg0: i32) -> (i32, i32) {
    %c0_i32 = arith.constant 0 : i32
    %c0_i32_0 = arith.constant 0 : i32
    return %arg0, %c0_i32 : i32, i32
  }
  func.func @transform_2(%arg0: i32) -> (i32, i32) {
    %c0_i32 = arith.constant 0 : i32
    %c0_i32_0 = arith.constant 0 : i32
    %c0_i32_1 = arith.constant 0 : i32
    return %c0_i32, %c0_i32_0 : i32, i32
  }
  func.func @transform_3(%arg0: i32) -> (i32, i32) {
    %c0_i32 = arith.constant 0 : i32
    %c0_i32_0 = arith.constant 0 : i32
    %c0_i32_1 = arith.constant 0 : i32
    return %c0_i32, %c0_i32_0 : i32, i32
  }
  func.func @transform_4(%arg0: i32) -> (i32, i32) {
    %c0_i32 = arith.constant 0 : i32
    %c0_i32_0 = arith.constant 0 : i32
    %c0_i32_1 = arith.constant 0 : i32
    return %c0_i32, %c0_i32_0 : i32, i32
  }
  func.func @transform_5(%arg0: i32) -> (i32, i32) {
    %c0_i32 = arith.constant 0 : i32
    %c0_i32_0 = arith.constant 0 : i32
    return %arg0, %c0_i32 : i32, i32
  }
}

module attributes {stable_mosaic.version = 14 : i64} {
  func.func @body(%arg0: i32, %arg1: memref<2x2048x128xf32, #tpu.memory_space<vmem>>, %arg2: memref<2048x16xf32, #tpu.memory_space<vmem>>, %arg3: memref<1x128xf32, #tpu.memory_space<vmem>>, %arg4: memref<2048x1xi32, #tpu.memory_space<vmem>>, %arg5: memref<128x4xf32, #tpu.memory_space<vmem>>, %arg6: memref<1x4xf32, #tpu.memory_space<vmem>>, %arg7: memref<64x4xf32, #tpu.memory_space<vmem>>, %arg8: memref<64x128xf32, #tpu.memory_space<vmem>>, %arg9: memref<64x1xf32, #tpu.memory_space<vmem>>) attributes {dimension_semantics = [#tpu.dimension_semantics<arbitrary>], iteration_bounds = array<i64: 5>, scalar_prefetch = 0 : i64, scratch_operands = 2 : i64, tpu.core_type = #tpu.core_type<tc>, window_params = [{transform_indices = @transform_0, window_bounds = array<i64: 2, 2048, 128>}, {transform_indices = @transform_1, window_bounds = array<i64: 2048, 16>}, {pipeline_mode = #tpu.pipeline_mode<synchronous>, transform_indices = @transform_2, window_bounds = array<i64: 1, 128>}, {transform_indices = @transform_3, window_bounds = array<i64: 2048, 1>}, {pipeline_mode = #tpu.pipeline_mode<synchronous>, transform_indices = @transform_4, window_bounds = array<i64: 128, 4>}, {pipeline_mode = #tpu.pipeline_mode<synchronous>, transform_indices = @transform_5, window_bounds = array<i64: 1, 4>}, {pipeline_mode = #tpu.pipeline_mode<synchronous>, transform_indices = @transform_6, window_bounds = array<i64: 64, 4>}]} {
    %eq3A = arith.constant 0 : i32
    %eq3A_0 = arith.cmpi eq, %arg0, %eq3A : i32
    %convert_element_type3A = arith.extui %eq3A_0 : i1 to i32
    %cond3A = arith.constant 0 : i32
    %cond3A_1 = arith.cmpi ne, %convert_element_type3A, %cond3A : i32
    scf.if %cond3A_1 {
      %broadcast_in_dim3A_50 = arith.constant 0.000000e+00 : f32
      %broadcast_in_dim3A_51 = vector.broadcast %broadcast_in_dim3A_50 : f32 to vector<64x128xf32>
      %swap3A_52 = arith.constant 0 : index
      %swap3A_53 = arith.constant 0 : index
      %swap3A_54 = vector.load %arg8[%swap3A_52, %swap3A_53] : memref<64x128xf32, #tpu.memory_space<vmem>>, vector<64x128xf32>
      tpu.vector_store %arg8[%swap3A_52, %swap3A_53], %broadcast_in_dim3A_51 {strides = array<i32>} : memref<64x128xf32, #tpu.memory_space<vmem>>, vector<64x128xf32>,
      %broadcast_in_dim3A_55 = arith.constant 0.000000e+00 : f32
      %broadcast_in_dim3A_56 = vector.broadcast %broadcast_in_dim3A_55 : f32 to vector<64x1xf32>
      %swap3A_57 = arith.constant 0 : index
      %swap3A_58 = arith.constant 0 : index
      %swap3A_59 = vector.load %arg9[%swap3A_57, %swap3A_58] : memref<64x1xf32, #tpu.memory_space<vmem>>, vector<64x1xf32>
      tpu.vector_store %arg9[%swap3A_57, %swap3A_58], %broadcast_in_dim3A_56 {strides = array<i32>} : memref<64x1xf32, #tpu.memory_space<vmem>>, vector<64x1xf32>,
    } else {
    }
    %get3A = arith.constant 0 : index
    %get3A_2 = arith.constant 0 : index
    %get3A_3 = vector.load %arg2[%get3A, %get3A_2] : memref<2048x16xf32, #tpu.memory_space<vmem>>, vector<2048x16xf32>
    %slice3A = vector.extract_strided_slice %get3A_3 {offsets = [0, 0], sizes = [2048, 1], strides = [1, 1]} : vector<2048x16xf32> to vector<2048x1xf32>
    %broadcast_in_dim3A = vector.shape_cast %slice3A : vector<2048x1xf32> to vector<2048x1xf32>
    %broadcast_in_dim3A_4 = vector.broadcast %broadcast_in_dim3A : vector<2048x1xf32> to vector<2048x128xf32>
    %get3A_5 = arith.constant 0 : index
    %get3A_6 = arith.constant 0 : index
    %get3A_7 = arith.constant 0 : index
    %get3A_8 = vector.load %arg1[%get3A_5, %get3A_6, %get3A_7] : memref<2x2048x128xf32, #tpu.memory_space<vmem>>, vector<1x2048x128xf32>
    %get3A_9 = vector.shape_cast %get3A_8 : vector<1x2048x128xf32> to vector<2048x128xf32>
    %get3A_10 = arith.constant 1 : index
    %get3A_11 = arith.constant 0 : index
    %get3A_12 = arith.constant 0 : index
    %get3A_13 = vector.load %arg1[%get3A_10, %get3A_11, %get3A_12] : memref<2x2048x128xf32, #tpu.memory_space<vmem>>, vector<1x2048x128xf32>
    %get3A_14 = vector.shape_cast %get3A_13 : vector<1x2048x128xf32> to vector<2048x128xf32>
    %add3A = arith.addf %get3A_9, %get3A_14 : vector<2048x128xf32>
    %mul3A = arith.mulf %broadcast_in_dim3A_4, %add3A : vector<2048x128xf32>
    %get3A_15 = arith.constant 0 : index
    %get3A_16 = arith.constant 0 : index
    %get3A_17 = vector.load %arg3[%get3A_15, %get3A_16] : memref<1x128xf32, #tpu.memory_space<vmem>>, vector<1x128xf32>
    %add3A_18 = vector.broadcast %get3A_17 : vector<1x128xf32> to vector<2048x128xf32>
    %add3A_19 = arith.addf %mul3A, %add3A_18 : vector<2048x128xf32>
    %iota3A = tpu.iota {dimensions = array<i32: 1>} : vector<2048x64xi32>
    %get3A_20 = arith.constant 0 : index
    %get3A_21 = arith.constant 0 : index
    %get3A_22 = vector.load %arg4[%get3A_20, %get3A_21] : memref<2048x1xi32, #tpu.memory_space<vmem>>, vector<2048x1xi32>
    %eq3A_23 = vector.broadcast %get3A_22 : vector<2048x1xi32> to vector<2048x64xi32>
    %eq3A_24 = arith.cmpi eq, %iota3A, %eq3A_23 : vector<2048x64xi32>
    %convert_element_type3A_25 = arith.extui %eq3A_24 : vector<2048x64xi1> to vector<2048x64xi32>
    %convert_element_type3A_26 = arith.sitofp %convert_element_type3A_25 : vector<2048x64xi32> to vector<2048x64xf32>
    %get3A_27 = arith.constant 0 : index
    %get3A_28 = arith.constant 0 : index
    %get3A_29 = vector.load %arg8[%get3A_27, %get3A_28] : memref<64x128xf32, #tpu.memory_space<vmem>>, vector<64x128xf32>
    %dot_general3A = arith.constant dense<0.000000e+00> : vector<64x128xf32>
    %dot_general3A_30 = tpu.matmul %convert_element_type3A_26, %add3A_19, %dot_general3A {dimension_numbers = #tpu.dot_dimension_numbers<[0], [0], [1], [1], [0, 1, 1, 1], [], []>, transpose_lhs_hint = false} : vector<2048x64xf32>, vector<2048x128xf32>, vector<64x128xf32> -> vector<64x128xf32>
    %add3A_31 = arith.addf %get3A_29, %dot_general3A_30 : vector<64x128xf32>
    %swap3A = arith.constant 0 : index
    %swap3A_32 = arith.constant 0 : index
    %swap3A_33 = vector.load %arg8[%swap3A, %swap3A_32] : memref<64x128xf32, #tpu.memory_space<vmem>>, vector<64x128xf32>
    tpu.vector_store %arg8[%swap3A, %swap3A_32], %add3A_31 {strides = array<i32>} : memref<64x128xf32, #tpu.memory_space<vmem>>, vector<64x128xf32>,
    %get3A_34 = arith.constant 0 : index
    %get3A_35 = arith.constant 0 : index
    %get3A_36 = vector.load %arg9[%get3A_34, %get3A_35] : memref<64x1xf32, #tpu.memory_space<vmem>>, vector<64x1xf32>
    %broadcast_in_dim3A_37 = arith.constant 1.000000e+00 : f32
    %broadcast_in_dim3A_38 = vector.broadcast %broadcast_in_dim3A_37 : f32 to vector<2048x1xf32>
    %dot_general3A_39 = arith.constant dense<0.000000e+00> : vector<64x1xf32>
    %dot_general3A_40 = tpu.matmul %convert_element_type3A_26, %broadcast_in_dim3A_38, %dot_general3A_39 {dimension_numbers = #tpu.dot_dimension_numbers<[0], [0], [1], [1], [0, 1, 1, 1], [], []>, transpose_lhs_hint = false} : vector<2048x64xf32>, vector<2048x1xf32>, vector<64x1xf32> -> vector<64x1xf32>
    %add3A_41 = arith.addf %get3A_36, %dot_general3A_40 : vector<64x1xf32>
    %swap3A_42 = arith.constant 0 : index
    %swap3A_43 = arith.constant 0 : index
    %swap3A_44 = vector.load %arg9[%swap3A_42, %swap3A_43] : memref<64x1xf32, #tpu.memory_space<vmem>>, vector<64x1xf32>
    tpu.vector_store %arg9[%swap3A_42, %swap3A_43], %add3A_41 {strides = array<i32>} : memref<64x1xf32, #tpu.memory_space<vmem>>, vector<64x1xf32>,
    %eq3A_45 = arith.constant 4 : i32
    %eq3A_46 = arith.cmpi eq, %arg0, %eq3A_45 : i32
    %convert_element_type3A_47 = arith.extui %eq3A_46 : i1 to i32
    %cond3A_48 = arith.constant 0 : i32
    %cond3A_49 = arith.cmpi ne, %convert_element_type3A_47, %cond3A_48 : i32
    scf.if %cond3A_49 {
      %get3A_50 = arith.constant 0 : index
      %get3A_51 = arith.constant 0 : index
      %get3A_52 = vector.load %arg8[%get3A_50, %get3A_51] : memref<64x128xf32, #tpu.memory_space<vmem>>, vector<64x128xf32>
      %get3A_53 = arith.constant 0 : index
      %get3A_54 = arith.constant 0 : index
      %get3A_55 = vector.load %arg9[%get3A_53, %get3A_54] : memref<64x1xf32, #tpu.memory_space<vmem>>, vector<64x1xf32>
      %jit3A = arith.constant 1.000000e+00 : f32
      %max3A = vector.broadcast %jit3A : f32 to vector<64x1xf32>
      %max3A_56 = arith.maximumf %max3A, %get3A_55 : vector<64x1xf32>
      %div3A = vector.broadcast %max3A_56 : vector<64x1xf32> to vector<64x128xf32>
      %div3A_57 = arith.divf %get3A_52, %div3A : vector<64x128xf32>
      %get3A_58 = arith.constant 0 : index
      %get3A_59 = arith.constant 0 : index
      %get3A_60 = vector.load %arg5[%get3A_58, %get3A_59] : memref<128x4xf32, #tpu.memory_space<vmem>>, vector<128x4xf32>
      %dot_general3A_61 = arith.constant dense<0.000000e+00> : vector<64x4xf32>
      %dot_general3A_62 = tpu.matmul %div3A_57, %get3A_60, %dot_general3A_61 {dimension_numbers = #tpu.dot_dimension_numbers<[1], [0], [0], [1], [0, 0, 1, 1], [], []>, transpose_lhs_hint = false} : vector<64x128xf32>, vector<128x4xf32>, vector<64x4xf32> -> vector<64x4xf32>
      %get3A_63 = arith.constant 0 : index
      %get3A_64 = arith.constant 0 : index
      %get3A_65 = vector.load %arg6[%get3A_63, %get3A_64] : memref<1x4xf32, #tpu.memory_space<vmem>>, vector<1x4xf32>
      %add3A_66 = vector.broadcast %get3A_65 : vector<1x4xf32> to vector<64x4xf32>
      %add3A_67 = arith.addf %dot_general3A_62, %add3A_66 : vector<64x4xf32>
      %swap3A_68 = arith.constant 0 : index
      %swap3A_69 = arith.constant 0 : index
      %swap3A_70 = vector.load %arg7[%swap3A_68, %swap3A_69] : memref<64x4xf32, #tpu.memory_space<vmem>>, vector<64x4xf32>
      tpu.vector_store %arg7[%swap3A_68, %swap3A_69], %add3A_67 {strides = array<i32>} : memref<64x4xf32, #tpu.memory_space<vmem>>, vector<64x4xf32>,
    } else {
    }
    return
  }
  func.func @transform_0(%arg0: i32) -> (i32, i32, i32) {
    %c0_i32 = arith.constant 0 : i32
    %c0_i32_0 = arith.constant 0 : i32
    %c0_i32_1 = arith.constant 0 : i32
    return %c0_i32, %arg0, %c0_i32_0 : i32, i32, i32
  }
  func.func @transform_1(%arg0: i32) -> (i32, i32) {
    %c0_i32 = arith.constant 0 : i32
    %c0_i32_0 = arith.constant 0 : i32
    return %arg0, %c0_i32 : i32, i32
  }
  func.func @transform_2(%arg0: i32) -> (i32, i32) {
    %c0_i32 = arith.constant 0 : i32
    %c0_i32_0 = arith.constant 0 : i32
    %c0_i32_1 = arith.constant 0 : i32
    return %c0_i32, %c0_i32_0 : i32, i32
  }
  func.func @transform_3(%arg0: i32) -> (i32, i32) {
    %c0_i32 = arith.constant 0 : i32
    %c0_i32_0 = arith.constant 0 : i32
    return %arg0, %c0_i32 : i32, i32
  }
  func.func @transform_4(%arg0: i32) -> (i32, i32) {
    %c0_i32 = arith.constant 0 : i32
    %c0_i32_0 = arith.constant 0 : i32
    %c0_i32_1 = arith.constant 0 : i32
    return %c0_i32, %c0_i32_0 : i32, i32
  }
  func.func @transform_5(%arg0: i32) -> (i32, i32) {
    %c0_i32 = arith.constant 0 : i32
    %c0_i32_0 = arith.constant 0 : i32
    %c0_i32_1 = arith.constant 0 : i32
    return %c0_i32, %c0_i32_0 : i32, i32
  }
  func.func @transform_6(%arg0: i32) -> (i32, i32) {
    %c0_i32 = arith.constant 0 : i32
    %c0_i32_0 = arith.constant 0 : i32
    %c0_i32_1 = arith.constant 0 : i32
    return %c0_i32, %c0_i32_0 : i32, i32
  }
}

</mosaic_0001>

<sc_bundles>
// kernel: kernel.12.cloned.1.call-start
scs
__scs_entry_jumppad:
0x0: {  	(pc) =	sbr.rel $0x88, $3  }
0x1: {  	(tag) =	ssettag $0x0;
	lr =	simm.s32 $0x1  }
0x2: {  	[smem:$0x3F91] =	sst lr;
	_ =	strace $0xD0000000  }
0x3: {  	_ = 	snop  }
0x4: {  	_ = 	snop  }
0x5: {  	_ = 	snop  }
0x6: {  	_ = 	snop  }
0x7: {  	_ = 	snop  }
__scs_overlays_trampoline_lowered:
0x8: {  	[smem:$0x3FA0] =	sst s0  }
0x9: {  	[smem:$0x3FA1] =	sst s1  }
0xa: {  	[smem:$0x3FA2] =	sst s2  }
0xb: {  	[smem:$0x3FA3] =	sst s3  }
0xc: {  	[smem:$0x3FA4] =	sst s4  }
0xd: {  	[smem:$0x3FA5] =	sst s5  }
0xe: {  	[smem:$0x3FA6] =	sst s6  }
0xf: {  	[smem:$0x3FA7] =	sst s7  }
0x10: {  	[smem:$0x3FA8] =	sst s8  }
0x11: {  	[smem:$0x3FA9] =	sst s9;
	s0 =	simm.s32 @!p0 $0x0  }
0x12: {  	s1 =	sld [smem:$0x3F8F];
	s0 =	simm.s32 @p0 $0x1  }
0x13: {  	[smem:$0x3FAA] =	sst s0;
	s0 =	simm.s32 @!p1 $0x0  }
0x14: {  	s2 =	sld [smem:$0x3F8E];
	s0 =	simm.s32 @p1 $0x1  }
0x15: {  	[smem:$0x3FAB] =	sst s0;
	s0 =	simm.s32 @!p2 $0x0  }
0x16: {  	s3 =	sld [smem:$0x3FDB];
	s0 =	simm.s32 @p2 $0x1  }
0x17: {  	s4 =	simm.s32 $0x1BF5;
	[smem:$0x3FAD] =	sst s0  }
0x18: {  	s0 =	sld [smem:$0x3F90];
	_ =	swait.ge [sflag:s4], $0x0  }
0x19: {  	s7 =	sld [smem:$0x3F91]  }
0x1a: {  	s8 =	sadd.s32 $0xFFFFE003, lr  }
0x1b: {  	s9 =	sadd.s32 $0xFFFFFEF7, lr;
	s5 =	simm.s32 $0xFFFFFFFF;
	p2 =	slt.u32 s8, $0xFFFFF086  }
0x1c: {  	p1 =	slt.u32 s9, $0xF7A;
	s5 =	simm.s32 @!p2 $0x0  }
0x1d: {  	s5 =	simm.s32 @p1 $0x1;
	p0 =	seq.s32 s7, s2  }
0x1e: {  	s7 =	smul.u32 @!p0 $0xF7A, s2;
	p2 =	seq.s32 @!p0 s5, $0x0  }
0x1f: {  	s9 =	smul.u32 $0xF7A, s1;
	s8 =	simm.s32 @!p0 $0x1BF5;
	p2 =	por !p2, p0  }
0x20: {  	[sflag:s8] =	ssyncset.s32 @!p0 $0xFFFFF086;
	s6 =	sadd.s32 @!p0 s3, s7;
	s7 =	simm.s32 @!p0 $0x108  }
0x21: {  	s3 =	sadd.s32 s3, s9;
	s6 =	sadd.s32 @!p0 $0x88, s6;
	s7 =	simm.s32 @p2 $0x1082  }
0x22: {  	[simem:s7], [sflag:s8] =	dma.local @!p0 [hbm:s6], $0xF7A  }
0x23: {  	s9 =	sor.u32 $0xD0000000, s2;
	s6 =	simm.s32 $0x108;
	_ =	swait.ge @!p0 [sflag:s8], $0x0  }
0x24: {  	s3 =	sadd.s32 $0x88, s3;
	s6 =	simm.s32 @!p1 $0x1082;
	[sflag:s4] =	ssyncset.s32 $0xFFFFF086  }
0x25: {  	[simem:s6], [sflag:s4] =	dma.local [hbm:s3], $0xF7A  }
0x26: {  	[smem:$0x3F91] =	sst s1;
	(tag) =	ssettag s2;
	_ =	strace s9  }
0x27: {  	s1 =	sld [smem:$0x3FA1]  }
0x28: {  	s2 =	sld [smem:$0x3FA2]  }
0x29: {  	s4 =	sld [smem:$0x3FA4]  }
0x2a: {  	p0 =	seq.s32 s5, $0x0;
	s5 =	sld [smem:$0x3FA5]  }
0x2b: {  	s6 =	sld [smem:$0x3FA6]  }
0x2c: {  	s7 =	sld [smem:$0x3FA7]  }
0x2d: {  	s3 =	simm.s32 $0x108;
	s8 =	sld [smem:$0x3FA8]  }
0x2e: {  	s3 =	simm.s32 @!p0 $0x1082;
	s9 =	sld [smem:$0x3FA9]  }
0x2f: {  	lr =	sadd.s32 s0, s3;
	s0 =	sld [smem:$0x3FA0]  }
0x30: {  	s3 =	sld [smem:$0x3FA3]  }
0x31: {  	[smem:$0x3FAC] =	sst s10  }
0x32: {  	s10 =	sld [smem:$0x3FAA];
	_ =	sdelay $0x3  }
0x33: {  	p0 =	seq.s32 s10, $0x1;
	s10 =	sld [smem:$0x3FAC];
	_ =	sdelay $0x3  }
0x34: {  	[smem:$0x3FAC] =	sst s10  }
0x35: {  	s10 =	sld [smem:$0x3FAB];
	_ =	sdelay $0x3  }
0x36: {  	p1 =	seq.s32 s10, $0x1;
	s10 =	sld [smem:$0x3FAC];
	_ =	sdelay $0x3  }
0x37: {  	[smem:$0x3FAC] =	sst s10  }
0x38: {  	s10 =	sld [smem:$0x3FAD]  }
0x39: {  	_ = 	snop;
	(pc) =	sbr.ind lr, $3  }
0x3a: {  	_ = 	snop  }
0x3b: {  	_ = 	snop  }
0x3c: {  	p2 =	seq.s32 s10, $0x1;
	s10 =	sld [smem:$0x3FAC]  }
0x3d: {  	_ =	shalt  }
0x3e: {  	_ =	shalt  }
0x3f: {  	_ =	shalt  }
0x40: {  	_ =	shalt  }
0x41: {  	_ =	shalt  }
0x42: {  	_ =	shalt  }
0x43: {  	_ =	shalt  }
0x44: {  	_ =	shalt  }
0x45: {  	_ =	shalt  }
0x46: {  	_ =	shalt  }
0x47: {  	_ =	shalt  }
0x48: {  	_ =	shalt  }
0x49: {  	_ =	shalt  }
0x4a: {  	_ =	shalt  }
0x4b: {  	_ =	shalt  }
0x4c: {  	_ =	shalt  }
0x4d: {  	_ =	shalt  }
0x4e: {  	_ =	shalt  }
0x4f: {  	_ =	shalt  }
0x50: {  	_ =	shalt  }
0x51: {  	_ =	shalt  }
0x52: {  	_ =	shalt  }
0x53: {  	_ =	shalt  }
0x54: {  	_ =	shalt  }
0x55: {  	_ =	shalt  }
0x56: {  	_ =	shalt  }
0x57: {  	_ =	shalt  }
0x58: {  	_ =	shalt  }
0x59: {  	_ =	shalt  }
0x5a: {  	_ =	shalt  }
0x5b: {  	_ =	shalt  }
0x5c: {  	_ =	shalt  }
0x5d: {  	_ =	shalt  }
0x5e: {  	_ =	shalt  }
0x5f: {  	_ =	shalt  }
0x60: {  	_ =	shalt  }
0x61: {  	_ =	shalt  }
0x62: {  	_ =	shalt  }
0x63: {  	_ =	shalt  }
0x64: {  	_ =	shalt  }
0x65: {  	_ =	shalt  }
0x66: {  	_ =	shalt  }
0x67: {  	_ =	shalt  }
0x68: {  	_ =	shalt  }
0x69: {  	_ =	shalt  }
0x6a: {  	_ =	shalt  }
0x6b: {  	_ =	shalt  }
0x6c: {  	_ =	shalt  }
0x6d: {  	_ =	shalt  }
0x6e: {  	_ =	shalt  }
0x6f: {  	_ =	shalt  }
0x70: {  	_ =	shalt  }
0x71: {  	_ =	shalt  }
0x72: {  	_ =	shalt  }
0x73: {  	_ =	shalt  }
0x74: {  	_ =	shalt  }
0x75: {  	_ =	shalt  }
0x76: {  	_ =	shalt  }
0x77: {  	_ =	shalt  }
0x78: {  	_ =	shalt  }
0x79: {  	_ =	shalt  }
0x7a: {  	_ =	shalt  }
0x7b: {  	_ =	shalt  }
0x7c: {  	_ =	shalt  }
0x7d: {  	_ =	shalt  }
0x7e: {  	_ =	shalt  }
0x7f: {  	_ =	shalt  }
0x80: {  	_ =	shalt  }
0x81: {  	_ =	shalt  }
0x82: {  	_ =	shalt  }
0x83: {  	_ =	shalt  }
0x84: {  	_ =	shalt  }
0x85: {  	_ =	shalt  }
0x86: {  	_ =	shalt  }
0x87: {  	_ =	shalt  }
.Lfunc_end0:
.L_simem_size_0:
called_computation_lowered:
.L_overlay_start_0:
0x88: {  	s2 =	sld [smem:$0x3FD9]  }
0x89: {  	s3 =	sld [smem:$0x3FFE];
	_ =	sdelay $0x1  }
0x8a: {  	s1 =	srdreg.scid  }
0x8b: {  	s0 =	sand.u32 $0x1, s1  }
0x8c: {  	s16 =	sshll.u32 s0, $0xA;
	s2 =	sadd.s32 s3, s2  }
0x8d: {  	s2 =	sadd.s32 s2, s16  }
0x8e: {  	[smem:$0x3FB8] =	sst s2  }
0x8f: {  	_ = 	snop  }
0x90: {  	(tm) =	ssettm $0x1  }
0x91: {  	s17 =	sld [smem:$0x3FFB];
	_ =	sdelay $0x3  }
0x92: {  	_ =	strace s17  }
0x93: {  	s2 =	sld [smem:$0x3FFC];
	_ =	sdelay $0x3  }
0x94: {  	_ =	strace s2  }
0x95: {  	s2 =	sld [smem:$0x3FFD];
	_ =	sdelay $0x3  }
0x96: {  	_ =	strace s2  }
0x97: {  	_ =	strace $0x8FFFFFFF  }
0x98: {  	s18 =	sld [smem:$0x3FDB];
	_ =	sdelay $0x1  }
0x99: {  	s19 =	simm.s32 $_scs_section_size  }
0x9a: {  	s4 =	simm.s32 $_size__tile_overlayer_lowered;
	s5 =	simm.s32 $_tile_overlayer_lowered  }
0x9b: {  	s22 =	simm.s32 $0x1BFF;
	s21 =	sshll.u32 s5, $0x1;
	s2 =	sadd.s32 s19, s18  }
0x9c: {  	s6 =	simm.s32 $0x0;
	s20 =	sshll.u32 s4, $0x1;
	s4 =	sadd.s32 s21, s2  }
0x9d: {  	[timem:s6], [sflag:s22] =	dma.local [hbm:s4], s20  }
0x9e: {  	_ =	swait.ge [sflag:s22], s20  }
0x9f: {  	s3 =	ssub.s32 $0x0, s20;
	[sflag:s22] =	ssyncset.done $0x0  }
0xa0: {  	[sflag:s22] =	ssyncadd.s32 s3;
	_ =	sdelay $0x1  }
0xa1: {  	s23 =	simm.s32 $0x1B8B  }
0xa2: {  	_ =	swait.ge [sflag:s23], $0x1  }
0xa3: {  	[sflag:s23] =	ssyncset.done $0x0  }
0xa4: {  	s25 =	simm.s32 $0x1B8E;
	s24 =	sld [smem:$0x3FFE];
	[sflag:s23] =	ssyncadd.s32 $0xFFFFFFFF  }
0xa5: {  	s26 =	simm.s32 $execute0_lowered;
	[smem:$0x3FD2] =	sst s25  }
0xa6: {  	s4 =	sshll.u32 s26, $0x1;
	_ =	strace $0x80000046;
	[dreg:$0x1] =	wrdreg $0xFFFFFFFF  }
0xa7: {  	s28 =	simm.s32 $_size_execute0_lowered;
	s2 =	sadd.s32 s2, s4;
	[dreg:$0x0] =	wrdreg $0x0  }
0xa8: {  	s4 =	sshll.u32 s28, $0x1;
	[dreg:$0x2] =	wrdreg s2  }
0xa9: {  	[dreg:$0x3] =	wrdreg s4  }
0xaa: {  	[dreg:$0x4] =	wrdreg $0xC0  }
0xab: {  	_ =	task [dreg:s6], $0x5FFFF  }
0xac: {  	[dreg:$0x1] =	wrdreg $0xFFFFFFFF  }
0xad: {  	[dreg:$0x0] =	wrdreg $0x60  }
0xae: {  	[dreg:$0x2] =	wrdreg s24  }
0xaf: {  	[dreg:$0x3] =	wrdreg $0x46500  }
0xb0: {  	[dreg:$0x4] =	wrdreg $0x9  }
0xb1: {  	_ =	task.clear_ibuf [dreg:s6], $0x5FFFF;
	_ =	strace $0x90000046  }
0xb2: {  	s29 =	simm.s32 $0x9;
	_ =	strace $0x80000048  }
0xb3: {  	_ =	swait.ge [sflag:s29], $0x1  }
0xb4: {  	[sflag:s29] =	ssyncadd.s32 $0xFFFFFFFF  }
0xb5: {  	_ =	strace $0x90000048  }
0xb6: {  	_ =	sfence  }
0xb7: {  	s30 =	sld [smem:$0x0];
	_ =	sdelay $0x2  }
0xb8: {  	s31 =	sshll.u32 s1, $0xD;
	s1 =	sshrl.u32 s1, $0x2  }
0xb9: {  	s3 =	sand.u32 $0x4000, s31;
	s1 =	sadd.s32 s1, s30  }
0xba: {  	s0 =	sor.u32 s3, s0;
	s1 =	sshll.u32 s1, $0x11  }
0xbb: {  	s0 =	sor.u32 s1, s0  }
0xbc: {  	s0 =	sadd.s32 $0x8F2B, s0  }
0xbd: {  	[sflag:s0] =	ssyncadd.remote.s32 $0x1  }
0xbe: {  	_ =	sfence.sel $0xFFFF  }
0xbf: {  	[dreg:$0x0] =	wrdreg $0xFFFFFFFF;
	(pc) =	sbr.abs _section_cstart, $3  }
0xc0: {  	[dreg:$0x1] =	wrdreg $0xFFFFFFFF  }
0xc1: {  	_ =	task.clear_ibuf [dreg:s6], $0x2FFFF;
	_ =	strace $0x9FFFFFFF  }
0xc2: {  	(tm) =	ssettm $0x7FFFFFFF  }
0xc3: {  	_ =	shalt  }
tec
execute0_lowered:
.L_overlay_start_1:
0x0: {  	(tag) =	ssettag $0x1  }
0x1: {  	s5 =	rddreg [dreg:$0x0]  }
0x2: {  	s2 =	rddreg [dreg:$0x1]  }
0x3: {  	s0 =	rddreg [dreg:$0x2];
	s4 =	srdreg.scid  }
0x4: {  	s1 =	stileid.u32;
	s3 =	simm.s32 $0x0;
	s18 =	simm.s32 $0x3  }
0x5: {  	s19 =	simm.s32 $0x3E8;
	s20 =	simm.s32 $0x1;
	s21 =	simm.s32 $0x2  }
0x6: {  	s22 =	simm.s32 $0x0;
	s6 =	smul.u32 $0x2800, s1;
	s7 =	sand.u32 $0x1, s4  }
0x7: {  	[smem:$0x7FF] =	sst s3;
	s9 =	sshll.u32 s1, $0x1;
	s15 =	sadd.s32 $0xCE00, s5  }
0x8: {  	p0 =	seq.s32 s7, $0x1;
	_ =	strace $0x80000047;
	s26 =	sor.u32 s7, s9  }
0x9: {  	s7 =	ssub.s32 $0x2, s7;
	s8 =	sadd.s32 $0x28000, s6;
	s12 =	smul.u32 $0x2710, s26  }
0xa: {  	s4 =	sadd.s32 s6, s2;
	s28 =	sshrl.u32 s7, $0x1;
	s6 =	smov.u32 @p0 s8  }
0xb: {  	s7 =	ssub.s32 s7, s28;
	s6 =	sshrl.u32 s6, $0x3;
	s29 =	sshrl.u32 s12, $0x3  }
0xc: {  	s30 =	sadd.s32 $0x3E8, s12;
	s8 =	sadd.s32 $0xBB8, s12;
	s7 =	smax.u32 s7, $0x1  }
0xd: {  	s11 =	sadd.s32 $0x1388, s12;
	s13 =	sadd.s32 $0x1B58, s12;
	s14 =	sadd.s32 $0x2328, s12  }
0xe: {  	s16 =	sadd.s32 s6, s5;
	s5 =	sadd.s32 s15, s29;
	s6 =	sshrl.u32 s30, $0x3  }
0xf: {  	s31 =	sshrl.u32 s8, $0x3;
	s11 =	sshrl.u32 s11, $0x3;
	s13 =	sshrl.u32 s13, $0x3  }
0x10: {  	s17 =	sshrl.u32 s14, $0x3;
	s6 =	sadd.s32 s15, s6;
	s8 =	sadd.s32 $0xFA, s5  }
0x11: {  	s9 =	sadd.s32 s15, s31;
	s10 =	sadd.s32 $0x1F4, s5;
	s11 =	sadd.s32 s15, s11  }
0x12: {  	s12 =	sadd.s32 $0x2EE, s5;
	s13 =	sadd.s32 s15, s13;
	s14 =	sadd.s32 $0x3E8, s5  }
0x13: {  	v0 =	vimm.f32 $0.0e+00;
	v1 =	vimm.f32 $1.000000000e+00;
	s15 =	sadd.s32 s15, s17;
	s16 =	sadd.s32 $0x16C00, s16;
	s17 =	simm.s32 $0x7D0  }
.LBB2_1:
0x14: {  	s23 =	simm.s32 $0x40;
	s24 =	simm.s32 $0x0  }
.LBB2_2:
0x15: {  	p0 =	sne.s32 s23, $0xF9C0;
	[tilespmem:s24+$0x7D0] =	vst v0;
	s24 =	smov.u32 s23;
	s23 =	sadd.s32 $0x40, s23  }
.Ltmp0:
0x16: {  	(pc) =	sbr.rel @p0 .LBB2_2-.Ltmp0, $2  }
0x17: {  	_ =	sdelay $0x2  }
0x18: {  	s24 =	sshra.s32 s24, $0x2  }
0x19: {  	[tilespmem:s24+$0x7D0] =	vst v0  }
0x1a: {  	[spmem:s4] =	stream.linear.scatter [tilespmem:s17], [sflag:$0x3], $0x2800, $0x38;
	[tilespmem:$0x6E50] =	vst v63  }
0x1b: {  	_ =	swait.ge [sflag:s18], $0x2800  }
0x1c: {  	[sflag:s18] =	ssyncset.done $0x0  }
0x1d: {  	s23 =	simm.s32 $0x40;
	s24 =	simm.s32 $0x0;
	[sflag:s18] =	ssyncadd.s32 $0xFFFFD800  }
.LBB2_4:
0x1e: {  	p0 =	sne.s32 s23, $0xF9C0;
	[tilespmem:s24+$0x7D0] =	vst v1;
	s24 =	smov.u32 s23;
	s23 =	sadd.s32 $0x40, s23  }
.Ltmp1:
0x1f: {  	(pc) =	sbr.rel @p0 .LBB2_4-.Ltmp1, $2  }
0x20: {  	_ =	sdelay $0x2  }
0x21: {  	s24 =	sshra.s32 s24, $0x2  }
0x22: {  	[tilespmem:s24+$0x7D0] =	vst v1  }
0x23: {  	[bflag:$0x0] =	sbarrier.arrive $0xFFFF  }
0x24: {  	[tilespmem:s3], [sflag:$0x3] =	stream.linear.gather [hbm4b:s5+s3], $0x3E8, $0x38;
	[tilespmem:$0x6E50] =	vst v63  }
0x25: {  	_ =	swait.ge [sflag:s18], $0x3E8  }
0x26: {  	[sflag:s18] =	ssyncset.done $0x0  }
0x27: {  	[sflag:s18] =	ssyncadd.s32 $0xFFFFFC18  }
0x28: {  	[spmem:s2] =	stream.indirect.scatter.add.f32 [tilespmem:s17], [sflag:$0x1], $0x10, s3, s19, $0xb8;
	[tilespmem:$0x6E50] =	vst v63  }
0x29: {  	_ = 	snop  }
0x2a: {  	[tilespmem:s19], [sflag:$0x3] =	stream.linear.gather [hbm4b:s6+s3], $0x3E8, $0x38;
	[tilespmem:$0x6E50] =	vst v63  }
0x2b: {  	_ =	swait.ge [sflag:s18], $0x3E8  }
0x2c: {  	[sflag:s18] =	ssyncset.done $0x0  }
0x2d: {  	[sflag:s18] =	ssyncadd.s32 $0xFFFFFC18  }
0x2e: {  	[spmem:s2] =	stream.indirect.scatter.add.f32 [tilespmem:s17], [sflag:$0x2], $0x10, s19, s19, $0xb8;
	[tilespmem:$0x6E50] =	vst v63  }
0x2f: {  	_ =	swait.ge [sflag:s20], $0x3E80  }
0x30: {  	[sflag:s20] =	ssyncset.done $0x0  }
0x31: {  	[sflag:s20] =	ssyncadd.s32 $0xFFFFC180  }
0x32: {  	[tilespmem:s3], [sflag:$0x3] =	stream.linear.gather [hbm4b:s8+s3], $0x3E8, $0x38;
	[tilespmem:$0x6E50] =	vst v63  }
0x33: {  	_ =	swait.ge [sflag:s18], $0x3E8  }
0x34: {  	[sflag:s18] =	ssyncset.done $0x0  }
0x35: {  	[sflag:s18] =	ssyncadd.s32 $0xFFFFFC18  }
0x36: {  	[spmem:s2] =	stream.indirect.scatter.add.f32 [tilespmem:s17], [sflag:$0x1], $0x10, s3, s19, $0xb8;
	[tilespmem:$0x6E50] =	vst v63  }
0x37: {  	_ =	swait.ge [sflag:s21], $0x3E80  }
0x38: {  	[sflag:s21] =	ssyncset.done $0x0  }
0x39: {  	[sflag:s21] =	ssyncadd.s32 $0xFFFFC180  }
0x3a: {  	[tilespmem:s19], [sflag:$0x3] =	stream.linear.gather [hbm4b:s9+s3], $0x3E8, $0x38;
	[tilespmem:$0x6E50] =	vst v63  }
0x3b: {  	_ =	swait.ge [sflag:s18], $0x3E8  }
0x3c: {  	[sflag:s18] =	ssyncset.done $0x0  }
0x3d: {  	[sflag:s18] =	ssyncadd.s32 $0xFFFFFC18  }
0x3e: {  	[spmem:s2] =	stream.indirect.scatter.add.f32 [tilespmem:s17], [sflag:$0x2], $0x10, s19, s19, $0xb8;
	[tilespmem:$0x6E50] =	vst v63  }
0x3f: {  	_ =	swait.ge [sflag:s20], $0x3E80  }
0x40: {  	[sflag:s20] =	ssyncset.done $0x0  }
0x41: {  	[sflag:s20] =	ssyncadd.s32 $0xFFFFC180  }
0x42: {  	[tilespmem:s3], [sflag:$0x3] =	stream.linear.gather [hbm4b:s10+s3], $0x3E8, $0x38;
	[tilespmem:$0x6E50] =	vst v63  }
0x43: {  	_ =	swait.ge [sflag:s18], $0x3E8  }
0x44: {  	[sflag:s18] =	ssyncset.done $0x0  }
0x45: {  	[sflag:s18] =	ssyncadd.s32 $0xFFFFFC18  }
0x46: {  	[spmem:s2] =	stream.indirect.scatter.add.f32 [tilespmem:s17], [sflag:$0x1], $0x10, s3, s19, $0xb8;
	[tilespmem:$0x6E50] =	vst v63  }
0x47: {  	_ =	swait.ge [sflag:s21], $0x3E80  }
0x48: {  	[sflag:s21] =	ssyncset.done $0x0  }
0x49: {  	[sflag:s21] =	ssyncadd.s32 $0xFFFFC180  }
0x4a: {  	[tilespmem:s19], [sflag:$0x3] =	stream.linear.gather [hbm4b:s11+s3], $0x3E8, $0x38;
	[tilespmem:$0x6E50] =	vst v63  }
0x4b: {  	_ =	swait.ge [sflag:s18], $0x3E8  }
0x4c: {  	[sflag:s18] =	ssyncset.done $0x0  }
0x4d: {  	[sflag:s18] =	ssyncadd.s32 $0xFFFFFC18  }
0x4e: {  	[spmem:s2] =	stream.indirect.scatter.add.f32 [tilespmem:s17], [sflag:$0x2], $0x10, s19, s19, $0xb8;
	[tilespmem:$0x6E50] =	vst v63  }
0x4f: {  	_ =	swait.ge [sflag:s20], $0x3E80  }
0x50: {  	[sflag:s20] =	ssyncset.done $0x0  }
0x51: {  	[sflag:s20] =	ssyncadd.s32 $0xFFFFC180  }
0x52: {  	[tilespmem:s3], [sflag:$0x3] =	stream.linear.gather [hbm4b:s12+s3], $0x3E8, $0x38;
	[tilespmem:$0x6E50] =	vst v63  }
0x53: {  	_ =	swait.ge [sflag:s18], $0x3E8  }
0x54: {  	[sflag:s18] =	ssyncset.done $0x0  }
0x55: {  	[sflag:s18] =	ssyncadd.s32 $0xFFFFFC18  }
0x56: {  	[spmem:s2] =	stream.indirect.scatter.add.f32 [tilespmem:s17], [sflag:$0x1], $0x10, s3, s19, $0xb8;
	[tilespmem:$0x6E50] =	vst v63  }
0x57: {  	_ =	swait.ge [sflag:s21], $0x3E80  }
0x58: {  	[sflag:s21] =	ssyncset.done $0x0  }
0x59: {  	[sflag:s21] =	ssyncadd.s32 $0xFFFFC180  }
0x5a: {  	[tilespmem:s19], [sflag:$0x3] =	stream.linear.gather [hbm4b:s13+s3], $0x3E8, $0x38;
	[tilespmem:$0x6E50] =	vst v63  }
0x5b: {  	_ =	swait.ge [sflag:s18], $0x3E8  }
0x5c: {  	[sflag:s18] =	ssyncset.done $0x0  }
0x5d: {  	[sflag:s18] =	ssyncadd.s32 $0xFFFFFC18  }
0x5e: {  	[spmem:s2] =	stream.indirect.scatter.add.f32 [tilespmem:s17], [sflag:$0x2], $0x10, s19, s19, $0xb8;
	[tilespmem:$0x6E50] =	vst v63  }
0x5f: {  	_ =	swait.ge [sflag:s20], $0x3E80  }
0x60: {  	[sflag:s20] =	ssyncset.done $0x0  }
0x61: {  	[sflag:s20] =	ssyncadd.s32 $0xFFFFC180  }
0x62: {  	[tilespmem:s3], [sflag:$0x3] =	stream.linear.gather [hbm4b:s14+s3], $0x3E8, $0x38;
	[tilespmem:$0x6E50] =	vst v63  }
0x63: {  	_ =	swait.ge [sflag:s18], $0x3E8  }
0x64: {  	[sflag:s18] =	ssyncset.done $0x0  }
0x65: {  	[sflag:s18] =	ssyncadd.s32 $0xFFFFFC18  }
0x66: {  	[spmem:s2] =	stream.indirect.scatter.add.f32 [tilespmem:s17], [sflag:$0x1], $0x10, s3, s19, $0xb8;
	[tilespmem:$0x6E50] =	vst v63  }
0x67: {  	_ =	swait.ge [sflag:s21], $0x3E80  }
0x68: {  	[sflag:s21] =	ssyncset.done $0x0  }
0x69: {  	[sflag:s21] =	ssyncadd.s32 $0xFFFFC180  }
0x6a: {  	[tilespmem:s19], [sflag:$0x3] =	stream.linear.gather [hbm4b:s15+s3], $0x3E8, $0x38;
	[tilespmem:$0x6E50] =	vst v63  }
0x6b: {  	_ =	swait.ge [sflag:s18], $0x3E8  }
0x6c: {  	[sflag:s18] =	ssyncset.done $0x0  }
0x6d: {  	[sflag:s18] =	ssyncadd.s32 $0xFFFFFC18  }
0x6e: {  	[spmem:s2] =	stream.indirect.scatter.add.f32 [tilespmem:s17], [sflag:$0x2], $0x10, s19, s19, $0xb8;
	[tilespmem:$0x6E50] =	vst v63  }
0x6f: {  	_ =	swait.ge [sflag:s20], $0x3E80  }
0x70: {  	[sflag:s20] =	ssyncset.done $0x0  }
0x71: {  	[sflag:s20] =	ssyncadd.s32 $0xFFFFC180  }
0x72: {  	_ =	swait.ge [sflag:s21], $0x3E80  }
0x73: {  	s23 =	sshll.u32 s1, $0x6;
	s22 =	sadd.s32 $0x1, s22;
	[sflag:s21] =	ssyncset.done $0x0  }
0x74: {  	s31 =	sshrl.u32 s4, $0x3;
	p0 =	sne.s32 s22, s7;
	[sflag:s21] =	ssyncadd.s32 $0xFFFFC180  }
.Ltmp2:
0x75: {  	s23 =	sor.u32 $0x1C03, s23;
	[bflag:$0x0] =	sbarrier.arrive $0xFFFF;
	(pc) =	sbr.rel @p0 .LBB2_1-.Ltmp2, $4  }
0x76: {  	[hbm:s16], [sflag:s23] =	dma.local [spmem:s31], $0x500  }
0x77: {  	_ =	swait.ge [sflag:s18], $0x500  }
0x78: {  	[sflag:s18] =	ssyncset.done $0x0  }
0x79: {  	[sflag:s18] =	ssyncadd.s32 $0xFFFFFB00  }
0x7a: {  	_ =	sfence.sel $0x180000  }
0x7b: {  	[bflag:$0x0] =	sbarrier.arrive $0xFFFF  }
0x7c: {  	p0 =	sne.s32 s1, $0x0;
	_ =	strace $0x90000047  }
0x7d: {  	s0 =	sadd.s32 @!p0 $0x100000, s0;
	[bflag:$0x2] =	sbarrier.arrive $0xFFFF  }
0x7e: {  	[sflag:s0] =	ssyncadd.tile.s32 @!p0 $0x1;
	_ =	shalt  }
.Lfunc_end2:
_tile_overlayer_lowered:
.L_overlay_start_2:
0x7f: {  	(tag) =	ssettag $0x2  }
0x80: {  	s0 =	rddreg [dreg:$0x0];
	s2 =	stileid.u32  }
0x81: {  	s1 =	rddreg [dreg:$0x1];
	p0 =	sne.s32 s2, $0x0  }
0x82: {  	s3 =	rddreg [dreg:$0x2];
	[bflag:$0x3] =	sbarrier.arrive $0xFFFF;
	s2 =	simm.s32 @!p0 $0x1C03  }
0x83: {  	[timem:s3], [sflag:s2] =	dma.local @!p0 [hbm:s0], s1  }
0x84: {  	s0 =	simm.s32 @!p0 $0x3  }
0x85: {  	_ =	swait.ge @!p0 [sflag:s0], s1  }
0x86: {  	s1 =	ssub.s32 @!p0 $0x0, s1;
	[sflag:s0] =	ssyncset.done @!p0 $0x0  }
0x87: {  	[sflag:s0] =	ssyncadd.s32 @!p0 s1  }
0x88: {  	[bflag:$0x3] =	sbarrier.arrive $0xFFFF  }
0x89: {  	_ =	shalt  }

// kernel: kernel.15.cloned.1.call-start
scs
__scs_entry_jumppad:
0x0: {  	(pc) =	sbr.rel $0x88, $3  }
0x1: {  	(tag) =	ssettag $0x0;
	lr =	simm.s32 $0x1  }
0x2: {  	[smem:$0x3F91] =	sst lr;
	_ =	strace $0xD0000000  }
0x3: {  	_ = 	snop  }
0x4: {  	_ = 	snop  }
0x5: {  	_ = 	snop  }
0x6: {  	_ = 	snop  }
0x7: {  	_ = 	snop  }
__scs_overlays_trampoline_lowered:
0x8: {  	[smem:$0x3FA0] =	sst s0  }
0x9: {  	[smem:$0x3FA1] =	sst s1  }
0xa: {  	[smem:$0x3FA2] =	sst s2  }
0xb: {  	[smem:$0x3FA3] =	sst s3  }
0xc: {  	[smem:$0x3FA4] =	sst s4  }
0xd: {  	[smem:$0x3FA5] =	sst s5  }
0xe: {  	[smem:$0x3FA6] =	sst s6  }
0xf: {  	[smem:$0x3FA7] =	sst s7  }
0x10: {  	[smem:$0x3FA8] =	sst s8  }
0x11: {  	[smem:$0x3FA9] =	sst s9;
	s0 =	simm.s32 @!p0 $0x0  }
0x12: {  	s1 =	sld [smem:$0x3F8F];
	s0 =	simm.s32 @p0 $0x1  }
0x13: {  	[smem:$0x3FAA] =	sst s0;
	s0 =	simm.s32 @!p1 $0x0  }
0x14: {  	s2 =	sld [smem:$0x3F8E];
	s0 =	simm.s32 @p1 $0x1  }
0x15: {  	[smem:$0x3FAB] =	sst s0;
	s0 =	simm.s32 @!p2 $0x0  }
0x16: {  	s3 =	sld [smem:$0x3FDB];
	s0 =	simm.s32 @p2 $0x1  }
0x17: {  	s4 =	simm.s32 $0x1BF5;
	[smem:$0x3FAD] =	sst s0  }
0x18: {  	s0 =	sld [smem:$0x3F90];
	_ =	swait.ge [sflag:s4], $0x0  }
0x19: {  	s7 =	sld [smem:$0x3F91]  }
0x1a: {  	s8 =	sadd.s32 $0xFFFFE003, lr  }
0x1b: {  	s9 =	sadd.s32 $0xFFFFFEF7, lr;
	s5 =	simm.s32 $0xFFFFFFFF;
	p2 =	slt.u32 s8, $0xFFFFF086  }
0x1c: {  	p1 =	slt.u32 s9, $0xF7A;
	s5 =	simm.s32 @!p2 $0x0  }
0x1d: {  	s5 =	simm.s32 @p1 $0x1;
	p0 =	seq.s32 s7, s2  }
0x1e: {  	s7 =	smul.u32 @!p0 $0xF7A, s2;
	p2 =	seq.s32 @!p0 s5, $0x0  }
0x1f: {  	s9 =	smul.u32 $0xF7A, s1;
	s8 =	simm.s32 @!p0 $0x1BF5;
	p2 =	por !p2, p0  }
0x20: {  	[sflag:s8] =	ssyncset.s32 @!p0 $0xFFFFF086;
	s6 =	sadd.s32 @!p0 s3, s7;
	s7 =	simm.s32 @!p0 $0x108  }
0x21: {  	s3 =	sadd.s32 s3, s9;
	s6 =	sadd.s32 @!p0 $0x88, s6;
	s7 =	simm.s32 @p2 $0x1082  }
0x22: {  	[simem:s7], [sflag:s8] =	dma.local @!p0 [hbm:s6], $0xF7A  }
0x23: {  	s9 =	sor.u32 $0xD0000000, s2;
	s6 =	simm.s32 $0x108;
	_ =	swait.ge @!p0 [sflag:s8], $0x0  }
0x24: {  	s3 =	sadd.s32 $0x88, s3;
	s6 =	simm.s32 @!p1 $0x1082;
	[sflag:s4] =	ssyncset.s32 $0xFFFFF086  }
0x25: {  	[simem:s6], [sflag:s4] =	dma.local [hbm:s3], $0xF7A  }
0x26: {  	[smem:$0x3F91] =	sst s1;
	(tag) =	ssettag s2;
	_ =	strace s9  }
0x27: {  	s1 =	sld [smem:$0x3FA1]  }
0x28: {  	s2 =	sld [smem:$0x3FA2]  }
0x29: {  	s4 =	sld [smem:$0x3FA4]  }
0x2a: {  	p0 =	seq.s32 s5, $0x0;
	s5 =	sld [smem:$0x3FA5]  }
0x2b: {  	s6 =	sld [smem:$0x3FA6]  }
0x2c: {  	s7 =	sld [smem:$0x3FA7]  }
0x2d: {  	s3 =	simm.s32 $0x108;
	s8 =	sld [smem:$0x3FA8]  }
0x2e: {  	s3 =	simm.s32 @!p0 $0x1082;
	s9 =	sld [smem:$0x3FA9]  }
0x2f: {  	lr =	sadd.s32 s0, s3;
	s0 =	sld [smem:$0x3FA0]  }
0x30: {  	s3 =	sld [smem:$0x3FA3]  }
0x31: {  	[smem:$0x3FAC] =	sst s10  }
0x32: {  	s10 =	sld [smem:$0x3FAA];
	_ =	sdelay $0x3  }
0x33: {  	p0 =	seq.s32 s10, $0x1;
	s10 =	sld [smem:$0x3FAC];
	_ =	sdelay $0x3  }
0x34: {  	[smem:$0x3FAC] =	sst s10  }
0x35: {  	s10 =	sld [smem:$0x3FAB];
	_ =	sdelay $0x3  }
0x36: {  	p1 =	seq.s32 s10, $0x1;
	s10 =	sld [smem:$0x3FAC];
	_ =	sdelay $0x3  }
0x37: {  	[smem:$0x3FAC] =	sst s10  }
0x38: {  	s10 =	sld [smem:$0x3FAD]  }
0x39: {  	_ = 	snop;
	(pc) =	sbr.ind lr, $3  }
0x3a: {  	_ = 	snop  }
0x3b: {  	_ = 	snop  }
0x3c: {  	p2 =	seq.s32 s10, $0x1;
	s10 =	sld [smem:$0x3FAC]  }
0x3d: {  	_ =	shalt  }
0x3e: {  	_ =	shalt  }
0x3f: {  	_ =	shalt  }
0x40: {  	_ =	shalt  }
0x41: {  	_ =	shalt  }
0x42: {  	_ =	shalt  }
0x43: {  	_ =	shalt  }
0x44: {  	_ =	shalt  }
0x45: {  	_ =	shalt  }
0x46: {  	_ =	shalt  }
0x47: {  	_ =	shalt  }
0x48: {  	_ =	shalt  }
0x49: {  	_ =	shalt  }
0x4a: {  	_ =	shalt  }
0x4b: {  	_ =	shalt  }
0x4c: {  	_ =	shalt  }
0x4d: {  	_ =	shalt  }
0x4e: {  	_ =	shalt  }
0x4f: {  	_ =	shalt  }
0x50: {  	_ =	shalt  }
0x51: {  	_ =	shalt  }
0x52: {  	_ =	shalt  }
0x53: {  	_ =	shalt  }
0x54: {  	_ =	shalt  }
0x55: {  	_ =	shalt  }
0x56: {  	_ =	shalt  }
0x57: {  	_ =	shalt  }
0x58: {  	_ =	shalt  }
0x59: {  	_ =	shalt  }
0x5a: {  	_ =	shalt  }
0x5b: {  	_ =	shalt  }
0x5c: {  	_ =	shalt  }
0x5d: {  	_ =	shalt  }
0x5e: {  	_ =	shalt  }
0x5f: {  	_ =	shalt  }
0x60: {  	_ =	shalt  }
0x61: {  	_ =	shalt  }
0x62: {  	_ =	shalt  }
0x63: {  	_ =	shalt  }
0x64: {  	_ =	shalt  }
0x65: {  	_ =	shalt  }
0x66: {  	_ =	shalt  }
0x67: {  	_ =	shalt  }
0x68: {  	_ =	shalt  }
0x69: {  	_ =	shalt  }
0x6a: {  	_ =	shalt  }
0x6b: {  	_ =	shalt  }
0x6c: {  	_ =	shalt  }
0x6d: {  	_ =	shalt  }
0x6e: {  	_ =	shalt  }
0x6f: {  	_ =	shalt  }
0x70: {  	_ =	shalt  }
0x71: {  	_ =	shalt  }
0x72: {  	_ =	shalt  }
0x73: {  	_ =	shalt  }
0x74: {  	_ =	shalt  }
0x75: {  	_ =	shalt  }
0x76: {  	_ =	shalt  }
0x77: {  	_ =	shalt  }
0x78: {  	_ =	shalt  }
0x79: {  	_ =	shalt  }
0x7a: {  	_ =	shalt  }
0x7b: {  	_ =	shalt  }
0x7c: {  	_ =	shalt  }
0x7d: {  	_ =	shalt  }
0x7e: {  	_ =	shalt  }
0x7f: {  	_ =	shalt  }
0x80: {  	_ =	shalt  }
0x81: {  	_ =	shalt  }
0x82: {  	_ =	shalt  }
0x83: {  	_ =	shalt  }
0x84: {  	_ =	shalt  }
0x85: {  	_ =	shalt  }
0x86: {  	_ =	shalt  }
0x87: {  	_ =	shalt  }
.Lfunc_end0:
.L_simem_size_0:
called_computation.1_lowered:
.L_overlay_start_0:
0x88: {  	s2 =	sld [smem:$0x3FD9]  }
0x89: {  	s3 =	sld [smem:$0x3FFE];
	_ =	sdelay $0x1  }
0x8a: {  	s1 =	srdreg.scid  }
0x8b: {  	s0 =	sand.u32 $0x1, s1  }
0x8c: {  	s16 =	sshll.u32 s0, $0xA;
	s2 =	sadd.s32 s3, s2  }
0x8d: {  	s2 =	sadd.s32 s2, s16  }
0x8e: {  	[smem:$0x3FB8] =	sst s2  }
0x8f: {  	_ = 	snop  }
0x90: {  	(tm) =	ssettm $0x1  }
0x91: {  	s17 =	sld [smem:$0x3FFB];
	_ =	sdelay $0x3  }
0x92: {  	_ =	strace s17  }
0x93: {  	s2 =	sld [smem:$0x3FFC];
	_ =	sdelay $0x3  }
0x94: {  	_ =	strace s2  }
0x95: {  	s2 =	sld [smem:$0x3FFD];
	_ =	sdelay $0x3  }
0x96: {  	_ =	strace s2  }
0x97: {  	_ =	strace $0x8FFFFFFF  }
0x98: {  	s18 =	sld [smem:$0x3FDB];
	_ =	sdelay $0x1  }
0x99: {  	s19 =	simm.s32 $_scs_section_size  }
0x9a: {  	s4 =	simm.s32 $_size__tile_overlayer_lowered;
	s5 =	simm.s32 $_tile_overlayer_lowered  }
0x9b: {  	s22 =	simm.s32 $0x1BFF;
	s21 =	sshll.u32 s5, $0x1;
	s2 =	sadd.s32 s19, s18  }
0x9c: {  	s6 =	simm.s32 $0x0;
	s20 =	sshll.u32 s4, $0x1;
	s4 =	sadd.s32 s21, s2  }
0x9d: {  	[timem:s6], [sflag:s22] =	dma.local [hbm:s4], s20  }
0x9e: {  	_ =	swait.ge [sflag:s22], s20  }
0x9f: {  	s3 =	ssub.s32 $0x0, s20;
	[sflag:s22] =	ssyncset.done $0x0  }
0xa0: {  	[sflag:s22] =	ssyncadd.s32 s3;
	_ =	sdelay $0x1  }
0xa1: {  	s23 =	simm.s32 $0x1B8B  }
0xa2: {  	_ =	swait.ge [sflag:s23], $0x1  }
0xa3: {  	[sflag:s23] =	ssyncset.done $0x0  }
0xa4: {  	s25 =	simm.s32 $0x1B8E;
	s24 =	sld [smem:$0x3FFE];
	[sflag:s23] =	ssyncadd.s32 $0xFFFFFFFF  }
0xa5: {  	s26 =	simm.s32 $execute0_lowered;
	[smem:$0x3FD2] =	sst s25  }
0xa6: {  	s4 =	sshll.u32 s26, $0x1;
	_ =	strace $0x80000049;
	[dreg:$0x1] =	wrdreg $0xFFFFFFFF  }
0xa7: {  	s28 =	simm.s32 $_size_execute0_lowered;
	s2 =	sadd.s32 s2, s4;
	[dreg:$0x0] =	wrdreg $0x0  }
0xa8: {  	s4 =	sshll.u32 s28, $0x1;
	[dreg:$0x2] =	wrdreg s2  }
0xa9: {  	[dreg:$0x3] =	wrdreg s4  }
0xaa: {  	[dreg:$0x4] =	wrdreg $0xC0  }
0xab: {  	_ =	task [dreg:s6], $0x5FFFF  }
0xac: {  	[dreg:$0x1] =	wrdreg $0xFFFFFFFF  }
0xad: {  	[dreg:$0x0] =	wrdreg $0x60  }
0xae: {  	[dreg:$0x2] =	wrdreg s24  }
0xaf: {  	[dreg:$0x3] =	wrdreg $0xAAF00  }
0xb0: {  	[dreg:$0x4] =	wrdreg $0x9  }
0xb1: {  	_ =	task.clear_ibuf [dreg:s6], $0x5FFFF;
	_ =	strace $0x90000049  }
0xb2: {  	s29 =	simm.s32 $0x9;
	_ =	strace $0x8000004B  }
0xb3: {  	_ =	swait.ge [sflag:s29], $0x1  }
0xb4: {  	[sflag:s29] =	ssyncadd.s32 $0xFFFFFFFF  }
0xb5: {  	_ =	strace $0x9000004B  }
0xb6: {  	_ =	sfence  }
0xb7: {  	s30 =	sld [smem:$0x0];
	_ =	sdelay $0x2  }
0xb8: {  	s31 =	sshll.u32 s1, $0xD;
	s1 =	sshrl.u32 s1, $0x2  }
0xb9: {  	s3 =	sand.u32 $0x4000, s31;
	s1 =	sadd.s32 s1, s30  }
0xba: {  	s0 =	sor.u32 s3, s0;
	s1 =	sshll.u32 s1, $0x11  }
0xbb: {  	s0 =	sor.u32 s1, s0  }
0xbc: {  	s0 =	sadd.s32 $0x8F2B, s0  }
0xbd: {  	[sflag:s0] =	ssyncadd.remote.s32 $0x1  }
0xbe: {  	_ =	sfence.sel $0xFFFF  }
0xbf: {  	[dreg:$0x0] =	wrdreg $0xFFFFFFFF;
	(pc) =	sbr.abs _section_cstart, $3  }
0xc0: {  	[dreg:$0x1] =	wrdreg $0xFFFFFFFF  }
0xc1: {  	_ =	task.clear_ibuf [dreg:s6], $0x2FFFF;
	_ =	strace $0x9FFFFFFF  }
0xc2: {  	(tm) =	ssettm $0x7FFFFFFF  }
0xc3: {  	_ =	shalt  }
tec
execute0_lowered:
.L_overlay_start_1:
0x0: {  	(tag) =	ssettag $0x1  }
0x1: {  	s0 =	rddreg [dreg:$0x0]  }
0x2: {  	s2 =	rddreg [dreg:$0x1]  }
0x3: {  	s3 =	simm.s32 $0x0;
	s13 =	stileid.u32;
	s6 =	srdreg.scid  }
0x4: {  	s28 =	simm.s32 $0x37B0;
	s29 =	simm.s32 $0x3AC8;
	s30 =	simm.s32 $0x3DE0  }
0x5: {  	s31 =	simm.s32 $0x1;
	[smem:$0x7FF] =	sst s3;
	s1 =	smul.u32 $0x2800, s13  }
0x6: {  	s4 =	sadd.s32 $0x16C00, s0;
	s5 =	sadd.s32 $0x3000, s0;
	s7 =	sand.u32 $0x1, s6  }
0x7: {  	s6 =	sadd.s32 $0xCE00, s0;
	s10 =	sshll.u32 s13, $0x1;
	s11 =	smul.u32 $0xA000, s13  }
0x8: {  	s25 =	smul.u32 $0x4E20, s13;
	_ =	strace $0x8000004A;
	p0 =	seq.s32 s7, $0x0  }
0x9: {  	s22 =	ssub.s32 $0x2, s7;
	s10 =	sor.u32 s7, s10;
	s14 =	smul.u32 $0x2710, s7  }
0xa: {  	s8 =	sshrl.u32 s1, $0x3;
	s11 =	sshrl.u32 s11, $0x2;
	s1 =	sadd.s32 s1, s2  }
0xb: {  	s10 =	smul.u32 $0x2710, s10;
	s11 =	sadd.s32 s11, s2;
	[dreg:$0x7] =	wrdreg s1  }
0xc: {  	s9 =	sadd.s32 $0x5000, s8;
	s23 =	sadd.s32 s4, s8;
	[dreg:$0x6] =	wrdreg s11  }
0xd: {  	s12 =	sshrl.u32 s22, $0x1;
	s9 =	smov.u32 @p0 s8;
	[dreg:$0x8] =	wrdreg s23  }
0xe: {  	s24 =	sadd.s32 $0x318, s10;
	s26 =	sshrl.u32 s10, $0x3;
	s8 =	sadd.s32 s14, s25  }
0xf: {  	s10 =	sadd.s32 $0x2618, s10;
	p0 =	sne.s32 s7, $0x0;
	s7 =	simm.s32 $0x7278  }
0x10: {  	s0 =	sadd.s32 s9, s0;
	s9 =	ssub.s32 s22, s12;
	s15 =	sadd.s32 s5, s26  }
0x11: {  	s1 =	sshrl.u32 s24, $0x3;
	s16 =	sadd.s32 s6, s26;
	[dreg:$0x9] =	wrdreg s15  }
0x12: {  	s18 =	sadd.s32 $0xC6, s26;
	[dreg:$0xa] =	wrdreg s16;
	s17 =	sadd.s32 s5, s1  }
0x13: {  	s11 =	sadd.s32 $0x4A4, s26;
	s1 =	sadd.s32 s6, s1;
	[dreg:$0xb] =	wrdreg s17  }
0x14: {  	s20 =	sadd.s32 $0xF78, s8;
	s19 =	sadd.s32 s5, s18;
	[dreg:$0xc] =	wrdreg s1  }
0x15: {  	s10 =	sshrl.u32 s10, $0x3;
	s21 =	sadd.s32 s5, s11;
	[dreg:$0xd] =	wrdreg s19  }
0x16: {  	s24 =	sadd.s32 $0xC60, s8;
	s11 =	sadd.s32 s6, s11;
	[dreg:$0xf] =	wrdreg s21  }
0x17: {  	s12 =	simm.s32 $0x6;
	s25 =	sadd.s32 s5, s10;
	[dreg:$0x10] =	wrdreg s11  }
0x18: {  	s22 =	sshrl.u32 s20, $0x3;
	s10 =	sadd.s32 s6, s10;
	[dreg:$0x11] =	wrdreg s25  }
0x19: {  	s9 =	smax.u32 s9, $0x1;
	s0 =	sadd.s32 $0x1BC00, s0;
	[dreg:$0x12] =	wrdreg s10  }
0x1a: {  	s15 =	simm.s32 $0xF8;
	s1 =	sadd.s32 s6, s18;
	[dreg:$0x13] =	wrdreg s9  }
0x1b: {  	s23 =	sadd.s32 s22, s6;
	s11 =	sshrl.u32 s24, $0x3;
	[dreg:$0x14] =	wrdreg s0  }
0x1c: {  	s24 =	simm.s32 $0x7;
	s25 =	simm.s32 $0x318;
	s0 =	simm.s32 $0x6F60  }
0x1d: {  	s9 =	simm.s32 $0x7590;
	s10 =	simm.s32 $0x3;
	[dreg:$0xe] =	wrdreg s1  }
0x1e: {  	s18 =	simm.s32 $0x0;
	[dreg:$0x3] =	wrdreg s23;
	s1 =	sadd.s32 s22, s5  }
0x1f: {  	s26 =	sadd.s32 s11, s6;
	s22 =	sadd.s32 s11, s5;
	s23 =	sadd.s32 $0x948, s8  }
0x20: {  	s8 =	simm.s32 $0x4;
	s11 =	simm.s32 $0x5;
	[dreg:$0x4] =	wrdreg s1  }
0x21: {  	v0 =	vimm.f32 $0.0e+00;
	[dreg:$0x5] =	wrdreg s26;
	s26 =	simm.s32 $0x630;
	s1 =	simm.s32 $0x2  }
.LBB2_1:
.Ltmp0:
0x22: {  	(pc) =	sbr.rel @p0 .LBB2_3-.Ltmp0, $4  }
0x23: {  	_ = 	snop  }
0x24: {  	s13 =	stileid.u32  }
0x25: {  	s14 =	rddreg [dreg:$0x7];
	s13 =	sshll.u32 s13, $0x6  }
0x26: {  	s19 =	sshrl.u32 s14, $0x3;
	s20 =	sor.u32 $0x1C07, s13  }
.Ltmp1:
0x27: {  	s13 =	rddreg [dreg:$0x8];
	(pc) =	sbr.rel .LBB2_6-.Ltmp1, $4  }
0x28: {  	[spmem:s19], [sflag:s20] =	dma.local [hbm:s13], $0x500  }
0x29: {  	_ =	swait.ge [sflag:s24], $0x500  }
0x2a: {  	[sflag:s24] =	ssyncset.done $0x0  }
0x2b: {  	[sflag:s24] =	ssyncadd.s32 $0xFFFFFB00  }
.LBB2_3:
0x2c: {  	s13 =	simm.s32 $0x40;
	s14 =	simm.s32 $0x0  }
.LBB2_4:
0x2d: {  	p1 =	sne.s32 s13, $0x9FC0;
	[tilespmem:s14+$0x630] =	vst v0;
	s14 =	smov.u32 s13;
	s13 =	sadd.s32 $0x40, s13  }
.Ltmp2:
0x2e: {  	(pc) =	sbr.rel @p1 .LBB2_4-.Ltmp2, $2  }
0x2f: {  	_ =	sdelay $0x2  }
0x30: {  	s14 =	sshra.s32 s14, $0x2  }
0x31: {  	[tilespmem:s14+$0x630] =	vst v0;
	s13 =	rddreg [dreg:$0x6]  }
0x32: {  	[spmem:s13] =	stream.linear.scatter [tilespmem:s26], [sflag:$0x7], $0x2800, $0x38;
	[tilespmem:$0xD2F0] =	vst v63  }
0x33: {  	_ =	swait.ge [sflag:s24], $0x2800  }
0x34: {  	[sflag:s24] =	ssyncset.done $0x0  }
0x35: {  	[sflag:s24] =	ssyncadd.s32 $0xFFFFD800  }
.LBB2_6:
0x36: {  	[bflag:$0x0] =	sbarrier.arrive $0xFFFF  }
0x37: {  	s13 =	simm.s32 $0x0;
	s14 =	rddreg [dreg:$0x9]  }
0x38: {  	[tilespmem:s13], [sflag:$0x7] =	stream.linear.gather [hbm4b:s14+s13], $0x318, $0x38;
	[tilespmem:$0xD2F0] =	vst v63  }
0x39: {  	_ =	swait.ge [sflag:s24], $0x318  }
0x3a: {  	[sflag:s24] =	ssyncset.done $0x0  }
0x3b: {  	s21 =	rddreg [dreg:$0xa];
	[sflag:s24] =	ssyncadd.s32 $0xFFFFFCE8  }
0x3c: {  	[tilespmem:s25], [sflag:$0x7] =	stream.linear.gather [hbm4b:s21+s13], $0x318, $0x38;
	[tilespmem:$0xD2F0] =	vst v63  }
0x3d: {  	_ =	swait.ge [sflag:s24], $0x318  }
0x3e: {  	[sflag:s24] =	ssyncset.done $0x0  }
0x3f: {  	[sflag:s24] =	ssyncadd.s32 $0xFFFFFCE8  }
0x40: {  	[tilespmem:s26], [sflag:$0x1] =	stream.indirect.gather [hbm4b:s4+s25], $0x10, s13, s25, $0xb8;
	[tilespmem:$0xD2F0] =	vst v63  }
0x41: {  	s16 =	rddreg [dreg:$0xb]  }
0x42: {  	[tilespmem:s28], [sflag:$0x7] =	stream.linear.gather [hbm4b:s16+s13], $0x318, $0x38;
	[tilespmem:$0xD2F0] =	vst v63  }
0x43: {  	_ =	swait.ge [sflag:s24], $0x318  }
0x44: {  	[sflag:s24] =	ssyncset.done $0x0  }
0x45: {  	s17 =	rddreg [dreg:$0xc];
	[sflag:s24] =	ssyncadd.s32 $0xFFFFFCE8  }
0x46: {  	[tilespmem:s29], [sflag:$0x7] =	stream.linear.gather [hbm4b:s17+s13], $0x318, $0x38;
	[tilespmem:$0xD2F0] =	vst v63  }
0x47: {  	_ =	swait.ge [sflag:s24], $0x318  }
0x48: {  	[sflag:s24] =	ssyncset.done $0x0  }
0x49: {  	[sflag:s24] =	ssyncadd.s32 $0xFFFFFCE8  }
0x4a: {  	[tilespmem:s30], [sflag:$0x2] =	stream.indirect.gather [hbm4b:s4+s25], $0x10, s28, s25, $0xb8;
	[tilespmem:$0xD2F0] =	vst v63  }
0x4b: {  	_ =	swait.ge [sflag:s31], $0x3180  }
0x4c: {  	[sflag:s31] =	ssyncset.done $0x0  }
0x4d: {  	[sflag:s31] =	ssyncadd.s32 $0xFFFFCE80  }
0x4e: {  	[spmem:s2] =	stream.indirect.scatter.add.f32 [tilespmem:s26], [sflag:$0x4], $0x10, s25, s25, $0xb8;
	[tilespmem:$0xD2F0] =	vst v63  }
0x4f: {  	s21 =	rddreg [dreg:$0xd]  }
0x50: {  	[tilespmem:s0], [sflag:$0x7] =	stream.linear.gather [hbm4b:s21+s13], $0x318, $0x38;
	[tilespmem:$0xD2F0] =	vst v63  }
0x51: {  	_ =	swait.ge [sflag:s24], $0x318  }
0x52: {  	[sflag:s24] =	ssyncset.done $0x0  }
0x53: {  	s16 =	rddreg [dreg:$0xe];
	[sflag:s24] =	ssyncadd.s32 $0xFFFFFCE8  }
0x54: {  	[tilespmem:s7], [sflag:$0x7] =	stream.linear.gather [hbm4b:s16+s13], $0x318, $0x38;
	[tilespmem:$0xD2F0] =	vst v63  }
0x55: {  	_ =	swait.ge [sflag:s24], $0x318  }
0x56: {  	[sflag:s24] =	ssyncset.done $0x0  }
0x57: {  	[sflag:s24] =	ssyncadd.s32 $0xFFFFFCE8  }
0x58: {  	[tilespmem:s9], [sflag:$0x3] =	stream.indirect.gather [hbm4b:s4+s25], $0x10, s0, s25, $0xb8;
	[tilespmem:$0xD2F0] =	vst v63  }
0x59: {  	_ =	swait.ge [sflag:s1], $0x3180  }
0x5a: {  	[sflag:s1] =	ssyncset.done $0x0  }
0x5b: {  	[sflag:s1] =	ssyncadd.s32 $0xFFFFCE80  }
0x5c: {  	[spmem:s2] =	stream.indirect.scatter.add.f32 [tilespmem:s30], [sflag:$0x5], $0x10, s29, s25, $0xb8;
	[tilespmem:$0xD2F0] =	vst v63  }
0x5d: {  	_ =	swait.ge [sflag:s8], $0x3180  }
0x5e: {  	s17 =	sshrl.u32 s23, $0x3;
	[sflag:s8] =	ssyncset.done $0x0  }
0x5f: {  	s21 =	sadd.s32 s5, s17;
	[sflag:s8] =	ssyncadd.s32 $0xFFFFCE80  }
0x60: {  	[tilespmem:s3], [sflag:$0x7] =	stream.linear.gather [hbm4b:s21+s3], $0x318, $0x38;
	[tilespmem:$0xD2F0] =	vst v63  }
0x61: {  	_ =	swait.ge [sflag:s24], $0x318  }
0x62: {  	[sflag:s24] =	ssyncset.done $0x0  }
0x63: {  	s13 =	sadd.s32 s6, s17;
	[sflag:s24] =	ssyncadd.s32 $0xFFFFFCE8  }
0x64: {  	[tilespmem:s25], [sflag:$0x7] =	stream.linear.gather [hbm4b:s13+s3], $0x318, $0x38;
	[tilespmem:$0xD2F0] =	vst v63  }
0x65: {  	_ =	swait.ge [sflag:s24], $0x318  }
0x66: {  	[sflag:s24] =	ssyncset.done $0x0  }
0x67: {  	[sflag:s24] =	ssyncadd.s32 $0xFFFFFCE8  }
0x68: {  	[tilespmem:s26], [sflag:$0x1] =	stream.indirect.gather [hbm4b:s4+s25], $0x10, s3, s25, $0xb8;
	[tilespmem:$0xD2F0] =	vst v63  }
0x69: {  	_ =	swait.ge [sflag:s10], $0x3180  }
0x6a: {  	[sflag:s10] =	ssyncset.done $0x0  }
0x6b: {  	[sflag:s10] =	ssyncadd.s32 $0xFFFFCE80  }
0x6c: {  	[spmem:s2] =	stream.indirect.scatter.add.f32 [tilespmem:s9], [sflag:$0x6], $0x10, s7, s25, $0xb8;
	[tilespmem:$0xD2F0] =	vst v63  }
0x6d: {  	_ =	swait.ge [sflag:s11], $0x3180  }
0x6e: {  	[sflag:s11] =	ssyncset.done $0x0  }
0x6f: {  	s14 =	sadd.s32 $0x0, s22;
	[sflag:s11] =	ssyncadd.s32 $0xFFFFCE80  }
0x70: {  	[tilespmem:s28], [sflag:$0x7] =	stream.linear.gather [hbm4b:s14+s3], $0x318, $0x38;
	[tilespmem:$0xD2F0] =	vst v63  }
0x71: {  	_ =	swait.ge [sflag:s24], $0x318  }
0x72: {  	s16 =	rddreg [dreg:$0x5];
	[sflag:s24] =	ssyncset.done $0x0  }
0x73: {  	[sflag:s24] =	ssyncadd.s32 $0xFFFFFCE8;
	s13 =	sadd.s32 $0x0, s16  }
0x74: {  	[tilespmem:s29], [sflag:$0x7] =	stream.linear.gather [hbm4b:s13+s3], $0x318, $0x38;
	[tilespmem:$0xD2F0] =	vst v63  }
0x75: {  	_ =	swait.ge [sflag:s24], $0x318  }
0x76: {  	[sflag:s24] =	ssyncset.done $0x0  }
0x77: {  	[sflag:s24] =	ssyncadd.s32 $0xFFFFFCE8  }
0x78: {  	[tilespmem:s30], [sflag:$0x2] =	stream.indirect.gather [hbm4b:s4+s25], $0x10, s28, s25, $0xb8;
	[tilespmem:$0xD2F0] =	vst v63  }
0x79: {  	_ =	swait.ge [sflag:s31], $0x3180  }
0x7a: {  	[sflag:s31] =	ssyncset.done $0x0  }
0x7b: {  	[sflag:s31] =	ssyncadd.s32 $0xFFFFCE80  }
0x7c: {  	[spmem:s2] =	stream.indirect.scatter.add.f32 [tilespmem:s26], [sflag:$0x4], $0x10, s25, s25, $0xb8;
	[tilespmem:$0xD2F0] =	vst v63  }
0x7d: {  	_ =	swait.ge [sflag:s12], $0x3180  }
0x7e: {  	s17 =	rddreg [dreg:$0x4];
	[sflag:s12] =	ssyncset.done $0x0  }
0x7f: {  	[sflag:s12] =	ssyncadd.s32 $0xFFFFCE80;
	s13 =	sadd.s32 $0x0, s17  }
0x80: {  	[tilespmem:s0], [sflag:$0x7] =	stream.linear.gather [hbm4b:s13+s3], $0x318, $0x38;
	[tilespmem:$0xD2F0] =	vst v63  }
0x81: {  	_ =	swait.ge [sflag:s24], $0x318  }
0x82: {  	s21 =	rddreg [dreg:$0x3];
	[sflag:s24] =	ssyncset.done $0x0  }
0x83: {  	[sflag:s24] =	ssyncadd.s32 $0xFFFFFCE8;
	s13 =	sadd.s32 $0x0, s21  }
0x84: {  	[tilespmem:s7], [sflag:$0x7] =	stream.linear.gather [hbm4b:s13+s3], $0x318, $0x38;
	[tilespmem:$0xD2F0] =	vst v63  }
0x85: {  	_ =	swait.ge [sflag:s24], $0x318  }
0x86: {  	[sflag:s24] =	ssyncset.done $0x0  }
0x87: {  	[sflag:s24] =	ssyncadd.s32 $0xFFFFFCE8  }
0x88: {  	[tilespmem:s9], [sflag:$0x3] =	stream.indirect.gather [hbm4b:s4+s25], $0x10, s0, s25, $0xb8;
	[tilespmem:$0xD2F0] =	vst v63  }
0x89: {  	_ =	swait.ge [sflag:s1], $0x3180  }
0x8a: {  	[sflag:s1] =	ssyncset.done $0x0  }
0x8b: {  	s21 =	simm.s32 $0x129;
	s13 =	sadd.s32 $0x948, s23;
	[sflag:s1] =	ssyncadd.s32 $0xFFFFCE80  }
.LBB2_7:
0x8c: {  	[spmem:s2] =	stream.indirect.scatter.add.f32 [tilespmem:s30], [sflag:$0x5], $0x10, s29, s25, $0xb8;
	[tilespmem:$0xD2F0] =	vst v63  }
0x8d: {  	_ =	swait.ge [sflag:s8], $0x3180  }
0x8e: {  	s16 =	sshrl.u32 s13, $0x3;
	[sflag:s8] =	ssyncset.done $0x0  }
0x8f: {  	s17 =	sadd.s32 s5, s16;
	[sflag:s8] =	ssyncadd.s32 $0xFFFFCE80  }
0x90: {  	[tilespmem:s3], [sflag:$0x7] =	stream.linear.gather [hbm4b:s17+s3], $0x318, $0x38;
	[tilespmem:$0xD2F0] =	vst v63  }
0x91: {  	_ =	swait.ge [sflag:s24], $0x318  }
0x92: {  	[sflag:s24] =	ssyncset.done $0x0  }
0x93: {  	s16 =	sadd.s32 s6, s16;
	[sflag:s24] =	ssyncadd.s32 $0xFFFFFCE8  }
0x94: {  	[tilespmem:s25], [sflag:$0x7] =	stream.linear.gather [hbm4b:s16+s3], $0x318, $0x38;
	[tilespmem:$0xD2F0] =	vst v63  }
0x95: {  	_ =	swait.ge [sflag:s24], $0x318  }
0x96: {  	[sflag:s24] =	ssyncset.done $0x0  }
0x97: {  	[sflag:s24] =	ssyncadd.s32 $0xFFFFFCE8  }
0x98: {  	[tilespmem:s26], [sflag:$0x1] =	stream.indirect.gather [hbm4b:s4+s25], $0x10, s3, s25, $0xb8;
	[tilespmem:$0xD2F0] =	vst v63  }
0x99: {  	_ =	swait.ge [sflag:s10], $0x3180  }
0x9a: {  	[sflag:s10] =	ssyncset.done $0x0  }
0x9b: {  	[sflag:s10] =	ssyncadd.s32 $0xFFFFCE80  }
0x9c: {  	[spmem:s2] =	stream.indirect.scatter.add.f32 [tilespmem:s9], [sflag:$0x6], $0x10, s7, s25, $0xb8;
	[tilespmem:$0xD2F0] =	vst v63  }
0x9d: {  	_ =	swait.ge [sflag:s11], $0x3180  }
0x9e: {  	s14 =	smov.u32 s21;
	[sflag:s11] =	ssyncset.done $0x0  }
0x9f: {  	s17 =	sadd.s32 s14, s22;
	[sflag:s11] =	ssyncadd.s32 $0xFFFFCE80  }
0xa0: {  	[tilespmem:s28], [sflag:$0x7] =	stream.linear.gather [hbm4b:s17+s3], $0x318, $0x38;
	[tilespmem:$0xD2F0] =	vst v63  }
0xa1: {  	_ =	swait.ge [sflag:s24], $0x318  }
0xa2: {  	s17 =	rddreg [dreg:$0x5];
	[sflag:s24] =	ssyncset.done $0x0  }
0xa3: {  	[sflag:s24] =	ssyncadd.s32 $0xFFFFFCE8;
	s16 =	sadd.s32 s14, s17  }
0xa4: {  	[tilespmem:s29], [sflag:$0x7] =	stream.linear.gather [hbm4b:s16+s3], $0x318, $0x38;
	[tilespmem:$0xD2F0] =	vst v63  }
0xa5: {  	_ =	swait.ge [sflag:s24], $0x318  }
0xa6: {  	[sflag:s24] =	ssyncset.done $0x0  }
0xa7: {  	[sflag:s24] =	ssyncadd.s32 $0xFFFFFCE8  }
0xa8: {  	[tilespmem:s30], [sflag:$0x2] =	stream.indirect.gather [hbm4b:s4+s25], $0x10, s28, s25, $0xb8;
	[tilespmem:$0xD2F0] =	vst v63  }
0xa9: {  	_ =	swait.ge [sflag:s31], $0x3180  }
0xaa: {  	[sflag:s31] =	ssyncset.done $0x0  }
0xab: {  	[sflag:s31] =	ssyncadd.s32 $0xFFFFCE80  }
0xac: {  	[spmem:s2] =	stream.indirect.scatter.add.f32 [tilespmem:s26], [sflag:$0x4], $0x10, s25, s25, $0xb8;
	[tilespmem:$0xD2F0] =	vst v63  }
0xad: {  	_ =	swait.ge [sflag:s12], $0x3180  }
0xae: {  	s17 =	rddreg [dreg:$0x4];
	[sflag:s12] =	ssyncset.done $0x0  }
0xaf: {  	[sflag:s12] =	ssyncadd.s32 $0xFFFFCE80;
	s16 =	sadd.s32 s14, s17  }
0xb0: {  	[tilespmem:s0], [sflag:$0x7] =	stream.linear.gather [hbm4b:s16+s3], $0x318, $0x38;
	[tilespmem:$0xD2F0] =	vst v63  }
0xb1: {  	_ =	swait.ge [sflag:s24], $0x318  }
0xb2: {  	s17 =	rddreg [dreg:$0x3];
	[sflag:s24] =	ssyncset.done $0x0  }
0xb3: {  	[sflag:s24] =	ssyncadd.s32 $0xFFFFFCE8;
	s14 =	sadd.s32 s14, s17  }
0xb4: {  	[tilespmem:s7], [sflag:$0x7] =	stream.linear.gather [hbm4b:s14+s3], $0x318, $0x38;
	[tilespmem:$0xD2F0] =	vst v63  }
0xb5: {  	_ =	swait.ge [sflag:s24], $0x318  }
0xb6: {  	p1 =	sne.s32 s21, $0x252;
	[sflag:s24] =	ssyncset.done $0x0  }
.Ltmp3:
0xb7: {  	[sflag:s24] =	ssyncadd.s32 $0xFFFFFCE8;
	(pc) =	sbr.rel @p1 .LBB2_7-.Ltmp3, $4  }
0xb8: {  	[tilespmem:s9], [sflag:$0x3] =	stream.indirect.gather [hbm4b:s4+s25], $0x10, s0, s25, $0xb8;
	[tilespmem:$0xD2F0] =	vst v63  }
0xb9: {  	_ =	swait.ge [sflag:s1], $0x3180  }
0xba: {  	[sflag:s1] =	ssyncset.done $0x0  }
0xbb: {  	s21 =	sadd.s32 $0x129, s21;
	s13 =	sadd.s32 $0x948, s13;
	[sflag:s1] =	ssyncadd.s32 $0xFFFFCE80  }
0xbc: {  	[spmem:s2] =	stream.indirect.scatter.add.f32 [tilespmem:s30], [sflag:$0x5], $0x10, s29, s25, $0xb8;
	[tilespmem:$0xD2F0] =	vst v63  }
0xbd: {  	_ =	swait.ge [sflag:s10], $0x3180  }
0xbe: {  	[sflag:s10] =	ssyncset.done $0x0  }
0xbf: {  	[sflag:s10] =	ssyncadd.s32 $0xFFFFCE80  }
0xc0: {  	[spmem:s2] =	stream.indirect.scatter.add.f32 [tilespmem:s9], [sflag:$0x6], $0x10, s7, s25, $0xb8;
	[tilespmem:$0xD2F0] =	vst v63  }
0xc1: {  	_ =	swait.ge [sflag:s8], $0x3180  }
0xc2: {  	[sflag:s8] =	ssyncset.done $0x0  }
0xc3: {  	[sflag:s8] =	ssyncadd.s32 $0xFFFFCE80  }
0xc4: {  	_ =	swait.ge [sflag:s11], $0x3180  }
0xc5: {  	[sflag:s11] =	ssyncset.done $0x0  }
0xc6: {  	[sflag:s11] =	ssyncadd.s32 $0xFFFFCE80  }
0xc7: {  	_ =	swait.ge [sflag:s12], $0x3180  }
0xc8: {  	[sflag:s12] =	ssyncset.done $0x0  }
0xc9: {  	s14 =	simm.s32 $0xA710;
	s13 =	rddreg [dreg:$0xf];
	[sflag:s12] =	ssyncadd.s32 $0xFFFFCE80  }
0xca: {  	[tilespmem:s14], [sflag:$0x7] =	stream.linear.gather [hbm4b:s13+s3], $0xF8, $0x38;
	[tilespmem:$0xD2F0] =	vst v63  }
0xcb: {  	_ =	swait.ge [sflag:s24], $0xF8  }
0xcc: {  	[sflag:s24] =	ssyncset.done $0x0  }
0xcd: {  	s16 =	simm.s32 $0xA900;
	s21 =	rddreg [dreg:$0x10];
	[sflag:s24] =	ssyncadd.s32 $0xFFFFFF08  }
0xce: {  	[tilespmem:s16], [sflag:$0x7] =	stream.linear.gather [hbm4b:s21+s3], $0xF8, $0x38;
	[tilespmem:$0xD2F0] =	vst v63  }
0xcf: {  	_ =	swait.ge [sflag:s24], $0xF8  }
0xd0: {  	[sflag:s24] =	ssyncset.done $0x0  }
0xd1: {  	[sflag:s24] =	ssyncadd.s32 $0xFFFFFF08  }
0xd2: {  	[tilespmem:s26], [sflag:$0x1] =	stream.indirect.gather [hbm4b:s4+s15], $0x10, s14, s15, $0xb8;
	[tilespmem:$0xD2F0] =	vst v63  }
0xd3: {  	_ =	swait.ge [sflag:s31], $0xF80  }
0xd4: {  	[sflag:s31] =	ssyncset.done $0x0  }
0xd5: {  	[sflag:s31] =	ssyncadd.s32 $0xFFFFF080  }
0xd6: {  	[spmem:s2] =	stream.indirect.scatter.add.f32 [tilespmem:s26], [sflag:$0x7], $0x10, s16, s15, $0xb8;
	[tilespmem:$0xD2F0] =	vst v63  }
0xd7: {  	_ =	swait.ge [sflag:s24], $0xF80  }
0xd8: {  	[sflag:s24] =	ssyncset.done $0x0  }
0xd9: {  	s16 =	simm.s32 $0xA808;
	s14 =	rddreg [dreg:$0x11];
	[sflag:s24] =	ssyncadd.s32 $0xFFFFF080  }
0xda: {  	[tilespmem:s16], [sflag:$0x7] =	stream.linear.gather [hbm4b:s14+s3], $0xF8, $0x38;
	[tilespmem:$0xD2F0] =	vst v63  }
0xdb: {  	_ =	swait.ge [sflag:s24], $0xF8  }
0xdc: {  	[sflag:s24] =	ssyncset.done $0x0  }
0xdd: {  	s21 =	simm.s32 $0xA9F8;
	s17 =	rddreg [dreg:$0x12];
	[sflag:s24] =	ssyncadd.s32 $0xFFFFFF08  }
0xde: {  	[tilespmem:s21], [sflag:$0x7] =	stream.linear.gather [hbm4b:s17+s3], $0xF8, $0x38;
	[tilespmem:$0xD2F0] =	vst v63  }
0xdf: {  	_ =	swait.ge [sflag:s24], $0xF8  }
0xe0: {  	[sflag:s24] =	ssyncset.done $0x0  }
0xe1: {  	[sflag:s24] =	ssyncadd.s32 $0xFFFFFF08  }
0xe2: {  	[tilespmem:s30], [sflag:$0x1] =	stream.indirect.gather [hbm4b:s4+s15], $0x10, s16, s15, $0xb8;
	[tilespmem:$0xD2F0] =	vst v63  }
0xe3: {  	_ =	swait.ge [sflag:s31], $0xF80  }
0xe4: {  	[sflag:s31] =	ssyncset.done $0x0  }
0xe5: {  	[sflag:s31] =	ssyncadd.s32 $0xFFFFF080  }
0xe6: {  	[spmem:s2] =	stream.indirect.scatter.add.f32 [tilespmem:s30], [sflag:$0x7], $0x10, s21, s15, $0xb8;
	[tilespmem:$0xD2F0] =	vst v63  }
0xe7: {  	_ =	swait.ge [sflag:s24], $0xF80  }
0xe8: {  	[sflag:s24] =	ssyncset.done $0x0  }
0xe9: {  	[sflag:s24] =	ssyncadd.s32 $0xFFFFF080  }
0xea: {  	[bflag:$0x0] =	sbarrier.arrive $0xFFFF  }
0xeb: {  	s17 =	rddreg [dreg:$0x14]  }
0xec: {  	[hbm:s17], [sflag:s20] =	dma.local [spmem:s19], $0x500  }
0xed: {  	_ =	swait.ge [sflag:s24], $0x500  }
0xee: {  	s18 =	sadd.s32 $0x1, s18;
	s21 =	rddreg [dreg:$0x13]  }
0xef: {  	p1 =	sne.s32 s18, s21  }
.Ltmp4:
0xf0: {  	_ = 	snop;
	(pc) =	sbr.rel @p1 .LBB2_1-.Ltmp4, $3  }
0xf1: {  	_ =	sdelay $0x1  }
0xf2: {  	[sflag:s24] =	ssyncset.done $0x0  }
0xf3: {  	[sflag:s24] =	ssyncadd.s32 $0xFFFFFB00  }
0xf4: {  	_ =	sfence.sel $0x180000  }
0xf5: {  	[bflag:$0x0] =	sbarrier.arrive $0xFFFF  }
0xf6: {  	_ =	strace $0x9000004A  }
0xf7: {  	s0 =	stileid.u32;
	[bflag:$0x2] =	sbarrier.arrive $0xFFFF  }
0xf8: {  	p0 =	sne.s32 s0, $0x0;
	s0 =	rddreg [dreg:$0x2]  }
0xf9: {  	s0 =	sadd.s32 @!p0 $0x100000, s0  }
0xfa: {  	[sflag:s0] =	ssyncadd.tile.s32 @!p0 $0x1;
	_ =	shalt  }
.Lfunc_end2:
_tile_overlayer_lowered:
.L_overlay_start_2:
0xfb: {  	(tag) =	ssettag $0x2  }
0xfc: {  	s0 =	rddreg [dreg:$0x0];
	s2 =	stileid.u32  }
0xfd: {  	s1 =	rddreg [dreg:$0x1];
	p0 =	sne.s32 s2, $0x0  }
0xfe: {  	s3 =	rddreg [dreg:$0x2];
	[bflag:$0x3] =	sbarrier.arrive $0xFFFF;
	s2 =	simm.s32 @!p0 $0x1C07  }
0xff: {  	[timem:s3], [sflag:s2] =	dma.local @!p0 [hbm:s0], s1  }
0x100: {  	s0 =	simm.s32 @!p0 $0x7  }
0x101: {  	_ =	swait.ge @!p0 [sflag:s0], s1  }
0x102: {  	s1 =	ssub.s32 @!p0 $0x0, s1;
	[sflag:s0] =	ssyncset.done @!p0 $0x0  }
0x103: {  	[sflag:s0] =	ssyncadd.s32 @!p0 s1  }
0x104: {  	[bflag:$0x3] =	sbarrier.arrive $0xFFFF  }
0x105: {  	_ =	shalt  }

// kernel: kernel.18.cloned.1.call-start
scs
__scs_entry_jumppad:
0x0: {  	(pc) =	sbr.rel $0x88, $3  }
0x1: {  	(tag) =	ssettag $0x0;
	lr =	simm.s32 $0x1  }
0x2: {  	[smem:$0x3F91] =	sst lr;
	_ =	strace $0xD0000000  }
0x3: {  	_ = 	snop  }
0x4: {  	_ = 	snop  }
0x5: {  	_ = 	snop  }
0x6: {  	_ = 	snop  }
0x7: {  	_ = 	snop  }
__scs_overlays_trampoline_lowered:
0x8: {  	[smem:$0x3FA0] =	sst s0  }
0x9: {  	[smem:$0x3FA1] =	sst s1  }
0xa: {  	[smem:$0x3FA2] =	sst s2  }
0xb: {  	[smem:$0x3FA3] =	sst s3  }
0xc: {  	[smem:$0x3FA4] =	sst s4  }
0xd: {  	[smem:$0x3FA5] =	sst s5  }
0xe: {  	[smem:$0x3FA6] =	sst s6  }
0xf: {  	[smem:$0x3FA7] =	sst s7  }
0x10: {  	[smem:$0x3FA8] =	sst s8  }
0x11: {  	[smem:$0x3FA9] =	sst s9;
	s0 =	simm.s32 @!p0 $0x0  }
0x12: {  	s1 =	sld [smem:$0x3F8F];
	s0 =	simm.s32 @p0 $0x1  }
0x13: {  	[smem:$0x3FAA] =	sst s0;
	s0 =	simm.s32 @!p1 $0x0  }
0x14: {  	s2 =	sld [smem:$0x3F8E];
	s0 =	simm.s32 @p1 $0x1  }
0x15: {  	[smem:$0x3FAB] =	sst s0;
	s0 =	simm.s32 @!p2 $0x0  }
0x16: {  	s3 =	sld [smem:$0x3FDB];
	s0 =	simm.s32 @p2 $0x1  }
0x17: {  	s4 =	simm.s32 $0x1BF5;
	[smem:$0x3FAD] =	sst s0  }
0x18: {  	s0 =	sld [smem:$0x3F90];
	_ =	swait.ge [sflag:s4], $0x0  }
0x19: {  	s7 =	sld [smem:$0x3F91]  }
0x1a: {  	s8 =	sadd.s32 $0xFFFFE003, lr  }
0x1b: {  	s9 =	sadd.s32 $0xFFFFFEF7, lr;
	s5 =	simm.s32 $0xFFFFFFFF;
	p2 =	slt.u32 s8, $0xFFFFF086  }
0x1c: {  	p1 =	slt.u32 s9, $0xF7A;
	s5 =	simm.s32 @!p2 $0x0  }
0x1d: {  	s5 =	simm.s32 @p1 $0x1;
	p0 =	seq.s32 s7, s2  }
0x1e: {  	s7 =	smul.u32 @!p0 $0xF7A, s2;
	p2 =	seq.s32 @!p0 s5, $0x0  }
0x1f: {  	s9 =	smul.u32 $0xF7A, s1;
	s8 =	simm.s32 @!p0 $0x1BF5;
	p2 =	por !p2, p0  }
0x20: {  	[sflag:s8] =	ssyncset.s32 @!p0 $0xFFFFF086;
	s6 =	sadd.s32 @!p0 s3, s7;
	s7 =	simm.s32 @!p0 $0x108  }
0x21: {  	s3 =	sadd.s32 s3, s9;
	s6 =	sadd.s32 @!p0 $0x88, s6;
	s7 =	simm.s32 @p2 $0x1082  }
0x22: {  	[simem:s7], [sflag:s8] =	dma.local @!p0 [hbm:s6], $0xF7A  }
0x23: {  	s9 =	sor.u32 $0xD0000000, s2;
	s6 =	simm.s32 $0x108;
	_ =	swait.ge @!p0 [sflag:s8], $0x0  }
0x24: {  	s3 =	sadd.s32 $0x88, s3;
	s6 =	simm.s32 @!p1 $0x1082;
	[sflag:s4] =	ssyncset.s32 $0xFFFFF086  }
0x25: {  	[simem:s6], [sflag:s4] =	dma.local [hbm:s3], $0xF7A  }
0x26: {  	[smem:$0x3F91] =	sst s1;
	(tag) =	ssettag s2;
	_ =	strace s9  }
0x27: {  	s1 =	sld [smem:$0x3FA1]  }
0x28: {  	s2 =	sld [smem:$0x3FA2]  }
0x29: {  	s4 =	sld [smem:$0x3FA4]  }
0x2a: {  	p0 =	seq.s32 s5, $0x0;
	s5 =	sld [smem:$0x3FA5]  }
0x2b: {  	s6 =	sld [smem:$0x3FA6]  }
0x2c: {  	s7 =	sld [smem:$0x3FA7]  }
0x2d: {  	s3 =	simm.s32 $0x108;
	s8 =	sld [smem:$0x3FA8]  }
0x2e: {  	s3 =	simm.s32 @!p0 $0x1082;
	s9 =	sld [smem:$0x3FA9]  }
0x2f: {  	lr =	sadd.s32 s0, s3;
	s0 =	sld [smem:$0x3FA0]  }
0x30: {  	s3 =	sld [smem:$0x3FA3]  }
0x31: {  	[smem:$0x3FAC] =	sst s10  }
0x32: {  	s10 =	sld [smem:$0x3FAA];
	_ =	sdelay $0x3  }
0x33: {  	p0 =	seq.s32 s10, $0x1;
	s10 =	sld [smem:$0x3FAC];
	_ =	sdelay $0x3  }
0x34: {  	[smem:$0x3FAC] =	sst s10  }
0x35: {  	s10 =	sld [smem:$0x3FAB];
	_ =	sdelay $0x3  }
0x36: {  	p1 =	seq.s32 s10, $0x1;
	s10 =	sld [smem:$0x3FAC];
	_ =	sdelay $0x3  }
0x37: {  	[smem:$0x3FAC] =	sst s10  }
0x38: {  	s10 =	sld [smem:$0x3FAD]  }
0x39: {  	_ = 	snop;
	(pc) =	sbr.ind lr, $3  }
0x3a: {  	_ = 	snop  }
0x3b: {  	_ = 	snop  }
0x3c: {  	p2 =	seq.s32 s10, $0x1;
	s10 =	sld [smem:$0x3FAC]  }
0x3d: {  	_ =	shalt  }
0x3e: {  	_ =	shalt  }
0x3f: {  	_ =	shalt  }
0x40: {  	_ =	shalt  }
0x41: {  	_ =	shalt  }
0x42: {  	_ =	shalt  }
0x43: {  	_ =	shalt  }
0x44: {  	_ =	shalt  }
0x45: {  	_ =	shalt  }
0x46: {  	_ =	shalt  }
0x47: {  	_ =	shalt  }
0x48: {  	_ =	shalt  }
0x49: {  	_ =	shalt  }
0x4a: {  	_ =	shalt  }
0x4b: {  	_ =	shalt  }
0x4c: {  	_ =	shalt  }
0x4d: {  	_ =	shalt  }
0x4e: {  	_ =	shalt  }
0x4f: {  	_ =	shalt  }
0x50: {  	_ =	shalt  }
0x51: {  	_ =	shalt  }
0x52: {  	_ =	shalt  }
0x53: {  	_ =	shalt  }
0x54: {  	_ =	shalt  }
0x55: {  	_ =	shalt  }
0x56: {  	_ =	shalt  }
0x57: {  	_ =	shalt  }
0x58: {  	_ =	shalt  }
0x59: {  	_ =	shalt  }
0x5a: {  	_ =	shalt  }
0x5b: {  	_ =	shalt  }
0x5c: {  	_ =	shalt  }
0x5d: {  	_ =	shalt  }
0x5e: {  	_ =	shalt  }
0x5f: {  	_ =	shalt  }
0x60: {  	_ =	shalt  }
0x61: {  	_ =	shalt  }
0x62: {  	_ =	shalt  }
0x63: {  	_ =	shalt  }
0x64: {  	_ =	shalt  }
0x65: {  	_ =	shalt  }
0x66: {  	_ =	shalt  }
0x67: {  	_ =	shalt  }
0x68: {  	_ =	shalt  }
0x69: {  	_ =	shalt  }
0x6a: {  	_ =	shalt  }
0x6b: {  	_ =	shalt  }
0x6c: {  	_ =	shalt  }
0x6d: {  	_ =	shalt  }
0x6e: {  	_ =	shalt  }
0x6f: {  	_ =	shalt  }
0x70: {  	_ =	shalt  }
0x71: {  	_ =	shalt  }
0x72: {  	_ =	shalt  }
0x73: {  	_ =	shalt  }
0x74: {  	_ =	shalt  }
0x75: {  	_ =	shalt  }
0x76: {  	_ =	shalt  }
0x77: {  	_ =	shalt  }
0x78: {  	_ =	shalt  }
0x79: {  	_ =	shalt  }
0x7a: {  	_ =	shalt  }
0x7b: {  	_ =	shalt  }
0x7c: {  	_ =	shalt  }
0x7d: {  	_ =	shalt  }
0x7e: {  	_ =	shalt  }
0x7f: {  	_ =	shalt  }
0x80: {  	_ =	shalt  }
0x81: {  	_ =	shalt  }
0x82: {  	_ =	shalt  }
0x83: {  	_ =	shalt  }
0x84: {  	_ =	shalt  }
0x85: {  	_ =	shalt  }
0x86: {  	_ =	shalt  }
0x87: {  	_ =	shalt  }
.Lfunc_end0:
.L_simem_size_0:
called_computation.2_lowered:
.L_overlay_start_0:
0x88: {  	s2 =	sld [smem:$0x3FD9]  }
0x89: {  	s3 =	sld [smem:$0x3FFE];
	_ =	sdelay $0x1  }
0x8a: {  	s1 =	srdreg.scid  }
0x8b: {  	s0 =	sand.u32 $0x1, s1  }
0x8c: {  	s16 =	sshll.u32 s0, $0xA;
	s2 =	sadd.s32 s3, s2  }
0x8d: {  	s2 =	sadd.s32 s2, s16  }
0x8e: {  	[smem:$0x3FB8] =	sst s2  }
0x8f: {  	_ = 	snop  }
0x90: {  	(tm) =	ssettm $0x1  }
0x91: {  	s17 =	sld [smem:$0x3FFB];
	_ =	sdelay $0x3  }
0x92: {  	_ =	strace s17  }
0x93: {  	s2 =	sld [smem:$0x3FFC];
	_ =	sdelay $0x3  }
0x94: {  	_ =	strace s2  }
0x95: {  	s2 =	sld [smem:$0x3FFD];
	_ =	sdelay $0x3  }
0x96: {  	_ =	strace s2  }
0x97: {  	_ =	strace $0x8FFFFFFF  }
0x98: {  	s18 =	sld [smem:$0x3FDB];
	_ =	sdelay $0x1  }
0x99: {  	s19 =	simm.s32 $_scs_section_size  }
0x9a: {  	s4 =	simm.s32 $_size__tile_overlayer_lowered;
	s5 =	simm.s32 $_tile_overlayer_lowered  }
0x9b: {  	s22 =	simm.s32 $0x1BFF;
	s21 =	sshll.u32 s5, $0x1;
	s2 =	sadd.s32 s19, s18  }
0x9c: {  	s6 =	simm.s32 $0x0;
	s20 =	sshll.u32 s4, $0x1;
	s4 =	sadd.s32 s21, s2  }
0x9d: {  	[timem:s6], [sflag:s22] =	dma.local [hbm:s4], s20  }
0x9e: {  	_ =	swait.ge [sflag:s22], s20  }
0x9f: {  	s3 =	ssub.s32 $0x0, s20;
	[sflag:s22] =	ssyncset.done $0x0  }
0xa0: {  	[sflag:s22] =	ssyncadd.s32 s3;
	_ =	sdelay $0x1  }
0xa1: {  	s23 =	simm.s32 $0x1B8B  }
0xa2: {  	_ =	swait.ge [sflag:s23], $0x1  }
0xa3: {  	[sflag:s23] =	ssyncset.done $0x0  }
0xa4: {  	s25 =	simm.s32 $0x1B8E;
	s24 =	sld [smem:$0x3FFE];
	[sflag:s23] =	ssyncadd.s32 $0xFFFFFFFF  }
0xa5: {  	s26 =	simm.s32 $execute0_lowered;
	[smem:$0x3FD2] =	sst s25  }
0xa6: {  	s4 =	sshll.u32 s26, $0x1;
	_ =	strace $0x8000004C;
	[dreg:$0x1] =	wrdreg $0xFFFFFFFF  }
0xa7: {  	s28 =	simm.s32 $_size_execute0_lowered;
	s2 =	sadd.s32 s2, s4;
	[dreg:$0x0] =	wrdreg $0x0  }
0xa8: {  	s4 =	sshll.u32 s28, $0x1;
	[dreg:$0x2] =	wrdreg s2  }
0xa9: {  	[dreg:$0x3] =	wrdreg s4  }
0xaa: {  	[dreg:$0x4] =	wrdreg $0xC0  }
0xab: {  	_ =	task [dreg:s6], $0x5FFFF  }
0xac: {  	[dreg:$0x1] =	wrdreg $0xFFFFFFFF  }
0xad: {  	[dreg:$0x0] =	wrdreg $0x60  }
0xae: {  	[dreg:$0x2] =	wrdreg s24  }
0xaf: {  	[dreg:$0x3] =	wrdreg $0xD8500  }
0xb0: {  	[dreg:$0x4] =	wrdreg $0x9  }
0xb1: {  	_ =	task.clear_ibuf [dreg:s6], $0x5FFFF;
	_ =	strace $0x9000004C  }
0xb2: {  	s29 =	simm.s32 $0x9;
	_ =	strace $0x8000004E  }
0xb3: {  	_ =	swait.ge [sflag:s29], $0x1  }
0xb4: {  	[sflag:s29] =	ssyncadd.s32 $0xFFFFFFFF  }
0xb5: {  	_ =	strace $0x9000004E  }
0xb6: {  	_ =	sfence  }
0xb7: {  	s30 =	sld [smem:$0x0];
	_ =	sdelay $0x2  }
0xb8: {  	s31 =	sshll.u32 s1, $0xD;
	s1 =	sshrl.u32 s1, $0x2  }
0xb9: {  	s3 =	sand.u32 $0x4000, s31;
	s1 =	sadd.s32 s1, s30  }
0xba: {  	s0 =	sor.u32 s3, s0;
	s1 =	sshll.u32 s1, $0x11  }
0xbb: {  	s0 =	sor.u32 s1, s0  }
0xbc: {  	s0 =	sadd.s32 $0x8F2B, s0  }
0xbd: {  	[sflag:s0] =	ssyncadd.remote.s32 $0x1  }
0xbe: {  	_ =	sfence.sel $0xFFFF  }
0xbf: {  	[dreg:$0x0] =	wrdreg $0xFFFFFFFF;
	(pc) =	sbr.abs _section_cstart, $3  }
0xc0: {  	[dreg:$0x1] =	wrdreg $0xFFFFFFFF  }
0xc1: {  	_ =	task.clear_ibuf [dreg:s6], $0x2FFFF;
	_ =	strace $0x9FFFFFFF  }
0xc2: {  	(tm) =	ssettm $0x7FFFFFFF  }
0xc3: {  	_ =	shalt  }
tec
execute0_lowered:
.L_overlay_start_1:
0x0: {  	(tag) =	ssettag $0x1  }
0x1: {  	s0 =	rddreg [dreg:$0x0]  }
0x2: {  	s2 =	rddreg [dreg:$0x1];
	s3 =	simm.s32 $0x0  }
0x3: {  	s13 =	stileid.u32;
	s6 =	srdreg.scid;
	s28 =	simm.s32 $0x430  }
0x4: {  	s29 =	simm.s32 $0x4730;
	s30 =	simm.s32 $0x4948;
	[smem:$0x7FF] =	sst s3  }
0x5: {  	s1 =	smul.u32 $0x5000, s13;
	s4 =	sadd.s32 $0x16C00, s0;
	s5 =	sadd.s32 $0x3000, s0  }
0x6: {  	s7 =	sand.u32 $0x1, s6;
	s6 =	sadd.s32 $0xCE00, s0;
	s11 =	smul.u32 $0x14000, s13  }
0x7: {  	s10 =	sshll.u32 s13, $0x1;
	s24 =	smul.u32 $0x4E20, s13;
	_ =	strace $0x8000004D  }
0x8: {  	p0 =	seq.s32 s7, $0x0;
	s22 =	ssub.s32 $0x2, s7;
	s10 =	sor.u32 s7, s10  }
0x9: {  	s25 =	smul.u32 $0x2710, s7;
	s8 =	sshrl.u32 s1, $0x3;
	s12 =	sshrl.u32 s22, $0x1  }
0xa: {  	s11 =	sshrl.u32 s11, $0x2;
	s10 =	smul.u32 $0x2710, s10;
	s1 =	sadd.s32 s1, s2  }
0xb: {  	s9 =	sadd.s32 $0xA000, s8;
	s23 =	sadd.s32 s11, s2;
	[dreg:$0x8] =	wrdreg s1  }
0xc: {  	s1 =	sadd.s32 s25, s24;
	s9 =	smov.u32 @p0 s8;
	[dreg:$0x6] =	wrdreg s23  }
0xd: {  	s8 =	sadd.s32 s4, s8;
	s26 =	sshrl.u32 s10, $0x3;
	s0 =	sadd.s32 s9, s0  }
0xe: {  	s9 =	ssub.s32 s22, s12;
	s12 =	sadd.s32 $0x4300, s23;
	[dreg:$0x9] =	wrdreg s8  }
0xf: {  	s10 =	sadd.s32 $0x218, s10;
	s14 =	sadd.s32 s5, s26;
	[dreg:$0x7] =	wrdreg s12  }
0x10: {  	s10 =	sshrl.u32 s10, $0x3;
	s15 =	sadd.s32 s6, s26;
	[dreg:$0xa] =	wrdreg s14  }
0x11: {  	s17 =	sadd.s32 $0xA78, s1;
	[dreg:$0xb] =	wrdreg s15;
	s16 =	sadd.s32 s5, s10  }
0x12: {  	s18 =	sadd.s32 $0x86, s26;
	s10 =	sadd.s32 s6, s10;
	[dreg:$0xc] =	wrdreg s16  }
0x13: {  	s11 =	sshrl.u32 s17, $0x3;
	s19 =	sadd.s32 s5, s18;
	[dreg:$0xd] =	wrdreg s10  }
0x14: {  	s21 =	sadd.s32 $0x4B6, s26;
	s20 =	sadd.s32 s11, s6;
	[dreg:$0xe] =	wrdreg s19  }
0x15: {  	s31 =	simm.s32 $0x4B60;
	s23 =	sadd.s32 s5, s21;
	[dreg:$0x3] =	wrdreg s20  }
0x16: {  	s13 =	simm.s32 $0x6;
	s11 =	sadd.s32 s11, s5;
	[dreg:$0x10] =	wrdreg s23  }
0x17: {  	s8 =	sadd.s32 $0x4CC, s26;
	s12 =	sadd.s32 s6, s21;
	[dreg:$0x4] =	wrdreg s11  }
0x18: {  	p0 =	sne.s32 s7, $0x0;
	s25 =	sadd.s32 s5, s8;
	[dreg:$0x11] =	wrdreg s12  }
0x19: {  	s7 =	simm.s32 $0x2;
	s8 =	sadd.s32 s6, s8;
	[dreg:$0x12] =	wrdreg s25  }
0x1a: {  	s22 =	sadd.s32 $0x860, s1;
	s26 =	smax.u32 s9, $0x1;
	[dreg:$0x13] =	wrdreg s8  }
0x1b: {  	s0 =	sadd.s32 $0x20C00, s0;
	s9 =	simm.s32 $0x4;
	[dreg:$0x14] =	wrdreg s26  }
0x1c: {  	s10 =	sadd.s32 s6, s18;
	[dreg:$0x15] =	wrdreg s0;
	s25 =	simm.s32 $0x7  }
0x1d: {  	s26 =	simm.s32 $0x218;
	s0 =	simm.s32 $0x1;
	s8 =	simm.s32 $0x8E60  }
0x1e: {  	s11 =	simm.s32 $0x3;
	s12 =	simm.s32 $0x5;
	s16 =	simm.s32 $0xB0  }
0x1f: {  	s19 =	simm.s32 $0x0;
	[dreg:$0xf] =	wrdreg s10;
	s10 =	sshrl.u32 s22, $0x3  }
0x20: {  	s24 =	sadd.s32 s10, s6;
	s23 =	sadd.s32 s10, s5;
	s10 =	simm.s32 $0x9078  }
0x21: {  	v0 =	vimm.f32 $0.0e+00;
	[dreg:$0x5] =	wrdreg s24;
	s24 =	sadd.s32 $0x648, s1;
	s1 =	simm.s32 $0x9290  }
.LBB2_1:
.Ltmp0:
0x22: {  	(pc) =	sbr.rel @p0 .LBB2_3-.Ltmp0, $4  }
0x23: {  	_ = 	snop  }
0x24: {  	s14 =	stileid.u32  }
0x25: {  	s15 =	rddreg [dreg:$0x8];
	s14 =	sshll.u32 s14, $0x6  }
0x26: {  	s20 =	sshrl.u32 s15, $0x3;
	s21 =	sor.u32 $0x1C07, s14  }
.Ltmp1:
0x27: {  	s14 =	rddreg [dreg:$0x9];
	(pc) =	sbr.rel .LBB2_6-.Ltmp1, $4  }
0x28: {  	[spmem:s20], [sflag:s21] =	dma.local [hbm:s14], $0xA00  }
0x29: {  	_ =	swait.ge [sflag:s25], $0xA00  }
0x2a: {  	[sflag:s25] =	ssyncset.done $0x0  }
0x2b: {  	[sflag:s25] =	ssyncadd.s32 $0xFFFFF600  }
.LBB2_3:
0x2c: {  	s14 =	simm.s32 $0x80;
	s15 =	simm.s32 $0x0  }
.LBB2_4:
0x2d: {  	p1 =	sne.s32 s14, $0x10B80;
	[tilespmem:s15+$0x430] =	vst v0;
	s22 =	smov.u32 s14;
	s14 =	sadd.s32 $0x80, s14  }
.Ltmp2:
0x2e: {  	[tilespmem:s15+$0x440] =	vst v0;
	(pc) =	sbr.rel @p1 .LBB2_4-.Ltmp2, $2  }
0x2f: {  	_ =	sdelay $0x2  }
0x30: {  	s15 =	sshra.s32 s22, $0x2  }
0x31: {  	[tilespmem:s15+$0x430] =	vst v0  }
0x32: {  	[tilespmem:s15+$0x440] =	vst v0;
	s14 =	rddreg [dreg:$0x6]  }
0x33: {  	[spmem:s14] =	stream.linear.scatter [tilespmem:s28], [sflag:$0x7], $0x4300, $0x38;
	[tilespmem:$0x12850] =	vst v63  }
0x34: {  	_ =	swait.ge [sflag:s25], $0x4300  }
0x35: {  	[sflag:s25] =	ssyncset.done $0x0  }
0x36: {  	s22 =	rddreg [dreg:$0x7];
	[sflag:s25] =	ssyncadd.s32 $0xFFFFBD00  }
0x37: {  	[spmem:s22] =	stream.linear.scatter [tilespmem:s28], [sflag:$0x7], $0xD00, $0x38;
	[tilespmem:$0x12850] =	vst v63  }
0x38: {  	_ =	swait.ge [sflag:s25], $0xD00  }
0x39: {  	[sflag:s25] =	ssyncset.done $0x0  }
0x3a: {  	[sflag:s25] =	ssyncadd.s32 $0xFFFFF300  }
.LBB2_6:
0x3b: {  	[bflag:$0x0] =	sbarrier.arrive $0xFFFF  }
0x3c: {  	s14 =	simm.s32 $0x0;
	s15 =	rddreg [dreg:$0xa]  }
0x3d: {  	[tilespmem:s14], [sflag:$0x7] =	stream.linear.gather [hbm4b:s15+s14], $0x218, $0x38;
	[tilespmem:$0x12850] =	vst v63  }
0x3e: {  	_ =	swait.ge [sflag:s25], $0x218  }
0x3f: {  	[sflag:s25] =	ssyncset.done $0x0  }
0x40: {  	s22 =	rddreg [dreg:$0xb];
	[sflag:s25] =	ssyncadd.s32 $0xFFFFFDE8  }
0x41: {  	[tilespmem:s26], [sflag:$0x7] =	stream.linear.gather [hbm4b:s22+s14], $0x218, $0x38;
	[tilespmem:$0x12850] =	vst v63  }
0x42: {  	_ =	swait.ge [sflag:s25], $0x218  }
0x43: {  	[sflag:s25] =	ssyncset.done $0x0  }
0x44: {  	[sflag:s25] =	ssyncadd.s32 $0xFFFFFDE8  }
0x45: {  	[tilespmem:s28], [sflag:$0x1] =	stream.indirect.gather [hbm4b:s4+s26], $0x20, s14, s26, $0xb8;
	[tilespmem:$0x12850] =	vst v63  }
0x46: {  	s17 =	rddreg [dreg:$0xc]  }
0x47: {  	[tilespmem:s29], [sflag:$0x7] =	stream.linear.gather [hbm4b:s17+s14], $0x218, $0x38;
	[tilespmem:$0x12850] =	vst v63  }
0x48: {  	_ =	swait.ge [sflag:s25], $0x218  }
0x49: {  	[sflag:s25] =	ssyncset.done $0x0  }
0x4a: {  	s18 =	rddreg [dreg:$0xd];
	[sflag:s25] =	ssyncadd.s32 $0xFFFFFDE8  }
0x4b: {  	[tilespmem:s30], [sflag:$0x7] =	stream.linear.gather [hbm4b:s18+s14], $0x218, $0x38;
	[tilespmem:$0x12850] =	vst v63  }
0x4c: {  	_ =	swait.ge [sflag:s25], $0x218  }
0x4d: {  	[sflag:s25] =	ssyncset.done $0x0  }
0x4e: {  	[sflag:s25] =	ssyncadd.s32 $0xFFFFFDE8  }
0x4f: {  	[tilespmem:s31], [sflag:$0x2] =	stream.indirect.gather [hbm4b:s4+s26], $0x20, s29, s26, $0xb8;
	[tilespmem:$0x12850] =	vst v63  }
0x50: {  	_ =	swait.ge [sflag:s0], $0x4300  }
0x51: {  	[sflag:s0] =	ssyncset.done $0x0  }
0x52: {  	[sflag:s0] =	ssyncadd.s32 $0xFFFFBD00  }
0x53: {  	[spmem:s2] =	stream.indirect.scatter.add.f32 [tilespmem:s28], [sflag:$0x4], $0x20, s26, s26, $0xb8;
	[tilespmem:$0x12850] =	vst v63  }
0x54: {  	s22 =	rddreg [dreg:$0xe]  }
0x55: {  	[tilespmem:s8], [sflag:$0x7] =	stream.linear.gather [hbm4b:s22+s14], $0x218, $0x38;
	[tilespmem:$0x12850] =	vst v63  }
0x56: {  	_ =	swait.ge [sflag:s25], $0x218  }
0x57: {  	[sflag:s25] =	ssyncset.done $0x0  }
0x58: {  	s17 =	rddreg [dreg:$0xf];
	[sflag:s25] =	ssyncadd.s32 $0xFFFFFDE8  }
0x59: {  	[tilespmem:s10], [sflag:$0x7] =	stream.linear.gather [hbm4b:s17+s14], $0x218, $0x38;
	[tilespmem:$0x12850] =	vst v63  }
0x5a: {  	_ =	swait.ge [sflag:s25], $0x218  }
0x5b: {  	[sflag:s25] =	ssyncset.done $0x0  }
0x5c: {  	[sflag:s25] =	ssyncadd.s32 $0xFFFFFDE8  }
0x5d: {  	[tilespmem:s1], [sflag:$0x3] =	stream.indirect.gather [hbm4b:s4+s26], $0x20, s8, s26, $0xb8;
	[tilespmem:$0x12850] =	vst v63  }
0x5e: {  	_ =	swait.ge [sflag:s7], $0x4300  }
0x5f: {  	[sflag:s7] =	ssyncset.done $0x0  }
0x60: {  	[sflag:s7] =	ssyncadd.s32 $0xFFFFBD00  }
0x61: {  	[spmem:s2] =	stream.indirect.scatter.add.f32 [tilespmem:s31], [sflag:$0x5], $0x20, s30, s26, $0xb8;
	[tilespmem:$0x12850] =	vst v63  }
0x62: {  	_ =	swait.ge [sflag:s9], $0x4300  }
0x63: {  	s18 =	sshrl.u32 s24, $0x3;
	[sflag:s9] =	ssyncset.done $0x0  }
0x64: {  	s22 =	sadd.s32 s5, s18;
	[sflag:s9] =	ssyncadd.s32 $0xFFFFBD00  }
0x65: {  	[tilespmem:s3], [sflag:$0x7] =	stream.linear.gather [hbm4b:s22+s3], $0x218, $0x38;
	[tilespmem:$0x12850] =	vst v63  }
0x66: {  	_ =	swait.ge [sflag:s25], $0x218  }
0x67: {  	[sflag:s25] =	ssyncset.done $0x0  }
0x68: {  	s14 =	sadd.s32 s6, s18;
	[sflag:s25] =	ssyncadd.s32 $0xFFFFFDE8  }
0x69: {  	[tilespmem:s26], [sflag:$0x7] =	stream.linear.gather [hbm4b:s14+s3], $0x218, $0x38;
	[tilespmem:$0x12850] =	vst v63  }
0x6a: {  	_ =	swait.ge [sflag:s25], $0x218  }
0x6b: {  	[sflag:s25] =	ssyncset.done $0x0  }
0x6c: {  	[sflag:s25] =	ssyncadd.s32 $0xFFFFFDE8  }
0x6d: {  	[tilespmem:s28], [sflag:$0x1] =	stream.indirect.gather [hbm4b:s4+s26], $0x20, s3, s26, $0xb8;
	[tilespmem:$0x12850] =	vst v63  }
0x6e: {  	_ =	swait.ge [sflag:s11], $0x4300  }
0x6f: {  	[sflag:s11] =	ssyncset.done $0x0  }
0x70: {  	[sflag:s11] =	ssyncadd.s32 $0xFFFFBD00  }
0x71: {  	[spmem:s2] =	stream.indirect.scatter.add.f32 [tilespmem:s1], [sflag:$0x6], $0x20, s10, s26, $0xb8;
	[tilespmem:$0x12850] =	vst v63  }
0x72: {  	_ =	swait.ge [sflag:s12], $0x4300  }
0x73: {  	[sflag:s12] =	ssyncset.done $0x0  }
0x74: {  	s15 =	sadd.s32 $0x0, s23;
	[sflag:s12] =	ssyncadd.s32 $0xFFFFBD00  }
0x75: {  	[tilespmem:s29], [sflag:$0x7] =	stream.linear.gather [hbm4b:s15+s3], $0x218, $0x38;
	[tilespmem:$0x12850] =	vst v63  }
0x76: {  	_ =	swait.ge [sflag:s25], $0x218  }
0x77: {  	s17 =	rddreg [dreg:$0x5];
	[sflag:s25] =	ssyncset.done $0x0  }
0x78: {  	[sflag:s25] =	ssyncadd.s32 $0xFFFFFDE8;
	s14 =	sadd.s32 $0x0, s17  }
0x79: {  	[tilespmem:s30], [sflag:$0x7] =	stream.linear.gather [hbm4b:s14+s3], $0x218, $0x38;
	[tilespmem:$0x12850] =	vst v63  }
0x7a: {  	_ =	swait.ge [sflag:s25], $0x218  }
0x7b: {  	[sflag:s25] =	ssyncset.done $0x0  }
0x7c: {  	[sflag:s25] =	ssyncadd.s32 $0xFFFFFDE8  }
0x7d: {  	[tilespmem:s31], [sflag:$0x2] =	stream.indirect.gather [hbm4b:s4+s26], $0x20, s29, s26, $0xb8;
	[tilespmem:$0x12850] =	vst v63  }
0x7e: {  	_ =	swait.ge [sflag:s0], $0x4300  }
0x7f: {  	[sflag:s0] =	ssyncset.done $0x0  }
0x80: {  	[sflag:s0] =	ssyncadd.s32 $0xFFFFBD00  }
0x81: {  	[spmem:s2] =	stream.indirect.scatter.add.f32 [tilespmem:s28], [sflag:$0x4], $0x20, s26, s26, $0xb8;
	[tilespmem:$0x12850] =	vst v63  }
0x82: {  	_ =	swait.ge [sflag:s13], $0x4300  }
0x83: {  	s18 =	rddreg [dreg:$0x4];
	[sflag:s13] =	ssyncset.done $0x0  }
0x84: {  	[sflag:s13] =	ssyncadd.s32 $0xFFFFBD00;
	s14 =	sadd.s32 $0x0, s18  }
0x85: {  	[tilespmem:s8], [sflag:$0x7] =	stream.linear.gather [hbm4b:s14+s3], $0x218, $0x38;
	[tilespmem:$0x12850] =	vst v63  }
0x86: {  	_ =	swait.ge [sflag:s25], $0x218  }
0x87: {  	s22 =	rddreg [dreg:$0x3];
	[sflag:s25] =	ssyncset.done $0x0  }
0x88: {  	[sflag:s25] =	ssyncadd.s32 $0xFFFFFDE8;
	s14 =	sadd.s32 $0x0, s22  }
0x89: {  	[tilespmem:s10], [sflag:$0x7] =	stream.linear.gather [hbm4b:s14+s3], $0x218, $0x38;
	[tilespmem:$0x12850] =	vst v63  }
0x8a: {  	_ =	swait.ge [sflag:s25], $0x218  }
0x8b: {  	[sflag:s25] =	ssyncset.done $0x0  }
0x8c: {  	[sflag:s25] =	ssyncadd.s32 $0xFFFFFDE8  }
0x8d: {  	[tilespmem:s1], [sflag:$0x3] =	stream.indirect.gather [hbm4b:s4+s26], $0x20, s8, s26, $0xb8;
	[tilespmem:$0x12850] =	vst v63  }
0x8e: {  	_ =	swait.ge [sflag:s7], $0x4300  }
0x8f: {  	[sflag:s7] =	ssyncset.done $0x0  }
0x90: {  	s22 =	simm.s32 $0xC9;
	s14 =	sadd.s32 $0x648, s24;
	[sflag:s7] =	ssyncadd.s32 $0xFFFFBD00  }
.LBB2_7:
0x91: {  	[spmem:s2] =	stream.indirect.scatter.add.f32 [tilespmem:s31], [sflag:$0x5], $0x20, s30, s26, $0xb8;
	[tilespmem:$0x12850] =	vst v63  }
0x92: {  	_ =	swait.ge [sflag:s9], $0x4300  }
0x93: {  	s17 =	sshrl.u32 s14, $0x3;
	[sflag:s9] =	ssyncset.done $0x0  }
0x94: {  	s18 =	sadd.s32 s5, s17;
	[sflag:s9] =	ssyncadd.s32 $0xFFFFBD00  }
0x95: {  	[tilespmem:s3], [sflag:$0x7] =	stream.linear.gather [hbm4b:s18+s3], $0x218, $0x38;
	[tilespmem:$0x12850] =	vst v63  }
0x96: {  	_ =	swait.ge [sflag:s25], $0x218  }
0x97: {  	[sflag:s25] =	ssyncset.done $0x0  }
0x98: {  	s17 =	sadd.s32 s6, s17;
	[sflag:s25] =	ssyncadd.s32 $0xFFFFFDE8  }
0x99: {  	[tilespmem:s26], [sflag:$0x7] =	stream.linear.gather [hbm4b:s17+s3], $0x218, $0x38;
	[tilespmem:$0x12850] =	vst v63  }
0x9a: {  	_ =	swait.ge [sflag:s25], $0x218  }
0x9b: {  	[sflag:s25] =	ssyncset.done $0x0  }
0x9c: {  	[sflag:s25] =	ssyncadd.s32 $0xFFFFFDE8  }
0x9d: {  	[tilespmem:s28], [sflag:$0x1] =	stream.indirect.gather [hbm4b:s4+s26], $0x20, s3, s26, $0xb8;
	[tilespmem:$0x12850] =	vst v63  }
0x9e: {  	_ =	swait.ge [sflag:s11], $0x4300  }
0x9f: {  	[sflag:s11] =	ssyncset.done $0x0  }
0xa0: {  	[sflag:s11] =	ssyncadd.s32 $0xFFFFBD00  }
0xa1: {  	[spmem:s2] =	stream.indirect.scatter.add.f32 [tilespmem:s1], [sflag:$0x6], $0x20, s10, s26, $0xb8;
	[tilespmem:$0x12850] =	vst v63  }
0xa2: {  	_ =	swait.ge [sflag:s12], $0x4300  }
0xa3: {  	s15 =	smov.u32 s22;
	[sflag:s12] =	ssyncset.done $0x0  }
0xa4: {  	s18 =	sadd.s32 s15, s23;
	[sflag:s12] =	ssyncadd.s32 $0xFFFFBD00  }
0xa5: {  	[tilespmem:s29], [sflag:$0x7] =	stream.linear.gather [hbm4b:s18+s3], $0x218, $0x38;
	[tilespmem:$0x12850] =	vst v63  }
0xa6: {  	_ =	swait.ge [sflag:s25], $0x218  }
0xa7: {  	s18 =	rddreg [dreg:$0x5];
	[sflag:s25] =	ssyncset.done $0x0  }
0xa8: {  	[sflag:s25] =	ssyncadd.s32 $0xFFFFFDE8;
	s17 =	sadd.s32 s15, s18  }
0xa9: {  	[tilespmem:s30], [sflag:$0x7] =	stream.linear.gather [hbm4b:s17+s3], $0x218, $0x38;
	[tilespmem:$0x12850] =	vst v63  }
0xaa: {  	_ =	swait.ge [sflag:s25], $0x218  }
0xab: {  	[sflag:s25] =	ssyncset.done $0x0  }
0xac: {  	[sflag:s25] =	ssyncadd.s32 $0xFFFFFDE8  }
0xad: {  	[tilespmem:s31], [sflag:$0x2] =	stream.indirect.gather [hbm4b:s4+s26], $0x20, s29, s26, $0xb8;
	[tilespmem:$0x12850] =	vst v63  }
0xae: {  	_ =	swait.ge [sflag:s0], $0x4300  }
0xaf: {  	[sflag:s0] =	ssyncset.done $0x0  }
0xb0: {  	[sflag:s0] =	ssyncadd.s32 $0xFFFFBD00  }
0xb1: {  	[spmem:s2] =	stream.indirect.scatter.add.f32 [tilespmem:s28], [sflag:$0x4], $0x20, s26, s26, $0xb8;
	[tilespmem:$0x12850] =	vst v63  }
0xb2: {  	_ =	swait.ge [sflag:s13], $0x4300  }
0xb3: {  	s18 =	rddreg [dreg:$0x4];
	[sflag:s13] =	ssyncset.done $0x0  }
0xb4: {  	[sflag:s13] =	ssyncadd.s32 $0xFFFFBD00;
	s17 =	sadd.s32 s15, s18  }
0xb5: {  	[tilespmem:s8], [sflag:$0x7] =	stream.linear.gather [hbm4b:s17+s3], $0x218, $0x38;
	[tilespmem:$0x12850] =	vst v63  }
0xb6: {  	_ =	swait.ge [sflag:s25], $0x218  }
0xb7: {  	s18 =	rddreg [dreg:$0x3];
	[sflag:s25] =	ssyncset.done $0x0  }
0xb8: {  	[sflag:s25] =	ssyncadd.s32 $0xFFFFFDE8;
	s15 =	sadd.s32 s15, s18  }
0xb9: {  	[tilespmem:s10], [sflag:$0x7] =	stream.linear.gather [hbm4b:s15+s3], $0x218, $0x38;
	[tilespmem:$0x12850] =	vst v63  }
0xba: {  	_ =	swait.ge [sflag:s25], $0x218  }
0xbb: {  	p1 =	sne.s32 s22, $0x324;
	[sflag:s25] =	ssyncset.done $0x0  }
.Ltmp3:
0xbc: {  	[sflag:s25] =	ssyncadd.s32 $0xFFFFFDE8;
	(pc) =	sbr.rel @p1 .LBB2_7-.Ltmp3, $4  }
0xbd: {  	[tilespmem:s1], [sflag:$0x3] =	stream.indirect.gather [hbm4b:s4+s26], $0x20, s8, s26, $0xb8;
	[tilespmem:$0x12850] =	vst v63  }
0xbe: {  	_ =	swait.ge [sflag:s7], $0x4300  }
0xbf: {  	[sflag:s7] =	ssyncset.done $0x0  }
0xc0: {  	s22 =	sadd.s32 $0xC9, s22;
	s14 =	sadd.s32 $0x648, s14;
	[sflag:s7] =	ssyncadd.s32 $0xFFFFBD00  }
0xc1: {  	[spmem:s2] =	stream.indirect.scatter.add.f32 [tilespmem:s31], [sflag:$0x5], $0x20, s30, s26, $0xb8;
	[tilespmem:$0x12850] =	vst v63  }
0xc2: {  	_ =	swait.ge [sflag:s11], $0x4300  }
0xc3: {  	[sflag:s11] =	ssyncset.done $0x0  }
0xc4: {  	[sflag:s11] =	ssyncadd.s32 $0xFFFFBD00  }
0xc5: {  	[spmem:s2] =	stream.indirect.scatter.add.f32 [tilespmem:s1], [sflag:$0x6], $0x20, s10, s26, $0xb8;
	[tilespmem:$0x12850] =	vst v63  }
0xc6: {  	_ =	swait.ge [sflag:s9], $0x4300  }
0xc7: {  	[sflag:s9] =	ssyncset.done $0x0  }
0xc8: {  	[sflag:s9] =	ssyncadd.s32 $0xFFFFBD00  }
0xc9: {  	_ =	swait.ge [sflag:s12], $0x4300  }
0xca: {  	[sflag:s12] =	ssyncset.done $0x0  }
0xcb: {  	[sflag:s12] =	ssyncadd.s32 $0xFFFFBD00  }
0xcc: {  	_ =	swait.ge [sflag:s13], $0x4300  }
0xcd: {  	[sflag:s13] =	ssyncset.done $0x0  }
0xce: {  	s15 =	simm.s32 $0xD590;
	s14 =	rddreg [dreg:$0x10];
	[sflag:s13] =	ssyncadd.s32 $0xFFFFBD00  }
0xcf: {  	[tilespmem:s15], [sflag:$0x7] =	stream.linear.gather [hbm4b:s14+s3], $0xB0, $0x38;
	[tilespmem:$0x12850] =	vst v63  }
0xd0: {  	_ =	swait.ge [sflag:s25], $0xB0  }
0xd1: {  	[sflag:s25] =	ssyncset.done $0x0  }
0xd2: {  	s17 =	simm.s32 $0xD6F0;
	s22 =	rddreg [dreg:$0x11];
	[sflag:s25] =	ssyncadd.s32 $0xFFFFFF50  }
0xd3: {  	[tilespmem:s17], [sflag:$0x7] =	stream.linear.gather [hbm4b:s22+s3], $0xB0, $0x38;
	[tilespmem:$0x12850] =	vst v63  }
0xd4: {  	_ =	swait.ge [sflag:s25], $0xB0  }
0xd5: {  	[sflag:s25] =	ssyncset.done $0x0  }
0xd6: {  	[sflag:s25] =	ssyncadd.s32 $0xFFFFFF50  }
0xd7: {  	[tilespmem:s28], [sflag:$0x1] =	stream.indirect.gather [hbm4b:s4+s16], $0x20, s15, s16, $0xb8;
	[tilespmem:$0x12850] =	vst v63  }
0xd8: {  	_ =	swait.ge [sflag:s0], $0x1600  }
0xd9: {  	[sflag:s0] =	ssyncset.done $0x0  }
0xda: {  	[sflag:s0] =	ssyncadd.s32 $0xFFFFEA00  }
0xdb: {  	[spmem:s2] =	stream.indirect.scatter.add.f32 [tilespmem:s28], [sflag:$0x7], $0x20, s17, s16, $0xb8;
	[tilespmem:$0x12850] =	vst v63  }
0xdc: {  	_ =	swait.ge [sflag:s25], $0x1600  }
0xdd: {  	[sflag:s25] =	ssyncset.done $0x0  }
0xde: {  	s17 =	simm.s32 $0xD640;
	s15 =	rddreg [dreg:$0x12];
	[sflag:s25] =	ssyncadd.s32 $0xFFFFEA00  }
0xdf: {  	[tilespmem:s17], [sflag:$0x7] =	stream.linear.gather [hbm4b:s15+s3], $0xB0, $0x38;
	[tilespmem:$0x12850] =	vst v63  }
0xe0: {  	_ =	swait.ge [sflag:s25], $0xB0  }
0xe1: {  	[sflag:s25] =	ssyncset.done $0x0  }
0xe2: {  	s22 =	simm.s32 $0xD7A0;
	s18 =	rddreg [dreg:$0x13];
	[sflag:s25] =	ssyncadd.s32 $0xFFFFFF50  }
0xe3: {  	[tilespmem:s22], [sflag:$0x7] =	stream.linear.gather [hbm4b:s18+s3], $0xB0, $0x38;
	[tilespmem:$0x12850] =	vst v63  }
0xe4: {  	_ =	swait.ge [sflag:s25], $0xB0  }
0xe5: {  	[sflag:s25] =	ssyncset.done $0x0  }
0xe6: {  	[sflag:s25] =	ssyncadd.s32 $0xFFFFFF50  }
0xe7: {  	[tilespmem:s31], [sflag:$0x1] =	stream.indirect.gather [hbm4b:s4+s16], $0x20, s17, s16, $0xb8;
	[tilespmem:$0x12850] =	vst v63  }
0xe8: {  	_ =	swait.ge [sflag:s0], $0x1600  }
0xe9: {  	[sflag:s0] =	ssyncset.done $0x0  }
0xea: {  	[sflag:s0] =	ssyncadd.s32 $0xFFFFEA00  }
0xeb: {  	[spmem:s2] =	stream.indirect.scatter.add.f32 [tilespmem:s31], [sflag:$0x7], $0x20, s22, s16, $0xb8;
	[tilespmem:$0x12850] =	vst v63  }
0xec: {  	_ =	swait.ge [sflag:s25], $0x1600  }
0xed: {  	[sflag:s25] =	ssyncset.done $0x0  }
0xee: {  	[sflag:s25] =	ssyncadd.s32 $0xFFFFEA00  }
0xef: {  	[bflag:$0x0] =	sbarrier.arrive $0xFFFF  }
0xf0: {  	s18 =	rddreg [dreg:$0x15]  }
0xf1: {  	[hbm:s18], [sflag:s21] =	dma.local [spmem:s20], $0xA00  }
0xf2: {  	_ =	swait.ge [sflag:s25], $0xA00  }
0xf3: {  	s19 =	sadd.s32 $0x1, s19;
	s22 =	rddreg [dreg:$0x14]  }
0xf4: {  	p1 =	sne.s32 s19, s22  }
.Ltmp4:
0xf5: {  	_ = 	snop;
	(pc) =	sbr.rel @p1 .LBB2_1-.Ltmp4, $3  }
0xf6: {  	_ =	sdelay $0x1  }
0xf7: {  	[sflag:s25] =	ssyncset.done $0x0  }
0xf8: {  	[sflag:s25] =	ssyncadd.s32 $0xFFFFF600  }
0xf9: {  	_ =	sfence.sel $0x180000  }
0xfa: {  	[bflag:$0x0] =	sbarrier.arrive $0xFFFF  }
0xfb: {  	_ =	strace $0x9000004D  }
0xfc: {  	s0 =	stileid.u32;
	[bflag:$0x2] =	sbarrier.arrive $0xFFFF  }
0xfd: {  	p0 =	sne.s32 s0, $0x0;
	s0 =	rddreg [dreg:$0x2]  }
0xfe: {  	s0 =	sadd.s32 @!p0 $0x100000, s0  }
0xff: {  	[sflag:s0] =	ssyncadd.tile.s32 @!p0 $0x1;
	_ =	shalt  }
.Lfunc_end2:
_tile_overlayer_lowered:
.L_overlay_start_2:
0x100: {  	(tag) =	ssettag $0x2  }
0x101: {  	s0 =	rddreg [dreg:$0x0];
	s2 =	stileid.u32  }
0x102: {  	s1 =	rddreg [dreg:$0x1];
	p0 =	sne.s32 s2, $0x0  }
0x103: {  	s3 =	rddreg [dreg:$0x2];
	[bflag:$0x3] =	sbarrier.arrive $0xFFFF;
	s2 =	simm.s32 @!p0 $0x1C07  }
0x104: {  	[timem:s3], [sflag:s2] =	dma.local @!p0 [hbm:s0], s1  }
0x105: {  	s0 =	simm.s32 @!p0 $0x7  }
0x106: {  	_ =	swait.ge @!p0 [sflag:s0], s1  }
0x107: {  	s1 =	ssub.s32 @!p0 $0x0, s1;
	[sflag:s0] =	ssyncset.done @!p0 $0x0  }
0x108: {  	[sflag:s0] =	ssyncadd.s32 @!p0 s1  }
0x109: {  	[bflag:$0x3] =	sbarrier.arrive $0xFFFF  }
0x10a: {  	_ =	shalt  }

// kernel: kernel.21.cloned.1.call-start
scs
__scs_entry_jumppad:
0x0: {  	(pc) =	sbr.rel $0x88, $3  }
0x1: {  	(tag) =	ssettag $0x0;
	lr =	simm.s32 $0x1  }
0x2: {  	[smem:$0x3F91] =	sst lr;
	_ =	strace $0xD0000000  }
0x3: {  	_ = 	snop  }
0x4: {  	_ = 	snop  }
0x5: {  	_ = 	snop  }
0x6: {  	_ = 	snop  }
0x7: {  	_ = 	snop  }
__scs_overlays_trampoline_lowered:
0x8: {  	[smem:$0x3FA0] =	sst s0  }
0x9: {  	[smem:$0x3FA1] =	sst s1  }
0xa: {  	[smem:$0x3FA2] =	sst s2  }
0xb: {  	[smem:$0x3FA3] =	sst s3  }
0xc: {  	[smem:$0x3FA4] =	sst s4  }
0xd: {  	[smem:$0x3FA5] =	sst s5  }
0xe: {  	[smem:$0x3FA6] =	sst s6  }
0xf: {  	[smem:$0x3FA7] =	sst s7  }
0x10: {  	[smem:$0x3FA8] =	sst s8  }
0x11: {  	[smem:$0x3FA9] =	sst s9;
	s0 =	simm.s32 @!p0 $0x0  }
0x12: {  	s1 =	sld [smem:$0x3F8F];
	s0 =	simm.s32 @p0 $0x1  }
0x13: {  	[smem:$0x3FAA] =	sst s0;
	s0 =	simm.s32 @!p1 $0x0  }
0x14: {  	s2 =	sld [smem:$0x3F8E];
	s0 =	simm.s32 @p1 $0x1  }
0x15: {  	[smem:$0x3FAB] =	sst s0;
	s0 =	simm.s32 @!p2 $0x0  }
0x16: {  	s3 =	sld [smem:$0x3FDB];
	s0 =	simm.s32 @p2 $0x1  }
0x17: {  	s4 =	simm.s32 $0x1BF5;
	[smem:$0x3FAD] =	sst s0  }
0x18: {  	s0 =	sld [smem:$0x3F90];
	_ =	swait.ge [sflag:s4], $0x0  }
0x19: {  	s7 =	sld [smem:$0x3F91]  }
0x1a: {  	s8 =	sadd.s32 $0xFFFFE003, lr  }
0x1b: {  	s9 =	sadd.s32 $0xFFFFFEF7, lr;
	s5 =	simm.s32 $0xFFFFFFFF;
	p2 =	slt.u32 s8, $0xFFFFF086  }
0x1c: {  	p1 =	slt.u32 s9, $0xF7A;
	s5 =	simm.s32 @!p2 $0x0  }
0x1d: {  	s5 =	simm.s32 @p1 $0x1;
	p0 =	seq.s32 s7, s2  }
0x1e: {  	s7 =	smul.u32 @!p0 $0xF7A, s2;
	p2 =	seq.s32 @!p0 s5, $0x0  }
0x1f: {  	s9 =	smul.u32 $0xF7A, s1;
	s8 =	simm.s32 @!p0 $0x1BF5;
	p2 =	por !p2, p0  }
0x20: {  	[sflag:s8] =	ssyncset.s32 @!p0 $0xFFFFF086;
	s6 =	sadd.s32 @!p0 s3, s7;
	s7 =	simm.s32 @!p0 $0x108  }
0x21: {  	s3 =	sadd.s32 s3, s9;
	s6 =	sadd.s32 @!p0 $0x88, s6;
	s7 =	simm.s32 @p2 $0x1082  }
0x22: {  	[simem:s7], [sflag:s8] =	dma.local @!p0 [hbm:s6], $0xF7A  }
0x23: {  	s9 =	sor.u32 $0xD0000000, s2;
	s6 =	simm.s32 $0x108;
	_ =	swait.ge @!p0 [sflag:s8], $0x0  }
0x24: {  	s3 =	sadd.s32 $0x88, s3;
	s6 =	simm.s32 @!p1 $0x1082;
	[sflag:s4] =	ssyncset.s32 $0xFFFFF086  }
0x25: {  	[simem:s6], [sflag:s4] =	dma.local [hbm:s3], $0xF7A  }
0x26: {  	[smem:$0x3F91] =	sst s1;
	(tag) =	ssettag s2;
	_ =	strace s9  }
0x27: {  	s1 =	sld [smem:$0x3FA1]  }
0x28: {  	s2 =	sld [smem:$0x3FA2]  }
0x29: {  	s4 =	sld [smem:$0x3FA4]  }
0x2a: {  	p0 =	seq.s32 s5, $0x0;
	s5 =	sld [smem:$0x3FA5]  }
0x2b: {  	s6 =	sld [smem:$0x3FA6]  }
0x2c: {  	s7 =	sld [smem:$0x3FA7]  }
0x2d: {  	s3 =	simm.s32 $0x108;
	s8 =	sld [smem:$0x3FA8]  }
0x2e: {  	s3 =	simm.s32 @!p0 $0x1082;
	s9 =	sld [smem:$0x3FA9]  }
0x2f: {  	lr =	sadd.s32 s0, s3;
	s0 =	sld [smem:$0x3FA0]  }
0x30: {  	s3 =	sld [smem:$0x3FA3]  }
0x31: {  	[smem:$0x3FAC] =	sst s10  }
0x32: {  	s10 =	sld [smem:$0x3FAA];
	_ =	sdelay $0x3  }
0x33: {  	p0 =	seq.s32 s10, $0x1;
	s10 =	sld [smem:$0x3FAC];
	_ =	sdelay $0x3  }
0x34: {  	[smem:$0x3FAC] =	sst s10  }
0x35: {  	s10 =	sld [smem:$0x3FAB];
	_ =	sdelay $0x3  }
0x36: {  	p1 =	seq.s32 s10, $0x1;
	s10 =	sld [smem:$0x3FAC];
	_ =	sdelay $0x3  }
0x37: {  	[smem:$0x3FAC] =	sst s10  }
0x38: {  	s10 =	sld [smem:$0x3FAD]  }
0x39: {  	_ = 	snop;
	(pc) =	sbr.ind lr, $3  }
0x3a: {  	_ = 	snop  }
0x3b: {  	_ = 	snop  }
0x3c: {  	p2 =	seq.s32 s10, $0x1;
	s10 =	sld [smem:$0x3FAC]  }
0x3d: {  	_ =	shalt  }
0x3e: {  	_ =	shalt  }
0x3f: {  	_ =	shalt  }
0x40: {  	_ =	shalt  }
0x41: {  	_ =	shalt  }
0x42: {  	_ =	shalt  }
0x43: {  	_ =	shalt  }
0x44: {  	_ =	shalt  }
0x45: {  	_ =	shalt  }
0x46: {  	_ =	shalt  }
0x47: {  	_ =	shalt  }
0x48: {  	_ =	shalt  }
0x49: {  	_ =	shalt  }
0x4a: {  	_ =	shalt  }
0x4b: {  	_ =	shalt  }
0x4c: {  	_ =	shalt  }
0x4d: {  	_ =	shalt  }
0x4e: {  	_ =	shalt  }
0x4f: {  	_ =	shalt  }
0x50: {  	_ =	shalt  }
0x51: {  	_ =	shalt  }
0x52: {  	_ =	shalt  }
0x53: {  	_ =	shalt  }
0x54: {  	_ =	shalt  }
0x55: {  	_ =	shalt  }
0x56: {  	_ =	shalt  }
0x57: {  	_ =	shalt  }
0x58: {  	_ =	shalt  }
0x59: {  	_ =	shalt  }
0x5a: {  	_ =	shalt  }
0x5b: {  	_ =	shalt  }
0x5c: {  	_ =	shalt  }
0x5d: {  	_ =	shalt  }
0x5e: {  	_ =	shalt  }
0x5f: {  	_ =	shalt  }
0x60: {  	_ =	shalt  }
0x61: {  	_ =	shalt  }
0x62: {  	_ =	shalt  }
0x63: {  	_ =	shalt  }
0x64: {  	_ =	shalt  }
0x65: {  	_ =	shalt  }
0x66: {  	_ =	shalt  }
0x67: {  	_ =	shalt  }
0x68: {  	_ =	shalt  }
0x69: {  	_ =	shalt  }
0x6a: {  	_ =	shalt  }
0x6b: {  	_ =	shalt  }
0x6c: {  	_ =	shalt  }
0x6d: {  	_ =	shalt  }
0x6e: {  	_ =	shalt  }
0x6f: {  	_ =	shalt  }
0x70: {  	_ =	shalt  }
0x71: {  	_ =	shalt  }
0x72: {  	_ =	shalt  }
0x73: {  	_ =	shalt  }
0x74: {  	_ =	shalt  }
0x75: {  	_ =	shalt  }
0x76: {  	_ =	shalt  }
0x77: {  	_ =	shalt  }
0x78: {  	_ =	shalt  }
0x79: {  	_ =	shalt  }
0x7a: {  	_ =	shalt  }
0x7b: {  	_ =	shalt  }
0x7c: {  	_ =	shalt  }
0x7d: {  	_ =	shalt  }
0x7e: {  	_ =	shalt  }
0x7f: {  	_ =	shalt  }
0x80: {  	_ =	shalt  }
0x81: {  	_ =	shalt  }
0x82: {  	_ =	shalt  }
0x83: {  	_ =	shalt  }
0x84: {  	_ =	shalt  }
0x85: {  	_ =	shalt  }
0x86: {  	_ =	shalt  }
0x87: {  	_ =	shalt  }
.Lfunc_end0:
.L_simem_size_0:
called_computation.3_lowered:
.L_overlay_start_0:
0x88: {  	s2 =	sld [smem:$0x3FD9]  }
0x89: {  	s3 =	sld [smem:$0x3FFE];
	_ =	sdelay $0x1  }
0x8a: {  	s1 =	srdreg.scid  }
0x8b: {  	s0 =	sand.u32 $0x1, s1  }
0x8c: {  	s16 =	sshll.u32 s0, $0xA;
	s2 =	sadd.s32 s3, s2  }
0x8d: {  	s2 =	sadd.s32 s2, s16  }
0x8e: {  	[smem:$0x3FB8] =	sst s2  }
0x8f: {  	_ = 	snop  }
0x90: {  	(tm) =	ssettm $0x1  }
0x91: {  	s17 =	sld [smem:$0x3FFB];
	_ =	sdelay $0x3  }
0x92: {  	_ =	strace s17  }
0x93: {  	s2 =	sld [smem:$0x3FFC];
	_ =	sdelay $0x3  }
0x94: {  	_ =	strace s2  }
0x95: {  	s2 =	sld [smem:$0x3FFD];
	_ =	sdelay $0x3  }
0x96: {  	_ =	strace s2  }
0x97: {  	_ =	strace $0x8FFFFFFF  }
0x98: {  	s18 =	sld [smem:$0x3FDB];
	_ =	sdelay $0x1  }
0x99: {  	s19 =	simm.s32 $_scs_section_size  }
0x9a: {  	s4 =	simm.s32 $_size__tile_overlayer_lowered;
	s5 =	simm.s32 $_tile_overlayer_lowered  }
0x9b: {  	s22 =	simm.s32 $0x1BFF;
	s21 =	sshll.u32 s5, $0x1;
	s2 =	sadd.s32 s19, s18  }
0x9c: {  	s6 =	simm.s32 $0x0;
	s20 =	sshll.u32 s4, $0x1;
	s4 =	sadd.s32 s21, s2  }
0x9d: {  	[timem:s6], [sflag:s22] =	dma.local [hbm:s4], s20  }
0x9e: {  	_ =	swait.ge [sflag:s22], s20  }
0x9f: {  	s3 =	ssub.s32 $0x0, s20;
	[sflag:s22] =	ssyncset.done $0x0  }
0xa0: {  	[sflag:s22] =	ssyncadd.s32 s3;
	_ =	sdelay $0x1  }
0xa1: {  	s23 =	simm.s32 $0x1B8B  }
0xa2: {  	_ =	swait.ge [sflag:s23], $0x1  }
0xa3: {  	[sflag:s23] =	ssyncset.done $0x0  }
0xa4: {  	s25 =	simm.s32 $0x1B8E;
	s24 =	sld [smem:$0x3FFE];
	[sflag:s23] =	ssyncadd.s32 $0xFFFFFFFF  }
0xa5: {  	s26 =	simm.s32 $execute0_lowered;
	[smem:$0x3FD2] =	sst s25  }
0xa6: {  	s4 =	sshll.u32 s26, $0x1;
	_ =	strace $0x8000004F;
	[dreg:$0x1] =	wrdreg $0xFFFFFFFF  }
0xa7: {  	s28 =	simm.s32 $_size_execute0_lowered;
	s2 =	sadd.s32 s2, s4;
	[dreg:$0x0] =	wrdreg $0x0  }
0xa8: {  	s4 =	sshll.u32 s28, $0x1;
	[dreg:$0x2] =	wrdreg s2  }
0xa9: {  	[dreg:$0x3] =	wrdreg s4  }
0xaa: {  	[dreg:$0x4] =	wrdreg $0xC0  }
0xab: {  	_ =	task [dreg:s6], $0x5FFFF  }
0xac: {  	[dreg:$0x1] =	wrdreg $0xFFFFFFFF  }
0xad: {  	[dreg:$0x0] =	wrdreg $0x60  }
0xae: {  	[dreg:$0x2] =	wrdreg s24  }
0xaf: {  	[dreg:$0x3] =	wrdreg $0xD4000  }
0xb0: {  	[dreg:$0x4] =	wrdreg $0x9  }
0xb1: {  	_ =	task.clear_ibuf [dreg:s6], $0x5FFFF;
	_ =	strace $0x9000004F  }
0xb2: {  	s29 =	simm.s32 $0x9;
	_ =	strace $0x80000051  }
0xb3: {  	_ =	swait.ge [sflag:s29], $0x1  }
0xb4: {  	[sflag:s29] =	ssyncadd.s32 $0xFFFFFFFF  }
0xb5: {  	_ =	strace $0x90000051  }
0xb6: {  	_ =	sfence  }
0xb7: {  	s30 =	sld [smem:$0x0];
	_ =	sdelay $0x2  }
0xb8: {  	s31 =	sshll.u32 s1, $0xD;
	s1 =	sshrl.u32 s1, $0x2  }
0xb9: {  	s3 =	sand.u32 $0x4000, s31;
	s1 =	sadd.s32 s1, s30  }
0xba: {  	s0 =	sor.u32 s3, s0;
	s1 =	sshll.u32 s1, $0x11  }
0xbb: {  	s0 =	sor.u32 s1, s0  }
0xbc: {  	s0 =	sadd.s32 $0x8F2B, s0  }
0xbd: {  	[sflag:s0] =	ssyncadd.remote.s32 $0x1  }
0xbe: {  	_ =	sfence.sel $0xFFFF  }
0xbf: {  	[dreg:$0x0] =	wrdreg $0xFFFFFFFF;
	(pc) =	sbr.abs _section_cstart, $3  }
0xc0: {  	[dreg:$0x1] =	wrdreg $0xFFFFFFFF  }
0xc1: {  	_ =	task.clear_ibuf [dreg:s6], $0x2FFFF;
	_ =	strace $0x9FFFFFFF  }
0xc2: {  	(tm) =	ssettm $0x7FFFFFFF  }
0xc3: {  	_ =	shalt  }
tec
execute0_lowered:
.L_overlay_start_1:
0x0: {  	(tag) =	ssettag $0x1  }
0x1: {  	s0 =	rddreg [dreg:$0x0]  }
0x2: {  	s2 =	rddreg [dreg:$0x1]  }
0x3: {  	s3 =	simm.s32 $0x0;
	s13 =	stileid.u32;
	s7 =	srdreg.scid  }
0x4: {  	s28 =	simm.s32 $0x110;
	s29 =	simm.s32 $0x220;
	s30 =	simm.s32 $0x4620  }
0x5: {  	s31 =	simm.s32 $0x4730;
	[smem:$0x7FF] =	sst s3;
	s1 =	smul.u32 $0xA000, s13  }
0x6: {  	s4 =	sadd.s32 $0x16C00, s0;
	s5 =	sadd.s32 $0x3000, s0;
	s6 =	sadd.s32 $0xCE00, s0  }
0x7: {  	s7 =	sand.u32 $0x1, s7;
	s10 =	sshll.u32 s13, $0x1;
	s11 =	smul.u32 $0x28000, s13  }
0x8: {  	s13 =	smul.u32 $0x4E20, s13;
	_ =	strace $0x80000050;
	p0 =	seq.s32 s7, $0x0  }
0x9: {  	s10 =	sor.u32 s7, s10;
	s19 =	ssub.s32 $0x2, s7;
	s21 =	smul.u32 $0x2710, s7  }
0xa: {  	s8 =	sshrl.u32 s1, $0x3;
	s10 =	smul.u32 $0x2710, s10;
	s12 =	sshrl.u32 s19, $0x1  }
0xb: {  	s11 =	sshrl.u32 s11, $0x2;
	s1 =	sadd.s32 s1, s2;
	s9 =	sadd.s32 $0x14000, s8  }
0xc: {  	s20 =	sadd.s32 s11, s2;
	[dreg:$0x9] =	wrdreg s1;
	s22 =	sadd.s32 s4, s8  }
0xd: {  	s9 =	smov.u32 @p0 s8;
	s14 =	sadd.s32 $0x4400, s20;
	[dreg:$0x6] =	wrdreg s20  }
0xe: {  	[dreg:$0xa] =	wrdreg s22;
	s23 =	sshrl.u32 s10, $0x3;
	s8 =	sadd.s32 s21, s13  }
0xf: {  	s10 =	sadd.s32 $0x26A8, s10;
	p0 =	sne.s32 s7, $0x0;
	s0 =	sadd.s32 s9, s0  }
0x10: {  	s9 =	ssub.s32 s19, s12;
	[dreg:$0x7] =	wrdreg s14;
	s12 =	sadd.s32 $0x8800, s20  }
0x11: {  	s7 =	simm.s32 $0x2;
	s24 =	sadd.s32 s5, s23;
	[dreg:$0x8] =	wrdreg s12  }
0x12: {  	s25 =	sadd.s32 $0x22, s23;
	s14 =	sadd.s32 s6, s23;
	[dreg:$0xb] =	wrdreg s24  }
0x13: {  	s13 =	simm.s32 $0x5;
	[dreg:$0xc] =	wrdreg s14;
	s15 =	sadd.s32 s5, s25  }
0x14: {  	s16 =	sadd.s32 $0x44, s23;
	s11 =	sadd.s32 s6, s25;
	[dreg:$0xd] =	wrdreg s15  }
0x15: {  	s1 =	sadd.s32 $0x4C8, s23;
	s18 =	sadd.s32 s5, s16;
	[dreg:$0xe] =	wrdreg s11  }
0x16: {  	s26 =	sadd.s32 $0x550, s8;
	s23 =	sadd.s32 s5, s1;
	[dreg:$0xf] =	wrdreg s18  }
0x17: {  	s19 =	sadd.s32 $0x440, s8;
	s1 =	sadd.s32 s6, s1;
	[dreg:$0x11] =	wrdreg s23  }
0x18: {  	s12 =	sshrl.u32 s26, $0x3;
	s26 =	smax.u32 s9, $0x1;
	[dreg:$0x12] =	wrdreg s1  }
0x19: {  	s21 =	sshrl.u32 s19, $0x3;
	s0 =	sadd.s32 $0x2AC00, s0;
	[dreg:$0x15] =	wrdreg s26  }
0x1a: {  	s24 =	sshrl.u32 s10, $0x3;
	s17 =	sadd.s32 s12, s6;
	[dreg:$0x16] =	wrdreg s0  }
0x1b: {  	s9 =	simm.s32 $0x8C40;
	s11 =	sadd.s32 s6, s16;
	[dreg:$0x3] =	wrdreg s17  }
0x1c: {  	s10 =	simm.s32 $0x4;
	s20 =	sadd.s32 s12, s5;
	[dreg:$0x10] =	wrdreg s11  }
0x1d: {  	s14 =	simm.s32 $0x6;
	s22 =	sadd.s32 s21, s6;
	[dreg:$0x4] =	wrdreg s20  }
0x1e: {  	s25 =	sadd.s32 s5, s24;
	s1 =	sadd.s32 s6, s24;
	[dreg:$0x5] =	wrdreg s22  }
0x1f: {  	s24 =	sadd.s32 s21, s5;
	s26 =	simm.s32 $0x7;
	[dreg:$0x13] =	wrdreg s25  }
0x20: {  	s0 =	simm.s32 $0x4840;
	s12 =	simm.s32 $0x3;
	[dreg:$0x14] =	wrdreg s1  }
0x21: {  	s25 =	sadd.s32 $0x330, s8;
	s8 =	simm.s32 $0x1;
	s11 =	simm.s32 $0x8D50  }
0x22: {  	v0 =	vimm.f32 $0.0e+00;
	s1 =	simm.s32 $0x8E60;
	s17 =	simm.s32 $0x68;
	s20 =	simm.s32 $0x0  }
.LBB2_1:
.Ltmp0:
0x23: {  	(pc) =	sbr.rel @p0 .LBB2_3-.Ltmp0, $4  }
0x24: {  	_ = 	snop  }
0x25: {  	s15 =	stileid.u32  }
0x26: {  	s16 =	rddreg [dreg:$0x9];
	s15 =	sshll.u32 s15, $0x6  }
0x27: {  	s21 =	sshrl.u32 s16, $0x3;
	s22 =	sor.u32 $0x1C07, s15  }
.Ltmp1:
0x28: {  	s15 =	rddreg [dreg:$0xa];
	(pc) =	sbr.rel .LBB2_6-.Ltmp1, $4  }
0x29: {  	[spmem:s21], [sflag:s22] =	dma.local [hbm:s15], $0x1400  }
0x2a: {  	_ =	swait.ge [sflag:s26], $0x1400  }
0x2b: {  	[sflag:s26] =	ssyncset.done $0x0  }
0x2c: {  	[sflag:s26] =	ssyncadd.s32 $0xFFFFEC00  }
.LBB2_3:
0x2d: {  	s16 =	simm.s32 $0x100;
	s15 =	simm.s32 $0x0  }
.LBB2_4:
0x2e: {  	p1 =	sne.s32 s16, $0x10F00;
	[tilespmem:s15+$0x250] =	vst v0;
	s23 =	smov.u32 s16;
	s16 =	sadd.s32 $0x100, s16  }
.Ltmp2:
0x2f: {  	[tilespmem:s15+$0x240] =	vst v0;
	(pc) =	sbr.rel @p1 .LBB2_4-.Ltmp2, $3  }
0x30: {  	[tilespmem:s15+$0x220] =	vst v0  }
0x31: {  	[tilespmem:s15+$0x230] =	vst v0;
	_ =	sdelay $0x1  }
0x32: {  	s15 =	sshra.s32 s23, $0x2  }
0x33: {  	[tilespmem:s15+$0x250] =	vst v0  }
0x34: {  	[tilespmem:s15+$0x240] =	vst v0  }
0x35: {  	[tilespmem:s15+$0x220] =	vst v0  }
0x36: {  	[tilespmem:s15+$0x230] =	vst v0;
	s18 =	rddreg [dreg:$0x6]  }
0x37: {  	[spmem:s18] =	stream.linear.scatter [tilespmem:s29], [sflag:$0x7], $0x4400, $0x38;
	[tilespmem:$0x17400] =	vst v63  }
0x38: {  	_ =	swait.ge [sflag:s26], $0x4400  }
0x39: {  	[sflag:s26] =	ssyncset.done $0x0  }
0x3a: {  	s19 =	rddreg [dreg:$0x7];
	[sflag:s26] =	ssyncadd.s32 $0xFFFFBC00  }
0x3b: {  	[spmem:s19] =	stream.linear.scatter [tilespmem:s29], [sflag:$0x7], $0x4400, $0x38;
	[tilespmem:$0x17400] =	vst v63  }
0x3c: {  	_ =	swait.ge [sflag:s26], $0x4400  }
0x3d: {  	[sflag:s26] =	ssyncset.done $0x0  }
0x3e: {  	s23 =	rddreg [dreg:$0x8];
	[sflag:s26] =	ssyncadd.s32 $0xFFFFBC00  }
0x3f: {  	[spmem:s23] =	stream.linear.scatter [tilespmem:s29], [sflag:$0x7], $0x1800, $0x38;
	[tilespmem:$0x17400] =	vst v63  }
0x40: {  	_ =	swait.ge [sflag:s26], $0x1800  }
0x41: {  	[sflag:s26] =	ssyncset.done $0x0  }
0x42: {  	[sflag:s26] =	ssyncadd.s32 $0xFFFFE800  }
.LBB2_6:
0x43: {  	[bflag:$0x0] =	sbarrier.arrive $0xFFFF  }
0x44: {  	s15 =	simm.s32 $0x0;
	s16 =	rddreg [dreg:$0xb]  }
0x45: {  	[tilespmem:s15], [sflag:$0x7] =	stream.linear.gather [hbm4b:s16+s15], $0x110, $0x38;
	[tilespmem:$0x17400] =	vst v63  }
0x46: {  	_ =	swait.ge [sflag:s26], $0x110  }
0x47: {  	[sflag:s26] =	ssyncset.done $0x0  }
0x48: {  	s23 =	rddreg [dreg:$0xc];
	[sflag:s26] =	ssyncadd.s32 $0xFFFFFEF0  }
0x49: {  	[tilespmem:s28], [sflag:$0x7] =	stream.linear.gather [hbm4b:s23+s15], $0x110, $0x38;
	[tilespmem:$0x17400] =	vst v63  }
0x4a: {  	_ =	swait.ge [sflag:s26], $0x110  }
0x4b: {  	[sflag:s26] =	ssyncset.done $0x0  }
0x4c: {  	[sflag:s26] =	ssyncadd.s32 $0xFFFFFEF0  }
0x4d: {  	[tilespmem:s29], [sflag:$0x1] =	stream.indirect.gather [hbm4b:s4+s28], $0x40, s15, s28, $0xb8;
	[tilespmem:$0x17400] =	vst v63  }
0x4e: {  	s18 =	rddreg [dreg:$0xd]  }
0x4f: {  	[tilespmem:s30], [sflag:$0x7] =	stream.linear.gather [hbm4b:s18+s15], $0x110, $0x38;
	[tilespmem:$0x17400] =	vst v63  }
0x50: {  	_ =	swait.ge [sflag:s26], $0x110  }
0x51: {  	[sflag:s26] =	ssyncset.done $0x0  }
0x52: {  	s19 =	rddreg [dreg:$0xe];
	[sflag:s26] =	ssyncadd.s32 $0xFFFFFEF0  }
0x53: {  	[tilespmem:s31], [sflag:$0x7] =	stream.linear.gather [hbm4b:s19+s15], $0x110, $0x38;
	[tilespmem:$0x17400] =	vst v63  }
0x54: {  	_ =	swait.ge [sflag:s26], $0x110  }
0x55: {  	[sflag:s26] =	ssyncset.done $0x0  }
0x56: {  	[sflag:s26] =	ssyncadd.s32 $0xFFFFFEF0  }
0x57: {  	[tilespmem:s0], [sflag:$0x2] =	stream.indirect.gather [hbm4b:s4+s28], $0x40, s30, s28, $0xb8;
	[tilespmem:$0x17400] =	vst v63  }
0x58: {  	_ =	swait.ge [sflag:s8], $0x4400  }
0x59: {  	[sflag:s8] =	ssyncset.done $0x0  }
0x5a: {  	[sflag:s8] =	ssyncadd.s32 $0xFFFFBC00  }
0x5b: {  	[spmem:s2] =	stream.indirect.scatter.add.f32 [tilespmem:s29], [sflag:$0x4], $0x40, s28, s28, $0xb8;
	[tilespmem:$0x17400] =	vst v63  }
0x5c: {  	s23 =	rddreg [dreg:$0xf]  }
0x5d: {  	[tilespmem:s9], [sflag:$0x7] =	stream.linear.gather [hbm4b:s23+s15], $0x110, $0x38;
	[tilespmem:$0x17400] =	vst v63  }
0x5e: {  	_ =	swait.ge [sflag:s26], $0x110  }
0x5f: {  	[sflag:s26] =	ssyncset.done $0x0  }
0x60: {  	s18 =	rddreg [dreg:$0x10];
	[sflag:s26] =	ssyncadd.s32 $0xFFFFFEF0  }
0x61: {  	[tilespmem:s11], [sflag:$0x7] =	stream.linear.gather [hbm4b:s18+s15], $0x110, $0x38;
	[tilespmem:$0x17400] =	vst v63  }
0x62: {  	_ =	swait.ge [sflag:s26], $0x110  }
0x63: {  	[sflag:s26] =	ssyncset.done $0x0  }
0x64: {  	[sflag:s26] =	ssyncadd.s32 $0xFFFFFEF0  }
0x65: {  	[tilespmem:s1], [sflag:$0x3] =	stream.indirect.gather [hbm4b:s4+s28], $0x40, s9, s28, $0xb8;
	[tilespmem:$0x17400] =	vst v63  }
0x66: {  	_ =	swait.ge [sflag:s7], $0x4400  }
0x67: {  	[sflag:s7] =	ssyncset.done $0x0  }
0x68: {  	[sflag:s7] =	ssyncadd.s32 $0xFFFFBC00  }
0x69: {  	[spmem:s2] =	stream.indirect.scatter.add.f32 [tilespmem:s0], [sflag:$0x5], $0x40, s31, s28, $0xb8;
	[tilespmem:$0x17400] =	vst v63  }
0x6a: {  	_ =	swait.ge [sflag:s10], $0x4400  }
0x6b: {  	s19 =	sshrl.u32 s25, $0x3;
	[sflag:s10] =	ssyncset.done $0x0  }
0x6c: {  	s23 =	sadd.s32 s5, s19;
	[sflag:s10] =	ssyncadd.s32 $0xFFFFBC00  }
0x6d: {  	[tilespmem:s3], [sflag:$0x7] =	stream.linear.gather [hbm4b:s23+s3], $0x110, $0x38;
	[tilespmem:$0x17400] =	vst v63  }
0x6e: {  	_ =	swait.ge [sflag:s26], $0x110  }
0x6f: {  	[sflag:s26] =	ssyncset.done $0x0  }
0x70: {  	s15 =	sadd.s32 s6, s19;
	[sflag:s26] =	ssyncadd.s32 $0xFFFFFEF0  }
0x71: {  	[tilespmem:s28], [sflag:$0x7] =	stream.linear.gather [hbm4b:s15+s3], $0x110, $0x38;
	[tilespmem:$0x17400] =	vst v63  }
0x72: {  	_ =	swait.ge [sflag:s26], $0x110  }
0x73: {  	[sflag:s26] =	ssyncset.done $0x0  }
0x74: {  	[sflag:s26] =	ssyncadd.s32 $0xFFFFFEF0  }
0x75: {  	[tilespmem:s29], [sflag:$0x1] =	stream.indirect.gather [hbm4b:s4+s28], $0x40, s3, s28, $0xb8;
	[tilespmem:$0x17400] =	vst v63  }
0x76: {  	_ =	swait.ge [sflag:s12], $0x4400  }
0x77: {  	[sflag:s12] =	ssyncset.done $0x0  }
0x78: {  	[sflag:s12] =	ssyncadd.s32 $0xFFFFBC00  }
0x79: {  	[spmem:s2] =	stream.indirect.scatter.add.f32 [tilespmem:s1], [sflag:$0x6], $0x40, s11, s28, $0xb8;
	[tilespmem:$0x17400] =	vst v63  }
0x7a: {  	_ =	swait.ge [sflag:s13], $0x4400  }
0x7b: {  	[sflag:s13] =	ssyncset.done $0x0  }
0x7c: {  	s16 =	sadd.s32 $0x0, s24;
	[sflag:s13] =	ssyncadd.s32 $0xFFFFBC00  }
0x7d: {  	[tilespmem:s30], [sflag:$0x7] =	stream.linear.gather [hbm4b:s16+s3], $0x110, $0x38;
	[tilespmem:$0x17400] =	vst v63  }
0x7e: {  	_ =	swait.ge [sflag:s26], $0x110  }
0x7f: {  	s18 =	rddreg [dreg:$0x5];
	[sflag:s26] =	ssyncset.done $0x0  }
0x80: {  	[sflag:s26] =	ssyncadd.s32 $0xFFFFFEF0;
	s15 =	sadd.s32 $0x0, s18  }
0x81: {  	[tilespmem:s31], [sflag:$0x7] =	stream.linear.gather [hbm4b:s15+s3], $0x110, $0x38;
	[tilespmem:$0x17400] =	vst v63  }
0x82: {  	_ =	swait.ge [sflag:s26], $0x110  }
0x83: {  	[sflag:s26] =	ssyncset.done $0x0  }
0x84: {  	[sflag:s26] =	ssyncadd.s32 $0xFFFFFEF0  }
0x85: {  	[tilespmem:s0], [sflag:$0x2] =	stream.indirect.gather [hbm4b:s4+s28], $0x40, s30, s28, $0xb8;
	[tilespmem:$0x17400] =	vst v63  }
0x86: {  	_ =	swait.ge [sflag:s8], $0x4400  }
0x87: {  	[sflag:s8] =	ssyncset.done $0x0  }
0x88: {  	[sflag:s8] =	ssyncadd.s32 $0xFFFFBC00  }
0x89: {  	[spmem:s2] =	stream.indirect.scatter.add.f32 [tilespmem:s29], [sflag:$0x4], $0x40, s28, s28, $0xb8;
	[tilespmem:$0x17400] =	vst v63  }
0x8a: {  	_ =	swait.ge [sflag:s14], $0x4400  }
0x8b: {  	s19 =	rddreg [dreg:$0x4];
	[sflag:s14] =	ssyncset.done $0x0  }
0x8c: {  	[sflag:s14] =	ssyncadd.s32 $0xFFFFBC00;
	s15 =	sadd.s32 $0x0, s19  }
0x8d: {  	[tilespmem:s9], [sflag:$0x7] =	stream.linear.gather [hbm4b:s15+s3], $0x110, $0x38;
	[tilespmem:$0x17400] =	vst v63  }
0x8e: {  	_ =	swait.ge [sflag:s26], $0x110  }
0x8f: {  	s23 =	rddreg [dreg:$0x3];
	[sflag:s26] =	ssyncset.done $0x0  }
0x90: {  	[sflag:s26] =	ssyncadd.s32 $0xFFFFFEF0;
	s15 =	sadd.s32 $0x0, s23  }
0x91: {  	[tilespmem:s11], [sflag:$0x7] =	stream.linear.gather [hbm4b:s15+s3], $0x110, $0x38;
	[tilespmem:$0x17400] =	vst v63  }
0x92: {  	_ =	swait.ge [sflag:s26], $0x110  }
0x93: {  	[sflag:s26] =	ssyncset.done $0x0  }
0x94: {  	[sflag:s26] =	ssyncadd.s32 $0xFFFFFEF0  }
0x95: {  	[tilespmem:s1], [sflag:$0x3] =	stream.indirect.gather [hbm4b:s4+s28], $0x40, s9, s28, $0xb8;
	[tilespmem:$0x17400] =	vst v63  }
0x96: {  	_ =	swait.ge [sflag:s7], $0x4400  }
0x97: {  	[sflag:s7] =	ssyncset.done $0x0  }
0x98: {  	s23 =	simm.s32 $0x66;
	s15 =	sadd.s32 $0x330, s25;
	[sflag:s7] =	ssyncadd.s32 $0xFFFFBC00  }
.LBB2_7:
0x99: {  	[spmem:s2] =	stream.indirect.scatter.add.f32 [tilespmem:s0], [sflag:$0x5], $0x40, s31, s28, $0xb8;
	[tilespmem:$0x17400] =	vst v63  }
0x9a: {  	_ =	swait.ge [sflag:s10], $0x4400  }
0x9b: {  	s18 =	sshrl.u32 s15, $0x3;
	[sflag:s10] =	ssyncset.done $0x0  }
0x9c: {  	s19 =	sadd.s32 s5, s18;
	[sflag:s10] =	ssyncadd.s32 $0xFFFFBC00  }
0x9d: {  	[tilespmem:s3], [sflag:$0x7] =	stream.linear.gather [hbm4b:s19+s3], $0x110, $0x38;
	[tilespmem:$0x17400] =	vst v63  }
0x9e: {  	_ =	swait.ge [sflag:s26], $0x110  }
0x9f: {  	[sflag:s26] =	ssyncset.done $0x0  }
0xa0: {  	s18 =	sadd.s32 s6, s18;
	[sflag:s26] =	ssyncadd.s32 $0xFFFFFEF0  }
0xa1: {  	[tilespmem:s28], [sflag:$0x7] =	stream.linear.gather [hbm4b:s18+s3], $0x110, $0x38;
	[tilespmem:$0x17400] =	vst v63  }
0xa2: {  	_ =	swait.ge [sflag:s26], $0x110  }
0xa3: {  	[sflag:s26] =	ssyncset.done $0x0  }
0xa4: {  	[sflag:s26] =	ssyncadd.s32 $0xFFFFFEF0  }
0xa5: {  	[tilespmem:s29], [sflag:$0x1] =	stream.indirect.gather [hbm4b:s4+s28], $0x40, s3, s28, $0xb8;
	[tilespmem:$0x17400] =	vst v63  }
0xa6: {  	_ =	swait.ge [sflag:s12], $0x4400  }
0xa7: {  	[sflag:s12] =	ssyncset.done $0x0  }
0xa8: {  	[sflag:s12] =	ssyncadd.s32 $0xFFFFBC00  }
0xa9: {  	[spmem:s2] =	stream.indirect.scatter.add.f32 [tilespmem:s1], [sflag:$0x6], $0x40, s11, s28, $0xb8;
	[tilespmem:$0x17400] =	vst v63  }
0xaa: {  	_ =	swait.ge [sflag:s13], $0x4400  }
0xab: {  	s16 =	smov.u32 s23;
	[sflag:s13] =	ssyncset.done $0x0  }
0xac: {  	s19 =	sadd.s32 s16, s24;
	[sflag:s13] =	ssyncadd.s32 $0xFFFFBC00  }
0xad: {  	[tilespmem:s30], [sflag:$0x7] =	stream.linear.gather [hbm4b:s19+s3], $0x110, $0x38;
	[tilespmem:$0x17400] =	vst v63  }
0xae: {  	_ =	swait.ge [sflag:s26], $0x110  }
0xaf: {  	s19 =	rddreg [dreg:$0x5];
	[sflag:s26] =	ssyncset.done $0x0  }
0xb0: {  	[sflag:s26] =	ssyncadd.s32 $0xFFFFFEF0;
	s18 =	sadd.s32 s16, s19  }
0xb1: {  	[tilespmem:s31], [sflag:$0x7] =	stream.linear.gather [hbm4b:s18+s3], $0x110, $0x38;
	[tilespmem:$0x17400] =	vst v63  }
0xb2: {  	_ =	swait.ge [sflag:s26], $0x110  }
0xb3: {  	[sflag:s26] =	ssyncset.done $0x0  }
0xb4: {  	[sflag:s26] =	ssyncadd.s32 $0xFFFFFEF0  }
0xb5: {  	[tilespmem:s0], [sflag:$0x2] =	stream.indirect.gather [hbm4b:s4+s28], $0x40, s30, s28, $0xb8;
	[tilespmem:$0x17400] =	vst v63  }
0xb6: {  	_ =	swait.ge [sflag:s8], $0x4400  }
0xb7: {  	[sflag:s8] =	ssyncset.done $0x0  }
0xb8: {  	[sflag:s8] =	ssyncadd.s32 $0xFFFFBC00  }
0xb9: {  	[spmem:s2] =	stream.indirect.scatter.add.f32 [tilespmem:s29], [sflag:$0x4], $0x40, s28, s28, $0xb8;
	[tilespmem:$0x17400] =	vst v63  }
0xba: {  	_ =	swait.ge [sflag:s14], $0x4400  }
0xbb: {  	s19 =	rddreg [dreg:$0x4];
	[sflag:s14] =	ssyncset.done $0x0  }
0xbc: {  	[sflag:s14] =	ssyncadd.s32 $0xFFFFBC00;
	s18 =	sadd.s32 s16, s19  }
0xbd: {  	[tilespmem:s9], [sflag:$0x7] =	stream.linear.gather [hbm4b:s18+s3], $0x110, $0x38;
	[tilespmem:$0x17400] =	vst v63  }
0xbe: {  	_ =	swait.ge [sflag:s26], $0x110  }
0xbf: {  	s19 =	rddreg [dreg:$0x3];
	[sflag:s26] =	ssyncset.done $0x0  }
0xc0: {  	[sflag:s26] =	ssyncadd.s32 $0xFFFFFEF0;
	s16 =	sadd.s32 s16, s19  }
0xc1: {  	[tilespmem:s11], [sflag:$0x7] =	stream.linear.gather [hbm4b:s16+s3], $0x110, $0x38;
	[tilespmem:$0x17400] =	vst v63  }
0xc2: {  	_ =	swait.ge [sflag:s26], $0x110  }
0xc3: {  	p1 =	sne.s32 s23, $0x3FC;
	[sflag:s26] =	ssyncset.done $0x0  }
.Ltmp3:
0xc4: {  	[sflag:s26] =	ssyncadd.s32 $0xFFFFFEF0;
	(pc) =	sbr.rel @p1 .LBB2_7-.Ltmp3, $4  }
0xc5: {  	[tilespmem:s1], [sflag:$0x3] =	stream.indirect.gather [hbm4b:s4+s28], $0x40, s9, s28, $0xb8;
	[tilespmem:$0x17400] =	vst v63  }
0xc6: {  	_ =	swait.ge [sflag:s7], $0x4400  }
0xc7: {  	[sflag:s7] =	ssyncset.done $0x0  }
0xc8: {  	s23 =	sadd.s32 $0x66, s23;
	s15 =	sadd.s32 $0x330, s15;
	[sflag:s7] =	ssyncadd.s32 $0xFFFFBC00  }
0xc9: {  	[spmem:s2] =	stream.indirect.scatter.add.f32 [tilespmem:s0], [sflag:$0x5], $0x40, s31, s28, $0xb8;
	[tilespmem:$0x17400] =	vst v63  }
0xca: {  	_ =	swait.ge [sflag:s12], $0x4400  }
0xcb: {  	[sflag:s12] =	ssyncset.done $0x0  }
0xcc: {  	[sflag:s12] =	ssyncadd.s32 $0xFFFFBC00  }
0xcd: {  	[spmem:s2] =	stream.indirect.scatter.add.f32 [tilespmem:s1], [sflag:$0x6], $0x40, s11, s28, $0xb8;
	[tilespmem:$0x17400] =	vst v63  }
0xce: {  	_ =	swait.ge [sflag:s10], $0x4400  }
0xcf: {  	[sflag:s10] =	ssyncset.done $0x0  }
0xd0: {  	[sflag:s10] =	ssyncadd.s32 $0xFFFFBC00  }
0xd1: {  	_ =	swait.ge [sflag:s13], $0x4400  }
0xd2: {  	[sflag:s13] =	ssyncset.done $0x0  }
0xd3: {  	[sflag:s13] =	ssyncadd.s32 $0xFFFFBC00  }
0xd4: {  	_ =	swait.ge [sflag:s14], $0x4400  }
0xd5: {  	[sflag:s14] =	ssyncset.done $0x0  }
0xd6: {  	s16 =	simm.s32 $0xD260;
	s15 =	rddreg [dreg:$0x11];
	[sflag:s14] =	ssyncadd.s32 $0xFFFFBC00  }
0xd7: {  	[tilespmem:s16], [sflag:$0x7] =	stream.linear.gather [hbm4b:s15+s3], $0x68, $0x38;
	[tilespmem:$0x17400] =	vst v63  }
0xd8: {  	_ =	swait.ge [sflag:s26], $0x68  }
0xd9: {  	[sflag:s26] =	ssyncset.done $0x0  }
0xda: {  	s18 =	simm.s32 $0xD330;
	s23 =	rddreg [dreg:$0x12];
	[sflag:s26] =	ssyncadd.s32 $0xFFFFFF98  }
0xdb: {  	[tilespmem:s18], [sflag:$0x7] =	stream.linear.gather [hbm4b:s23+s3], $0x68, $0x38;
	[tilespmem:$0x17400] =	vst v63  }
0xdc: {  	_ =	swait.ge [sflag:s26], $0x68  }
0xdd: {  	[sflag:s26] =	ssyncset.done $0x0  }
0xde: {  	[sflag:s26] =	ssyncadd.s32 $0xFFFFFF98  }
0xdf: {  	[tilespmem:s29], [sflag:$0x1] =	stream.indirect.gather [hbm4b:s4+s17], $0x40, s16, s17, $0xb8;
	[tilespmem:$0x17400] =	vst v63  }
0xe0: {  	_ =	swait.ge [sflag:s8], $0x1A00  }
0xe1: {  	[sflag:s8] =	ssyncset.done $0x0  }
0xe2: {  	[sflag:s8] =	ssyncadd.s32 $0xFFFFE600  }
0xe3: {  	[spmem:s2] =	stream.indirect.scatter.add.f32 [tilespmem:s29], [sflag:$0x7], $0x40, s18, s17, $0xb8;
	[tilespmem:$0x17400] =	vst v63  }
0xe4: {  	_ =	swait.ge [sflag:s26], $0x1A00  }
0xe5: {  	[sflag:s26] =	ssyncset.done $0x0  }
0xe6: {  	s18 =	simm.s32 $0xD2C8;
	s16 =	rddreg [dreg:$0x13];
	[sflag:s26] =	ssyncadd.s32 $0xFFFFE600  }
0xe7: {  	[tilespmem:s18], [sflag:$0x7] =	stream.linear.gather [hbm4b:s16+s3], $0x68, $0x38;
	[tilespmem:$0x17400] =	vst v63  }
0xe8: {  	_ =	swait.ge [sflag:s26], $0x68  }
0xe9: {  	[sflag:s26] =	ssyncset.done $0x0  }
0xea: {  	s23 =	simm.s32 $0xD398;
	s19 =	rddreg [dreg:$0x14];
	[sflag:s26] =	ssyncadd.s32 $0xFFFFFF98  }
0xeb: {  	[tilespmem:s23], [sflag:$0x7] =	stream.linear.gather [hbm4b:s19+s3], $0x68, $0x38;
	[tilespmem:$0x17400] =	vst v63  }
0xec: {  	_ =	swait.ge [sflag:s26], $0x68  }
0xed: {  	[sflag:s26] =	ssyncset.done $0x0  }
0xee: {  	[sflag:s26] =	ssyncadd.s32 $0xFFFFFF98  }
0xef: {  	[tilespmem:s0], [sflag:$0x1] =	stream.indirect.gather [hbm4b:s4+s17], $0x40, s18, s17, $0xb8;
	[tilespmem:$0x17400] =	vst v63  }
0xf0: {  	_ =	swait.ge [sflag:s8], $0x1A00  }
0xf1: {  	[sflag:s8] =	ssyncset.done $0x0  }
0xf2: {  	[sflag:s8] =	ssyncadd.s32 $0xFFFFE600  }
0xf3: {  	[spmem:s2] =	stream.indirect.scatter.add.f32 [tilespmem:s0], [sflag:$0x7], $0x40, s23, s17, $0xb8;
	[tilespmem:$0x17400] =	vst v63  }
0xf4: {  	_ =	swait.ge [sflag:s26], $0x1A00  }
0xf5: {  	[sflag:s26] =	ssyncset.done $0x0  }
0xf6: {  	[sflag:s26] =	ssyncadd.s32 $0xFFFFE600  }
0xf7: {  	[bflag:$0x0] =	sbarrier.arrive $0xFFFF  }
0xf8: {  	s19 =	rddreg [dreg:$0x16]  }
0xf9: {  	[hbm:s19], [sflag:s22] =	dma.local [spmem:s21], $0x1400  }
0xfa: {  	_ =	swait.ge [sflag:s26], $0x1400  }
0xfb: {  	s20 =	sadd.s32 $0x1, s20;
	s23 =	rddreg [dreg:$0x15]  }
0xfc: {  	p1 =	sne.s32 s20, s23  }
.Ltmp4:
0xfd: {  	_ = 	snop;
	(pc) =	sbr.rel @p1 .LBB2_1-.Ltmp4, $3  }
0xfe: {  	_ =	sdelay $0x1  }
0xff: {  	[sflag:s26] =	ssyncset.done $0x0  }
0x100: {  	[sflag:s26] =	ssyncadd.s32 $0xFFFFEC00  }
0x101: {  	_ =	sfence.sel $0x180000  }
0x102: {  	[bflag:$0x0] =	sbarrier.arrive $0xFFFF  }
0x103: {  	_ =	strace $0x90000050  }
0x104: {  	s0 =	stileid.u32;
	[bflag:$0x2] =	sbarrier.arrive $0xFFFF  }
0x105: {  	p0 =	sne.s32 s0, $0x0;
	s0 =	rddreg [dreg:$0x2]  }
0x106: {  	s0 =	sadd.s32 @!p0 $0x100000, s0  }
0x107: {  	[sflag:s0] =	ssyncadd.tile.s32 @!p0 $0x1;
	_ =	shalt  }
.Lfunc_end2:
_tile_overlayer_lowered:
.L_overlay_start_2:
0x108: {  	(tag) =	ssettag $0x2  }
0x109: {  	s0 =	rddreg [dreg:$0x0];
	s2 =	stileid.u32  }
0x10a: {  	s1 =	rddreg [dreg:$0x1];
	p0 =	sne.s32 s2, $0x0  }
0x10b: {  	s3 =	rddreg [dreg:$0x2];
	[bflag:$0x3] =	sbarrier.arrive $0xFFFF;
	s2 =	simm.s32 @!p0 $0x1C07  }
0x10c: {  	[timem:s3], [sflag:s2] =	dma.local @!p0 [hbm:s0], s1  }
0x10d: {  	s0 =	simm.s32 @!p0 $0x7  }
0x10e: {  	_ =	swait.ge @!p0 [sflag:s0], s1  }
0x10f: {  	s1 =	ssub.s32 @!p0 $0x0, s1;
	[sflag:s0] =	ssyncset.done @!p0 $0x0  }
0x110: {  	[sflag:s0] =	ssyncadd.s32 @!p0 s1  }
0x111: {  	[bflag:$0x3] =	sbarrier.arrive $0xFFFF  }
0x112: {  	_ =	shalt  }

// kernel: kernel.24.cloned.1.call-start
scs
__scs_entry_jumppad:
0x0: {  	(pc) =	sbr.rel $0x88, $3  }
0x1: {  	(tag) =	ssettag $0x0;
	lr =	simm.s32 $0x1  }
0x2: {  	[smem:$0x3F91] =	sst lr;
	_ =	strace $0xD0000000  }
0x3: {  	_ = 	snop  }
0x4: {  	_ = 	snop  }
0x5: {  	_ = 	snop  }
0x6: {  	_ = 	snop  }
0x7: {  	_ = 	snop  }
__scs_overlays_trampoline_lowered:
0x8: {  	[smem:$0x3FA0] =	sst s0  }
0x9: {  	[smem:$0x3FA1] =	sst s1  }
0xa: {  	[smem:$0x3FA2] =	sst s2  }
0xb: {  	[smem:$0x3FA3] =	sst s3  }
0xc: {  	[smem:$0x3FA4] =	sst s4  }
0xd: {  	[smem:$0x3FA5] =	sst s5  }
0xe: {  	[smem:$0x3FA6] =	sst s6  }
0xf: {  	[smem:$0x3FA7] =	sst s7  }
0x10: {  	[smem:$0x3FA8] =	sst s8  }
0x11: {  	[smem:$0x3FA9] =	sst s9;
	s0 =	simm.s32 @!p0 $0x0  }
0x12: {  	s1 =	sld [smem:$0x3F8F];
	s0 =	simm.s32 @p0 $0x1  }
0x13: {  	[smem:$0x3FAA] =	sst s0;
	s0 =	simm.s32 @!p1 $0x0  }
0x14: {  	s2 =	sld [smem:$0x3F8E];
	s0 =	simm.s32 @p1 $0x1  }
0x15: {  	[smem:$0x3FAB] =	sst s0;
	s0 =	simm.s32 @!p2 $0x0  }
0x16: {  	s3 =	sld [smem:$0x3FDB];
	s0 =	simm.s32 @p2 $0x1  }
0x17: {  	s4 =	simm.s32 $0x1BF5;
	[smem:$0x3FAD] =	sst s0  }
0x18: {  	s0 =	sld [smem:$0x3F90];
	_ =	swait.ge [sflag:s4], $0x0  }
0x19: {  	s7 =	sld [smem:$0x3F91]  }
0x1a: {  	s8 =	sadd.s32 $0xFFFFE003, lr  }
0x1b: {  	s9 =	sadd.s32 $0xFFFFFEF7, lr;
	s5 =	simm.s32 $0xFFFFFFFF;
	p2 =	slt.u32 s8, $0xFFFFF086  }
0x1c: {  	p1 =	slt.u32 s9, $0xF7A;
	s5 =	simm.s32 @!p2 $0x0  }
0x1d: {  	s5 =	simm.s32 @p1 $0x1;
	p0 =	seq.s32 s7, s2  }
0x1e: {  	s7 =	smul.u32 @!p0 $0xF7A, s2;
	p2 =	seq.s32 @!p0 s5, $0x0  }
0x1f: {  	s9 =	smul.u32 $0xF7A, s1;
	s8 =	simm.s32 @!p0 $0x1BF5;
	p2 =	por !p2, p0  }
0x20: {  	[sflag:s8] =	ssyncset.s32 @!p0 $0xFFFFF086;
	s6 =	sadd.s32 @!p0 s3, s7;
	s7 =	simm.s32 @!p0 $0x108  }
0x21: {  	s3 =	sadd.s32 s3, s9;
	s6 =	sadd.s32 @!p0 $0x88, s6;
	s7 =	simm.s32 @p2 $0x1082  }
0x22: {  	[simem:s7], [sflag:s8] =	dma.local @!p0 [hbm:s6], $0xF7A  }
0x23: {  	s9 =	sor.u32 $0xD0000000, s2;
	s6 =	simm.s32 $0x108;
	_ =	swait.ge @!p0 [sflag:s8], $0x0  }
0x24: {  	s3 =	sadd.s32 $0x88, s3;
	s6 =	simm.s32 @!p1 $0x1082;
	[sflag:s4] =	ssyncset.s32 $0xFFFFF086  }
0x25: {  	[simem:s6], [sflag:s4] =	dma.local [hbm:s3], $0xF7A  }
0x26: {  	[smem:$0x3F91] =	sst s1;
	(tag) =	ssettag s2;
	_ =	strace s9  }
0x27: {  	s1 =	sld [smem:$0x3FA1]  }
0x28: {  	s2 =	sld [smem:$0x3FA2]  }
0x29: {  	s4 =	sld [smem:$0x3FA4]  }
0x2a: {  	p0 =	seq.s32 s5, $0x0;
	s5 =	sld [smem:$0x3FA5]  }
0x2b: {  	s6 =	sld [smem:$0x3FA6]  }
0x2c: {  	s7 =	sld [smem:$0x3FA7]  }
0x2d: {  	s3 =	simm.s32 $0x108;
	s8 =	sld [smem:$0x3FA8]  }
0x2e: {  	s3 =	simm.s32 @!p0 $0x1082;
	s9 =	sld [smem:$0x3FA9]  }
0x2f: {  	lr =	sadd.s32 s0, s3;
	s0 =	sld [smem:$0x3FA0]  }
0x30: {  	s3 =	sld [smem:$0x3FA3]  }
0x31: {  	[smem:$0x3FAC] =	sst s10  }
0x32: {  	s10 =	sld [smem:$0x3FAA];
	_ =	sdelay $0x3  }
0x33: {  	p0 =	seq.s32 s10, $0x1;
	s10 =	sld [smem:$0x3FAC];
	_ =	sdelay $0x3  }
0x34: {  	[smem:$0x3FAC] =	sst s10  }
0x35: {  	s10 =	sld [smem:$0x3FAB];
	_ =	sdelay $0x3  }
0x36: {  	p1 =	seq.s32 s10, $0x1;
	s10 =	sld [smem:$0x3FAC];
	_ =	sdelay $0x3  }
0x37: {  	[smem:$0x3FAC] =	sst s10  }
0x38: {  	s10 =	sld [smem:$0x3FAD]  }
0x39: {  	_ = 	snop;
	(pc) =	sbr.ind lr, $3  }
0x3a: {  	_ = 	snop  }
0x3b: {  	_ = 	snop  }
0x3c: {  	p2 =	seq.s32 s10, $0x1;
	s10 =	sld [smem:$0x3FAC]  }
0x3d: {  	_ =	shalt  }
0x3e: {  	_ =	shalt  }
0x3f: {  	_ =	shalt  }
0x40: {  	_ =	shalt  }
0x41: {  	_ =	shalt  }
0x42: {  	_ =	shalt  }
0x43: {  	_ =	shalt  }
0x44: {  	_ =	shalt  }
0x45: {  	_ =	shalt  }
0x46: {  	_ =	shalt  }
0x47: {  	_ =	shalt  }
0x48: {  	_ =	shalt  }
0x49: {  	_ =	shalt  }
0x4a: {  	_ =	shalt  }
0x4b: {  	_ =	shalt  }
0x4c: {  	_ =	shalt  }
0x4d: {  	_ =	shalt  }
0x4e: {  	_ =	shalt  }
0x4f: {  	_ =	shalt  }
0x50: {  	_ =	shalt  }
0x51: {  	_ =	shalt  }
0x52: {  	_ =	shalt  }
0x53: {  	_ =	shalt  }
0x54: {  	_ =	shalt  }
0x55: {  	_ =	shalt  }
0x56: {  	_ =	shalt  }
0x57: {  	_ =	shalt  }
0x58: {  	_ =	shalt  }
0x59: {  	_ =	shalt  }
0x5a: {  	_ =	shalt  }
0x5b: {  	_ =	shalt  }
0x5c: {  	_ =	shalt  }
0x5d: {  	_ =	shalt  }
0x5e: {  	_ =	shalt  }
0x5f: {  	_ =	shalt  }
0x60: {  	_ =	shalt  }
0x61: {  	_ =	shalt  }
0x62: {  	_ =	shalt  }
0x63: {  	_ =	shalt  }
0x64: {  	_ =	shalt  }
0x65: {  	_ =	shalt  }
0x66: {  	_ =	shalt  }
0x67: {  	_ =	shalt  }
0x68: {  	_ =	shalt  }
0x69: {  	_ =	shalt  }
0x6a: {  	_ =	shalt  }
0x6b: {  	_ =	shalt  }
0x6c: {  	_ =	shalt  }
0x6d: {  	_ =	shalt  }
0x6e: {  	_ =	shalt  }
0x6f: {  	_ =	shalt  }
0x70: {  	_ =	shalt  }
0x71: {  	_ =	shalt  }
0x72: {  	_ =	shalt  }
0x73: {  	_ =	shalt  }
0x74: {  	_ =	shalt  }
0x75: {  	_ =	shalt  }
0x76: {  	_ =	shalt  }
0x77: {  	_ =	shalt  }
0x78: {  	_ =	shalt  }
0x79: {  	_ =	shalt  }
0x7a: {  	_ =	shalt  }
0x7b: {  	_ =	shalt  }
0x7c: {  	_ =	shalt  }
0x7d: {  	_ =	shalt  }
0x7e: {  	_ =	shalt  }
0x7f: {  	_ =	shalt  }
0x80: {  	_ =	shalt  }
0x81: {  	_ =	shalt  }
0x82: {  	_ =	shalt  }
0x83: {  	_ =	shalt  }
0x84: {  	_ =	shalt  }
0x85: {  	_ =	shalt  }
0x86: {  	_ =	shalt  }
0x87: {  	_ =	shalt  }
.Lfunc_end0:
.L_simem_size_0:
called_computation.4_lowered:
.L_overlay_start_0:
0x88: {  	s2 =	sld [smem:$0x3FD9]  }
0x89: {  	s3 =	sld [smem:$0x3FFE];
	_ =	sdelay $0x1  }
0x8a: {  	s1 =	srdreg.scid  }
0x8b: {  	s0 =	sand.u32 $0x1, s1  }
0x8c: {  	s16 =	sshll.u32 s0, $0xA;
	s2 =	sadd.s32 s3, s2  }
0x8d: {  	s2 =	sadd.s32 s2, s16  }
0x8e: {  	[smem:$0x3FB8] =	sst s2  }
0x8f: {  	_ = 	snop  }
0x90: {  	(tm) =	ssettm $0x1  }
0x91: {  	s17 =	sld [smem:$0x3FFB];
	_ =	sdelay $0x3  }
0x92: {  	_ =	strace s17  }
0x93: {  	s2 =	sld [smem:$0x3FFC];
	_ =	sdelay $0x3  }
0x94: {  	_ =	strace s2  }
0x95: {  	s2 =	sld [smem:$0x3FFD];
	_ =	sdelay $0x3  }
0x96: {  	_ =	strace s2  }
0x97: {  	_ =	strace $0x8FFFFFFF  }
0x98: {  	s18 =	sld [smem:$0x3FDB];
	_ =	sdelay $0x1  }
0x99: {  	s19 =	simm.s32 $_scs_section_size  }
0x9a: {  	s4 =	simm.s32 $_size__tile_overlayer_lowered;
	s5 =	simm.s32 $_tile_overlayer_lowered  }
0x9b: {  	s22 =	simm.s32 $0x1BFF;
	s21 =	sshll.u32 s5, $0x1;
	s2 =	sadd.s32 s19, s18  }
0x9c: {  	s6 =	simm.s32 $0x0;
	s20 =	sshll.u32 s4, $0x1;
	s4 =	sadd.s32 s21, s2  }
0x9d: {  	[timem:s6], [sflag:s22] =	dma.local [hbm:s4], s20  }
0x9e: {  	_ =	swait.ge [sflag:s22], s20  }
0x9f: {  	s3 =	ssub.s32 $0x0, s20;
	[sflag:s22] =	ssyncset.done $0x0  }
0xa0: {  	[sflag:s22] =	ssyncadd.s32 s3;
	_ =	sdelay $0x1  }
0xa1: {  	s23 =	simm.s32 $0x1B8B  }
0xa2: {  	_ =	swait.ge [sflag:s23], $0x1  }
0xa3: {  	[sflag:s23] =	ssyncset.done $0x0  }
0xa4: {  	s25 =	simm.s32 $0x1B8E;
	s24 =	sld [smem:$0x3FFE];
	[sflag:s23] =	ssyncadd.s32 $0xFFFFFFFF  }
0xa5: {  	s26 =	simm.s32 $execute0_lowered;
	[smem:$0x3FD2] =	sst s25  }
0xa6: {  	s4 =	sshll.u32 s26, $0x1;
	_ =	strace $0x80000052;
	[dreg:$0x1] =	wrdreg $0xFFFFFFFF  }
0xa7: {  	s28 =	simm.s32 $_size_execute0_lowered;
	s2 =	sadd.s32 s2, s4;
	[dreg:$0x0] =	wrdreg $0x0  }
0xa8: {  	s4 =	sshll.u32 s28, $0x1;
	[dreg:$0x2] =	wrdreg s2  }
0xa9: {  	[dreg:$0x3] =	wrdreg s4  }
0xaa: {  	[dreg:$0x4] =	wrdreg $0xC0  }
0xab: {  	_ =	task [dreg:s6], $0x5FFFF  }
0xac: {  	[dreg:$0x1] =	wrdreg $0xFFFFFFFF  }
0xad: {  	[dreg:$0x0] =	wrdreg $0x60  }
0xae: {  	[dreg:$0x2] =	wrdreg s24  }
0xaf: {  	[dreg:$0x3] =	wrdreg $0xB9000  }
0xb0: {  	[dreg:$0x4] =	wrdreg $0x9  }
0xb1: {  	_ =	task.clear_ibuf [dreg:s6], $0x5FFFF;
	_ =	strace $0x90000052  }
0xb2: {  	s29 =	simm.s32 $0x9;
	_ =	strace $0x80000054  }
0xb3: {  	_ =	swait.ge [sflag:s29], $0x1  }
0xb4: {  	[sflag:s29] =	ssyncadd.s32 $0xFFFFFFFF  }
0xb5: {  	_ =	strace $0x90000054  }
0xb6: {  	_ =	sfence  }
0xb7: {  	s30 =	sld [smem:$0x0];
	_ =	sdelay $0x2  }
0xb8: {  	s31 =	sshll.u32 s1, $0xD;
	s1 =	sshrl.u32 s1, $0x2  }
0xb9: {  	s3 =	sand.u32 $0x4000, s31;
	s1 =	sadd.s32 s1, s30  }
0xba: {  	s0 =	sor.u32 s3, s0;
	s1 =	sshll.u32 s1, $0x11  }
0xbb: {  	s0 =	sor.u32 s1, s0  }
0xbc: {  	s0 =	sadd.s32 $0x8F2B, s0  }
0xbd: {  	[sflag:s0] =	ssyncadd.remote.s32 $0x1  }
0xbe: {  	_ =	sfence.sel $0xFFFF  }
0xbf: {  	[dreg:$0x0] =	wrdreg $0xFFFFFFFF;
	(pc) =	sbr.abs _section_cstart, $3  }
0xc0: {  	[dreg:$0x1] =	wrdreg $0xFFFFFFFF  }
0xc1: {  	_ =	task.clear_ibuf [dreg:s6], $0x2FFFF;
	_ =	strace $0x9FFFFFFF  }
0xc2: {  	(tm) =	ssettm $0x7FFFFFFF  }
0xc3: {  	_ =	shalt  }
tec
execute0_lowered:
.L_overlay_start_1:
0x0: {  	(tag) =	ssettag $0x1  }
0x1: {  	s0 =	rddreg [dreg:$0x0]  }
0x2: {  	s2 =	rddreg [dreg:$0x1];
	s3 =	simm.s32 $0x0  }
0x3: {  	s13 =	stileid.u32;
	s5 =	srdreg.scid;
	s28 =	simm.s32 $0x3D68  }
0x4: {  	s29 =	simm.s32 $0x3DE0;
	s30 =	simm.s32 $0x1;
	s31 =	simm.s32 $0x79E0  }
0x5: {  	[smem:$0x7FF] =	sst s3;
	s1 =	smul.u32 $0x14000, s13;
	s4 =	sadd.s32 $0x16C00, s0  }
0x6: {  	s7 =	sand.u32 $0x1, s5;
	s5 =	sadd.s32 $0x3000, s0;
	s10 =	smul.u32 $0x50000, s13  }
0x7: {  	s6 =	sadd.s32 $0xCE00, s0;
	s11 =	sshll.u32 s13, $0x1;
	s16 =	smul.u32 $0x4E20, s13  }
0x8: {  	_ =	strace $0x80000053;
	p0 =	seq.s32 s7, $0x0;
	s14 =	ssub.s32 $0x2, s7  }
0x9: {  	s11 =	sor.u32 s7, s11;
	s18 =	smul.u32 $0x2710, s7;
	s8 =	sshrl.u32 s1, $0x3  }
0xa: {  	s12 =	sshrl.u32 s14, $0x1;
	s10 =	sshrl.u32 s10, $0x2;
	s1 =	sadd.s32 s1, s2  }
0xb: {  	s9 =	sadd.s32 $0x28000, s8;
	[dreg:$0x7] =	wrdreg s1;
	s15 =	sadd.s32 s4, s8  }
0xc: {  	s1 =	sadd.s32 s18, s16;
	s9 =	smov.u32 @p0 s8;
	[dreg:$0x8] =	wrdreg s15  }
0xd: {  	s24 =	sadd.s32 $0x258, s1;
	p0 =	sne.s32 s7, $0x0;
	s0 =	sadd.s32 s9, s0  }
0xe: {  	s9 =	ssub.s32 s14, s12;
	s14 =	sadd.s32 s10, s2;
	s13 =	sshrl.u32 s24, $0x3  }
0xf: {  	s10 =	smul.u32 $0x2710, s11;
	s26 =	sadd.s32 s13, s6;
	[dreg:$0x6] =	wrdreg s14  }
0x10: {  	s7 =	simm.s32 $0x7A58;
	s13 =	sadd.s32 s13, s5;
	[dreg:$0x3] =	wrdreg s26  }
0x11: {  	s0 =	sadd.s32 $0x3EC00, s0;
	s17 =	sshrl.u32 s10, $0x3;
	[dreg:$0x4] =	wrdreg s13  }
0x12: {  	s11 =	sadd.s32 $0x78, s10;
	[dreg:$0x16] =	wrdreg s0;
	s26 =	sadd.s32 $0x12C00, s14  }
0x13: {  	s23 =	sadd.s32 $0x25F8, s10;
	s19 =	sadd.s32 s5, s17;
	[dreg:$0x1b] =	wrdreg s26  }
0x14: {  	s20 =	sadd.s32 s6, s17;
	s11 =	sshrl.u32 s11, $0x3;
	[dreg:$0x9] =	wrdreg s19  }
0x15: {  	s12 =	sshrl.u32 s23, $0x3;
	s23 =	sadd.s32 $0xF000, s14;
	[dreg:$0xa] =	wrdreg s20  }
0x16: {  	s10 =	sadd.s32 $0x26E8, s10;
	s21 =	sadd.s32 s5, s11;
	[dreg:$0x1a] =	wrdreg s23  }
0x17: {  	s22 =	sadd.s32 $0x1E, s17;
	s11 =	sadd.s32 s6, s11;
	[dreg:$0xb] =	wrdreg s21  }
0x18: {  	s0 =	simm.s32 $0x7;
	s15 =	sadd.s32 s5, s22;
	[dreg:$0xc] =	wrdreg s11  }
0x19: {  	s13 =	simm.s32 $0x5;
	s25 =	sadd.s32 s5, s12;
	[dreg:$0xd] =	wrdreg s15  }
0x1a: {  	s8 =	sadd.s32 $0x4CE, s17;
	s12 =	sadd.s32 s6, s12;
	[dreg:$0xf] =	wrdreg s25  }
0x1b: {  	s10 =	sshrl.u32 s10, $0x3;
	s16 =	sadd.s32 s5, s8;
	[dreg:$0x10] =	wrdreg s12  }
0x1c: {  	s26 =	simm.s32 $0x3CF0;
	s8 =	sadd.s32 s6, s8;
	[dreg:$0x11] =	wrdreg s16  }
0x1d: {  	s17 =	sadd.s32 s5, s10;
	s18 =	sadd.s32 s6, s10;
	[dreg:$0x12] =	wrdreg s8  }
0x1e: {  	s19 =	smax.u32 s9, $0x1;
	s20 =	sadd.s32 $0x3C00, s14;
	[dreg:$0x13] =	wrdreg s17  }
0x1f: {  	s9 =	simm.s32 $0x78;
	s10 =	simm.s32 $0x2;
	[dreg:$0x14] =	wrdreg s18  }
0x20: {  	s11 =	sadd.s32 s6, s22;
	s12 =	sadd.s32 $0x1E0, s1;
	[dreg:$0x15] =	wrdreg s19  }
0x21: {  	s25 =	sadd.s32 $0x168, s1;
	[dreg:$0x17] =	wrdreg s20;
	s21 =	sadd.s32 $0x7800, s14  }
0x22: {  	s22 =	sadd.s32 $0xB400, s14;
	s1 =	simm.s32 $0xF0;
	[dreg:$0xe] =	wrdreg s11  }
0x23: {  	s8 =	simm.s32 $0x7AD0;
	s14 =	simm.s32 $0x6;
	[dreg:$0x18] =	wrdreg s21  }
0x24: {  	s11 =	sshrl.u32 s12, $0x3;
	[dreg:$0x19] =	wrdreg s22;
	s12 =	simm.s32 $0x3  }
0x25: {  	s21 =	simm.s32 $0x28;
	s22 =	simm.s32 $0x0;
	s15 =	sadd.s32 s11, s6  }
0x26: {  	v0 =	vimm.f32 $0.0e+00;
	s24 =	sadd.s32 s11, s5;
	s11 =	simm.s32 $0x4;
	[dreg:$0x5] =	wrdreg s15  }
.LBB2_1:
.Ltmp0:
0x27: {  	(pc) =	sbr.rel @p0 .LBB2_3-.Ltmp0, $4  }
0x28: {  	_ = 	snop  }
0x29: {  	s15 =	stileid.u32  }
0x2a: {  	s16 =	rddreg [dreg:$0x7];
	s15 =	sshll.u32 s15, $0x6  }
0x2b: {  	s23 =	sshrl.u32 s16, $0x3;
	s15 =	sor.u32 $0x1C07, s15  }
.Ltmp1:
0x2c: {  	s16 =	rddreg [dreg:$0x8];
	(pc) =	sbr.rel .LBB2_6-.Ltmp1, $4  }
0x2d: {  	[spmem:s23], [sflag:s15] =	dma.local [hbm:s16], $0x2800  }
0x2e: {  	_ =	swait.ge [sflag:s0], $0x2800  }
0x2f: {  	[sflag:s0] =	ssyncset.done $0x0  }
0x30: {  	[sflag:s0] =	ssyncadd.s32 $0xFFFFD800  }
.LBB2_3:
0x31: {  	s16 =	sshra.s32 s3, $0x2;
	s17 =	sadd.s32 $0x200, s3  }
.LBB2_4:
0x32: {  	p1 =	sne.s32 s17, $0xEE00;
	[tilespmem:s16+$0x160] =	vst v0  }
0x33: {  	[tilespmem:s16+$0xF0] =	vst v0  }
0x34: {  	[tilespmem:s16+$0x100] =	vst v0  }
.Ltmp2:
0x35: {  	[tilespmem:s16+$0x110] =	vst v0;
	(pc) =	sbr.rel @p1 .LBB2_4-.Ltmp2, $4  }
0x36: {  	[tilespmem:s16+$0x120] =	vst v0  }
0x37: {  	[tilespmem:s16+$0x130] =	vst v0  }
0x38: {  	[tilespmem:s16+$0x140] =	vst v0  }
0x39: {  	[tilespmem:s16+$0x150] =	vst v0;
	s16 =	sshra.s32 s17, $0x2;
	s17 =	sadd.s32 $0x200, s17  }
0x3a: {  	[tilespmem:s16+$0x160] =	vst v0  }
0x3b: {  	[tilespmem:s16+$0xF0] =	vst v0  }
0x3c: {  	[tilespmem:s16+$0x100] =	vst v0  }
0x3d: {  	[tilespmem:s16+$0x110] =	vst v0  }
0x3e: {  	[tilespmem:s16+$0x120] =	vst v0  }
0x3f: {  	[tilespmem:s16+$0x130] =	vst v0  }
0x40: {  	[tilespmem:s16+$0x140] =	vst v0  }
0x41: {  	[tilespmem:s16+$0x150] =	vst v0;
	s19 =	rddreg [dreg:$0x6]  }
0x42: {  	[spmem:s19] =	stream.linear.scatter [tilespmem:s1], [sflag:$0x7], $0x3C00, $0x38;
	[tilespmem:$0x1F900] =	vst v63  }
0x43: {  	_ =	swait.ge [sflag:s0], $0x3C00  }
0x44: {  	[sflag:s0] =	ssyncset.done $0x0  }
0x45: {  	s20 =	rddreg [dreg:$0x17];
	[sflag:s0] =	ssyncadd.s32 $0xFFFFC400  }
0x46: {  	[spmem:s20] =	stream.linear.scatter [tilespmem:s1], [sflag:$0x7], $0x3C00, $0x38;
	[tilespmem:$0x1F900] =	vst v63  }
0x47: {  	_ =	swait.ge [sflag:s0], $0x3C00  }
0x48: {  	[sflag:s0] =	ssyncset.done $0x0  }
0x49: {  	s17 =	rddreg [dreg:$0x18];
	[sflag:s0] =	ssyncadd.s32 $0xFFFFC400  }
0x4a: {  	[spmem:s17] =	stream.linear.scatter [tilespmem:s1], [sflag:$0x7], $0x3C00, $0x38;
	[tilespmem:$0x1F900] =	vst v63  }
0x4b: {  	_ =	swait.ge [sflag:s0], $0x3C00  }
0x4c: {  	[sflag:s0] =	ssyncset.done $0x0  }
0x4d: {  	s18 =	rddreg [dreg:$0x19];
	[sflag:s0] =	ssyncadd.s32 $0xFFFFC400  }
0x4e: {  	[spmem:s18] =	stream.linear.scatter [tilespmem:s1], [sflag:$0x7], $0x3C00, $0x38;
	[tilespmem:$0x1F900] =	vst v63  }
0x4f: {  	_ =	swait.ge [sflag:s0], $0x3C00  }
0x50: {  	[sflag:s0] =	ssyncset.done $0x0  }
0x51: {  	s19 =	rddreg [dreg:$0x1a];
	[sflag:s0] =	ssyncadd.s32 $0xFFFFC400  }
0x52: {  	[spmem:s19] =	stream.linear.scatter [tilespmem:s1], [sflag:$0x7], $0x3C00, $0x38;
	[tilespmem:$0x1F900] =	vst v63  }
0x53: {  	_ =	swait.ge [sflag:s0], $0x3C00  }
0x54: {  	[sflag:s0] =	ssyncset.done $0x0  }
0x55: {  	s20 =	rddreg [dreg:$0x1b];
	[sflag:s0] =	ssyncadd.s32 $0xFFFFC400  }
0x56: {  	[spmem:s20] =	stream.linear.scatter [tilespmem:s1], [sflag:$0x7], $0x1400, $0x38;
	[tilespmem:$0x1F900] =	vst v63  }
0x57: {  	_ =	swait.ge [sflag:s0], $0x1400  }
0x58: {  	[sflag:s0] =	ssyncset.done $0x0  }
0x59: {  	[sflag:s0] =	ssyncadd.s32 $0xFFFFEC00  }
.LBB2_6:
0x5a: {  	[bflag:$0x0] =	sbarrier.arrive $0xFFFF  }
0x5b: {  	s16 =	simm.s32 $0x0;
	s17 =	rddreg [dreg:$0x9]  }
0x5c: {  	[tilespmem:s16], [sflag:$0x7] =	stream.linear.gather [hbm4b:s17+s16], $0x78, $0x38;
	[tilespmem:$0x1F900] =	vst v63  }
0x5d: {  	_ =	swait.ge [sflag:s0], $0x78  }
0x5e: {  	[sflag:s0] =	ssyncset.done $0x0  }
0x5f: {  	s20 =	rddreg [dreg:$0xa];
	[sflag:s0] =	ssyncadd.s32 $0xFFFFFF88  }
0x60: {  	[tilespmem:s9], [sflag:$0x7] =	stream.linear.gather [hbm4b:s20+s16], $0x78, $0x38;
	[tilespmem:$0x1F900] =	vst v63  }
0x61: {  	_ =	swait.ge [sflag:s0], $0x78  }
0x62: {  	[sflag:s0] =	ssyncset.done $0x0  }
0x63: {  	[sflag:s0] =	ssyncadd.s32 $0xFFFFFF88  }
0x64: {  	[tilespmem:s1], [sflag:$0x1] =	stream.indirect.gather [hbm4b:s4+s9], $0x80, s16, s9, $0xb8;
	[tilespmem:$0x1F900] =	vst v63  }
0x65: {  	s18 =	rddreg [dreg:$0xb]  }
0x66: {  	[tilespmem:s26], [sflag:$0x7] =	stream.linear.gather [hbm4b:s18+s16], $0x78, $0x38;
	[tilespmem:$0x1F900] =	vst v63  }
0x67: {  	_ =	swait.ge [sflag:s0], $0x78  }
0x68: {  	[sflag:s0] =	ssyncset.done $0x0  }
0x69: {  	s19 =	rddreg [dreg:$0xc];
	[sflag:s0] =	ssyncadd.s32 $0xFFFFFF88  }
0x6a: {  	[tilespmem:s28], [sflag:$0x7] =	stream.linear.gather [hbm4b:s19+s16], $0x78, $0x38;
	[tilespmem:$0x1F900] =	vst v63  }
0x6b: {  	_ =	swait.ge [sflag:s0], $0x78  }
0x6c: {  	[sflag:s0] =	ssyncset.done $0x0  }
0x6d: {  	[sflag:s0] =	ssyncadd.s32 $0xFFFFFF88  }
0x6e: {  	[tilespmem:s29], [sflag:$0x2] =	stream.indirect.gather [hbm4b:s4+s9], $0x80, s26, s9, $0xb8;
	[tilespmem:$0x1F900] =	vst v63  }
0x6f: {  	_ =	swait.ge [sflag:s30], $0x3C00  }
0x70: {  	[sflag:s30] =	ssyncset.done $0x0  }
0x71: {  	[sflag:s30] =	ssyncadd.s32 $0xFFFFC400  }
0x72: {  	[spmem:s2] =	stream.indirect.scatter.add.f32 [tilespmem:s1], [sflag:$0x4], $0x80, s9, s9, $0xb8;
	[tilespmem:$0x1F900] =	vst v63  }
0x73: {  	s20 =	rddreg [dreg:$0xd]  }
0x74: {  	[tilespmem:s31], [sflag:$0x7] =	stream.linear.gather [hbm4b:s20+s16], $0x78, $0x38;
	[tilespmem:$0x1F900] =	vst v63  }
0x75: {  	_ =	swait.ge [sflag:s0], $0x78  }
0x76: {  	[sflag:s0] =	ssyncset.done $0x0  }
0x77: {  	s18 =	rddreg [dreg:$0xe];
	[sflag:s0] =	ssyncadd.s32 $0xFFFFFF88  }
0x78: {  	[tilespmem:s7], [sflag:$0x7] =	stream.linear.gather [hbm4b:s18+s16], $0x78, $0x38;
	[tilespmem:$0x1F900] =	vst v63  }
0x79: {  	_ =	swait.ge [sflag:s0], $0x78  }
0x7a: {  	[sflag:s0] =	ssyncset.done $0x0  }
0x7b: {  	[sflag:s0] =	ssyncadd.s32 $0xFFFFFF88  }
0x7c: {  	[tilespmem:s8], [sflag:$0x3] =	stream.indirect.gather [hbm4b:s4+s9], $0x80, s31, s9, $0xb8;
	[tilespmem:$0x1F900] =	vst v63  }
0x7d: {  	_ =	swait.ge [sflag:s10], $0x3C00  }
0x7e: {  	[sflag:s10] =	ssyncset.done $0x0  }
0x7f: {  	[sflag:s10] =	ssyncadd.s32 $0xFFFFC400  }
0x80: {  	[spmem:s2] =	stream.indirect.scatter.add.f32 [tilespmem:s29], [sflag:$0x5], $0x80, s28, s9, $0xb8;
	[tilespmem:$0x1F900] =	vst v63  }
0x81: {  	_ =	swait.ge [sflag:s11], $0x3C00  }
0x82: {  	s19 =	sshrl.u32 s25, $0x3;
	[sflag:s11] =	ssyncset.done $0x0  }
0x83: {  	s20 =	sadd.s32 s5, s19;
	[sflag:s11] =	ssyncadd.s32 $0xFFFFC400  }
0x84: {  	[tilespmem:s3], [sflag:$0x7] =	stream.linear.gather [hbm4b:s20+s3], $0x78, $0x38;
	[tilespmem:$0x1F900] =	vst v63  }
0x85: {  	_ =	swait.ge [sflag:s0], $0x78  }
0x86: {  	[sflag:s0] =	ssyncset.done $0x0  }
0x87: {  	s16 =	sadd.s32 s6, s19;
	[sflag:s0] =	ssyncadd.s32 $0xFFFFFF88  }
0x88: {  	[tilespmem:s9], [sflag:$0x7] =	stream.linear.gather [hbm4b:s16+s3], $0x78, $0x38;
	[tilespmem:$0x1F900] =	vst v63  }
0x89: {  	_ =	swait.ge [sflag:s0], $0x78  }
0x8a: {  	[sflag:s0] =	ssyncset.done $0x0  }
0x8b: {  	[sflag:s0] =	ssyncadd.s32 $0xFFFFFF88  }
0x8c: {  	[tilespmem:s1], [sflag:$0x1] =	stream.indirect.gather [hbm4b:s4+s9], $0x80, s3, s9, $0xb8;
	[tilespmem:$0x1F900] =	vst v63  }
0x8d: {  	_ =	swait.ge [sflag:s12], $0x3C00  }
0x8e: {  	[sflag:s12] =	ssyncset.done $0x0  }
0x8f: {  	[sflag:s12] =	ssyncadd.s32 $0xFFFFC400  }
0x90: {  	[spmem:s2] =	stream.indirect.scatter.add.f32 [tilespmem:s8], [sflag:$0x6], $0x80, s7, s9, $0xb8;
	[tilespmem:$0x1F900] =	vst v63  }
0x91: {  	_ =	swait.ge [sflag:s13], $0x3C00  }
0x92: {  	[sflag:s13] =	ssyncset.done $0x0  }
0x93: {  	s17 =	sadd.s32 $0x0, s24;
	[sflag:s13] =	ssyncadd.s32 $0xFFFFC400  }
0x94: {  	[tilespmem:s26], [sflag:$0x7] =	stream.linear.gather [hbm4b:s17+s3], $0x78, $0x38;
	[tilespmem:$0x1F900] =	vst v63  }
0x95: {  	_ =	swait.ge [sflag:s0], $0x78  }
0x96: {  	s18 =	rddreg [dreg:$0x5];
	[sflag:s0] =	ssyncset.done $0x0  }
0x97: {  	[sflag:s0] =	ssyncadd.s32 $0xFFFFFF88;
	s16 =	sadd.s32 $0x0, s18  }
0x98: {  	[tilespmem:s28], [sflag:$0x7] =	stream.linear.gather [hbm4b:s16+s3], $0x78, $0x38;
	[tilespmem:$0x1F900] =	vst v63  }
0x99: {  	_ =	swait.ge [sflag:s0], $0x78  }
0x9a: {  	[sflag:s0] =	ssyncset.done $0x0  }
0x9b: {  	[sflag:s0] =	ssyncadd.s32 $0xFFFFFF88  }
0x9c: {  	[tilespmem:s29], [sflag:$0x2] =	stream.indirect.gather [hbm4b:s4+s9], $0x80, s26, s9, $0xb8;
	[tilespmem:$0x1F900] =	vst v63  }
0x9d: {  	_ =	swait.ge [sflag:s30], $0x3C00  }
0x9e: {  	[sflag:s30] =	ssyncset.done $0x0  }
0x9f: {  	[sflag:s30] =	ssyncadd.s32 $0xFFFFC400  }
0xa0: {  	[spmem:s2] =	stream.indirect.scatter.add.f32 [tilespmem:s1], [sflag:$0x4], $0x80, s9, s9, $0xb8;
	[tilespmem:$0x1F900] =	vst v63  }
0xa1: {  	_ =	swait.ge [sflag:s14], $0x3C00  }
0xa2: {  	s19 =	rddreg [dreg:$0x4];
	[sflag:s14] =	ssyncset.done $0x0  }
0xa3: {  	[sflag:s14] =	ssyncadd.s32 $0xFFFFC400;
	s16 =	sadd.s32 $0x0, s19  }
0xa4: {  	[tilespmem:s31], [sflag:$0x7] =	stream.linear.gather [hbm4b:s16+s3], $0x78, $0x38;
	[tilespmem:$0x1F900] =	vst v63  }
0xa5: {  	_ =	swait.ge [sflag:s0], $0x78  }
0xa6: {  	s20 =	rddreg [dreg:$0x3];
	[sflag:s0] =	ssyncset.done $0x0  }
0xa7: {  	[sflag:s0] =	ssyncadd.s32 $0xFFFFFF88;
	s16 =	sadd.s32 $0x0, s20  }
0xa8: {  	[tilespmem:s7], [sflag:$0x7] =	stream.linear.gather [hbm4b:s16+s3], $0x78, $0x38;
	[tilespmem:$0x1F900] =	vst v63  }
0xa9: {  	_ =	swait.ge [sflag:s0], $0x78  }
0xaa: {  	[sflag:s0] =	ssyncset.done $0x0  }
0xab: {  	[sflag:s0] =	ssyncadd.s32 $0xFFFFFF88  }
0xac: {  	[tilespmem:s8], [sflag:$0x3] =	stream.indirect.gather [hbm4b:s4+s9], $0x80, s31, s9, $0xb8;
	[tilespmem:$0x1F900] =	vst v63  }
0xad: {  	_ =	swait.ge [sflag:s10], $0x3C00  }
0xae: {  	[sflag:s10] =	ssyncset.done $0x0  }
0xaf: {  	s17 =	sadd.s32 $0x168, s25;
	s16 =	simm.s32 $0x2D;
	[sflag:s10] =	ssyncadd.s32 $0xFFFFC400  }
.LBB2_7:
0xb0: {  	[spmem:s2] =	stream.indirect.scatter.add.f32 [tilespmem:s29], [sflag:$0x5], $0x80, s28, s9, $0xb8;
	[tilespmem:$0x1F900] =	vst v63  }
0xb1: {  	_ =	swait.ge [sflag:s11], $0x3C00  }
0xb2: {  	s19 =	sshrl.u32 s17, $0x3;
	[sflag:s11] =	ssyncset.done $0x0  }
0xb3: {  	s20 =	sadd.s32 s5, s19;
	[sflag:s11] =	ssyncadd.s32 $0xFFFFC400  }
0xb4: {  	[tilespmem:s3], [sflag:$0x7] =	stream.linear.gather [hbm4b:s20+s3], $0x78, $0x38;
	[tilespmem:$0x1F900] =	vst v63  }
0xb5: {  	_ =	swait.ge [sflag:s0], $0x78  }
0xb6: {  	[sflag:s0] =	ssyncset.done $0x0  }
0xb7: {  	s19 =	sadd.s32 s6, s19;
	[sflag:s0] =	ssyncadd.s32 $0xFFFFFF88  }
0xb8: {  	[tilespmem:s9], [sflag:$0x7] =	stream.linear.gather [hbm4b:s19+s3], $0x78, $0x38;
	[tilespmem:$0x1F900] =	vst v63  }
0xb9: {  	_ =	swait.ge [sflag:s0], $0x78  }
0xba: {  	[sflag:s0] =	ssyncset.done $0x0  }
0xbb: {  	[sflag:s0] =	ssyncadd.s32 $0xFFFFFF88  }
0xbc: {  	[tilespmem:s1], [sflag:$0x1] =	stream.indirect.gather [hbm4b:s4+s9], $0x80, s3, s9, $0xb8;
	[tilespmem:$0x1F900] =	vst v63  }
0xbd: {  	_ =	swait.ge [sflag:s12], $0x3C00  }
0xbe: {  	[sflag:s12] =	ssyncset.done $0x0  }
0xbf: {  	[sflag:s12] =	ssyncadd.s32 $0xFFFFC400  }
0xc0: {  	[spmem:s2] =	stream.indirect.scatter.add.f32 [tilespmem:s8], [sflag:$0x6], $0x80, s7, s9, $0xb8;
	[tilespmem:$0x1F900] =	vst v63  }
0xc1: {  	_ =	swait.ge [sflag:s13], $0x3C00  }
0xc2: {  	s18 =	smov.u32 s16;
	[sflag:s13] =	ssyncset.done $0x0  }
0xc3: {  	s20 =	sadd.s32 s18, s24;
	[sflag:s13] =	ssyncadd.s32 $0xFFFFC400  }
0xc4: {  	[tilespmem:s26], [sflag:$0x7] =	stream.linear.gather [hbm4b:s20+s3], $0x78, $0x38;
	[tilespmem:$0x1F900] =	vst v63  }
0xc5: {  	_ =	swait.ge [sflag:s0], $0x78  }
0xc6: {  	s20 =	rddreg [dreg:$0x5];
	[sflag:s0] =	ssyncset.done $0x0  }
0xc7: {  	[sflag:s0] =	ssyncadd.s32 $0xFFFFFF88;
	s19 =	sadd.s32 s18, s20  }
0xc8: {  	[tilespmem:s28], [sflag:$0x7] =	stream.linear.gather [hbm4b:s19+s3], $0x78, $0x38;
	[tilespmem:$0x1F900] =	vst v63  }
0xc9: {  	_ =	swait.ge [sflag:s0], $0x78  }
0xca: {  	[sflag:s0] =	ssyncset.done $0x0  }
0xcb: {  	[sflag:s0] =	ssyncadd.s32 $0xFFFFFF88  }
0xcc: {  	[tilespmem:s29], [sflag:$0x2] =	stream.indirect.gather [hbm4b:s4+s9], $0x80, s26, s9, $0xb8;
	[tilespmem:$0x1F900] =	vst v63  }
0xcd: {  	_ =	swait.ge [sflag:s30], $0x3C00  }
0xce: {  	[sflag:s30] =	ssyncset.done $0x0  }
0xcf: {  	[sflag:s30] =	ssyncadd.s32 $0xFFFFC400  }
0xd0: {  	[spmem:s2] =	stream.indirect.scatter.add.f32 [tilespmem:s1], [sflag:$0x4], $0x80, s9, s9, $0xb8;
	[tilespmem:$0x1F900] =	vst v63  }
0xd1: {  	_ =	swait.ge [sflag:s14], $0x3C00  }
0xd2: {  	s20 =	rddreg [dreg:$0x4];
	[sflag:s14] =	ssyncset.done $0x0  }
0xd3: {  	[sflag:s14] =	ssyncadd.s32 $0xFFFFC400;
	s19 =	sadd.s32 s18, s20  }
0xd4: {  	[tilespmem:s31], [sflag:$0x7] =	stream.linear.gather [hbm4b:s19+s3], $0x78, $0x38;
	[tilespmem:$0x1F900] =	vst v63  }
0xd5: {  	_ =	swait.ge [sflag:s0], $0x78  }
0xd6: {  	s20 =	rddreg [dreg:$0x3];
	[sflag:s0] =	ssyncset.done $0x0  }
0xd7: {  	[sflag:s0] =	ssyncadd.s32 $0xFFFFFF88;
	s18 =	sadd.s32 s18, s20  }
0xd8: {  	[tilespmem:s7], [sflag:$0x7] =	stream.linear.gather [hbm4b:s18+s3], $0x78, $0x38;
	[tilespmem:$0x1F900] =	vst v63  }
0xd9: {  	_ =	swait.ge [sflag:s0], $0x78  }
0xda: {  	p1 =	sne.s32 s16, $0x465;
	[sflag:s0] =	ssyncset.done $0x0  }
.Ltmp3:
0xdb: {  	[sflag:s0] =	ssyncadd.s32 $0xFFFFFF88;
	(pc) =	sbr.rel @p1 .LBB2_7-.Ltmp3, $4  }
0xdc: {  	[tilespmem:s8], [sflag:$0x3] =	stream.indirect.gather [hbm4b:s4+s9], $0x80, s31, s9, $0xb8;
	[tilespmem:$0x1F900] =	vst v63  }
0xdd: {  	_ =	swait.ge [sflag:s10], $0x3C00  }
0xde: {  	[sflag:s10] =	ssyncset.done $0x0  }
0xdf: {  	s16 =	sadd.s32 $0x2D, s16;
	s17 =	sadd.s32 $0x168, s17;
	[sflag:s10] =	ssyncadd.s32 $0xFFFFC400  }
0xe0: {  	[spmem:s2] =	stream.indirect.scatter.add.f32 [tilespmem:s29], [sflag:$0x5], $0x80, s28, s9, $0xb8;
	[tilespmem:$0x1F900] =	vst v63  }
0xe1: {  	_ =	swait.ge [sflag:s12], $0x3C00  }
0xe2: {  	[sflag:s12] =	ssyncset.done $0x0  }
0xe3: {  	[sflag:s12] =	ssyncadd.s32 $0xFFFFC400  }
0xe4: {  	[spmem:s2] =	stream.indirect.scatter.add.f32 [tilespmem:s8], [sflag:$0x6], $0x80, s7, s9, $0xb8;
	[tilespmem:$0x1F900] =	vst v63  }
0xe5: {  	_ =	swait.ge [sflag:s11], $0x3C00  }
0xe6: {  	[sflag:s11] =	ssyncset.done $0x0  }
0xe7: {  	[sflag:s11] =	ssyncadd.s32 $0xFFFFC400  }
0xe8: {  	_ =	swait.ge [sflag:s13], $0x3C00  }
0xe9: {  	[sflag:s13] =	ssyncset.done $0x0  }
0xea: {  	[sflag:s13] =	ssyncadd.s32 $0xFFFFC400  }
0xeb: {  	_ =	swait.ge [sflag:s14], $0x3C00  }
0xec: {  	[sflag:s14] =	ssyncset.done $0x0  }
0xed: {  	s17 =	simm.s32 $0xB6D0;
	s16 =	rddreg [dreg:$0xf];
	[sflag:s14] =	ssyncadd.s32 $0xFFFFC400  }
0xee: {  	[tilespmem:s17], [sflag:$0x7] =	stream.linear.gather [hbm4b:s16+s3], $0x78, $0x38;
	[tilespmem:$0x1F900] =	vst v63  }
0xef: {  	_ =	swait.ge [sflag:s0], $0x78  }
0xf0: {  	[sflag:s0] =	ssyncset.done $0x0  }
0xf1: {  	s18 =	simm.s32 $0xB7E8;
	s20 =	rddreg [dreg:$0x10];
	[sflag:s0] =	ssyncadd.s32 $0xFFFFFF88  }
0xf2: {  	[tilespmem:s18], [sflag:$0x7] =	stream.linear.gather [hbm4b:s20+s3], $0x78, $0x38;
	[tilespmem:$0x1F900] =	vst v63  }
0xf3: {  	_ =	swait.ge [sflag:s0], $0x78  }
0xf4: {  	[sflag:s0] =	ssyncset.done $0x0  }
0xf5: {  	[sflag:s0] =	ssyncadd.s32 $0xFFFFFF88  }
0xf6: {  	[tilespmem:s1], [sflag:$0x1] =	stream.indirect.gather [hbm4b:s4+s9], $0x80, s17, s9, $0xb8;
	[tilespmem:$0x1F900] =	vst v63  }
0xf7: {  	_ =	swait.ge [sflag:s30], $0x3C00  }
0xf8: {  	[sflag:s30] =	ssyncset.done $0x0  }
0xf9: {  	[sflag:s30] =	ssyncadd.s32 $0xFFFFC400  }
0xfa: {  	[spmem:s2] =	stream.indirect.scatter.add.f32 [tilespmem:s1], [sflag:$0x7], $0x80, s18, s9, $0xb8;
	[tilespmem:$0x1F900] =	vst v63  }
0xfb: {  	_ =	swait.ge [sflag:s0], $0x3C00  }
0xfc: {  	[sflag:s0] =	ssyncset.done $0x0  }
0xfd: {  	s18 =	simm.s32 $0xB748;
	s17 =	rddreg [dreg:$0x11];
	[sflag:s0] =	ssyncadd.s32 $0xFFFFC400  }
0xfe: {  	[tilespmem:s18], [sflag:$0x7] =	stream.linear.gather [hbm4b:s17+s3], $0x78, $0x38;
	[tilespmem:$0x1F900] =	vst v63  }
0xff: {  	_ =	swait.ge [sflag:s0], $0x78  }
0x100: {  	[sflag:s0] =	ssyncset.done $0x0  }
0x101: {  	s20 =	simm.s32 $0xB860;
	s19 =	rddreg [dreg:$0x12];
	[sflag:s0] =	ssyncadd.s32 $0xFFFFFF88  }
0x102: {  	[tilespmem:s20], [sflag:$0x7] =	stream.linear.gather [hbm4b:s19+s3], $0x78, $0x38;
	[tilespmem:$0x1F900] =	vst v63  }
0x103: {  	_ =	swait.ge [sflag:s0], $0x78  }
0x104: {  	[sflag:s0] =	ssyncset.done $0x0  }
0x105: {  	[sflag:s0] =	ssyncadd.s32 $0xFFFFFF88  }
0x106: {  	[tilespmem:s29], [sflag:$0x1] =	stream.indirect.gather [hbm4b:s4+s9], $0x80, s18, s9, $0xb8;
	[tilespmem:$0x1F900] =	vst v63  }
0x107: {  	_ =	swait.ge [sflag:s30], $0x3C00  }
0x108: {  	[sflag:s30] =	ssyncset.done $0x0  }
0x109: {  	[sflag:s30] =	ssyncadd.s32 $0xFFFFC400  }
0x10a: {  	[spmem:s2] =	stream.indirect.scatter.add.f32 [tilespmem:s29], [sflag:$0x7], $0x80, s20, s9, $0xb8;
	[tilespmem:$0x1F900] =	vst v63  }
0x10b: {  	_ =	swait.ge [sflag:s0], $0x3C00  }
0x10c: {  	[sflag:s0] =	ssyncset.done $0x0  }
0x10d: {  	s20 =	simm.s32 $0xB7C0;
	s19 =	rddreg [dreg:$0x13];
	[sflag:s0] =	ssyncadd.s32 $0xFFFFC400  }
0x10e: {  	[tilespmem:s20], [sflag:$0x7] =	stream.linear.gather [hbm4b:s19+s3], $0x28, $0x38;
	[tilespmem:$0x1F900] =	vst v63  }
0x10f: {  	_ =	swait.ge [sflag:s0], $0x28  }
0x110: {  	[sflag:s0] =	ssyncset.done $0x0  }
0x111: {  	s19 =	simm.s32 $0xB8D8;
	s18 =	rddreg [dreg:$0x14];
	[sflag:s0] =	ssyncadd.s32 $0xFFFFFFD8  }
0x112: {  	[tilespmem:s19], [sflag:$0x7] =	stream.linear.gather [hbm4b:s18+s3], $0x28, $0x38;
	[tilespmem:$0x1F900] =	vst v63  }
0x113: {  	_ =	swait.ge [sflag:s0], $0x28  }
0x114: {  	[sflag:s0] =	ssyncset.done $0x0  }
0x115: {  	[sflag:s0] =	ssyncadd.s32 $0xFFFFFFD8  }
0x116: {  	[tilespmem:s8], [sflag:$0x1] =	stream.indirect.gather [hbm4b:s4+s21], $0x80, s20, s21, $0xb8;
	[tilespmem:$0x1F900] =	vst v63  }
0x117: {  	_ =	swait.ge [sflag:s30], $0x1400  }
0x118: {  	[sflag:s30] =	ssyncset.done $0x0  }
0x119: {  	[sflag:s30] =	ssyncadd.s32 $0xFFFFEC00  }
0x11a: {  	[spmem:s2] =	stream.indirect.scatter.add.f32 [tilespmem:s8], [sflag:$0x7], $0x80, s19, s21, $0xb8;
	[tilespmem:$0x1F900] =	vst v63  }
0x11b: {  	_ =	swait.ge [sflag:s0], $0x1400  }
0x11c: {  	[sflag:s0] =	ssyncset.done $0x0  }
0x11d: {  	[sflag:s0] =	ssyncadd.s32 $0xFFFFEC00  }
0x11e: {  	[bflag:$0x0] =	sbarrier.arrive $0xFFFF  }
0x11f: {  	s20 =	rddreg [dreg:$0x16]  }
0x120: {  	[hbm:s20], [sflag:s15] =	dma.local [spmem:s23], $0x2800  }
0x121: {  	_ =	swait.ge [sflag:s0], $0x2800  }
0x122: {  	s22 =	sadd.s32 $0x1, s22;
	s23 =	rddreg [dreg:$0x15]  }
0x123: {  	p1 =	sne.s32 s22, s23  }
.Ltmp4:
0x124: {  	_ = 	snop;
	(pc) =	sbr.rel @p1 .LBB2_1-.Ltmp4, $3  }
0x125: {  	_ =	sdelay $0x1  }
0x126: {  	[sflag:s0] =	ssyncset.done $0x0  }
0x127: {  	[sflag:s0] =	ssyncadd.s32 $0xFFFFD800  }
0x128: {  	_ =	sfence.sel $0x180000  }
0x129: {  	[bflag:$0x0] =	sbarrier.arrive $0xFFFF  }
0x12a: {  	_ =	strace $0x90000053  }
0x12b: {  	s0 =	stileid.u32;
	[bflag:$0x2] =	sbarrier.arrive $0xFFFF  }
0x12c: {  	p0 =	sne.s32 s0, $0x0;
	s0 =	rddreg [dreg:$0x2]  }
0x12d: {  	s0 =	sadd.s32 @!p0 $0x100000, s0  }
0x12e: {  	[sflag:s0] =	ssyncadd.tile.s32 @!p0 $0x1;
	_ =	shalt  }
.Lfunc_end2:
_tile_overlayer_lowered:
.L_overlay_start_2:
0x12f: {  	(tag) =	ssettag $0x2  }
0x130: {  	s0 =	rddreg [dreg:$0x0];
	s2 =	stileid.u32  }
0x131: {  	s1 =	rddreg [dreg:$0x1];
	p0 =	sne.s32 s2, $0x0  }
0x132: {  	s3 =	rddreg [dreg:$0x2];
	[bflag:$0x3] =	sbarrier.arrive $0xFFFF;
	s2 =	simm.s32 @!p0 $0x1C07  }
0x133: {  	[timem:s3], [sflag:s2] =	dma.local @!p0 [hbm:s0], s1  }
0x134: {  	s0 =	simm.s32 @!p0 $0x7  }
0x135: {  	_ =	swait.ge @!p0 [sflag:s0], s1  }
0x136: {  	s1 =	ssub.s32 @!p0 $0x0, s1;
	[sflag:s0] =	ssyncset.done @!p0 $0x0  }
0x137: {  	[sflag:s0] =	ssyncadd.s32 @!p0 s1  }
0x138: {  	[bflag:$0x3] =	sbarrier.arrive $0xFFFF  }
0x139: {  	_ =	shalt  }

</sc_bundles>
